<compile_context>
chip_gen: v7x
topology: tpu7x:2x2x1
jax: 0.10.2.dev20260603
libtpu: 0.0.44.dev20260713+nightly
codegen_flags: <defaults>
</compile_context>

<pallas_src>
import functools

import jax
import jax.numpy as jnp
from jax import lax
from jax.experimental import pallas as pl
from jax.experimental.pallas import tpu as pltpu
from jax.experimental.pallas import tpu_sc as plsc

N = 10000
E = 320000
M = 20000
IN = 128
OUT = 128
DEGE = 0.25
DEGV = 0.25
SCALE = DEGE * DEGV

H = OUT // 2
NC, NS, L = 2, 16, 16

EPT = E // NS
K = 200
NCHUNK = EPT // K

MB = 1248
M_REM = M - 15 * MB
NB = 624
N_REM = N - 15 * NB
CBUF = 1280 + L

_MESH = plsc.VectorSubcoreMesh(core_axis_name="c", subcore_axis_name="s",
                               num_cores=NC, num_subcores=NS)
_PARAMS = pltpu.CompilerParams(use_tc_tiling_on_sc=False)


def _matmul(X, W):
    BN = 400

    def body(x_ref, w_ref, o0_ref, o1_ref):
        r = lax.dot_general(x_ref[...], w_ref[...], (((1,), (1,)), ((), ())),
                            preferred_element_type=jnp.float32)
        o0_ref[...] = r[:, :H]
        o1_ref[...] = r[:, H:]

    return pl.pallas_call(
        body,
        grid=(N // BN,),
        in_specs=[
            pl.BlockSpec((BN, IN), lambda i: (i, 0)),
            pl.BlockSpec((OUT, IN), lambda i: (0, 0)),
        ],
        out_specs=[
            pl.BlockSpec((BN, H), lambda i: (i, 0)),
            pl.BlockSpec((BN, H), lambda i: (i, 0)),
        ],
        out_shape=[
            jax.ShapeDtypeStruct((N, H), jnp.float32),
            jax.ShapeDtypeStruct((N, H), jnp.float32),
        ],
    )(X, W)


def _zero_rows_buf(rows, k):
    @pl.loop(0, k)
    def _(i):
        for j in range(H // L):
            rows[i, pl.ds(j * L, L)] = jnp.zeros((L,), jnp.float32)


def _chunks(total, cap):
    return [(lo, min(cap, total - lo)) for lo in range(0, total, cap)]


def _make_pair_pipeline(s, c, vtx_hbm, edg_hbm, gsrc0, gsrc1, k, nchunk,
                        rows, idx, scatter, post=None):

    def idx_issue(g, slot):
        vs, es, sem = idx[slot]
        base = s * EPT + g * k
        pltpu.async_copy(vtx_hbm.at[pl.ds(base, k)], vs, sem)
        pltpu.async_copy(edg_hbm.at[pl.ds(base, k)], es, sem)

    def idx_wait(slot):
        vs, es, sem = idx[slot]
        pltpu.make_async_copy(vtx_hbm.at[pl.ds(0, k)], vs, sem).wait()
        pltpu.make_async_copy(edg_hbm.at[pl.ds(0, k)], es, sem).wait()

    def gather_issue(slot, rb):
        vs, es, _ = idx[slot]
        rbuf, sem = rows[rb]

        @pl.when(c == 0)
        def _():
            pltpu.async_copy(gsrc0(vs, es), rbuf, sem)

        @pl.when(c == 1)
        def _():
            pltpu.async_copy(gsrc1(vs, es), rbuf, sem)

    def commit(slot, rb):
        rbuf, sem = rows[rb]
        vs, es, _ = idx[slot]
        pltpu.make_async_copy(gsrc0(vs, es), rbuf, sem).wait()
        scatter(rbuf, vs, es)
        if post is not None:
            post(es)

    for q in range(4):
        idx_issue(q, q)
    idx_wait(0)
    gather_issue(0, 0)

    @pl.loop(0, nchunk, step=4)
    def _(g):
        for q in range(4):
            if q < 3:
                idx_wait(q + 1)
                gather_issue(q + 1, (q + 1) % 2)
            else:
                @pl.when(g + 4 < nchunk)
                def _():
                    idx_wait(0)
                    gather_issue(0, 0)

            commit(q, q % 2)

            @pl.when(g + q + 4 < nchunk)
            def _():
                idx_issue(g + q + 4, q)


def _sc_body(xp0_hbm, xp1_hbm, vtx_hbm, edg_hbm, out_hbm, xe0_hbm, xe1_hbm,
             acc, cnt, rows0, rows1,
             vidx0, eidx0, vidx1, eidx1, vidx2, eidx2, vidx3, eidx3,
             ones, cbuf, zbuf, semg0, semg1, semi0, semi1, semi2, semi3):
    c = lax.axis_index("c")
    s = lax.axis_index("s")
    last = s == NS - 1
    bm = s * MB
    bn = s * NB
    rows = ((rows0, semg0), (rows1, semg1))
    idx = ((vidx0, eidx0, semi0), (vidx1, eidx1, semi1),
           (vidx2, eidx2, semi2), (vidx3, eidx3, semi3))
    _zero_rows_buf(zbuf, K)

    @pl.loop(0, CBUF // L)
    def _(i):
        cbuf[pl.ds(i * L, L)] = jnp.zeros((L,), jnp.float32)

    @pl.loop(0, K // L)
    def _(i):
        ones[pl.ds(i * L, L)] = jnp.ones((L,), jnp.float32)

    if K % L:
        ones[pl.ds(K - L, L)] = jnp.ones((L,), jnp.float32)

    def _zero_acc(nrows, base):
        ch = _chunks(nrows, K)
        for lo, sz in ch:
            pltpu.async_copy(zbuf.at[pl.ds(0, sz)],
                             acc.at[pl.ds(base + lo, sz)], semg0)
        for lo, sz in ch:
            pltpu.make_async_copy(zbuf.at[pl.ds(0, sz)],
                                  acc.at[pl.ds(base + lo, sz)], semg0).wait()

    def _zero_cnt(nrows, base):
        for lo, sz in _chunks(nrows, CBUF):
            pltpu.sync_copy(cbuf.at[pl.ds(0, sz)],
                            cnt.at[pl.ds(base + lo, sz)])

    _zero_acc(MB, bm)
    _zero_cnt(MB, bm)

    @pl.when(last)
    def _():
        _zero_acc(M_REM - MB, 16 * MB)
        _zero_cnt(M_REM - MB, 16 * MB)

    plsc.subcore_barrier()

    def scatter_a(rbuf, vs, es):
        pltpu.sync_copy(rbuf, acc.at[es], add=True)

    def ones_post(es):
        pltpu.sync_copy(ones, cnt.at[es], add=True)

    _make_pair_pipeline(
        s, c, vtx_hbm, edg_hbm,
        lambda vs, es: xp0_hbm.at[vs], lambda vs, es: xp1_hbm.at[vs],
        K, NCHUNK, rows, idx, scatter_a, post=ones_post)

    plsc.subcore_barrier()

    def _store_xe(rbuf, row_base, sz, sem):
        @pl.when(c == 0)
        def _():
            pltpu.async_copy(rbuf.at[pl.ds(0, sz)],
                             xe0_hbm.at[pl.ds(row_base, sz)], sem)

        @pl.when(c == 1)
        def _():
            pltpu.async_copy(rbuf.at[pl.ds(0, sz)],
                             xe1_hbm.at[pl.ds(row_base, sz)], sem)

    def _scale_chunk(rbuf, lo, sz):
        @pl.loop(0, sz)
        def _(r):
            scale = cbuf[pl.ds(r + lo, L)][0]
            for j in range(H // L):
                rbuf[r, pl.ds(j * L, L)] = rbuf[r, pl.ds(j * L, L)] * scale

    def _scale_rows(row_base, total):
        pltpu.sync_copy(cnt.at[pl.ds(row_base, total)],
                        cbuf.at[pl.ds(0, total)])

        @pl.loop(0, (total + L - 1) // L)
        def _(i):
            cv = cbuf[pl.ds(i * L, L)]
            cbuf[pl.ds(i * L, L)] = SCALE / jnp.maximum(cv, 1.0)

        ch = _chunks(total, K)
        semL = (semi0, semi1)
        semS = (semi2, semi3)
        bufs = (rows0, rows1)
        n = len(ch)
        for i, (lo, sz) in enumerate(ch):
            b = i % 2
            if i == 0:
                pltpu.sync_copy(acc.at[pl.ds(row_base + lo, sz)],
                                bufs[b].at[pl.ds(0, sz)])
            else:
                pltpu.make_async_copy(
                    acc.at[pl.ds(row_base + lo, sz)],
                    bufs[b].at[pl.ds(0, sz)], semL[b]).wait()
            pltpu.async_copy(zbuf.at[pl.ds(0, sz)],
                             acc.at[pl.ds(row_base + lo, sz)], semg1)
            if i + 1 < n:
                nlo, nsz = ch[i + 1]
                nb = (i + 1) % 2
                if i >= 1:
                    slo, ssz = ch[i - 1]
                    pltpu.make_async_copy(
                        bufs[nb].at[pl.ds(0, ssz)],
                        xe0_hbm.at[pl.ds(row_base + slo, ssz)],
                        semS[nb]).wait()
                pltpu.async_copy(acc.at[pl.ds(row_base + nlo, nsz)],
                                 bufs[nb].at[pl.ds(0, nsz)], semL[nb])
            _scale_chunk(bufs[b], lo, sz)
            _store_xe(bufs[b], row_base + lo, sz, semS[b])
        for i in range(max(0, n - 2), n):
            slo, ssz = ch[i]
            pltpu.make_async_copy(bufs[i % 2].at[pl.ds(0, ssz)],
                                  xe0_hbm.at[pl.ds(row_base + slo, ssz)],
                                  semS[i % 2]).wait()
        for lo, sz in ch:
            pltpu.make_async_copy(zbuf.at[pl.ds(0, sz)],
                                  acc.at[pl.ds(row_base + lo, sz)],
                                  semg1).wait()

    _scale_rows(bm, MB)

    @pl.when(last)
    def _():
        _scale_rows(16 * MB, M_REM - MB)

    plsc.subcore_barrier()

    def scatter_b(rbuf, vs, es):
        pltpu.sync_copy(rbuf, acc.at[vs], add=True)

    _make_pair_pipeline(
        s, c, vtx_hbm, edg_hbm,
        lambda vs, es: xe0_hbm.at[es], lambda vs, es: xe1_hbm.at[es],
        K, NCHUNK, rows, idx, scatter_b)

    plsc.subcore_barrier()

    def _writeout(row_base, nrows):
        ch = _chunks(nrows, K)
        semS = (semi2, semi3)
        bufs = (rows0, rows1)
        for i, (lo, sz) in enumerate(ch):
            b = i % 2
            if i >= 2:
                slo, ssz = ch[i - 2]
                pltpu.make_async_copy(
                    bufs[b].at[pl.ds(0, ssz)],
                    out_hbm.at[pl.ds(row_base + slo, ssz), pl.ds(0, H)],
                    semS[b]).wait()
            pltpu.sync_copy(acc.at[pl.ds(row_base + lo, sz)],
                            bufs[b].at[pl.ds(0, sz)])

            @pl.when(c == 0)
            def _():
                pltpu.async_copy(
                    bufs[b].at[pl.ds(0, sz)],
                    out_hbm.at[pl.ds(row_base + lo, sz), pl.ds(0, H)],
                    semS[b])

            @pl.when(c == 1)
            def _():
                pltpu.async_copy(
                    bufs[b].at[pl.ds(0, sz)],
                    out_hbm.at[pl.ds(row_base + lo, sz), pl.ds(H, H)],
                    semS[b])
        n = len(ch)
        for i in range(max(0, n - 2), n):
            slo, ssz = ch[i]
            pltpu.make_async_copy(
                bufs[i % 2].at[pl.ds(0, ssz)],
                out_hbm.at[pl.ds(row_base + slo, ssz), pl.ds(0, H)],
                semS[i % 2]).wait()

    _writeout(bn, NB)

    @pl.when(last)
    def _():
        _writeout(16 * NB, N_REM - NB)


_sc = functools.partial(
    pl.kernel,
    out_type=[
        jax.ShapeDtypeStruct((N, OUT), jnp.float32),
        jax.ShapeDtypeStruct((M, H), jnp.float32),
        jax.ShapeDtypeStruct((M, H), jnp.float32),
    ],
    mesh=_MESH,
    compiler_params=_PARAMS,
    scratch_types=[
        pltpu.VMEM_SHARED((M, H), jnp.float32),
        pltpu.VMEM_SHARED((M,), jnp.float32),
        pltpu.VMEM((K, H), jnp.float32),
        pltpu.VMEM((K, H), jnp.float32),
        pltpu.VMEM((K,), jnp.int32),
        pltpu.VMEM((K,), jnp.int32),
        pltpu.VMEM((K,), jnp.int32),
        pltpu.VMEM((K,), jnp.int32),
        pltpu.VMEM((K,), jnp.int32),
        pltpu.VMEM((K,), jnp.int32),
        pltpu.VMEM((K,), jnp.int32),
        pltpu.VMEM((K,), jnp.int32),
        pltpu.VMEM((K,), jnp.float32),
        pltpu.VMEM((CBUF,), jnp.float32),
        pltpu.VMEM((K, H), jnp.float32),
        pltpu.SemaphoreType.DMA,
        pltpu.SemaphoreType.DMA,
        pltpu.SemaphoreType.DMA,
        pltpu.SemaphoreType.DMA,
        pltpu.SemaphoreType.DMA,
        pltpu.SemaphoreType.DMA,
    ],
)(_sc_body)


@jax.jit
def kernel(X, vertex, edges, W):
    xp0, xp1 = _matmul(X, W)
    out, _, _ = _sc(xp0, xp1, vertex, edges)
    return out

# --- scband reference (transcript-rebuilt; emitter-appended) ---
"""Pipeline reference for scband-uni-gnn-50749333569739 (READ-ONLY COPY).

The authoritative reference and input builder live on the scoring server;
editing this copy changes nothing except your own understanding.
"""

import jax, jax.numpy as jnp
import numpy as np

N = 10000      # nodes
E = 320000     # incidence pairs (vertex, hyperedge)
M = 20000      # hyperedges
IN = 128       # in_channels
OUT = 128      # heads(1) * out_channels(128)
DEGE = 0.25    # args.dege (scalar broadcast)
DEGV = 0.25    # args.degv (scalar broadcast)


def setup_inputs(seed: int = 0) -> dict:
    key = jax.random.key(seed)
    k1, k2, k3, k4 = jax.random.split(key, 4)
    X = jax.random.normal(k1, (N, IN), dtype=jnp.float32)
    # index tensors (int32 to avoid requiring jax x64 mode; values fit easily)
    vertex = jax.random.randint(k2, (E,), 0, N, dtype=jnp.int32)
    edges = jax.random.randint(k3, (E,), 0, M, dtype=jnp.int32)
    # Linear weight (no bias), glorot-uniform like the torch module
    stdv = np.sqrt(6.0 / (IN + OUT))
    W = jax.random.uniform(k4, (OUT, IN), minval=-stdv, maxval=stdv, dtype=jnp.float32)
    return {"X": X, "vertex": vertex, "edges": edges, "W": W}


def reference(X, vertex, edges, W):
    # X = self.W(X)  (Linear, no bias)
    Xp = X @ W.T
    # Xve = X[vertex]
    Xve = jnp.take(Xp, vertex, axis=0)
    # Xe = scatter(Xve, edges, reduce='mean')
    seg_sum = jax.ops.segment_sum(Xve, edges, num_segments=M)
    counts = jax.ops.segment_sum(jnp.ones((E,), dtype=Xp.dtype), edges, num_segments=M)
    Xe = seg_sum / jnp.clip(counts, 1.0)[:, None]
    # Xe = Xe * dege  (scalar broadcast of args.dege)
    Xe = Xe * DEGE
    # Xev = Xe[edges]
    Xev = jnp.take(Xe, edges, axis=0)
    # Xv = scatter(Xev, vertex, reduce='sum', dim_size=N)
    Xv = jax.ops.segment_sum(Xev, vertex, num_segments=N)
    # Xv = Xv * degv  (scalar broadcast); args.use_norm is False
    Xv = Xv * DEGV
    return Xv

if __name__ == "__main__":
    import jax
    _d = setup_inputs()
    print(jax.jit(kernel)(*tuple(_d.values())))

</pallas_src>

<mosaic_0001>
#map = affine_map<(d0, d1) -> (0, 0)>
#map1 = affine_map<(d0, d1) -> (0)>
module attributes {stable_mosaic.version = 14 : i64} {
  func.func @_sc_body(%arg0: i32, %arg1: i32, %arg2: memref<10000x64xf32, #tpu.memory_space<hbm>>, %arg3: memref<10000x64xf32, #tpu.memory_space<hbm>>, %arg4: memref<320000xi32, #tpu.memory_space<hbm>>, %arg5: memref<320000xi32, #tpu.memory_space<hbm>>, %arg6: memref<10000x128xf32, #tpu.memory_space<hbm>>, %arg7: memref<20000x64xf32, #tpu.memory_space<hbm>>, %arg8: memref<20000x64xf32, #tpu.memory_space<hbm>>, %arg9: memref<20000x64xf32, #tpu.memory_space<vmem_shared>>, %arg10: memref<20000xf32, #tpu.memory_space<vmem_shared>>, %arg11: memref<200x64xf32, #tpu.memory_space<vmem>>, %arg12: memref<200x64xf32, #tpu.memory_space<vmem>>, %arg13: memref<200xi32, #tpu.memory_space<vmem>>, %arg14: memref<200xi32, #tpu.memory_space<vmem>>, %arg15: memref<200xi32, #tpu.memory_space<vmem>>, %arg16: memref<200xi32, #tpu.memory_space<vmem>>, %arg17: memref<200xi32, #tpu.memory_space<vmem>>, %arg18: memref<200xi32, #tpu.memory_space<vmem>>, %arg19: memref<200xi32, #tpu.memory_space<vmem>>, %arg20: memref<200xi32, #tpu.memory_space<vmem>>, %arg21: memref<200xf32, #tpu.memory_space<vmem>>, %arg22: memref<1296xf32, #tpu.memory_space<vmem>>, %arg23: memref<200x64xf32, #tpu.memory_space<vmem>>, %arg24: memref<!tpu.dma_semaphore, #tpu.memory_space<semaphore_mem>>, %arg25: memref<!tpu.dma_semaphore, #tpu.memory_space<semaphore_mem>>, %arg26: memref<!tpu.dma_semaphore, #tpu.memory_space<semaphore_mem>>, %arg27: memref<!tpu.dma_semaphore, #tpu.memory_space<semaphore_mem>>, %arg28: memref<!tpu.dma_semaphore, #tpu.memory_space<semaphore_mem>>, %arg29: memref<!tpu.dma_semaphore, #tpu.memory_space<semaphore_mem>>) attributes {dimension_semantics = [#tpu.dimension_semantics<core_parallel>, #tpu.dimension_semantics<subcore_parallel>], iteration_bounds = array<i64: 2, 16>, scalar_prefetch = 0 : i64, scratch_operands = 21 : i64, tpu.core_type = #tpu.core_type<sc_vector_subcore>, window_params = [{transform_indices = #map}, {transform_indices = #map}, {transform_indices = #map1}, {transform_indices = #map1}, {transform_indices = #map}, {transform_indices = #map}, {transform_indices = #map}]} {
    %eq3A = arith.constant 15 : i32
    %eq3A_0 = arith.cmpi eq, %arg1, %eq3A : i32
    %mul3A = arith.constant 1248 : i32
    %mul3A_1 = arith.muli %arg1, %mul3A : i32
    %mul3A_2 = arith.constant 624 : i32
    %mul3A_3 = arith.muli %arg1, %mul3A_2 : i32
    %scan3A = arith.constant 0 : i32
    %scan3A_4 = arith.constant 200 : i32
    %scan3A_5 = arith.addi %scan3A, %scan3A_4 : i32
    %scan3A_6 = arith.constant 1 : i32
    scf.for %scan3A_927 = %scan3A to %scan3A_5 step %scan3A_6  : i32 {
      %mul3A_928 = arith.constant 1 : i32
      %mul3A_929 = arith.muli %scan3A_927, %mul3A_928 : i32
      %add3A_930 = arith.constant 0 : i32
      %add3A_931 = arith.addi %add3A_930, %mul3A_929 : i32
      %broadcast_in_dim3A_932 = arith.constant 0.000000e+00 : f32
      %broadcast_in_dim3A_933 = vector.broadcast %broadcast_in_dim3A_932 : f32 to vector<16xf32>
      %swap3A_934 = arith.index_cast %add3A_931 : i32 to index
      %swap3A_935 = arith.constant 0 : index
      %swap3A_936 = tpu.vector_load %arg23[%swap3A_934, %swap3A_935] {strides = array<i32>} : memref<200x64xf32, #tpu.memory_space<vmem>>, vector<1x16xf32>,
      %swap3A_937 = vector.shape_cast %swap3A_936 : vector<1x16xf32> to vector<16xf32>
      %swap3A_938 = vector.shape_cast %broadcast_in_dim3A_933 : vector<16xf32> to vector<1x16xf32>
      tpu.vector_store %arg23[%swap3A_934, %swap3A_935], %swap3A_938 {strides = array<i32>} : memref<200x64xf32, #tpu.memory_space<vmem>>, vector<1x16xf32>,
      %broadcast_in_dim3A_939 = arith.constant 0.000000e+00 : f32
      %broadcast_in_dim3A_940 = vector.broadcast %broadcast_in_dim3A_939 : f32 to vector<16xf32>
      %swap3A_941 = arith.index_cast %add3A_931 : i32 to index
      %swap3A_942 = arith.constant 16 : index
      %swap3A_943 = tpu.vector_load %arg23[%swap3A_941, %swap3A_942] {strides = array<i32>} : memref<200x64xf32, #tpu.memory_space<vmem>>, vector<1x16xf32>,
      %swap3A_944 = vector.shape_cast %swap3A_943 : vector<1x16xf32> to vector<16xf32>
      %swap3A_945 = vector.shape_cast %broadcast_in_dim3A_940 : vector<16xf32> to vector<1x16xf32>
      tpu.vector_store %arg23[%swap3A_941, %swap3A_942], %swap3A_945 {strides = array<i32>} : memref<200x64xf32, #tpu.memory_space<vmem>>, vector<1x16xf32>,
      %broadcast_in_dim3A_946 = arith.constant 0.000000e+00 : f32
      %broadcast_in_dim3A_947 = vector.broadcast %broadcast_in_dim3A_946 : f32 to vector<16xf32>
      %swap3A_948 = arith.index_cast %add3A_931 : i32 to index
      %swap3A_949 = arith.constant 32 : index
      %swap3A_950 = tpu.vector_load %arg23[%swap3A_948, %swap3A_949] {strides = array<i32>} : memref<200x64xf32, #tpu.memory_space<vmem>>, vector<1x16xf32>,
      %swap3A_951 = vector.shape_cast %swap3A_950 : vector<1x16xf32> to vector<16xf32>
      %swap3A_952 = vector.shape_cast %broadcast_in_dim3A_947 : vector<16xf32> to vector<1x16xf32>
      tpu.vector_store %arg23[%swap3A_948, %swap3A_949], %swap3A_952 {strides = array<i32>} : memref<200x64xf32, #tpu.memory_space<vmem>>, vector<1x16xf32>,
      %broadcast_in_dim3A_953 = arith.constant 0.000000e+00 : f32
      %broadcast_in_dim3A_954 = vector.broadcast %broadcast_in_dim3A_953 : f32 to vector<16xf32>
      %swap3A_955 = arith.index_cast %add3A_931 : i32 to index
      %swap3A_956 = arith.constant 48 : index
      %swap3A_957 = tpu.vector_load %arg23[%swap3A_955, %swap3A_956] {strides = array<i32>} : memref<200x64xf32, #tpu.memory_space<vmem>>, vector<1x16xf32>,
      %swap3A_958 = vector.shape_cast %swap3A_957 : vector<1x16xf32> to vector<16xf32>
      %swap3A_959 = vector.shape_cast %broadcast_in_dim3A_954 : vector<16xf32> to vector<1x16xf32>
      tpu.vector_store %arg23[%swap3A_955, %swap3A_956], %swap3A_959 {strides = array<i32>} : memref<200x64xf32, #tpu.memory_space<vmem>>, vector<1x16xf32>,
    }
    %scan3A_7 = arith.constant 200 : i32
    %scan3A_8 = arith.constant 0 : i32
    %scan3A_9 = arith.constant 81 : i32
    %scan3A_10 = arith.addi %scan3A_8, %scan3A_9 : i32
    %scan3A_11 = arith.constant 1 : i32
    scf.for %scan3A_927 = %scan3A_8 to %scan3A_10 step %scan3A_11  : i32 {
      %mul3A_928 = arith.constant 1 : i32
      %mul3A_929 = arith.muli %scan3A_927, %mul3A_928 : i32
      %add3A_930 = arith.constant 0 : i32
      %add3A_931 = arith.addi %add3A_930, %mul3A_929 : i32
      %broadcast_in_dim3A_932 = arith.constant 0.000000e+00 : f32
      %broadcast_in_dim3A_933 = vector.broadcast %broadcast_in_dim3A_932 : f32 to vector<16xf32>
      %mul3A_934 = arith.constant 16 : i32
      %mul3A_935 = arith.muli %add3A_931, %mul3A_934 : i32
      %swap3A_936 = arith.index_cast %mul3A_935 : i32 to index
      %swap3A_937 = tpu.vector_load %arg22[%swap3A_936] {strides = array<i32>} : memref<1296xf32, #tpu.memory_space<vmem>>, vector<16xf32>,
      %swap3A_938 = vector.shape_cast %swap3A_937 : vector<16xf32> to vector<16xf32>
      %swap3A_939 = vector.shape_cast %broadcast_in_dim3A_933 : vector<16xf32> to vector<16xf32>
      tpu.vector_store %arg22[%swap3A_936], %swap3A_939 {strides = array<i32>} : memref<1296xf32, #tpu.memory_space<vmem>>, vector<16xf32>,
    }
    %scan3A_12 = arith.constant 81 : i32
    %scan3A_13 = arith.constant 0 : i32
    %scan3A_14 = arith.constant 12 : i32
    %scan3A_15 = arith.addi %scan3A_13, %scan3A_14 : i32
    %scan3A_16 = arith.constant 1 : i32
    scf.for %scan3A_927 = %scan3A_13 to %scan3A_15 step %scan3A_16  : i32 {
      %mul3A_928 = arith.constant 1 : i32
      %mul3A_929 = arith.muli %scan3A_927, %mul3A_928 : i32
      %add3A_930 = arith.constant 0 : i32
      %add3A_931 = arith.addi %add3A_930, %mul3A_929 : i32
      %broadcast_in_dim3A_932 = arith.constant 1.000000e+00 : f32
      %broadcast_in_dim3A_933 = vector.broadcast %broadcast_in_dim3A_932 : f32 to vector<16xf32>
      %mul3A_934 = arith.constant 16 : i32
      %mul3A_935 = arith.muli %add3A_931, %mul3A_934 : i32
      %swap3A_936 = arith.index_cast %mul3A_935 : i32 to index
      %swap3A_937 = tpu.vector_load %arg21[%swap3A_936] {strides = array<i32>} : memref<200xf32, #tpu.memory_space<vmem>>, vector<16xf32>,
      %swap3A_938 = vector.shape_cast %swap3A_937 : vector<16xf32> to vector<16xf32>
      %swap3A_939 = vector.shape_cast %broadcast_in_dim3A_933 : vector<16xf32> to vector<16xf32>
      tpu.vector_store %arg21[%swap3A_936], %swap3A_939 {strides = array<i32>} : memref<200xf32, #tpu.memory_space<vmem>>, vector<16xf32>,
    }
    %scan3A_17 = arith.constant 12 : i32
    %broadcast_in_dim3A = arith.constant 1.000000e+00 : f32
    %broadcast_in_dim3A_18 = vector.broadcast %broadcast_in_dim3A : f32 to vector<16xf32>
    %swap3A = arith.constant 184 : index
    %swap3A_19 = tpu.vector_load %arg21[%swap3A] {strides = array<i32>} : memref<200xf32, #tpu.memory_space<vmem>>, vector<16xf32>,
    %swap3A_20 = vector.shape_cast %swap3A_19 : vector<16xf32> to vector<16xf32>
    %swap3A_21 = vector.shape_cast %broadcast_in_dim3A_18 : vector<16xf32> to vector<16xf32>
    tpu.vector_store %arg21[%swap3A], %swap3A_21 {strides = array<i32>} : memref<200xf32, #tpu.memory_space<vmem>>, vector<16xf32>,
    %add3A = arith.constant 0 : i32
    %add3A_22 = arith.addi %mul3A_1, %add3A : i32
    %dma_start3A = arith.constant 0 : i32
    %dma_start3A_23 = arith.constant 0 : i32
    %dma_start3A_24 = tpu.memref_slice %arg23[%dma_start3A, %dma_start3A_23] : memref<200x64xf32, #tpu.memory_space<vmem>> -> memref<200x64xf32, #tpu.memory_space<vmem>>
    %dma_start3A_25 = arith.constant 0 : i32
    %dma_start3A_26 = tpu.memref_slice %arg9[%add3A_22, %dma_start3A_25] : memref<20000x64xf32, #tpu.memory_space<vmem_shared>> -> memref<200x64xf32, #tpu.memory_space<vmem_shared>>
    %dma_start3A_27 = arith.constant 0 : i32
    %dma_start3A_28 = tpu.memref_slice %arg9[%add3A_22, %dma_start3A_27] : memref<20000x64xf32, #tpu.memory_space<vmem_shared>> -> memref<200x64xf32, #tpu.memory_space<vmem_shared>>
    %dma_start3A_29 = arith.constant 0 : i32
    %dma_start3A_30 = arith.constant 0 : i32
    %dma_start3A_31 = tpu.memref_slice %arg23[%dma_start3A_29, %dma_start3A_30] : memref<200x64xf32, #tpu.memory_space<vmem>> -> memref<200x64xf32, #tpu.memory_space<vmem>>
    tpu.enqueue_dma source(%dma_start3A_31 : memref<200x64xf32, #tpu.memory_space<vmem>>) target(%dma_start3A_28 : memref<200x64xf32, #tpu.memory_space<vmem_shared>>) target_semaphore(%arg24 : memref<!tpu.dma_semaphore, #tpu.memory_space<semaphore_mem>>)
    %add3A_32 = arith.constant 200 : i32
    %add3A_33 = arith.addi %mul3A_1, %add3A_32 : i32
    %dma_start3A_34 = arith.constant 0 : i32
    %dma_start3A_35 = arith.constant 0 : i32
    %dma_start3A_36 = tpu.memref_slice %arg23[%dma_start3A_34, %dma_start3A_35] : memref<200x64xf32, #tpu.memory_space<vmem>> -> memref<200x64xf32, #tpu.memory_space<vmem>>
    %dma_start3A_37 = arith.constant 0 : i32
    %dma_start3A_38 = tpu.memref_slice %arg9[%add3A_33, %dma_start3A_37] : memref<20000x64xf32, #tpu.memory_space<vmem_shared>> -> memref<200x64xf32, #tpu.memory_space<vmem_shared>>
    %dma_start3A_39 = arith.constant 0 : i32
    %dma_start3A_40 = tpu.memref_slice %arg9[%add3A_33, %dma_start3A_39] : memref<20000x64xf32, #tpu.memory_space<vmem_shared>> -> memref<200x64xf32, #tpu.memory_space<vmem_shared>>
    %dma_start3A_41 = arith.constant 0 : i32
    %dma_start3A_42 = arith.constant 0 : i32
    %dma_start3A_43 = tpu.memref_slice %arg23[%dma_start3A_41, %dma_start3A_42] : memref<200x64xf32, #tpu.memory_space<vmem>> -> memref<200x64xf32, #tpu.memory_space<vmem>>
    tpu.enqueue_dma source(%dma_start3A_43 : memref<200x64xf32, #tpu.memory_space<vmem>>) target(%dma_start3A_40 : memref<200x64xf32, #tpu.memory_space<vmem_shared>>) target_semaphore(%arg24 : memref<!tpu.dma_semaphore, #tpu.memory_space<semaphore_mem>>)
    %add3A_44 = arith.constant 400 : i32
    %add3A_45 = arith.addi %mul3A_1, %add3A_44 : i32
    %dma_start3A_46 = arith.constant 0 : i32
    %dma_start3A_47 = arith.constant 0 : i32
    %dma_start3A_48 = tpu.memref_slice %arg23[%dma_start3A_46, %dma_start3A_47] : memref<200x64xf32, #tpu.memory_space<vmem>> -> memref<200x64xf32, #tpu.memory_space<vmem>>
    %dma_start3A_49 = arith.constant 0 : i32
    %dma_start3A_50 = tpu.memref_slice %arg9[%add3A_45, %dma_start3A_49] : memref<20000x64xf32, #tpu.memory_space<vmem_shared>> -> memref<200x64xf32, #tpu.memory_space<vmem_shared>>
    %dma_start3A_51 = arith.constant 0 : i32
    %dma_start3A_52 = tpu.memref_slice %arg9[%add3A_45, %dma_start3A_51] : memref<20000x64xf32, #tpu.memory_space<vmem_shared>> -> memref<200x64xf32, #tpu.memory_space<vmem_shared>>
    %dma_start3A_53 = arith.constant 0 : i32
    %dma_start3A_54 = arith.constant 0 : i32
    %dma_start3A_55 = tpu.memref_slice %arg23[%dma_start3A_53, %dma_start3A_54] : memref<200x64xf32, #tpu.memory_space<vmem>> -> memref<200x64xf32, #tpu.memory_space<vmem>>
    tpu.enqueue_dma source(%dma_start3A_55 : memref<200x64xf32, #tpu.memory_space<vmem>>) target(%dma_start3A_52 : memref<200x64xf32, #tpu.memory_space<vmem_shared>>) target_semaphore(%arg24 : memref<!tpu.dma_semaphore, #tpu.memory_space<semaphore_mem>>)
    %add3A_56 = arith.constant 600 : i32
    %add3A_57 = arith.addi %mul3A_1, %add3A_56 : i32
    %dma_start3A_58 = arith.constant 0 : i32
    %dma_start3A_59 = arith.constant 0 : i32
    %dma_start3A_60 = tpu.memref_slice %arg23[%dma_start3A_58, %dma_start3A_59] : memref<200x64xf32, #tpu.memory_space<vmem>> -> memref<200x64xf32, #tpu.memory_space<vmem>>
    %dma_start3A_61 = arith.constant 0 : i32
    %dma_start3A_62 = tpu.memref_slice %arg9[%add3A_57, %dma_start3A_61] : memref<20000x64xf32, #tpu.memory_space<vmem_shared>> -> memref<200x64xf32, #tpu.memory_space<vmem_shared>>
    %dma_start3A_63 = arith.constant 0 : i32
    %dma_start3A_64 = tpu.memref_slice %arg9[%add3A_57, %dma_start3A_63] : memref<20000x64xf32, #tpu.memory_space<vmem_shared>> -> memref<200x64xf32, #tpu.memory_space<vmem_shared>>
    %dma_start3A_65 = arith.constant 0 : i32
    %dma_start3A_66 = arith.constant 0 : i32
    %dma_start3A_67 = tpu.memref_slice %arg23[%dma_start3A_65, %dma_start3A_66] : memref<200x64xf32, #tpu.memory_space<vmem>> -> memref<200x64xf32, #tpu.memory_space<vmem>>
    tpu.enqueue_dma source(%dma_start3A_67 : memref<200x64xf32, #tpu.memory_space<vmem>>) target(%dma_start3A_64 : memref<200x64xf32, #tpu.memory_space<vmem_shared>>) target_semaphore(%arg24 : memref<!tpu.dma_semaphore, #tpu.memory_space<semaphore_mem>>)
    %add3A_68 = arith.constant 800 : i32
    %add3A_69 = arith.addi %mul3A_1, %add3A_68 : i32
    %dma_start3A_70 = arith.constant 0 : i32
    %dma_start3A_71 = arith.constant 0 : i32
    %dma_start3A_72 = tpu.memref_slice %arg23[%dma_start3A_70, %dma_start3A_71] : memref<200x64xf32, #tpu.memory_space<vmem>> -> memref<200x64xf32, #tpu.memory_space<vmem>>
    %dma_start3A_73 = arith.constant 0 : i32
    %dma_start3A_74 = tpu.memref_slice %arg9[%add3A_69, %dma_start3A_73] : memref<20000x64xf32, #tpu.memory_space<vmem_shared>> -> memref<200x64xf32, #tpu.memory_space<vmem_shared>>
    %dma_start3A_75 = arith.constant 0 : i32
    %dma_start3A_76 = tpu.memref_slice %arg9[%add3A_69, %dma_start3A_75] : memref<20000x64xf32, #tpu.memory_space<vmem_shared>> -> memref<200x64xf32, #tpu.memory_space<vmem_shared>>
    %dma_start3A_77 = arith.constant 0 : i32
    %dma_start3A_78 = arith.constant 0 : i32
    %dma_start3A_79 = tpu.memref_slice %arg23[%dma_start3A_77, %dma_start3A_78] : memref<200x64xf32, #tpu.memory_space<vmem>> -> memref<200x64xf32, #tpu.memory_space<vmem>>
    tpu.enqueue_dma source(%dma_start3A_79 : memref<200x64xf32, #tpu.memory_space<vmem>>) target(%dma_start3A_76 : memref<200x64xf32, #tpu.memory_space<vmem_shared>>) target_semaphore(%arg24 : memref<!tpu.dma_semaphore, #tpu.memory_space<semaphore_mem>>)
    %add3A_80 = arith.constant 1000 : i32
    %add3A_81 = arith.addi %mul3A_1, %add3A_80 : i32
    %dma_start3A_82 = arith.constant 0 : i32
    %dma_start3A_83 = arith.constant 0 : i32
    %dma_start3A_84 = tpu.memref_slice %arg23[%dma_start3A_82, %dma_start3A_83] : memref<200x64xf32, #tpu.memory_space<vmem>> -> memref<200x64xf32, #tpu.memory_space<vmem>>
    %dma_start3A_85 = arith.constant 0 : i32
    %dma_start3A_86 = tpu.memref_slice %arg9[%add3A_81, %dma_start3A_85] : memref<20000x64xf32, #tpu.memory_space<vmem_shared>> -> memref<200x64xf32, #tpu.memory_space<vmem_shared>>
    %dma_start3A_87 = arith.constant 0 : i32
    %dma_start3A_88 = tpu.memref_slice %arg9[%add3A_81, %dma_start3A_87] : memref<20000x64xf32, #tpu.memory_space<vmem_shared>> -> memref<200x64xf32, #tpu.memory_space<vmem_shared>>
    %dma_start3A_89 = arith.constant 0 : i32
    %dma_start3A_90 = arith.constant 0 : i32
    %dma_start3A_91 = tpu.memref_slice %arg23[%dma_start3A_89, %dma_start3A_90] : memref<200x64xf32, #tpu.memory_space<vmem>> -> memref<200x64xf32, #tpu.memory_space<vmem>>
    tpu.enqueue_dma source(%dma_start3A_91 : memref<200x64xf32, #tpu.memory_space<vmem>>) target(%dma_start3A_88 : memref<200x64xf32, #tpu.memory_space<vmem_shared>>) target_semaphore(%arg24 : memref<!tpu.dma_semaphore, #tpu.memory_space<semaphore_mem>>)
    %add3A_92 = arith.constant 1200 : i32
    %add3A_93 = arith.addi %mul3A_1, %add3A_92 : i32
    %dma_start3A_94 = arith.constant 0 : i32
    %dma_start3A_95 = arith.constant 0 : i32
    %dma_start3A_96 = tpu.memref_slice %arg23[%dma_start3A_94, %dma_start3A_95] : memref<200x64xf32, #tpu.memory_space<vmem>> -> memref<48x64xf32, #tpu.memory_space<vmem>>
    %dma_start3A_97 = arith.constant 0 : i32
    %dma_start3A_98 = tpu.memref_slice %arg9[%add3A_93, %dma_start3A_97] : memref<20000x64xf32, #tpu.memory_space<vmem_shared>> -> memref<48x64xf32, #tpu.memory_space<vmem_shared>>
    %dma_start3A_99 = arith.constant 0 : i32
    %dma_start3A_100 = tpu.memref_slice %arg9[%add3A_93, %dma_start3A_99] : memref<20000x64xf32, #tpu.memory_space<vmem_shared>> -> memref<48x64xf32, #tpu.memory_space<vmem_shared>>
    %dma_start3A_101 = arith.constant 0 : i32
    %dma_start3A_102 = arith.constant 0 : i32
    %dma_start3A_103 = tpu.memref_slice %arg23[%dma_start3A_101, %dma_start3A_102] : memref<200x64xf32, #tpu.memory_space<vmem>> -> memref<48x64xf32, #tpu.memory_space<vmem>>
    tpu.enqueue_dma source(%dma_start3A_103 : memref<48x64xf32, #tpu.memory_space<vmem>>) target(%dma_start3A_100 : memref<48x64xf32, #tpu.memory_space<vmem_shared>>) target_semaphore(%arg24 : memref<!tpu.dma_semaphore, #tpu.memory_space<semaphore_mem>>)
    %add3A_104 = arith.constant 0 : i32
    %add3A_105 = arith.addi %mul3A_1, %add3A_104 : i32
    %dma_wait3A = arith.constant 0 : i32
    %dma_wait3A_106 = arith.constant 0 : i32
    %dma_wait3A_107 = tpu.memref_slice %arg23[%dma_wait3A, %dma_wait3A_106] : memref<200x64xf32, #tpu.memory_space<vmem>> -> memref<200x64xf32, #tpu.memory_space<vmem>>
    %dma_wait3A_108 = arith.constant 0 : i32
    %dma_wait3A_109 = tpu.memref_slice %arg9[%add3A_105, %dma_wait3A_108] : memref<20000x64xf32, #tpu.memory_space<vmem_shared>> -> memref<200x64xf32, #tpu.memory_space<vmem_shared>>
    %dma_wait3A_110 = arith.constant 0 : i32
    %dma_wait3A_111 = tpu.memref_slice %arg9[%add3A_105, %dma_wait3A_110] : memref<20000x64xf32, #tpu.memory_space<vmem_shared>> -> memref<200x64xf32, #tpu.memory_space<vmem_shared>>
    %dma_wait3A_112 = arith.constant 0 : i32
    %dma_wait3A_113 = arith.constant 0 : i32
    %dma_wait3A_114 = tpu.memref_slice %arg23[%dma_wait3A_112, %dma_wait3A_113] : memref<200x64xf32, #tpu.memory_space<vmem>> -> memref<200x64xf32, #tpu.memory_space<vmem>>
    tpu.wait_dma2 semaphore(%arg24 : memref<!tpu.dma_semaphore, #tpu.memory_space<semaphore_mem>>) src(%dma_wait3A_114 : memref<200x64xf32, #tpu.memory_space<vmem>>) dst(%dma_wait3A_111 : memref<200x64xf32, #tpu.memory_space<vmem_shared>>)
    %add3A_115 = arith.constant 200 : i32
    %add3A_116 = arith.addi %mul3A_1, %add3A_115 : i32
    %dma_wait3A_117 = arith.constant 0 : i32
    %dma_wait3A_118 = arith.constant 0 : i32
    %dma_wait3A_119 = tpu.memref_slice %arg23[%dma_wait3A_117, %dma_wait3A_118] : memref<200x64xf32, #tpu.memory_space<vmem>> -> memref<200x64xf32, #tpu.memory_space<vmem>>
    %dma_wait3A_120 = arith.constant 0 : i32
    %dma_wait3A_121 = tpu.memref_slice %arg9[%add3A_116, %dma_wait3A_120] : memref<20000x64xf32, #tpu.memory_space<vmem_shared>> -> memref<200x64xf32, #tpu.memory_space<vmem_shared>>
    %dma_wait3A_122 = arith.constant 0 : i32
    %dma_wait3A_123 = tpu.memref_slice %arg9[%add3A_116, %dma_wait3A_122] : memref<20000x64xf32, #tpu.memory_space<vmem_shared>> -> memref<200x64xf32, #tpu.memory_space<vmem_shared>>
    %dma_wait3A_124 = arith.constant 0 : i32
    %dma_wait3A_125 = arith.constant 0 : i32
    %dma_wait3A_126 = tpu.memref_slice %arg23[%dma_wait3A_124, %dma_wait3A_125] : memref<200x64xf32, #tpu.memory_space<vmem>> -> memref<200x64xf32, #tpu.memory_space<vmem>>
    tpu.wait_dma2 semaphore(%arg24 : memref<!tpu.dma_semaphore, #tpu.memory_space<semaphore_mem>>) src(%dma_wait3A_126 : memref<200x64xf32, #tpu.memory_space<vmem>>) dst(%dma_wait3A_123 : memref<200x64xf32, #tpu.memory_space<vmem_shared>>)
    %add3A_127 = arith.constant 400 : i32
    %add3A_128 = arith.addi %mul3A_1, %add3A_127 : i32
    %dma_wait3A_129 = arith.constant 0 : i32
    %dma_wait3A_130 = arith.constant 0 : i32
    %dma_wait3A_131 = tpu.memref_slice %arg23[%dma_wait3A_129, %dma_wait3A_130] : memref<200x64xf32, #tpu.memory_space<vmem>> -> memref<200x64xf32, #tpu.memory_space<vmem>>
    %dma_wait3A_132 = arith.constant 0 : i32
    %dma_wait3A_133 = tpu.memref_slice %arg9[%add3A_128, %dma_wait3A_132] : memref<20000x64xf32, #tpu.memory_space<vmem_shared>> -> memref<200x64xf32, #tpu.memory_space<vmem_shared>>
    %dma_wait3A_134 = arith.constant 0 : i32
    %dma_wait3A_135 = tpu.memref_slice %arg9[%add3A_128, %dma_wait3A_134] : memref<20000x64xf32, #tpu.memory_space<vmem_shared>> -> memref<200x64xf32, #tpu.memory_space<vmem_shared>>
    %dma_wait3A_136 = arith.constant 0 : i32
    %dma_wait3A_137 = arith.constant 0 : i32
    %dma_wait3A_138 = tpu.memref_slice %arg23[%dma_wait3A_136, %dma_wait3A_137] : memref<200x64xf32, #tpu.memory_space<vmem>> -> memref<200x64xf32, #tpu.memory_space<vmem>>
    tpu.wait_dma2 semaphore(%arg24 : memref<!tpu.dma_semaphore, #tpu.memory_space<semaphore_mem>>) src(%dma_wait3A_138 : memref<200x64xf32, #tpu.memory_space<vmem>>) dst(%dma_wait3A_135 : memref<200x64xf32, #tpu.memory_space<vmem_shared>>)
    %add3A_139 = arith.constant 600 : i32
    %add3A_140 = arith.addi %mul3A_1, %add3A_139 : i32
    %dma_wait3A_141 = arith.constant 0 : i32
    %dma_wait3A_142 = arith.constant 0 : i32
    %dma_wait3A_143 = tpu.memref_slice %arg23[%dma_wait3A_141, %dma_wait3A_142] : memref<200x64xf32, #tpu.memory_space<vmem>> -> memref<200x64xf32, #tpu.memory_space<vmem>>
    %dma_wait3A_144 = arith.constant 0 : i32
    %dma_wait3A_145 = tpu.memref_slice %arg9[%add3A_140, %dma_wait3A_144] : memref<20000x64xf32, #tpu.memory_space<vmem_shared>> -> memref<200x64xf32, #tpu.memory_space<vmem_shared>>
    %dma_wait3A_146 = arith.constant 0 : i32
    %dma_wait3A_147 = tpu.memref_slice %arg9[%add3A_140, %dma_wait3A_146] : memref<20000x64xf32, #tpu.memory_space<vmem_shared>> -> memref<200x64xf32, #tpu.memory_space<vmem_shared>>
    %dma_wait3A_148 = arith.constant 0 : i32
    %dma_wait3A_149 = arith.constant 0 : i32
    %dma_wait3A_150 = tpu.memref_slice %arg23[%dma_wait3A_148, %dma_wait3A_149] : memref<200x64xf32, #tpu.memory_space<vmem>> -> memref<200x64xf32, #tpu.memory_space<vmem>>
    tpu.wait_dma2 semaphore(%arg24 : memref<!tpu.dma_semaphore, #tpu.memory_space<semaphore_mem>>) src(%dma_wait3A_150 : memref<200x64xf32, #tpu.memory_space<vmem>>) dst(%dma_wait3A_147 : memref<200x64xf32, #tpu.memory_space<vmem_shared>>)
    %add3A_151 = arith.constant 800 : i32
    %add3A_152 = arith.addi %mul3A_1, %add3A_151 : i32
    %dma_wait3A_153 = arith.constant 0 : i32
    %dma_wait3A_154 = arith.constant 0 : i32
    %dma_wait3A_155 = tpu.memref_slice %arg23[%dma_wait3A_153, %dma_wait3A_154] : memref<200x64xf32, #tpu.memory_space<vmem>> -> memref<200x64xf32, #tpu.memory_space<vmem>>
    %dma_wait3A_156 = arith.constant 0 : i32
    %dma_wait3A_157 = tpu.memref_slice %arg9[%add3A_152, %dma_wait3A_156] : memref<20000x64xf32, #tpu.memory_space<vmem_shared>> -> memref<200x64xf32, #tpu.memory_space<vmem_shared>>
    %dma_wait3A_158 = arith.constant 0 : i32
    %dma_wait3A_159 = tpu.memref_slice %arg9[%add3A_152, %dma_wait3A_158] : memref<20000x64xf32, #tpu.memory_space<vmem_shared>> -> memref<200x64xf32, #tpu.memory_space<vmem_shared>>
    %dma_wait3A_160 = arith.constant 0 : i32
    %dma_wait3A_161 = arith.constant 0 : i32
    %dma_wait3A_162 = tpu.memref_slice %arg23[%dma_wait3A_160, %dma_wait3A_161] : memref<200x64xf32, #tpu.memory_space<vmem>> -> memref<200x64xf32, #tpu.memory_space<vmem>>
    tpu.wait_dma2 semaphore(%arg24 : memref<!tpu.dma_semaphore, #tpu.memory_space<semaphore_mem>>) src(%dma_wait3A_162 : memref<200x64xf32, #tpu.memory_space<vmem>>) dst(%dma_wait3A_159 : memref<200x64xf32, #tpu.memory_space<vmem_shared>>)
    %add3A_163 = arith.constant 1000 : i32
    %add3A_164 = arith.addi %mul3A_1, %add3A_163 : i32
    %dma_wait3A_165 = arith.constant 0 : i32
    %dma_wait3A_166 = arith.constant 0 : i32
    %dma_wait3A_167 = tpu.memref_slice %arg23[%dma_wait3A_165, %dma_wait3A_166] : memref<200x64xf32, #tpu.memory_space<vmem>> -> memref<200x64xf32, #tpu.memory_space<vmem>>
    %dma_wait3A_168 = arith.constant 0 : i32
    %dma_wait3A_169 = tpu.memref_slice %arg9[%add3A_164, %dma_wait3A_168] : memref<20000x64xf32, #tpu.memory_space<vmem_shared>> -> memref<200x64xf32, #tpu.memory_space<vmem_shared>>
    %dma_wait3A_170 = arith.constant 0 : i32
    %dma_wait3A_171 = tpu.memref_slice %arg9[%add3A_164, %dma_wait3A_170] : memref<20000x64xf32, #tpu.memory_space<vmem_shared>> -> memref<200x64xf32, #tpu.memory_space<vmem_shared>>
    %dma_wait3A_172 = arith.constant 0 : i32
    %dma_wait3A_173 = arith.constant 0 : i32
    %dma_wait3A_174 = tpu.memref_slice %arg23[%dma_wait3A_172, %dma_wait3A_173] : memref<200x64xf32, #tpu.memory_space<vmem>> -> memref<200x64xf32, #tpu.memory_space<vmem>>
    tpu.wait_dma2 semaphore(%arg24 : memref<!tpu.dma_semaphore, #tpu.memory_space<semaphore_mem>>) src(%dma_wait3A_174 : memref<200x64xf32, #tpu.memory_space<vmem>>) dst(%dma_wait3A_171 : memref<200x64xf32, #tpu.memory_space<vmem_shared>>)
    %add3A_175 = arith.constant 1200 : i32
    %add3A_176 = arith.addi %mul3A_1, %add3A_175 : i32
    %dma_wait3A_177 = arith.constant 0 : i32
    %dma_wait3A_178 = arith.constant 0 : i32
    %dma_wait3A_179 = tpu.memref_slice %arg23[%dma_wait3A_177, %dma_wait3A_178] : memref<200x64xf32, #tpu.memory_space<vmem>> -> memref<48x64xf32, #tpu.memory_space<vmem>>
    %dma_wait3A_180 = arith.constant 0 : i32
    %dma_wait3A_181 = tpu.memref_slice %arg9[%add3A_176, %dma_wait3A_180] : memref<20000x64xf32, #tpu.memory_space<vmem_shared>> -> memref<48x64xf32, #tpu.memory_space<vmem_shared>>
    %dma_wait3A_182 = arith.constant 0 : i32
    %dma_wait3A_183 = tpu.memref_slice %arg9[%add3A_176, %dma_wait3A_182] : memref<20000x64xf32, #tpu.memory_space<vmem_shared>> -> memref<48x64xf32, #tpu.memory_space<vmem_shared>>
    %dma_wait3A_184 = arith.constant 0 : i32
    %dma_wait3A_185 = arith.constant 0 : i32
    %dma_wait3A_186 = tpu.memref_slice %arg23[%dma_wait3A_184, %dma_wait3A_185] : memref<200x64xf32, #tpu.memory_space<vmem>> -> memref<48x64xf32, #tpu.memory_space<vmem>>
    tpu.wait_dma2 semaphore(%arg24 : memref<!tpu.dma_semaphore, #tpu.memory_space<semaphore_mem>>) src(%dma_wait3A_186 : memref<48x64xf32, #tpu.memory_space<vmem>>) dst(%dma_wait3A_183 : memref<48x64xf32, #tpu.memory_space<vmem_shared>>)
    %add3A_187 = arith.constant 0 : i32
    %add3A_188 = arith.addi %mul3A_1, %add3A_187 : i32
    "tpu.region"() ({
      %run_scoped3A = tpu.sem_alloc : memref<!tpu.dma_semaphore, #tpu.memory_space<semaphore_mem>>
      %dma_start3A_927 = arith.constant 0 : i32
      %dma_start3A_928 = tpu.memref_slice %arg22[%dma_start3A_927] : memref<1296xf32, #tpu.memory_space<vmem>> -> memref<1248xf32, #tpu.memory_space<vmem>>
      %dma_start3A_929 = tpu.memref_slice %arg10[%add3A_188] : memref<20000xf32, #tpu.memory_space<vmem_shared>> -> memref<1248xf32, #tpu.memory_space<vmem_shared>>
      %dma_start3A_930 = tpu.memref_slice %arg10[%add3A_188] : memref<20000xf32, #tpu.memory_space<vmem_shared>> -> memref<1248xf32, #tpu.memory_space<vmem_shared>>
      %dma_start3A_931 = arith.constant 0 : i32
      %dma_start3A_932 = tpu.memref_slice %arg22[%dma_start3A_931] : memref<1296xf32, #tpu.memory_space<vmem>> -> memref<1248xf32, #tpu.memory_space<vmem>>
      tpu.enqueue_dma source(%dma_start3A_932 : memref<1248xf32, #tpu.memory_space<vmem>>) target(%dma_start3A_930 : memref<1248xf32, #tpu.memory_space<vmem_shared>>) target_semaphore(%run_scoped3A : memref<!tpu.dma_semaphore, #tpu.memory_space<semaphore_mem>>)
      %dma_wait3A_933 = arith.constant 0 : i32
      %dma_wait3A_934 = tpu.memref_slice %arg22[%dma_wait3A_933] : memref<1296xf32, #tpu.memory_space<vmem>> -> memref<1248xf32, #tpu.memory_space<vmem>>
      %dma_wait3A_935 = tpu.memref_slice %arg10[%add3A_188] : memref<20000xf32, #tpu.memory_space<vmem_shared>> -> memref<1248xf32, #tpu.memory_space<vmem_shared>>
      %dma_wait3A_936 = tpu.memref_slice %arg10[%add3A_188] : memref<20000xf32, #tpu.memory_space<vmem_shared>> -> memref<1248xf32, #tpu.memory_space<vmem_shared>>
      %dma_wait3A_937 = arith.constant 0 : i32
      %dma_wait3A_938 = tpu.memref_slice %arg22[%dma_wait3A_937] : memref<1296xf32, #tpu.memory_space<vmem>> -> memref<1248xf32, #tpu.memory_space<vmem>>
      tpu.wait_dma2 semaphore(%run_scoped3A : memref<!tpu.dma_semaphore, #tpu.memory_space<semaphore_mem>>) src(%dma_wait3A_938 : memref<1248xf32, #tpu.memory_space<vmem>>) dst(%dma_wait3A_936 : memref<1248xf32, #tpu.memory_space<vmem_shared>>)
      tpu.yield
    }) : () -> ()
    %convert_element_type3A = arith.extui %eq3A_0 : i1 to i32
    %cond3A = arith.constant 0 : i32
    %cond3A_189 = arith.cmpi ne, %convert_element_type3A, %cond3A : i32
    scf.if %cond3A_189 {
      %dma_start3A_927 = arith.constant 0 : i32
      %dma_start3A_928 = arith.constant 0 : i32
      %dma_start3A_929 = tpu.memref_slice %arg23[%dma_start3A_927, %dma_start3A_928] : memref<200x64xf32, #tpu.memory_space<vmem>> -> memref<32x64xf32, #tpu.memory_space<vmem>>
      %dma_start3A_930 = arith.constant 19968 : i32
      %dma_start3A_931 = arith.constant 0 : i32
      %dma_start3A_932 = tpu.memref_slice %arg9[%dma_start3A_930, %dma_start3A_931] : memref<20000x64xf32, #tpu.memory_space<vmem_shared>> -> memref<32x64xf32, #tpu.memory_space<vmem_shared>>
      %dma_start3A_933 = arith.constant 19968 : i32
      %dma_start3A_934 = arith.constant 0 : i32
      %dma_start3A_935 = tpu.memref_slice %arg9[%dma_start3A_933, %dma_start3A_934] : memref<20000x64xf32, #tpu.memory_space<vmem_shared>> -> memref<32x64xf32, #tpu.memory_space<vmem_shared>>
      %dma_start3A_936 = arith.constant 0 : i32
      %dma_start3A_937 = arith.constant 0 : i32
      %dma_start3A_938 = tpu.memref_slice %arg23[%dma_start3A_936, %dma_start3A_937] : memref<200x64xf32, #tpu.memory_space<vmem>> -> memref<32x64xf32, #tpu.memory_space<vmem>>
      tpu.enqueue_dma source(%dma_start3A_938 : memref<32x64xf32, #tpu.memory_space<vmem>>) target(%dma_start3A_935 : memref<32x64xf32, #tpu.memory_space<vmem_shared>>) target_semaphore(%arg24 : memref<!tpu.dma_semaphore, #tpu.memory_space<semaphore_mem>>)
      %dma_wait3A_939 = arith.constant 0 : i32
      %dma_wait3A_940 = arith.constant 0 : i32
      %dma_wait3A_941 = tpu.memref_slice %arg23[%dma_wait3A_939, %dma_wait3A_940] : memref<200x64xf32, #tpu.memory_space<vmem>> -> memref<32x64xf32, #tpu.memory_space<vmem>>
      %dma_wait3A_942 = arith.constant 19968 : i32
      %dma_wait3A_943 = arith.constant 0 : i32
      %dma_wait3A_944 = tpu.memref_slice %arg9[%dma_wait3A_942, %dma_wait3A_943] : memref<20000x64xf32, #tpu.memory_space<vmem_shared>> -> memref<32x64xf32, #tpu.memory_space<vmem_shared>>
      %dma_wait3A_945 = arith.constant 19968 : i32
      %dma_wait3A_946 = arith.constant 0 : i32
      %dma_wait3A_947 = tpu.memref_slice %arg9[%dma_wait3A_945, %dma_wait3A_946] : memref<20000x64xf32, #tpu.memory_space<vmem_shared>> -> memref<32x64xf32, #tpu.memory_space<vmem_shared>>
      %dma_wait3A_948 = arith.constant 0 : i32
      %dma_wait3A_949 = arith.constant 0 : i32
      %dma_wait3A_950 = tpu.memref_slice %arg23[%dma_wait3A_948, %dma_wait3A_949] : memref<200x64xf32, #tpu.memory_space<vmem>> -> memref<32x64xf32, #tpu.memory_space<vmem>>
      tpu.wait_dma2 semaphore(%arg24 : memref<!tpu.dma_semaphore, #tpu.memory_space<semaphore_mem>>) src(%dma_wait3A_950 : memref<32x64xf32, #tpu.memory_space<vmem>>) dst(%dma_wait3A_947 : memref<32x64xf32, #tpu.memory_space<vmem_shared>>)
      "tpu.region"() ({
        %run_scoped3A = tpu.sem_alloc : memref<!tpu.dma_semaphore, #tpu.memory_space<semaphore_mem>>
        %dma_start3A_951 = arith.constant 0 : i32
        %dma_start3A_952 = tpu.memref_slice %arg22[%dma_start3A_951] : memref<1296xf32, #tpu.memory_space<vmem>> -> memref<32xf32, #tpu.memory_space<vmem>>
        %dma_start3A_953 = arith.constant 19968 : i32
        %dma_start3A_954 = tpu.memref_slice %arg10[%dma_start3A_953] : memref<20000xf32, #tpu.memory_space<vmem_shared>> -> memref<32xf32, #tpu.memory_space<vmem_shared>>
        %dma_start3A_955 = arith.constant 19968 : i32
        %dma_start3A_956 = tpu.memref_slice %arg10[%dma_start3A_955] : memref<20000xf32, #tpu.memory_space<vmem_shared>> -> memref<32xf32, #tpu.memory_space<vmem_shared>>
        %dma_start3A_957 = arith.constant 0 : i32
        %dma_start3A_958 = tpu.memref_slice %arg22[%dma_start3A_957] : memref<1296xf32, #tpu.memory_space<vmem>> -> memref<32xf32, #tpu.memory_space<vmem>>
        tpu.enqueue_dma source(%dma_start3A_958 : memref<32xf32, #tpu.memory_space<vmem>>) target(%dma_start3A_956 : memref<32xf32, #tpu.memory_space<vmem_shared>>) target_semaphore(%run_scoped3A : memref<!tpu.dma_semaphore, #tpu.memory_space<semaphore_mem>>)
        %dma_wait3A_959 = arith.constant 0 : i32
        %dma_wait3A_960 = tpu.memref_slice %arg22[%dma_wait3A_959] : memref<1296xf32, #tpu.memory_space<vmem>> -> memref<32xf32, #tpu.memory_space<vmem>>
        %dma_wait3A_961 = arith.constant 19968 : i32
        %dma_wait3A_962 = tpu.memref_slice %arg10[%dma_wait3A_961] : memref<20000xf32, #tpu.memory_space<vmem_shared>> -> memref<32xf32, #tpu.memory_space<vmem_shared>>
        %dma_wait3A_963 = arith.constant 19968 : i32
        %dma_wait3A_964 = tpu.memref_slice %arg10[%dma_wait3A_963] : memref<20000xf32, #tpu.memory_space<vmem_shared>> -> memref<32xf32, #tpu.memory_space<vmem_shared>>
        %dma_wait3A_965 = arith.constant 0 : i32
        %dma_wait3A_966 = tpu.memref_slice %arg22[%dma_wait3A_965] : memref<1296xf32, #tpu.memory_space<vmem>> -> memref<32xf32, #tpu.memory_space<vmem>>
        tpu.wait_dma2 semaphore(%run_scoped3A : memref<!tpu.dma_semaphore, #tpu.memory_space<semaphore_mem>>) src(%dma_wait3A_966 : memref<32xf32, #tpu.memory_space<vmem>>) dst(%dma_wait3A_964 : memref<32xf32, #tpu.memory_space<vmem_shared>>)
        tpu.yield
      }) : () -> ()
    } else {
    }
    %barrier3A = arith.constant 0 : index
    tpu.barrier barrier_id(%barrier3A)
    %mul3A_190 = arith.constant 20000 : i32
    %mul3A_191 = arith.muli %arg1, %mul3A_190 : i32
    %add3A_192 = arith.constant 0 : i32
    %add3A_193 = arith.addi %mul3A_191, %add3A_192 : i32
    %dma_start3A_194 = tpu.memref_slice %arg4[%add3A_193] : memref<320000xi32, #tpu.memory_space<hbm>> -> memref<200xi32, #tpu.memory_space<hbm>>
    %dma_start3A_195 = tpu.memref_slice %arg4[%add3A_193] : memref<320000xi32, #tpu.memory_space<hbm>> -> memref<200xi32, #tpu.memory_space<hbm>>
    tpu.enqueue_dma source(%dma_start3A_195 : memref<200xi32, #tpu.memory_space<hbm>>) target(%arg13 : memref<200xi32, #tpu.memory_space<vmem>>) target_semaphore(%arg26 : memref<!tpu.dma_semaphore, #tpu.memory_space<semaphore_mem>>)
    %dma_start3A_196 = tpu.memref_slice %arg5[%add3A_193] : memref<320000xi32, #tpu.memory_space<hbm>> -> memref<200xi32, #tpu.memory_space<hbm>>
    %dma_start3A_197 = tpu.memref_slice %arg5[%add3A_193] : memref<320000xi32, #tpu.memory_space<hbm>> -> memref<200xi32, #tpu.memory_space<hbm>>
    tpu.enqueue_dma source(%dma_start3A_197 : memref<200xi32, #tpu.memory_space<hbm>>) target(%arg14 : memref<200xi32, #tpu.memory_space<vmem>>) target_semaphore(%arg26 : memref<!tpu.dma_semaphore, #tpu.memory_space<semaphore_mem>>)
    %mul3A_198 = arith.constant 20000 : i32
    %mul3A_199 = arith.muli %arg1, %mul3A_198 : i32
    %add3A_200 = arith.constant 200 : i32
    %add3A_201 = arith.addi %mul3A_199, %add3A_200 : i32
    %dma_start3A_202 = tpu.memref_slice %arg4[%add3A_201] : memref<320000xi32, #tpu.memory_space<hbm>> -> memref<200xi32, #tpu.memory_space<hbm>>
    %dma_start3A_203 = tpu.memref_slice %arg4[%add3A_201] : memref<320000xi32, #tpu.memory_space<hbm>> -> memref<200xi32, #tpu.memory_space<hbm>>
    tpu.enqueue_dma source(%dma_start3A_203 : memref<200xi32, #tpu.memory_space<hbm>>) target(%arg15 : memref<200xi32, #tpu.memory_space<vmem>>) target_semaphore(%arg27 : memref<!tpu.dma_semaphore, #tpu.memory_space<semaphore_mem>>)
    %dma_start3A_204 = tpu.memref_slice %arg5[%add3A_201] : memref<320000xi32, #tpu.memory_space<hbm>> -> memref<200xi32, #tpu.memory_space<hbm>>
    %dma_start3A_205 = tpu.memref_slice %arg5[%add3A_201] : memref<320000xi32, #tpu.memory_space<hbm>> -> memref<200xi32, #tpu.memory_space<hbm>>
    tpu.enqueue_dma source(%dma_start3A_205 : memref<200xi32, #tpu.memory_space<hbm>>) target(%arg16 : memref<200xi32, #tpu.memory_space<vmem>>) target_semaphore(%arg27 : memref<!tpu.dma_semaphore, #tpu.memory_space<semaphore_mem>>)
    %mul3A_206 = arith.constant 20000 : i32
    %mul3A_207 = arith.muli %arg1, %mul3A_206 : i32
    %add3A_208 = arith.constant 400 : i32
    %add3A_209 = arith.addi %mul3A_207, %add3A_208 : i32
    %dma_start3A_210 = tpu.memref_slice %arg4[%add3A_209] : memref<320000xi32, #tpu.memory_space<hbm>> -> memref<200xi32, #tpu.memory_space<hbm>>
    %dma_start3A_211 = tpu.memref_slice %arg4[%add3A_209] : memref<320000xi32, #tpu.memory_space<hbm>> -> memref<200xi32, #tpu.memory_space<hbm>>
    tpu.enqueue_dma source(%dma_start3A_211 : memref<200xi32, #tpu.memory_space<hbm>>) target(%arg17 : memref<200xi32, #tpu.memory_space<vmem>>) target_semaphore(%arg28 : memref<!tpu.dma_semaphore, #tpu.memory_space<semaphore_mem>>)
    %dma_start3A_212 = tpu.memref_slice %arg5[%add3A_209] : memref<320000xi32, #tpu.memory_space<hbm>> -> memref<200xi32, #tpu.memory_space<hbm>>
    %dma_start3A_213 = tpu.memref_slice %arg5[%add3A_209] : memref<320000xi32, #tpu.memory_space<hbm>> -> memref<200xi32, #tpu.memory_space<hbm>>
    tpu.enqueue_dma source(%dma_start3A_213 : memref<200xi32, #tpu.memory_space<hbm>>) target(%arg18 : memref<200xi32, #tpu.memory_space<vmem>>) target_semaphore(%arg28 : memref<!tpu.dma_semaphore, #tpu.memory_space<semaphore_mem>>)
    %mul3A_214 = arith.constant 20000 : i32
    %mul3A_215 = arith.muli %arg1, %mul3A_214 : i32
    %add3A_216 = arith.constant 600 : i32
    %add3A_217 = arith.addi %mul3A_215, %add3A_216 : i32
    %dma_start3A_218 = tpu.memref_slice %arg4[%add3A_217] : memref<320000xi32, #tpu.memory_space<hbm>> -> memref<200xi32, #tpu.memory_space<hbm>>
    %dma_start3A_219 = tpu.memref_slice %arg4[%add3A_217] : memref<320000xi32, #tpu.memory_space<hbm>> -> memref<200xi32, #tpu.memory_space<hbm>>
    tpu.enqueue_dma source(%dma_start3A_219 : memref<200xi32, #tpu.memory_space<hbm>>) target(%arg19 : memref<200xi32, #tpu.memory_space<vmem>>) target_semaphore(%arg29 : memref<!tpu.dma_semaphore, #tpu.memory_space<semaphore_mem>>)
    %dma_start3A_220 = tpu.memref_slice %arg5[%add3A_217] : memref<320000xi32, #tpu.memory_space<hbm>> -> memref<200xi32, #tpu.memory_space<hbm>>
    %dma_start3A_221 = tpu.memref_slice %arg5[%add3A_217] : memref<320000xi32, #tpu.memory_space<hbm>> -> memref<200xi32, #tpu.memory_space<hbm>>
    tpu.enqueue_dma source(%dma_start3A_221 : memref<200xi32, #tpu.memory_space<hbm>>) target(%arg20 : memref<200xi32, #tpu.memory_space<vmem>>) target_semaphore(%arg29 : memref<!tpu.dma_semaphore, #tpu.memory_space<semaphore_mem>>)
    %dma_wait3A_222 = arith.constant 0 : i32
    %dma_wait3A_223 = tpu.memref_slice %arg4[%dma_wait3A_222] : memref<320000xi32, #tpu.memory_space<hbm>> -> memref<200xi32, #tpu.memory_space<hbm>>
    %dma_wait3A_224 = arith.constant 0 : i32
    %dma_wait3A_225 = tpu.memref_slice %arg4[%dma_wait3A_224] : memref<320000xi32, #tpu.memory_space<hbm>> -> memref<200xi32, #tpu.memory_space<hbm>>
    tpu.wait_dma2 semaphore(%arg26 : memref<!tpu.dma_semaphore, #tpu.memory_space<semaphore_mem>>) src(%dma_wait3A_225 : memref<200xi32, #tpu.memory_space<hbm>>) dst(%arg13 : memref<200xi32, #tpu.memory_space<vmem>>)
    %dma_wait3A_226 = arith.constant 0 : i32
    %dma_wait3A_227 = tpu.memref_slice %arg5[%dma_wait3A_226] : memref<320000xi32, #tpu.memory_space<hbm>> -> memref<200xi32, #tpu.memory_space<hbm>>
    %dma_wait3A_228 = arith.constant 0 : i32
    %dma_wait3A_229 = tpu.memref_slice %arg5[%dma_wait3A_228] : memref<320000xi32, #tpu.memory_space<hbm>> -> memref<200xi32, #tpu.memory_space<hbm>>
    tpu.wait_dma2 semaphore(%arg26 : memref<!tpu.dma_semaphore, #tpu.memory_space<semaphore_mem>>) src(%dma_wait3A_229 : memref<200xi32, #tpu.memory_space<hbm>>) dst(%arg14 : memref<200xi32, #tpu.memory_space<vmem>>)
    %eq3A_230 = arith.constant 0 : i32
    %eq3A_231 = arith.cmpi eq, %arg0, %eq3A_230 : i32
    %convert_element_type3A_232 = arith.extui %eq3A_231 : i1 to i32
    %cond3A_233 = arith.constant 0 : i32
    %cond3A_234 = arith.cmpi ne, %convert_element_type3A_232, %cond3A_233 : i32
    scf.if %cond3A_234 {
      %dma_start3A_927 = arith.constant 0 : i32
      %dma_start3A_928 = arith.constant 0 : i32
      %dma_start3A_929 = tpu.memref_slice %arg2[%dma_start3A_927, %dma_start3A_928] : memref<10000x64xf32, #tpu.memory_space<hbm>> -> memref<10000x64xf32, #tpu.memory_space<hbm>>
      tpu.enqueue_indirect_dma source(%dma_start3A_929 : memref<10000x64xf32, #tpu.memory_space<hbm>>) target(%arg11 : memref<200x64xf32, #tpu.memory_space<vmem>>) offsets(%arg13 : memref<200xi32, #tpu.memory_space<vmem>>) semaphore(%arg24 : memref<!tpu.dma_semaphore, #tpu.memory_space<semaphore_mem>>)
    } else {
    }
    %eq3A_235 = arith.constant 1 : i32
    %eq3A_236 = arith.cmpi eq, %arg0, %eq3A_235 : i32
    %convert_element_type3A_237 = arith.extui %eq3A_236 : i1 to i32
    %cond3A_238 = arith.constant 0 : i32
    %cond3A_239 = arith.cmpi ne, %convert_element_type3A_237, %cond3A_238 : i32
    scf.if %cond3A_239 {
      %dma_start3A_927 = arith.constant 0 : i32
      %dma_start3A_928 = arith.constant 0 : i32
      %dma_start3A_929 = tpu.memref_slice %arg3[%dma_start3A_927, %dma_start3A_928] : memref<10000x64xf32, #tpu.memory_space<hbm>> -> memref<10000x64xf32, #tpu.memory_space<hbm>>
      tpu.enqueue_indirect_dma source(%dma_start3A_929 : memref<10000x64xf32, #tpu.memory_space<hbm>>) target(%arg11 : memref<200x64xf32, #tpu.memory_space<vmem>>) offsets(%arg13 : memref<200xi32, #tpu.memory_space<vmem>>) semaphore(%arg24 : memref<!tpu.dma_semaphore, #tpu.memory_space<semaphore_mem>>)
    } else {
    }
    %scan3A_240 = arith.constant 0 : i32
    %scan3A_241 = arith.constant 25 : i32
    %scan3A_242 = arith.addi %scan3A_240, %scan3A_241 : i32
    %scan3A_243 = arith.constant 1 : i32
    scf.for %scan3A_927 = %scan3A_240 to %scan3A_242 step %scan3A_243  : i32 {
      %mul3A_928 = arith.constant 4 : i32
      %mul3A_929 = arith.muli %scan3A_927, %mul3A_928 : i32
      %add3A_930 = arith.constant 0 : i32
      %add3A_931 = arith.addi %add3A_930, %mul3A_929 : i32
      %dma_wait3A_932 = arith.constant 0 : i32
      %dma_wait3A_933 = tpu.memref_slice %arg4[%dma_wait3A_932] : memref<320000xi32, #tpu.memory_space<hbm>> -> memref<200xi32, #tpu.memory_space<hbm>>
      %dma_wait3A_934 = arith.constant 0 : i32
      %dma_wait3A_935 = tpu.memref_slice %arg4[%dma_wait3A_934] : memref<320000xi32, #tpu.memory_space<hbm>> -> memref<200xi32, #tpu.memory_space<hbm>>
      tpu.wait_dma2 semaphore(%arg27 : memref<!tpu.dma_semaphore, #tpu.memory_space<semaphore_mem>>) src(%dma_wait3A_935 : memref<200xi32, #tpu.memory_space<hbm>>) dst(%arg15 : memref<200xi32, #tpu.memory_space<vmem>>)
      %dma_wait3A_936 = arith.constant 0 : i32
      %dma_wait3A_937 = tpu.memref_slice %arg5[%dma_wait3A_936] : memref<320000xi32, #tpu.memory_space<hbm>> -> memref<200xi32, #tpu.memory_space<hbm>>
      %dma_wait3A_938 = arith.constant 0 : i32
      %dma_wait3A_939 = tpu.memref_slice %arg5[%dma_wait3A_938] : memref<320000xi32, #tpu.memory_space<hbm>> -> memref<200xi32, #tpu.memory_space<hbm>>
      tpu.wait_dma2 semaphore(%arg27 : memref<!tpu.dma_semaphore, #tpu.memory_space<semaphore_mem>>) src(%dma_wait3A_939 : memref<200xi32, #tpu.memory_space<hbm>>) dst(%arg16 : memref<200xi32, #tpu.memory_space<vmem>>)
      %eq3A_940 = arith.constant 0 : i32
      %eq3A_941 = arith.cmpi eq, %arg0, %eq3A_940 : i32
      %convert_element_type3A_942 = arith.extui %eq3A_941 : i1 to i32
      %cond3A_943 = arith.constant 0 : i32
      %cond3A_944 = arith.cmpi ne, %convert_element_type3A_942, %cond3A_943 : i32
      scf.if %cond3A_944 {
        %dma_start3A_1040 = arith.constant 0 : i32
        %dma_start3A_1041 = arith.constant 0 : i32
        %dma_start3A_1042 = tpu.memref_slice %arg2[%dma_start3A_1040, %dma_start3A_1041] : memref<10000x64xf32, #tpu.memory_space<hbm>> -> memref<10000x64xf32, #tpu.memory_space<hbm>>
        tpu.enqueue_indirect_dma source(%dma_start3A_1042 : memref<10000x64xf32, #tpu.memory_space<hbm>>) target(%arg12 : memref<200x64xf32, #tpu.memory_space<vmem>>) offsets(%arg15 : memref<200xi32, #tpu.memory_space<vmem>>) semaphore(%arg25 : memref<!tpu.dma_semaphore, #tpu.memory_space<semaphore_mem>>)
      } else {
      }
      %eq3A_945 = arith.constant 1 : i32
      %eq3A_946 = arith.cmpi eq, %arg0, %eq3A_945 : i32
      %convert_element_type3A_947 = arith.extui %eq3A_946 : i1 to i32
      %cond3A_948 = arith.constant 0 : i32
      %cond3A_949 = arith.cmpi ne, %convert_element_type3A_947, %cond3A_948 : i32
      scf.if %cond3A_949 {
        %dma_start3A_1040 = arith.constant 0 : i32
        %dma_start3A_1041 = arith.constant 0 : i32
        %dma_start3A_1042 = tpu.memref_slice %arg3[%dma_start3A_1040, %dma_start3A_1041] : memref<10000x64xf32, #tpu.memory_space<hbm>> -> memref<10000x64xf32, #tpu.memory_space<hbm>>
        tpu.enqueue_indirect_dma source(%dma_start3A_1042 : memref<10000x64xf32, #tpu.memory_space<hbm>>) target(%arg12 : memref<200x64xf32, #tpu.memory_space<vmem>>) offsets(%arg15 : memref<200xi32, #tpu.memory_space<vmem>>) semaphore(%arg25 : memref<!tpu.dma_semaphore, #tpu.memory_space<semaphore_mem>>)
      } else {
      }
      %dma_wait3A_950 = arith.constant 0 : i32
      %dma_wait3A_951 = arith.constant 0 : i32
      %dma_wait3A_952 = tpu.memref_slice %arg2[%dma_wait3A_950, %dma_wait3A_951] : memref<10000x64xf32, #tpu.memory_space<hbm>> -> memref<10000x64xf32, #tpu.memory_space<hbm>>
      tpu.wait_indirect_dma semaphore(%arg24 : memref<!tpu.dma_semaphore, #tpu.memory_space<semaphore_mem>>) src(%dma_wait3A_952 : memref<10000x64xf32, #tpu.memory_space<hbm>>) dst(%arg11 : memref<200x64xf32, #tpu.memory_space<vmem>>)
      "tpu.region"() ({
        %run_scoped3A = tpu.sem_alloc : memref<!tpu.dma_semaphore, #tpu.memory_space<semaphore_mem>>
        %dma_start3A_1040 = arith.constant 0 : i32
        %dma_start3A_1041 = arith.constant 0 : i32
        %dma_start3A_1042 = tpu.memref_slice %arg9[%dma_start3A_1040, %dma_start3A_1041] : memref<20000x64xf32, #tpu.memory_space<vmem_shared>> -> memref<20000x64xf32, #tpu.memory_space<vmem_shared>>
        tpu.enqueue_indirect_dma source(%arg11 : memref<200x64xf32, #tpu.memory_space<vmem>>) target(%dma_start3A_1042 : memref<20000x64xf32, #tpu.memory_space<vmem_shared>>) offsets(%arg14 : memref<200xi32, #tpu.memory_space<vmem>>) semaphore(%run_scoped3A : memref<!tpu.dma_semaphore, #tpu.memory_space<semaphore_mem>>) {add = true}
        %dma_wait3A_1043 = arith.constant 0 : i32
        %dma_wait3A_1044 = arith.constant 0 : i32
        %dma_wait3A_1045 = tpu.memref_slice %arg9[%dma_wait3A_1043, %dma_wait3A_1044] : memref<20000x64xf32, #tpu.memory_space<vmem_shared>> -> memref<20000x64xf32, #tpu.memory_space<vmem_shared>>
        tpu.wait_indirect_dma semaphore(%run_scoped3A : memref<!tpu.dma_semaphore, #tpu.memory_space<semaphore_mem>>) src(%arg11 : memref<200x64xf32, #tpu.memory_space<vmem>>) dst(%dma_wait3A_1045 : memref<20000x64xf32, #tpu.memory_space<vmem_shared>>)
        tpu.yield
      }) : () -> ()
      "tpu.region"() ({
        %run_scoped3A = tpu.sem_alloc : memref<!tpu.dma_semaphore, #tpu.memory_space<semaphore_mem>>
        %dma_start3A_1040 = arith.constant 0 : i32
        %dma_start3A_1041 = tpu.memref_slice %arg10[%dma_start3A_1040] : memref<20000xf32, #tpu.memory_space<vmem_shared>> -> memref<20000xf32, #tpu.memory_space<vmem_shared>>
        tpu.enqueue_indirect_dma source(%arg21 : memref<200xf32, #tpu.memory_space<vmem>>) target(%dma_start3A_1041 : memref<20000xf32, #tpu.memory_space<vmem_shared>>) offsets(%arg14 : memref<200xi32, #tpu.memory_space<vmem>>) semaphore(%run_scoped3A : memref<!tpu.dma_semaphore, #tpu.memory_space<semaphore_mem>>) {add = true}
        %dma_wait3A_1042 = arith.constant 0 : i32
        %dma_wait3A_1043 = tpu.memref_slice %arg10[%dma_wait3A_1042] : memref<20000xf32, #tpu.memory_space<vmem_shared>> -> memref<20000xf32, #tpu.memory_space<vmem_shared>>
        tpu.wait_indirect_dma semaphore(%run_scoped3A : memref<!tpu.dma_semaphore, #tpu.memory_space<semaphore_mem>>) src(%arg21 : memref<200xf32, #tpu.memory_space<vmem>>) dst(%dma_wait3A_1043 : memref<20000xf32, #tpu.memory_space<vmem_shared>>)
        tpu.yield
      }) : () -> ()
      %add3A_953 = arith.constant 0 : i32
      %add3A_954 = arith.addi %add3A_931, %add3A_953 : i32
      %add3A_955 = arith.constant 4 : i32
      %add3A_956 = arith.addi %add3A_954, %add3A_955 : i32
      %lt3A = arith.constant 100 : i32
      %lt3A_957 = arith.cmpi slt, %add3A_956, %lt3A : i32
      %convert_element_type3A_958 = arith.extui %lt3A_957 : i1 to i32
      %cond3A_959 = arith.constant 0 : i32
      %cond3A_960 = arith.cmpi ne, %convert_element_type3A_958, %cond3A_959 : i32
      scf.if %cond3A_960 {
        %add3A_1040 = arith.constant 0 : i32
        %add3A_1041 = arith.addi %add3A_931, %add3A_1040 : i32
        %add3A_1042 = arith.constant 4 : i32
        %add3A_1043 = arith.addi %add3A_1041, %add3A_1042 : i32
        %mul3A_1044 = arith.constant 20000 : i32
        %mul3A_1045 = arith.muli %arg1, %mul3A_1044 : i32
        %mul3A_1046 = arith.constant 200 : i32
        %mul3A_1047 = arith.muli %add3A_1043, %mul3A_1046 : i32
        %add3A_1048 = arith.addi %mul3A_1045, %mul3A_1047 : i32
        %dma_start3A_1049 = tpu.memref_slice %arg4[%add3A_1048] : memref<320000xi32, #tpu.memory_space<hbm>> -> memref<200xi32, #tpu.memory_space<hbm>>
        %dma_start3A_1050 = tpu.memref_slice %arg4[%add3A_1048] : memref<320000xi32, #tpu.memory_space<hbm>> -> memref<200xi32, #tpu.memory_space<hbm>>
        tpu.enqueue_dma source(%dma_start3A_1050 : memref<200xi32, #tpu.memory_space<hbm>>) target(%arg13 : memref<200xi32, #tpu.memory_space<vmem>>) target_semaphore(%arg26 : memref<!tpu.dma_semaphore, #tpu.memory_space<semaphore_mem>>)
        %dma_start3A_1051 = tpu.memref_slice %arg5[%add3A_1048] : memref<320000xi32, #tpu.memory_space<hbm>> -> memref<200xi32, #tpu.memory_space<hbm>>
        %dma_start3A_1052 = tpu.memref_slice %arg5[%add3A_1048] : memref<320000xi32, #tpu.memory_space<hbm>> -> memref<200xi32, #tpu.memory_space<hbm>>
        tpu.enqueue_dma source(%dma_start3A_1052 : memref<200xi32, #tpu.memory_space<hbm>>) target(%arg14 : memref<200xi32, #tpu.memory_space<vmem>>) target_semaphore(%arg26 : memref<!tpu.dma_semaphore, #tpu.memory_space<semaphore_mem>>)
      } else {
      }
      %dma_wait3A_961 = arith.constant 0 : i32
      %dma_wait3A_962 = tpu.memref_slice %arg4[%dma_wait3A_961] : memref<320000xi32, #tpu.memory_space<hbm>> -> memref<200xi32, #tpu.memory_space<hbm>>
      %dma_wait3A_963 = arith.constant 0 : i32
      %dma_wait3A_964 = tpu.memref_slice %arg4[%dma_wait3A_963] : memref<320000xi32, #tpu.memory_space<hbm>> -> memref<200xi32, #tpu.memory_space<hbm>>
      tpu.wait_dma2 semaphore(%arg28 : memref<!tpu.dma_semaphore, #tpu.memory_space<semaphore_mem>>) src(%dma_wait3A_964 : memref<200xi32, #tpu.memory_space<hbm>>) dst(%arg17 : memref<200xi32, #tpu.memory_space<vmem>>)
      %dma_wait3A_965 = arith.constant 0 : i32
      %dma_wait3A_966 = tpu.memref_slice %arg5[%dma_wait3A_965] : memref<320000xi32, #tpu.memory_space<hbm>> -> memref<200xi32, #tpu.memory_space<hbm>>
      %dma_wait3A_967 = arith.constant 0 : i32
      %dma_wait3A_968 = tpu.memref_slice %arg5[%dma_wait3A_967] : memref<320000xi32, #tpu.memory_space<hbm>> -> memref<200xi32, #tpu.memory_space<hbm>>
      tpu.wait_dma2 semaphore(%arg28 : memref<!tpu.dma_semaphore, #tpu.memory_space<semaphore_mem>>) src(%dma_wait3A_968 : memref<200xi32, #tpu.memory_space<hbm>>) dst(%arg18 : memref<200xi32, #tpu.memory_space<vmem>>)
      %eq3A_969 = arith.constant 0 : i32
      %eq3A_970 = arith.cmpi eq, %arg0, %eq3A_969 : i32
      %convert_element_type3A_971 = arith.extui %eq3A_970 : i1 to i32
      %cond3A_972 = arith.constant 0 : i32
      %cond3A_973 = arith.cmpi ne, %convert_element_type3A_971, %cond3A_972 : i32
      scf.if %cond3A_973 {
        %dma_start3A_1040 = arith.constant 0 : i32
        %dma_start3A_1041 = arith.constant 0 : i32
        %dma_start3A_1042 = tpu.memref_slice %arg2[%dma_start3A_1040, %dma_start3A_1041] : memref<10000x64xf32, #tpu.memory_space<hbm>> -> memref<10000x64xf32, #tpu.memory_space<hbm>>
        tpu.enqueue_indirect_dma source(%dma_start3A_1042 : memref<10000x64xf32, #tpu.memory_space<hbm>>) target(%arg11 : memref<200x64xf32, #tpu.memory_space<vmem>>) offsets(%arg17 : memref<200xi32, #tpu.memory_space<vmem>>) semaphore(%arg24 : memref<!tpu.dma_semaphore, #tpu.memory_space<semaphore_mem>>)
      } else {
      }
      %eq3A_974 = arith.constant 1 : i32
      %eq3A_975 = arith.cmpi eq, %arg0, %eq3A_974 : i32
      %convert_element_type3A_976 = arith.extui %eq3A_975 : i1 to i32
      %cond3A_977 = arith.constant 0 : i32
      %cond3A_978 = arith.cmpi ne, %convert_element_type3A_976, %cond3A_977 : i32
      scf.if %cond3A_978 {
        %dma_start3A_1040 = arith.constant 0 : i32
        %dma_start3A_1041 = arith.constant 0 : i32
        %dma_start3A_1042 = tpu.memref_slice %arg3[%dma_start3A_1040, %dma_start3A_1041] : memref<10000x64xf32, #tpu.memory_space<hbm>> -> memref<10000x64xf32, #tpu.memory_space<hbm>>
        tpu.enqueue_indirect_dma source(%dma_start3A_1042 : memref<10000x64xf32, #tpu.memory_space<hbm>>) target(%arg11 : memref<200x64xf32, #tpu.memory_space<vmem>>) offsets(%arg17 : memref<200xi32, #tpu.memory_space<vmem>>) semaphore(%arg24 : memref<!tpu.dma_semaphore, #tpu.memory_space<semaphore_mem>>)
      } else {
      }
      %dma_wait3A_979 = arith.constant 0 : i32
      %dma_wait3A_980 = arith.constant 0 : i32
      %dma_wait3A_981 = tpu.memref_slice %arg2[%dma_wait3A_979, %dma_wait3A_980] : memref<10000x64xf32, #tpu.memory_space<hbm>> -> memref<10000x64xf32, #tpu.memory_space<hbm>>
      tpu.wait_indirect_dma semaphore(%arg25 : memref<!tpu.dma_semaphore, #tpu.memory_space<semaphore_mem>>) src(%dma_wait3A_981 : memref<10000x64xf32, #tpu.memory_space<hbm>>) dst(%arg12 : memref<200x64xf32, #tpu.memory_space<vmem>>)
      "tpu.region"() ({
        %run_scoped3A = tpu.sem_alloc : memref<!tpu.dma_semaphore, #tpu.memory_space<semaphore_mem>>
        %dma_start3A_1040 = arith.constant 0 : i32
        %dma_start3A_1041 = arith.constant 0 : i32
        %dma_start3A_1042 = tpu.memref_slice %arg9[%dma_start3A_1040, %dma_start3A_1041] : memref<20000x64xf32, #tpu.memory_space<vmem_shared>> -> memref<20000x64xf32, #tpu.memory_space<vmem_shared>>
        tpu.enqueue_indirect_dma source(%arg12 : memref<200x64xf32, #tpu.memory_space<vmem>>) target(%dma_start3A_1042 : memref<20000x64xf32, #tpu.memory_space<vmem_shared>>) offsets(%arg16 : memref<200xi32, #tpu.memory_space<vmem>>) semaphore(%run_scoped3A : memref<!tpu.dma_semaphore, #tpu.memory_space<semaphore_mem>>) {add = true}
        %dma_wait3A_1043 = arith.constant 0 : i32
        %dma_wait3A_1044 = arith.constant 0 : i32
        %dma_wait3A_1045 = tpu.memref_slice %arg9[%dma_wait3A_1043, %dma_wait3A_1044] : memref<20000x64xf32, #tpu.memory_space<vmem_shared>> -> memref<20000x64xf32, #tpu.memory_space<vmem_shared>>
        tpu.wait_indirect_dma semaphore(%run_scoped3A : memref<!tpu.dma_semaphore, #tpu.memory_space<semaphore_mem>>) src(%arg12 : memref<200x64xf32, #tpu.memory_space<vmem>>) dst(%dma_wait3A_1045 : memref<20000x64xf32, #tpu.memory_space<vmem_shared>>)
        tpu.yield
      }) : () -> ()
      "tpu.region"() ({
        %run_scoped3A = tpu.sem_alloc : memref<!tpu.dma_semaphore, #tpu.memory_space<semaphore_mem>>
        %dma_start3A_1040 = arith.constant 0 : i32
        %dma_start3A_1041 = tpu.memref_slice %arg10[%dma_start3A_1040] : memref<20000xf32, #tpu.memory_space<vmem_shared>> -> memref<20000xf32, #tpu.memory_space<vmem_shared>>
        tpu.enqueue_indirect_dma source(%arg21 : memref<200xf32, #tpu.memory_space<vmem>>) target(%dma_start3A_1041 : memref<20000xf32, #tpu.memory_space<vmem_shared>>) offsets(%arg16 : memref<200xi32, #tpu.memory_space<vmem>>) semaphore(%run_scoped3A : memref<!tpu.dma_semaphore, #tpu.memory_space<semaphore_mem>>) {add = true}
        %dma_wait3A_1042 = arith.constant 0 : i32
        %dma_wait3A_1043 = tpu.memref_slice %arg10[%dma_wait3A_1042] : memref<20000xf32, #tpu.memory_space<vmem_shared>> -> memref<20000xf32, #tpu.memory_space<vmem_shared>>
        tpu.wait_indirect_dma semaphore(%run_scoped3A : memref<!tpu.dma_semaphore, #tpu.memory_space<semaphore_mem>>) src(%arg21 : memref<200xf32, #tpu.memory_space<vmem>>) dst(%dma_wait3A_1043 : memref<20000xf32, #tpu.memory_space<vmem_shared>>)
        tpu.yield
      }) : () -> ()
      %add3A_982 = arith.constant 1 : i32
      %add3A_983 = arith.addi %add3A_931, %add3A_982 : i32
      %add3A_984 = arith.constant 4 : i32
      %add3A_985 = arith.addi %add3A_983, %add3A_984 : i32
      %lt3A_986 = arith.constant 100 : i32
      %lt3A_987 = arith.cmpi slt, %add3A_985, %lt3A_986 : i32
      %convert_element_type3A_988 = arith.extui %lt3A_987 : i1 to i32
      %cond3A_989 = arith.constant 0 : i32
      %cond3A_990 = arith.cmpi ne, %convert_element_type3A_988, %cond3A_989 : i32
      scf.if %cond3A_990 {
        %add3A_1040 = arith.constant 1 : i32
        %add3A_1041 = arith.addi %add3A_931, %add3A_1040 : i32
        %add3A_1042 = arith.constant 4 : i32
        %add3A_1043 = arith.addi %add3A_1041, %add3A_1042 : i32
        %mul3A_1044 = arith.constant 20000 : i32
        %mul3A_1045 = arith.muli %arg1, %mul3A_1044 : i32
        %mul3A_1046 = arith.constant 200 : i32
        %mul3A_1047 = arith.muli %add3A_1043, %mul3A_1046 : i32
        %add3A_1048 = arith.addi %mul3A_1045, %mul3A_1047 : i32
        %dma_start3A_1049 = tpu.memref_slice %arg4[%add3A_1048] : memref<320000xi32, #tpu.memory_space<hbm>> -> memref<200xi32, #tpu.memory_space<hbm>>
        %dma_start3A_1050 = tpu.memref_slice %arg4[%add3A_1048] : memref<320000xi32, #tpu.memory_space<hbm>> -> memref<200xi32, #tpu.memory_space<hbm>>
        tpu.enqueue_dma source(%dma_start3A_1050 : memref<200xi32, #tpu.memory_space<hbm>>) target(%arg15 : memref<200xi32, #tpu.memory_space<vmem>>) target_semaphore(%arg27 : memref<!tpu.dma_semaphore, #tpu.memory_space<semaphore_mem>>)
        %dma_start3A_1051 = tpu.memref_slice %arg5[%add3A_1048] : memref<320000xi32, #tpu.memory_space<hbm>> -> memref<200xi32, #tpu.memory_space<hbm>>
        %dma_start3A_1052 = tpu.memref_slice %arg5[%add3A_1048] : memref<320000xi32, #tpu.memory_space<hbm>> -> memref<200xi32, #tpu.memory_space<hbm>>
        tpu.enqueue_dma source(%dma_start3A_1052 : memref<200xi32, #tpu.memory_space<hbm>>) target(%arg16 : memref<200xi32, #tpu.memory_space<vmem>>) target_semaphore(%arg27 : memref<!tpu.dma_semaphore, #tpu.memory_space<semaphore_mem>>)
      } else {
      }
      %dma_wait3A_991 = arith.constant 0 : i32
      %dma_wait3A_992 = tpu.memref_slice %arg4[%dma_wait3A_991] : memref<320000xi32, #tpu.memory_space<hbm>> -> memref<200xi32, #tpu.memory_space<hbm>>
      %dma_wait3A_993 = arith.constant 0 : i32
      %dma_wait3A_994 = tpu.memref_slice %arg4[%dma_wait3A_993] : memref<320000xi32, #tpu.memory_space<hbm>> -> memref<200xi32, #tpu.memory_space<hbm>>
      tpu.wait_dma2 semaphore(%arg29 : memref<!tpu.dma_semaphore, #tpu.memory_space<semaphore_mem>>) src(%dma_wait3A_994 : memref<200xi32, #tpu.memory_space<hbm>>) dst(%arg19 : memref<200xi32, #tpu.memory_space<vmem>>)
      %dma_wait3A_995 = arith.constant 0 : i32
      %dma_wait3A_996 = tpu.memref_slice %arg5[%dma_wait3A_995] : memref<320000xi32, #tpu.memory_space<hbm>> -> memref<200xi32, #tpu.memory_space<hbm>>
      %dma_wait3A_997 = arith.constant 0 : i32
      %dma_wait3A_998 = tpu.memref_slice %arg5[%dma_wait3A_997] : memref<320000xi32, #tpu.memory_space<hbm>> -> memref<200xi32, #tpu.memory_space<hbm>>
      tpu.wait_dma2 semaphore(%arg29 : memref<!tpu.dma_semaphore, #tpu.memory_space<semaphore_mem>>) src(%dma_wait3A_998 : memref<200xi32, #tpu.memory_space<hbm>>) dst(%arg20 : memref<200xi32, #tpu.memory_space<vmem>>)
      %eq3A_999 = arith.constant 0 : i32
      %eq3A_1000 = arith.cmpi eq, %arg0, %eq3A_999 : i32
      %convert_element_type3A_1001 = arith.extui %eq3A_1000 : i1 to i32
      %cond3A_1002 = arith.constant 0 : i32
      %cond3A_1003 = arith.cmpi ne, %convert_element_type3A_1001, %cond3A_1002 : i32
      scf.if %cond3A_1003 {
        %dma_start3A_1040 = arith.constant 0 : i32
        %dma_start3A_1041 = arith.constant 0 : i32
        %dma_start3A_1042 = tpu.memref_slice %arg2[%dma_start3A_1040, %dma_start3A_1041] : memref<10000x64xf32, #tpu.memory_space<hbm>> -> memref<10000x64xf32, #tpu.memory_space<hbm>>
        tpu.enqueue_indirect_dma source(%dma_start3A_1042 : memref<10000x64xf32, #tpu.memory_space<hbm>>) target(%arg12 : memref<200x64xf32, #tpu.memory_space<vmem>>) offsets(%arg19 : memref<200xi32, #tpu.memory_space<vmem>>) semaphore(%arg25 : memref<!tpu.dma_semaphore, #tpu.memory_space<semaphore_mem>>)
      } else {
      }
      %eq3A_1004 = arith.constant 1 : i32
      %eq3A_1005 = arith.cmpi eq, %arg0, %eq3A_1004 : i32
      %convert_element_type3A_1006 = arith.extui %eq3A_1005 : i1 to i32
      %cond3A_1007 = arith.constant 0 : i32
      %cond3A_1008 = arith.cmpi ne, %convert_element_type3A_1006, %cond3A_1007 : i32
      scf.if %cond3A_1008 {
        %dma_start3A_1040 = arith.constant 0 : i32
        %dma_start3A_1041 = arith.constant 0 : i32
        %dma_start3A_1042 = tpu.memref_slice %arg3[%dma_start3A_1040, %dma_start3A_1041] : memref<10000x64xf32, #tpu.memory_space<hbm>> -> memref<10000x64xf32, #tpu.memory_space<hbm>>
        tpu.enqueue_indirect_dma source(%dma_start3A_1042 : memref<10000x64xf32, #tpu.memory_space<hbm>>) target(%arg12 : memref<200x64xf32, #tpu.memory_space<vmem>>) offsets(%arg19 : memref<200xi32, #tpu.memory_space<vmem>>) semaphore(%arg25 : memref<!tpu.dma_semaphore, #tpu.memory_space<semaphore_mem>>)
      } else {
      }
      %dma_wait3A_1009 = arith.constant 0 : i32
      %dma_wait3A_1010 = arith.constant 0 : i32
      %dma_wait3A_1011 = tpu.memref_slice %arg2[%dma_wait3A_1009, %dma_wait3A_1010] : memref<10000x64xf32, #tpu.memory_space<hbm>> -> memref<10000x64xf32, #tpu.memory_space<hbm>>
      tpu.wait_indirect_dma semaphore(%arg24 : memref<!tpu.dma_semaphore, #tpu.memory_space<semaphore_mem>>) src(%dma_wait3A_1011 : memref<10000x64xf32, #tpu.memory_space<hbm>>) dst(%arg11 : memref<200x64xf32, #tpu.memory_space<vmem>>)
      "tpu.region"() ({
        %run_scoped3A = tpu.sem_alloc : memref<!tpu.dma_semaphore, #tpu.memory_space<semaphore_mem>>
        %dma_start3A_1040 = arith.constant 0 : i32
        %dma_start3A_1041 = arith.constant 0 : i32
        %dma_start3A_1042 = tpu.memref_slice %arg9[%dma_start3A_1040, %dma_start3A_1041] : memref<20000x64xf32, #tpu.memory_space<vmem_shared>> -> memref<20000x64xf32, #tpu.memory_space<vmem_shared>>
        tpu.enqueue_indirect_dma source(%arg11 : memref<200x64xf32, #tpu.memory_space<vmem>>) target(%dma_start3A_1042 : memref<20000x64xf32, #tpu.memory_space<vmem_shared>>) offsets(%arg18 : memref<200xi32, #tpu.memory_space<vmem>>) semaphore(%run_scoped3A : memref<!tpu.dma_semaphore, #tpu.memory_space<semaphore_mem>>) {add = true}
        %dma_wait3A_1043 = arith.constant 0 : i32
        %dma_wait3A_1044 = arith.constant 0 : i32
        %dma_wait3A_1045 = tpu.memref_slice %arg9[%dma_wait3A_1043, %dma_wait3A_1044] : memref<20000x64xf32, #tpu.memory_space<vmem_shared>> -> memref<20000x64xf32, #tpu.memory_space<vmem_shared>>
        tpu.wait_indirect_dma semaphore(%run_scoped3A : memref<!tpu.dma_semaphore, #tpu.memory_space<semaphore_mem>>) src(%arg11 : memref<200x64xf32, #tpu.memory_space<vmem>>) dst(%dma_wait3A_1045 : memref<20000x64xf32, #tpu.memory_space<vmem_shared>>)
        tpu.yield
      }) : () -> ()
      "tpu.region"() ({
        %run_scoped3A = tpu.sem_alloc : memref<!tpu.dma_semaphore, #tpu.memory_space<semaphore_mem>>
        %dma_start3A_1040 = arith.constant 0 : i32
        %dma_start3A_1041 = tpu.memref_slice %arg10[%dma_start3A_1040] : memref<20000xf32, #tpu.memory_space<vmem_shared>> -> memref<20000xf32, #tpu.memory_space<vmem_shared>>
        tpu.enqueue_indirect_dma source(%arg21 : memref<200xf32, #tpu.memory_space<vmem>>) target(%dma_start3A_1041 : memref<20000xf32, #tpu.memory_space<vmem_shared>>) offsets(%arg18 : memref<200xi32, #tpu.memory_space<vmem>>) semaphore(%run_scoped3A : memref<!tpu.dma_semaphore, #tpu.memory_space<semaphore_mem>>) {add = true}
        %dma_wait3A_1042 = arith.constant 0 : i32
        %dma_wait3A_1043 = tpu.memref_slice %arg10[%dma_wait3A_1042] : memref<20000xf32, #tpu.memory_space<vmem_shared>> -> memref<20000xf32, #tpu.memory_space<vmem_shared>>
        tpu.wait_indirect_dma semaphore(%run_scoped3A : memref<!tpu.dma_semaphore, #tpu.memory_space<semaphore_mem>>) src(%arg21 : memref<200xf32, #tpu.memory_space<vmem>>) dst(%dma_wait3A_1043 : memref<20000xf32, #tpu.memory_space<vmem_shared>>)
        tpu.yield
      }) : () -> ()
      %add3A_1012 = arith.constant 2 : i32
      %add3A_1013 = arith.addi %add3A_931, %add3A_1012 : i32
      %add3A_1014 = arith.constant 4 : i32
      %add3A_1015 = arith.addi %add3A_1013, %add3A_1014 : i32
      %lt3A_1016 = arith.constant 100 : i32
      %lt3A_1017 = arith.cmpi slt, %add3A_1015, %lt3A_1016 : i32
      %convert_element_type3A_1018 = arith.extui %lt3A_1017 : i1 to i32
      %cond3A_1019 = arith.constant 0 : i32
      %cond3A_1020 = arith.cmpi ne, %convert_element_type3A_1018, %cond3A_1019 : i32
      scf.if %cond3A_1020 {
        %add3A_1040 = arith.constant 2 : i32
        %add3A_1041 = arith.addi %add3A_931, %add3A_1040 : i32
        %add3A_1042 = arith.constant 4 : i32
        %add3A_1043 = arith.addi %add3A_1041, %add3A_1042 : i32
        %mul3A_1044 = arith.constant 20000 : i32
        %mul3A_1045 = arith.muli %arg1, %mul3A_1044 : i32
        %mul3A_1046 = arith.constant 200 : i32
        %mul3A_1047 = arith.muli %add3A_1043, %mul3A_1046 : i32
        %add3A_1048 = arith.addi %mul3A_1045, %mul3A_1047 : i32
        %dma_start3A_1049 = tpu.memref_slice %arg4[%add3A_1048] : memref<320000xi32, #tpu.memory_space<hbm>> -> memref<200xi32, #tpu.memory_space<hbm>>
        %dma_start3A_1050 = tpu.memref_slice %arg4[%add3A_1048] : memref<320000xi32, #tpu.memory_space<hbm>> -> memref<200xi32, #tpu.memory_space<hbm>>
        tpu.enqueue_dma source(%dma_start3A_1050 : memref<200xi32, #tpu.memory_space<hbm>>) target(%arg17 : memref<200xi32, #tpu.memory_space<vmem>>) target_semaphore(%arg28 : memref<!tpu.dma_semaphore, #tpu.memory_space<semaphore_mem>>)
        %dma_start3A_1051 = tpu.memref_slice %arg5[%add3A_1048] : memref<320000xi32, #tpu.memory_space<hbm>> -> memref<200xi32, #tpu.memory_space<hbm>>
        %dma_start3A_1052 = tpu.memref_slice %arg5[%add3A_1048] : memref<320000xi32, #tpu.memory_space<hbm>> -> memref<200xi32, #tpu.memory_space<hbm>>
        tpu.enqueue_dma source(%dma_start3A_1052 : memref<200xi32, #tpu.memory_space<hbm>>) target(%arg18 : memref<200xi32, #tpu.memory_space<vmem>>) target_semaphore(%arg28 : memref<!tpu.dma_semaphore, #tpu.memory_space<semaphore_mem>>)
      } else {
      }
      %add3A_1021 = arith.constant 4 : i32
      %add3A_1022 = arith.addi %add3A_931, %add3A_1021 : i32
      %lt3A_1023 = arith.constant 100 : i32
      %lt3A_1024 = arith.cmpi slt, %add3A_1022, %lt3A_1023 : i32
      %convert_element_type3A_1025 = arith.extui %lt3A_1024 : i1 to i32
      %cond3A_1026 = arith.constant 0 : i32
      %cond3A_1027 = arith.cmpi ne, %convert_element_type3A_1025, %cond3A_1026 : i32
      scf.if %cond3A_1027 {
        %dma_wait3A_1040 = arith.constant 0 : i32
        %dma_wait3A_1041 = tpu.memref_slice %arg4[%dma_wait3A_1040] : memref<320000xi32, #tpu.memory_space<hbm>> -> memref<200xi32, #tpu.memory_space<hbm>>
        %dma_wait3A_1042 = arith.constant 0 : i32
        %dma_wait3A_1043 = tpu.memref_slice %arg4[%dma_wait3A_1042] : memref<320000xi32, #tpu.memory_space<hbm>> -> memref<200xi32, #tpu.memory_space<hbm>>
        tpu.wait_dma2 semaphore(%arg26 : memref<!tpu.dma_semaphore, #tpu.memory_space<semaphore_mem>>) src(%dma_wait3A_1043 : memref<200xi32, #tpu.memory_space<hbm>>) dst(%arg13 : memref<200xi32, #tpu.memory_space<vmem>>)
        %dma_wait3A_1044 = arith.constant 0 : i32
        %dma_wait3A_1045 = tpu.memref_slice %arg5[%dma_wait3A_1044] : memref<320000xi32, #tpu.memory_space<hbm>> -> memref<200xi32, #tpu.memory_space<hbm>>
        %dma_wait3A_1046 = arith.constant 0 : i32
        %dma_wait3A_1047 = tpu.memref_slice %arg5[%dma_wait3A_1046] : memref<320000xi32, #tpu.memory_space<hbm>> -> memref<200xi32, #tpu.memory_space<hbm>>
        tpu.wait_dma2 semaphore(%arg26 : memref<!tpu.dma_semaphore, #tpu.memory_space<semaphore_mem>>) src(%dma_wait3A_1047 : memref<200xi32, #tpu.memory_space<hbm>>) dst(%arg14 : memref<200xi32, #tpu.memory_space<vmem>>)
        %eq3A_1048 = arith.constant 0 : i32
        %eq3A_1049 = arith.cmpi eq, %arg0, %eq3A_1048 : i32
        %convert_element_type3A_1050 = arith.extui %eq3A_1049 : i1 to i32
        %cond3A_1051 = arith.constant 0 : i32
        %cond3A_1052 = arith.cmpi ne, %convert_element_type3A_1050, %cond3A_1051 : i32
        scf.if %cond3A_1052 {
          %dma_start3A_1058 = arith.constant 0 : i32
          %dma_start3A_1059 = arith.constant 0 : i32
          %dma_start3A_1060 = tpu.memref_slice %arg2[%dma_start3A_1058, %dma_start3A_1059] : memref<10000x64xf32, #tpu.memory_space<hbm>> -> memref<10000x64xf32, #tpu.memory_space<hbm>>
          tpu.enqueue_indirect_dma source(%dma_start3A_1060 : memref<10000x64xf32, #tpu.memory_space<hbm>>) target(%arg11 : memref<200x64xf32, #tpu.memory_space<vmem>>) offsets(%arg13 : memref<200xi32, #tpu.memory_space<vmem>>) semaphore(%arg24 : memref<!tpu.dma_semaphore, #tpu.memory_space<semaphore_mem>>)
        } else {
        }
        %eq3A_1053 = arith.constant 1 : i32
        %eq3A_1054 = arith.cmpi eq, %arg0, %eq3A_1053 : i32
        %convert_element_type3A_1055 = arith.extui %eq3A_1054 : i1 to i32
        %cond3A_1056 = arith.constant 0 : i32
        %cond3A_1057 = arith.cmpi ne, %convert_element_type3A_1055, %cond3A_1056 : i32
        scf.if %cond3A_1057 {
          %dma_start3A_1058 = arith.constant 0 : i32
          %dma_start3A_1059 = arith.constant 0 : i32
          %dma_start3A_1060 = tpu.memref_slice %arg3[%dma_start3A_1058, %dma_start3A_1059] : memref<10000x64xf32, #tpu.memory_space<hbm>> -> memref<10000x64xf32, #tpu.memory_space<hbm>>
          tpu.enqueue_indirect_dma source(%dma_start3A_1060 : memref<10000x64xf32, #tpu.memory_space<hbm>>) target(%arg11 : memref<200x64xf32, #tpu.memory_space<vmem>>) offsets(%arg13 : memref<200xi32, #tpu.memory_space<vmem>>) semaphore(%arg24 : memref<!tpu.dma_semaphore, #tpu.memory_space<semaphore_mem>>)
        } else {
        }
      } else {
      }
      %dma_wait3A_1028 = arith.constant 0 : i32
      %dma_wait3A_1029 = arith.constant 0 : i32
      %dma_wait3A_1030 = tpu.memref_slice %arg2[%dma_wait3A_1028, %dma_wait3A_1029] : memref<10000x64xf32, #tpu.memory_space<hbm>> -> memref<10000x64xf32, #tpu.memory_space<hbm>>
      tpu.wait_indirect_dma semaphore(%arg25 : memref<!tpu.dma_semaphore, #tpu.memory_space<semaphore_mem>>) src(%dma_wait3A_1030 : memref<10000x64xf32, #tpu.memory_space<hbm>>) dst(%arg12 : memref<200x64xf32, #tpu.memory_space<vmem>>)
      "tpu.region"() ({
        %run_scoped3A = tpu.sem_alloc : memref<!tpu.dma_semaphore, #tpu.memory_space<semaphore_mem>>
        %dma_start3A_1040 = arith.constant 0 : i32
        %dma_start3A_1041 = arith.constant 0 : i32
        %dma_start3A_1042 = tpu.memref_slice %arg9[%dma_start3A_1040, %dma_start3A_1041] : memref<20000x64xf32, #tpu.memory_space<vmem_shared>> -> memref<20000x64xf32, #tpu.memory_space<vmem_shared>>
        tpu.enqueue_indirect_dma source(%arg12 : memref<200x64xf32, #tpu.memory_space<vmem>>) target(%dma_start3A_1042 : memref<20000x64xf32, #tpu.memory_space<vmem_shared>>) offsets(%arg20 : memref<200xi32, #tpu.memory_space<vmem>>) semaphore(%run_scoped3A : memref<!tpu.dma_semaphore, #tpu.memory_space<semaphore_mem>>) {add = true}
        %dma_wait3A_1043 = arith.constant 0 : i32
        %dma_wait3A_1044 = arith.constant 0 : i32
        %dma_wait3A_1045 = tpu.memref_slice %arg9[%dma_wait3A_1043, %dma_wait3A_1044] : memref<20000x64xf32, #tpu.memory_space<vmem_shared>> -> memref<20000x64xf32, #tpu.memory_space<vmem_shared>>
        tpu.wait_indirect_dma semaphore(%run_scoped3A : memref<!tpu.dma_semaphore, #tpu.memory_space<semaphore_mem>>) src(%arg12 : memref<200x64xf32, #tpu.memory_space<vmem>>) dst(%dma_wait3A_1045 : memref<20000x64xf32, #tpu.memory_space<vmem_shared>>)
        tpu.yield
      }) : () -> ()
      "tpu.region"() ({
        %run_scoped3A = tpu.sem_alloc : memref<!tpu.dma_semaphore, #tpu.memory_space<semaphore_mem>>
        %dma_start3A_1040 = arith.constant 0 : i32
        %dma_start3A_1041 = tpu.memref_slice %arg10[%dma_start3A_1040] : memref<20000xf32, #tpu.memory_space<vmem_shared>> -> memref<20000xf32, #tpu.memory_space<vmem_shared>>
        tpu.enqueue_indirect_dma source(%arg21 : memref<200xf32, #tpu.memory_space<vmem>>) target(%dma_start3A_1041 : memref<20000xf32, #tpu.memory_space<vmem_shared>>) offsets(%arg20 : memref<200xi32, #tpu.memory_space<vmem>>) semaphore(%run_scoped3A : memref<!tpu.dma_semaphore, #tpu.memory_space<semaphore_mem>>) {add = true}
        %dma_wait3A_1042 = arith.constant 0 : i32
        %dma_wait3A_1043 = tpu.memref_slice %arg10[%dma_wait3A_1042] : memref<20000xf32, #tpu.memory_space<vmem_shared>> -> memref<20000xf32, #tpu.memory_space<vmem_shared>>
        tpu.wait_indirect_dma semaphore(%run_scoped3A : memref<!tpu.dma_semaphore, #tpu.memory_space<semaphore_mem>>) src(%arg21 : memref<200xf32, #tpu.memory_space<vmem>>) dst(%dma_wait3A_1043 : memref<20000xf32, #tpu.memory_space<vmem_shared>>)
        tpu.yield
      }) : () -> ()
      %add3A_1031 = arith.constant 3 : i32
      %add3A_1032 = arith.addi %add3A_931, %add3A_1031 : i32
      %add3A_1033 = arith.constant 4 : i32
      %add3A_1034 = arith.addi %add3A_1032, %add3A_1033 : i32
      %lt3A_1035 = arith.constant 100 : i32
      %lt3A_1036 = arith.cmpi slt, %add3A_1034, %lt3A_1035 : i32
      %convert_element_type3A_1037 = arith.extui %lt3A_1036 : i1 to i32
      %cond3A_1038 = arith.constant 0 : i32
      %cond3A_1039 = arith.cmpi ne, %convert_element_type3A_1037, %cond3A_1038 : i32
      scf.if %cond3A_1039 {
        %add3A_1040 = arith.constant 3 : i32
        %add3A_1041 = arith.addi %add3A_931, %add3A_1040 : i32
        %add3A_1042 = arith.constant 4 : i32
        %add3A_1043 = arith.addi %add3A_1041, %add3A_1042 : i32
        %mul3A_1044 = arith.constant 20000 : i32
        %mul3A_1045 = arith.muli %arg1, %mul3A_1044 : i32
        %mul3A_1046 = arith.constant 200 : i32
        %mul3A_1047 = arith.muli %add3A_1043, %mul3A_1046 : i32
        %add3A_1048 = arith.addi %mul3A_1045, %mul3A_1047 : i32
        %dma_start3A_1049 = tpu.memref_slice %arg4[%add3A_1048] : memref<320000xi32, #tpu.memory_space<hbm>> -> memref<200xi32, #tpu.memory_space<hbm>>
        %dma_start3A_1050 = tpu.memref_slice %arg4[%add3A_1048] : memref<320000xi32, #tpu.memory_space<hbm>> -> memref<200xi32, #tpu.memory_space<hbm>>
        tpu.enqueue_dma source(%dma_start3A_1050 : memref<200xi32, #tpu.memory_space<hbm>>) target(%arg19 : memref<200xi32, #tpu.memory_space<vmem>>) target_semaphore(%arg29 : memref<!tpu.dma_semaphore, #tpu.memory_space<semaphore_mem>>)
        %dma_start3A_1051 = tpu.memref_slice %arg5[%add3A_1048] : memref<320000xi32, #tpu.memory_space<hbm>> -> memref<200xi32, #tpu.memory_space<hbm>>
        %dma_start3A_1052 = tpu.memref_slice %arg5[%add3A_1048] : memref<320000xi32, #tpu.memory_space<hbm>> -> memref<200xi32, #tpu.memory_space<hbm>>
        tpu.enqueue_dma source(%dma_start3A_1052 : memref<200xi32, #tpu.memory_space<hbm>>) target(%arg20 : memref<200xi32, #tpu.memory_space<vmem>>) target_semaphore(%arg29 : memref<!tpu.dma_semaphore, #tpu.memory_space<semaphore_mem>>)
      } else {
      }
    }
    %scan3A_244 = arith.constant 25 : i32
    %barrier3A_245 = arith.constant 0 : index
    tpu.barrier barrier_id(%barrier3A_245)
    "tpu.region"() ({
      %run_scoped3A = tpu.sem_alloc : memref<!tpu.dma_semaphore, #tpu.memory_space<semaphore_mem>>
      %dma_start3A_927 = arith.constant 0 : i32
      %dma_start3A_928 = tpu.memref_slice %arg22[%dma_start3A_927] : memref<1296xf32, #tpu.memory_space<vmem>> -> memref<1248xf32, #tpu.memory_space<vmem>>
      %dma_start3A_929 = tpu.memref_slice %arg10[%mul3A_1] : memref<20000xf32, #tpu.memory_space<vmem_shared>> -> memref<1248xf32, #tpu.memory_space<vmem_shared>>
      %dma_start3A_930 = arith.constant 0 : i32
      %dma_start3A_931 = tpu.memref_slice %arg22[%dma_start3A_930] : memref<1296xf32, #tpu.memory_space<vmem>> -> memref<1248xf32, #tpu.memory_space<vmem>>
      %dma_start3A_932 = tpu.memref_slice %arg10[%mul3A_1] : memref<20000xf32, #tpu.memory_space<vmem_shared>> -> memref<1248xf32, #tpu.memory_space<vmem_shared>>
      tpu.enqueue_dma source(%dma_start3A_932 : memref<1248xf32, #tpu.memory_space<vmem_shared>>) target(%dma_start3A_931 : memref<1248xf32, #tpu.memory_space<vmem>>) target_semaphore(%run_scoped3A : memref<!tpu.dma_semaphore, #tpu.memory_space<semaphore_mem>>)
      %dma_wait3A_933 = arith.constant 0 : i32
      %dma_wait3A_934 = tpu.memref_slice %arg22[%dma_wait3A_933] : memref<1296xf32, #tpu.memory_space<vmem>> -> memref<1248xf32, #tpu.memory_space<vmem>>
      %dma_wait3A_935 = tpu.memref_slice %arg10[%mul3A_1] : memref<20000xf32, #tpu.memory_space<vmem_shared>> -> memref<1248xf32, #tpu.memory_space<vmem_shared>>
      %dma_wait3A_936 = arith.constant 0 : i32
      %dma_wait3A_937 = tpu.memref_slice %arg22[%dma_wait3A_936] : memref<1296xf32, #tpu.memory_space<vmem>> -> memref<1248xf32, #tpu.memory_space<vmem>>
      %dma_wait3A_938 = tpu.memref_slice %arg10[%mul3A_1] : memref<20000xf32, #tpu.memory_space<vmem_shared>> -> memref<1248xf32, #tpu.memory_space<vmem_shared>>
      tpu.wait_dma2 semaphore(%run_scoped3A : memref<!tpu.dma_semaphore, #tpu.memory_space<semaphore_mem>>) src(%dma_wait3A_938 : memref<1248xf32, #tpu.memory_space<vmem_shared>>) dst(%dma_wait3A_937 : memref<1248xf32, #tpu.memory_space<vmem>>)
      tpu.yield
    }) : () -> ()
    %scan3A_246 = arith.constant 0 : i32
    %scan3A_247 = arith.constant 78 : i32
    %scan3A_248 = arith.addi %scan3A_246, %scan3A_247 : i32
    %scan3A_249 = arith.constant 1 : i32
    scf.for %scan3A_927 = %scan3A_246 to %scan3A_248 step %scan3A_249  : i32 {
      %mul3A_928 = arith.constant 1 : i32
      %mul3A_929 = arith.muli %scan3A_927, %mul3A_928 : i32
      %add3A_930 = arith.constant 0 : i32
      %add3A_931 = arith.addi %add3A_930, %mul3A_929 : i32
      %mul3A_932 = arith.constant 16 : i32
      %mul3A_933 = arith.muli %add3A_931, %mul3A_932 : i32
      %get3A = arith.index_cast %mul3A_933 : i32 to index
      %get3A_934 = tpu.vector_load %arg22[%get3A] {strides = array<i32>} : memref<1296xf32, #tpu.memory_space<vmem>>, vector<16xf32>,
      %get3A_935 = vector.shape_cast %get3A_934 : vector<16xf32> to vector<16xf32>
      %max3A = arith.constant 1.000000e+00 : f32
      %max3A_936 = vector.broadcast %max3A : f32 to vector<16xf32>
      %max3A_937 = arith.maximumf %get3A_935, %max3A_936 : vector<16xf32>
      %div3A = arith.constant 6.250000e-02 : f32
      %div3A_938 = vector.broadcast %div3A : f32 to vector<16xf32>
      %div3A_939 = arith.divf %div3A_938, %max3A_937 : vector<16xf32>
      %mul3A_940 = arith.constant 16 : i32
      %mul3A_941 = arith.muli %add3A_931, %mul3A_940 : i32
      %swap3A_942 = arith.index_cast %mul3A_941 : i32 to index
      %swap3A_943 = tpu.vector_load %arg22[%swap3A_942] {strides = array<i32>} : memref<1296xf32, #tpu.memory_space<vmem>>, vector<16xf32>,
      %swap3A_944 = vector.shape_cast %swap3A_943 : vector<16xf32> to vector<16xf32>
      %swap3A_945 = vector.shape_cast %div3A_939 : vector<16xf32> to vector<16xf32>
      tpu.vector_store %arg22[%swap3A_942], %swap3A_945 {strides = array<i32>} : memref<1296xf32, #tpu.memory_space<vmem>>, vector<16xf32>,
    }
    %scan3A_250 = arith.constant 78 : i32
    %add3A_251 = arith.constant 0 : i32
    %add3A_252 = arith.addi %mul3A_1, %add3A_251 : i32
    "tpu.region"() ({
      %run_scoped3A = tpu.sem_alloc : memref<!tpu.dma_semaphore, #tpu.memory_space<semaphore_mem>>
      %dma_start3A_927 = arith.constant 0 : i32
      %dma_start3A_928 = arith.constant 0 : i32
      %dma_start3A_929 = tpu.memref_slice %arg11[%dma_start3A_927, %dma_start3A_928] : memref<200x64xf32, #tpu.memory_space<vmem>> -> memref<200x64xf32, #tpu.memory_space<vmem>>
      %dma_start3A_930 = arith.constant 0 : i32
      %dma_start3A_931 = tpu.memref_slice %arg9[%add3A_252, %dma_start3A_930] : memref<20000x64xf32, #tpu.memory_space<vmem_shared>> -> memref<200x64xf32, #tpu.memory_space<vmem_shared>>
      %dma_start3A_932 = arith.constant 0 : i32
      %dma_start3A_933 = arith.constant 0 : i32
      %dma_start3A_934 = tpu.memref_slice %arg11[%dma_start3A_932, %dma_start3A_933] : memref<200x64xf32, #tpu.memory_space<vmem>> -> memref<200x64xf32, #tpu.memory_space<vmem>>
      %dma_start3A_935 = arith.constant 0 : i32
      %dma_start3A_936 = tpu.memref_slice %arg9[%add3A_252, %dma_start3A_935] : memref<20000x64xf32, #tpu.memory_space<vmem_shared>> -> memref<200x64xf32, #tpu.memory_space<vmem_shared>>
      tpu.enqueue_dma source(%dma_start3A_936 : memref<200x64xf32, #tpu.memory_space<vmem_shared>>) target(%dma_start3A_934 : memref<200x64xf32, #tpu.memory_space<vmem>>) target_semaphore(%run_scoped3A : memref<!tpu.dma_semaphore, #tpu.memory_space<semaphore_mem>>)
      %dma_wait3A_937 = arith.constant 0 : i32
      %dma_wait3A_938 = arith.constant 0 : i32
      %dma_wait3A_939 = tpu.memref_slice %arg11[%dma_wait3A_937, %dma_wait3A_938] : memref<200x64xf32, #tpu.memory_space<vmem>> -> memref<200x64xf32, #tpu.memory_space<vmem>>
      %dma_wait3A_940 = arith.constant 0 : i32
      %dma_wait3A_941 = tpu.memref_slice %arg9[%add3A_252, %dma_wait3A_940] : memref<20000x64xf32, #tpu.memory_space<vmem_shared>> -> memref<200x64xf32, #tpu.memory_space<vmem_shared>>
      %dma_wait3A_942 = arith.constant 0 : i32
      %dma_wait3A_943 = arith.constant 0 : i32
      %dma_wait3A_944 = tpu.memref_slice %arg11[%dma_wait3A_942, %dma_wait3A_943] : memref<200x64xf32, #tpu.memory_space<vmem>> -> memref<200x64xf32, #tpu.memory_space<vmem>>
      %dma_wait3A_945 = arith.constant 0 : i32
      %dma_wait3A_946 = tpu.memref_slice %arg9[%add3A_252, %dma_wait3A_945] : memref<20000x64xf32, #tpu.memory_space<vmem_shared>> -> memref<200x64xf32, #tpu.memory_space<vmem_shared>>
      tpu.wait_dma2 semaphore(%run_scoped3A : memref<!tpu.dma_semaphore, #tpu.memory_space<semaphore_mem>>) src(%dma_wait3A_946 : memref<200x64xf32, #tpu.memory_space<vmem_shared>>) dst(%dma_wait3A_944 : memref<200x64xf32, #tpu.memory_space<vmem>>)
      tpu.yield
    }) : () -> ()
    %add3A_253 = arith.constant 0 : i32
    %add3A_254 = arith.addi %mul3A_1, %add3A_253 : i32
    %dma_start3A_255 = arith.constant 0 : i32
    %dma_start3A_256 = arith.constant 0 : i32
    %dma_start3A_257 = tpu.memref_slice %arg23[%dma_start3A_255, %dma_start3A_256] : memref<200x64xf32, #tpu.memory_space<vmem>> -> memref<200x64xf32, #tpu.memory_space<vmem>>
    %dma_start3A_258 = arith.constant 0 : i32
    %dma_start3A_259 = tpu.memref_slice %arg9[%add3A_254, %dma_start3A_258] : memref<20000x64xf32, #tpu.memory_space<vmem_shared>> -> memref<200x64xf32, #tpu.memory_space<vmem_shared>>
    %dma_start3A_260 = arith.constant 0 : i32
    %dma_start3A_261 = tpu.memref_slice %arg9[%add3A_254, %dma_start3A_260] : memref<20000x64xf32, #tpu.memory_space<vmem_shared>> -> memref<200x64xf32, #tpu.memory_space<vmem_shared>>
    %dma_start3A_262 = arith.constant 0 : i32
    %dma_start3A_263 = arith.constant 0 : i32
    %dma_start3A_264 = tpu.memref_slice %arg23[%dma_start3A_262, %dma_start3A_263] : memref<200x64xf32, #tpu.memory_space<vmem>> -> memref<200x64xf32, #tpu.memory_space<vmem>>
    tpu.enqueue_dma source(%dma_start3A_264 : memref<200x64xf32, #tpu.memory_space<vmem>>) target(%dma_start3A_261 : memref<200x64xf32, #tpu.memory_space<vmem_shared>>) target_semaphore(%arg25 : memref<!tpu.dma_semaphore, #tpu.memory_space<semaphore_mem>>)
    %add3A_265 = arith.constant 200 : i32
    %add3A_266 = arith.addi %mul3A_1, %add3A_265 : i32
    %dma_start3A_267 = arith.constant 0 : i32
    %dma_start3A_268 = arith.constant 0 : i32
    %dma_start3A_269 = tpu.memref_slice %arg12[%dma_start3A_267, %dma_start3A_268] : memref<200x64xf32, #tpu.memory_space<vmem>> -> memref<200x64xf32, #tpu.memory_space<vmem>>
    %dma_start3A_270 = arith.constant 0 : i32
    %dma_start3A_271 = tpu.memref_slice %arg9[%add3A_266, %dma_start3A_270] : memref<20000x64xf32, #tpu.memory_space<vmem_shared>> -> memref<200x64xf32, #tpu.memory_space<vmem_shared>>
    %dma_start3A_272 = arith.constant 0 : i32
    %dma_start3A_273 = arith.constant 0 : i32
    %dma_start3A_274 = tpu.memref_slice %arg12[%dma_start3A_272, %dma_start3A_273] : memref<200x64xf32, #tpu.memory_space<vmem>> -> memref<200x64xf32, #tpu.memory_space<vmem>>
    %dma_start3A_275 = arith.constant 0 : i32
    %dma_start3A_276 = tpu.memref_slice %arg9[%add3A_266, %dma_start3A_275] : memref<20000x64xf32, #tpu.memory_space<vmem_shared>> -> memref<200x64xf32, #tpu.memory_space<vmem_shared>>
    tpu.enqueue_dma source(%dma_start3A_276 : memref<200x64xf32, #tpu.memory_space<vmem_shared>>) target(%dma_start3A_274 : memref<200x64xf32, #tpu.memory_space<vmem>>) target_semaphore(%arg27 : memref<!tpu.dma_semaphore, #tpu.memory_space<semaphore_mem>>)
    %scan3A_277 = arith.constant 0 : i32
    %scan3A_278 = arith.constant 200 : i32
    %scan3A_279 = arith.addi %scan3A_277, %scan3A_278 : i32
    %scan3A_280 = arith.constant 1 : i32
    scf.for %scan3A_927 = %scan3A_277 to %scan3A_279 step %scan3A_280  : i32 {
      %mul3A_928 = arith.constant 1 : i32
      %mul3A_929 = arith.muli %scan3A_927, %mul3A_928 : i32
      %add3A_930 = arith.constant 0 : i32
      %add3A_931 = arith.addi %add3A_930, %mul3A_929 : i32
      %add3A_932 = arith.constant 0 : i32
      %add3A_933 = arith.addi %add3A_931, %add3A_932 : i32
      %get3A = arith.index_cast %add3A_933 : i32 to index
      %get3A_934 = tpu.vector_load %arg22[%get3A] {strides = array<i32>} : memref<1296xf32, #tpu.memory_space<vmem>>, vector<16xf32>,
      %get3A_935 = vector.shape_cast %get3A_934 : vector<16xf32> to vector<16xf32>
      %slice3A = vector.extract_strided_slice %get3A_935 {offsets = [0], sizes = [1], strides = [1]} : vector<16xf32> to vector<1xf32>
      %squeeze3A = vector.extract %slice3A[0] : f32 from vector<1xf32>
      %get3A_936 = arith.index_cast %add3A_931 : i32 to index
      %get3A_937 = arith.constant 0 : index
      %get3A_938 = tpu.vector_load %arg11[%get3A_936, %get3A_937] {strides = array<i32>} : memref<200x64xf32, #tpu.memory_space<vmem>>, vector<1x16xf32>,
      %get3A_939 = vector.shape_cast %get3A_938 : vector<1x16xf32> to vector<16xf32>
      %mul3A_940 = vector.broadcast %squeeze3A : f32 to vector<16xf32>
      %mul3A_941 = arith.mulf %get3A_939, %mul3A_940 : vector<16xf32>
      %swap3A_942 = arith.index_cast %add3A_931 : i32 to index
      %swap3A_943 = arith.constant 0 : index
      %swap3A_944 = tpu.vector_load %arg11[%swap3A_942, %swap3A_943] {strides = array<i32>} : memref<200x64xf32, #tpu.memory_space<vmem>>, vector<1x16xf32>,
      %swap3A_945 = vector.shape_cast %swap3A_944 : vector<1x16xf32> to vector<16xf32>
      %swap3A_946 = vector.shape_cast %mul3A_941 : vector<16xf32> to vector<1x16xf32>
      tpu.vector_store %arg11[%swap3A_942, %swap3A_943], %swap3A_946 {strides = array<i32>} : memref<200x64xf32, #tpu.memory_space<vmem>>, vector<1x16xf32>,
      %get3A_947 = arith.index_cast %add3A_931 : i32 to index
      %get3A_948 = arith.constant 16 : index
      %get3A_949 = tpu.vector_load %arg11[%get3A_947, %get3A_948] {strides = array<i32>} : memref<200x64xf32, #tpu.memory_space<vmem>>, vector<1x16xf32>,
      %get3A_950 = vector.shape_cast %get3A_949 : vector<1x16xf32> to vector<16xf32>
      %mul3A_951 = vector.broadcast %squeeze3A : f32 to vector<16xf32>
      %mul3A_952 = arith.mulf %get3A_950, %mul3A_951 : vector<16xf32>
      %swap3A_953 = arith.index_cast %add3A_931 : i32 to index
      %swap3A_954 = arith.constant 16 : index
      %swap3A_955 = tpu.vector_load %arg11[%swap3A_953, %swap3A_954] {strides = array<i32>} : memref<200x64xf32, #tpu.memory_space<vmem>>, vector<1x16xf32>,
      %swap3A_956 = vector.shape_cast %swap3A_955 : vector<1x16xf32> to vector<16xf32>
      %swap3A_957 = vector.shape_cast %mul3A_952 : vector<16xf32> to vector<1x16xf32>
      tpu.vector_store %arg11[%swap3A_953, %swap3A_954], %swap3A_957 {strides = array<i32>} : memref<200x64xf32, #tpu.memory_space<vmem>>, vector<1x16xf32>,
      %get3A_958 = arith.index_cast %add3A_931 : i32 to index
      %get3A_959 = arith.constant 32 : index
      %get3A_960 = tpu.vector_load %arg11[%get3A_958, %get3A_959] {strides = array<i32>} : memref<200x64xf32, #tpu.memory_space<vmem>>, vector<1x16xf32>,
      %get3A_961 = vector.shape_cast %get3A_960 : vector<1x16xf32> to vector<16xf32>
      %mul3A_962 = vector.broadcast %squeeze3A : f32 to vector<16xf32>
      %mul3A_963 = arith.mulf %get3A_961, %mul3A_962 : vector<16xf32>
      %swap3A_964 = arith.index_cast %add3A_931 : i32 to index
      %swap3A_965 = arith.constant 32 : index
      %swap3A_966 = tpu.vector_load %arg11[%swap3A_964, %swap3A_965] {strides = array<i32>} : memref<200x64xf32, #tpu.memory_space<vmem>>, vector<1x16xf32>,
      %swap3A_967 = vector.shape_cast %swap3A_966 : vector<1x16xf32> to vector<16xf32>
      %swap3A_968 = vector.shape_cast %mul3A_963 : vector<16xf32> to vector<1x16xf32>
      tpu.vector_store %arg11[%swap3A_964, %swap3A_965], %swap3A_968 {strides = array<i32>} : memref<200x64xf32, #tpu.memory_space<vmem>>, vector<1x16xf32>,
      %get3A_969 = arith.index_cast %add3A_931 : i32 to index
      %get3A_970 = arith.constant 48 : index
      %get3A_971 = tpu.vector_load %arg11[%get3A_969, %get3A_970] {strides = array<i32>} : memref<200x64xf32, #tpu.memory_space<vmem>>, vector<1x16xf32>,
      %get3A_972 = vector.shape_cast %get3A_971 : vector<1x16xf32> to vector<16xf32>
      %mul3A_973 = vector.broadcast %squeeze3A : f32 to vector<16xf32>
      %mul3A_974 = arith.mulf %get3A_972, %mul3A_973 : vector<16xf32>
      %swap3A_975 = arith.index_cast %add3A_931 : i32 to index
      %swap3A_976 = arith.constant 48 : index
      %swap3A_977 = tpu.vector_load %arg11[%swap3A_975, %swap3A_976] {strides = array<i32>} : memref<200x64xf32, #tpu.memory_space<vmem>>, vector<1x16xf32>,
      %swap3A_978 = vector.shape_cast %swap3A_977 : vector<1x16xf32> to vector<16xf32>
      %swap3A_979 = vector.shape_cast %mul3A_974 : vector<16xf32> to vector<1x16xf32>
      tpu.vector_store %arg11[%swap3A_975, %swap3A_976], %swap3A_979 {strides = array<i32>} : memref<200x64xf32, #tpu.memory_space<vmem>>, vector<1x16xf32>,
    }
    %scan3A_281 = arith.constant 200 : i32
    %add3A_282 = arith.constant 0 : i32
    %add3A_283 = arith.addi %mul3A_1, %add3A_282 : i32
    %eq3A_284 = arith.constant 0 : i32
    %eq3A_285 = arith.cmpi eq, %arg0, %eq3A_284 : i32
    %convert_element_type3A_286 = arith.extui %eq3A_285 : i1 to i32
    %cond3A_287 = arith.constant 0 : i32
    %cond3A_288 = arith.cmpi ne, %convert_element_type3A_286, %cond3A_287 : i32
    scf.if %cond3A_288 {
      %dma_start3A_927 = arith.constant 0 : i32
      %dma_start3A_928 = arith.constant 0 : i32
      %dma_start3A_929 = tpu.memref_slice %arg11[%dma_start3A_927, %dma_start3A_928] : memref<200x64xf32, #tpu.memory_space<vmem>> -> memref<200x64xf32, #tpu.memory_space<vmem>>
      %dma_start3A_930 = arith.constant 0 : i32
      %dma_start3A_931 = tpu.memref_slice %arg7[%add3A_283, %dma_start3A_930] : memref<20000x64xf32, #tpu.memory_space<hbm>> -> memref<200x64xf32, #tpu.memory_space<hbm>>
      %dma_start3A_932 = arith.constant 0 : i32
      %dma_start3A_933 = tpu.memref_slice %arg7[%add3A_283, %dma_start3A_932] : memref<20000x64xf32, #tpu.memory_space<hbm>> -> memref<200x64xf32, #tpu.memory_space<hbm>>
      %dma_start3A_934 = arith.constant 0 : i32
      %dma_start3A_935 = arith.constant 0 : i32
      %dma_start3A_936 = tpu.memref_slice %arg11[%dma_start3A_934, %dma_start3A_935] : memref<200x64xf32, #tpu.memory_space<vmem>> -> memref<200x64xf32, #tpu.memory_space<vmem>>
      tpu.enqueue_dma source(%dma_start3A_936 : memref<200x64xf32, #tpu.memory_space<vmem>>) target(%dma_start3A_933 : memref<200x64xf32, #tpu.memory_space<hbm>>) target_semaphore(%arg28 : memref<!tpu.dma_semaphore, #tpu.memory_space<semaphore_mem>>)
    } else {
    }
    %eq3A_289 = arith.constant 1 : i32
    %eq3A_290 = arith.cmpi eq, %arg0, %eq3A_289 : i32
    %convert_element_type3A_291 = arith.extui %eq3A_290 : i1 to i32
    %cond3A_292 = arith.constant 0 : i32
    %cond3A_293 = arith.cmpi ne, %convert_element_type3A_291, %cond3A_292 : i32
    scf.if %cond3A_293 {
      %dma_start3A_927 = arith.constant 0 : i32
      %dma_start3A_928 = arith.constant 0 : i32
      %dma_start3A_929 = tpu.memref_slice %arg11[%dma_start3A_927, %dma_start3A_928] : memref<200x64xf32, #tpu.memory_space<vmem>> -> memref<200x64xf32, #tpu.memory_space<vmem>>
      %dma_start3A_930 = arith.constant 0 : i32
      %dma_start3A_931 = tpu.memref_slice %arg8[%add3A_283, %dma_start3A_930] : memref<20000x64xf32, #tpu.memory_space<hbm>> -> memref<200x64xf32, #tpu.memory_space<hbm>>
      %dma_start3A_932 = arith.constant 0 : i32
      %dma_start3A_933 = tpu.memref_slice %arg8[%add3A_283, %dma_start3A_932] : memref<20000x64xf32, #tpu.memory_space<hbm>> -> memref<200x64xf32, #tpu.memory_space<hbm>>
      %dma_start3A_934 = arith.constant 0 : i32
      %dma_start3A_935 = arith.constant 0 : i32
      %dma_start3A_936 = tpu.memref_slice %arg11[%dma_start3A_934, %dma_start3A_935] : memref<200x64xf32, #tpu.memory_space<vmem>> -> memref<200x64xf32, #tpu.memory_space<vmem>>
      tpu.enqueue_dma source(%dma_start3A_936 : memref<200x64xf32, #tpu.memory_space<vmem>>) target(%dma_start3A_933 : memref<200x64xf32, #tpu.memory_space<hbm>>) target_semaphore(%arg28 : memref<!tpu.dma_semaphore, #tpu.memory_space<semaphore_mem>>)
    } else {
    }
    %add3A_294 = arith.constant 200 : i32
    %add3A_295 = arith.addi %mul3A_1, %add3A_294 : i32
    %dma_wait3A_296 = arith.constant 0 : i32
    %dma_wait3A_297 = arith.constant 0 : i32
    %dma_wait3A_298 = tpu.memref_slice %arg12[%dma_wait3A_296, %dma_wait3A_297] : memref<200x64xf32, #tpu.memory_space<vmem>> -> memref<200x64xf32, #tpu.memory_space<vmem>>
    %dma_wait3A_299 = arith.constant 0 : i32
    %dma_wait3A_300 = tpu.memref_slice %arg9[%add3A_295, %dma_wait3A_299] : memref<20000x64xf32, #tpu.memory_space<vmem_shared>> -> memref<200x64xf32, #tpu.memory_space<vmem_shared>>
    %dma_wait3A_301 = arith.constant 0 : i32
    %dma_wait3A_302 = arith.constant 0 : i32
    %dma_wait3A_303 = tpu.memref_slice %arg12[%dma_wait3A_301, %dma_wait3A_302] : memref<200x64xf32, #tpu.memory_space<vmem>> -> memref<200x64xf32, #tpu.memory_space<vmem>>
    %dma_wait3A_304 = arith.constant 0 : i32
    %dma_wait3A_305 = tpu.memref_slice %arg9[%add3A_295, %dma_wait3A_304] : memref<20000x64xf32, #tpu.memory_space<vmem_shared>> -> memref<200x64xf32, #tpu.memory_space<vmem_shared>>
    tpu.wait_dma2 semaphore(%arg27 : memref<!tpu.dma_semaphore, #tpu.memory_space<semaphore_mem>>) src(%dma_wait3A_305 : memref<200x64xf32, #tpu.memory_space<vmem_shared>>) dst(%dma_wait3A_303 : memref<200x64xf32, #tpu.memory_space<vmem>>)
    %add3A_306 = arith.constant 200 : i32
    %add3A_307 = arith.addi %mul3A_1, %add3A_306 : i32
    %dma_start3A_308 = arith.constant 0 : i32
    %dma_start3A_309 = arith.constant 0 : i32
    %dma_start3A_310 = tpu.memref_slice %arg23[%dma_start3A_308, %dma_start3A_309] : memref<200x64xf32, #tpu.memory_space<vmem>> -> memref<200x64xf32, #tpu.memory_space<vmem>>
    %dma_start3A_311 = arith.constant 0 : i32
    %dma_start3A_312 = tpu.memref_slice %arg9[%add3A_307, %dma_start3A_311] : memref<20000x64xf32, #tpu.memory_space<vmem_shared>> -> memref<200x64xf32, #tpu.memory_space<vmem_shared>>
    %dma_start3A_313 = arith.constant 0 : i32
    %dma_start3A_314 = tpu.memref_slice %arg9[%add3A_307, %dma_start3A_313] : memref<20000x64xf32, #tpu.memory_space<vmem_shared>> -> memref<200x64xf32, #tpu.memory_space<vmem_shared>>
    %dma_start3A_315 = arith.constant 0 : i32
    %dma_start3A_316 = arith.constant 0 : i32
    %dma_start3A_317 = tpu.memref_slice %arg23[%dma_start3A_315, %dma_start3A_316] : memref<200x64xf32, #tpu.memory_space<vmem>> -> memref<200x64xf32, #tpu.memory_space<vmem>>
    tpu.enqueue_dma source(%dma_start3A_317 : memref<200x64xf32, #tpu.memory_space<vmem>>) target(%dma_start3A_314 : memref<200x64xf32, #tpu.memory_space<vmem_shared>>) target_semaphore(%arg25 : memref<!tpu.dma_semaphore, #tpu.memory_space<semaphore_mem>>)
    %add3A_318 = arith.constant 0 : i32
    %add3A_319 = arith.addi %mul3A_1, %add3A_318 : i32
    %dma_wait3A_320 = arith.constant 0 : i32
    %dma_wait3A_321 = arith.constant 0 : i32
    %dma_wait3A_322 = tpu.memref_slice %arg11[%dma_wait3A_320, %dma_wait3A_321] : memref<200x64xf32, #tpu.memory_space<vmem>> -> memref<200x64xf32, #tpu.memory_space<vmem>>
    %dma_wait3A_323 = arith.constant 0 : i32
    %dma_wait3A_324 = tpu.memref_slice %arg7[%add3A_319, %dma_wait3A_323] : memref<20000x64xf32, #tpu.memory_space<hbm>> -> memref<200x64xf32, #tpu.memory_space<hbm>>
    %dma_wait3A_325 = arith.constant 0 : i32
    %dma_wait3A_326 = tpu.memref_slice %arg7[%add3A_319, %dma_wait3A_325] : memref<20000x64xf32, #tpu.memory_space<hbm>> -> memref<200x64xf32, #tpu.memory_space<hbm>>
    %dma_wait3A_327 = arith.constant 0 : i32
    %dma_wait3A_328 = arith.constant 0 : i32
    %dma_wait3A_329 = tpu.memref_slice %arg11[%dma_wait3A_327, %dma_wait3A_328] : memref<200x64xf32, #tpu.memory_space<vmem>> -> memref<200x64xf32, #tpu.memory_space<vmem>>
    tpu.wait_dma2 semaphore(%arg28 : memref<!tpu.dma_semaphore, #tpu.memory_space<semaphore_mem>>) src(%dma_wait3A_329 : memref<200x64xf32, #tpu.memory_space<vmem>>) dst(%dma_wait3A_326 : memref<200x64xf32, #tpu.memory_space<hbm>>)
    %add3A_330 = arith.constant 400 : i32
    %add3A_331 = arith.addi %mul3A_1, %add3A_330 : i32
    %dma_start3A_332 = arith.constant 0 : i32
    %dma_start3A_333 = arith.constant 0 : i32
    %dma_start3A_334 = tpu.memref_slice %arg11[%dma_start3A_332, %dma_start3A_333] : memref<200x64xf32, #tpu.memory_space<vmem>> -> memref<200x64xf32, #tpu.memory_space<vmem>>
    %dma_start3A_335 = arith.constant 0 : i32
    %dma_start3A_336 = tpu.memref_slice %arg9[%add3A_331, %dma_start3A_335] : memref<20000x64xf32, #tpu.memory_space<vmem_shared>> -> memref<200x64xf32, #tpu.memory_space<vmem_shared>>
    %dma_start3A_337 = arith.constant 0 : i32
    %dma_start3A_338 = arith.constant 0 : i32
    %dma_start3A_339 = tpu.memref_slice %arg11[%dma_start3A_337, %dma_start3A_338] : memref<200x64xf32, #tpu.memory_space<vmem>> -> memref<200x64xf32, #tpu.memory_space<vmem>>
    %dma_start3A_340 = arith.constant 0 : i32
    %dma_start3A_341 = tpu.memref_slice %arg9[%add3A_331, %dma_start3A_340] : memref<20000x64xf32, #tpu.memory_space<vmem_shared>> -> memref<200x64xf32, #tpu.memory_space<vmem_shared>>
    tpu.enqueue_dma source(%dma_start3A_341 : memref<200x64xf32, #tpu.memory_space<vmem_shared>>) target(%dma_start3A_339 : memref<200x64xf32, #tpu.memory_space<vmem>>) target_semaphore(%arg26 : memref<!tpu.dma_semaphore, #tpu.memory_space<semaphore_mem>>)
    %scan3A_342 = arith.constant 0 : i32
    %scan3A_343 = arith.constant 200 : i32
    %scan3A_344 = arith.addi %scan3A_342, %scan3A_343 : i32
    %scan3A_345 = arith.constant 1 : i32
    scf.for %scan3A_927 = %scan3A_342 to %scan3A_344 step %scan3A_345  : i32 {
      %mul3A_928 = arith.constant 1 : i32
      %mul3A_929 = arith.muli %scan3A_927, %mul3A_928 : i32
      %add3A_930 = arith.constant 0 : i32
      %add3A_931 = arith.addi %add3A_930, %mul3A_929 : i32
      %add3A_932 = arith.constant 200 : i32
      %add3A_933 = arith.addi %add3A_931, %add3A_932 : i32
      %get3A = arith.index_cast %add3A_933 : i32 to index
      %get3A_934 = tpu.vector_load %arg22[%get3A] {strides = array<i32>} : memref<1296xf32, #tpu.memory_space<vmem>>, vector<16xf32>,
      %get3A_935 = vector.shape_cast %get3A_934 : vector<16xf32> to vector<16xf32>
      %slice3A = vector.extract_strided_slice %get3A_935 {offsets = [0], sizes = [1], strides = [1]} : vector<16xf32> to vector<1xf32>
      %squeeze3A = vector.extract %slice3A[0] : f32 from vector<1xf32>
      %get3A_936 = arith.index_cast %add3A_931 : i32 to index
      %get3A_937 = arith.constant 0 : index
      %get3A_938 = tpu.vector_load %arg12[%get3A_936, %get3A_937] {strides = array<i32>} : memref<200x64xf32, #tpu.memory_space<vmem>>, vector<1x16xf32>,
      %get3A_939 = vector.shape_cast %get3A_938 : vector<1x16xf32> to vector<16xf32>
      %mul3A_940 = vector.broadcast %squeeze3A : f32 to vector<16xf32>
      %mul3A_941 = arith.mulf %get3A_939, %mul3A_940 : vector<16xf32>
      %swap3A_942 = arith.index_cast %add3A_931 : i32 to index
      %swap3A_943 = arith.constant 0 : index
      %swap3A_944 = tpu.vector_load %arg12[%swap3A_942, %swap3A_943] {strides = array<i32>} : memref<200x64xf32, #tpu.memory_space<vmem>>, vector<1x16xf32>,
      %swap3A_945 = vector.shape_cast %swap3A_944 : vector<1x16xf32> to vector<16xf32>
      %swap3A_946 = vector.shape_cast %mul3A_941 : vector<16xf32> to vector<1x16xf32>
      tpu.vector_store %arg12[%swap3A_942, %swap3A_943], %swap3A_946 {strides = array<i32>} : memref<200x64xf32, #tpu.memory_space<vmem>>, vector<1x16xf32>,
      %get3A_947 = arith.index_cast %add3A_931 : i32 to index
      %get3A_948 = arith.constant 16 : index
      %get3A_949 = tpu.vector_load %arg12[%get3A_947, %get3A_948] {strides = array<i32>} : memref<200x64xf32, #tpu.memory_space<vmem>>, vector<1x16xf32>,
      %get3A_950 = vector.shape_cast %get3A_949 : vector<1x16xf32> to vector<16xf32>
      %mul3A_951 = vector.broadcast %squeeze3A : f32 to vector<16xf32>
      %mul3A_952 = arith.mulf %get3A_950, %mul3A_951 : vector<16xf32>
      %swap3A_953 = arith.index_cast %add3A_931 : i32 to index
      %swap3A_954 = arith.constant 16 : index
      %swap3A_955 = tpu.vector_load %arg12[%swap3A_953, %swap3A_954] {strides = array<i32>} : memref<200x64xf32, #tpu.memory_space<vmem>>, vector<1x16xf32>,
      %swap3A_956 = vector.shape_cast %swap3A_955 : vector<1x16xf32> to vector<16xf32>
      %swap3A_957 = vector.shape_cast %mul3A_952 : vector<16xf32> to vector<1x16xf32>
      tpu.vector_store %arg12[%swap3A_953, %swap3A_954], %swap3A_957 {strides = array<i32>} : memref<200x64xf32, #tpu.memory_space<vmem>>, vector<1x16xf32>,
      %get3A_958 = arith.index_cast %add3A_931 : i32 to index
      %get3A_959 = arith.constant 32 : index
      %get3A_960 = tpu.vector_load %arg12[%get3A_958, %get3A_959] {strides = array<i32>} : memref<200x64xf32, #tpu.memory_space<vmem>>, vector<1x16xf32>,
      %get3A_961 = vector.shape_cast %get3A_960 : vector<1x16xf32> to vector<16xf32>
      %mul3A_962 = vector.broadcast %squeeze3A : f32 to vector<16xf32>
      %mul3A_963 = arith.mulf %get3A_961, %mul3A_962 : vector<16xf32>
      %swap3A_964 = arith.index_cast %add3A_931 : i32 to index
      %swap3A_965 = arith.constant 32 : index
      %swap3A_966 = tpu.vector_load %arg12[%swap3A_964, %swap3A_965] {strides = array<i32>} : memref<200x64xf32, #tpu.memory_space<vmem>>, vector<1x16xf32>,
      %swap3A_967 = vector.shape_cast %swap3A_966 : vector<1x16xf32> to vector<16xf32>
      %swap3A_968 = vector.shape_cast %mul3A_963 : vector<16xf32> to vector<1x16xf32>
      tpu.vector_store %arg12[%swap3A_964, %swap3A_965], %swap3A_968 {strides = array<i32>} : memref<200x64xf32, #tpu.memory_space<vmem>>, vector<1x16xf32>,
      %get3A_969 = arith.index_cast %add3A_931 : i32 to index
      %get3A_970 = arith.constant 48 : index
      %get3A_971 = tpu.vector_load %arg12[%get3A_969, %get3A_970] {strides = array<i32>} : memref<200x64xf32, #tpu.memory_space<vmem>>, vector<1x16xf32>,
      %get3A_972 = vector.shape_cast %get3A_971 : vector<1x16xf32> to vector<16xf32>
      %mul3A_973 = vector.broadcast %squeeze3A : f32 to vector<16xf32>
      %mul3A_974 = arith.mulf %get3A_972, %mul3A_973 : vector<16xf32>
      %swap3A_975 = arith.index_cast %add3A_931 : i32 to index
      %swap3A_976 = arith.constant 48 : index
      %swap3A_977 = tpu.vector_load %arg12[%swap3A_975, %swap3A_976] {strides = array<i32>} : memref<200x64xf32, #tpu.memory_space<vmem>>, vector<1x16xf32>,
      %swap3A_978 = vector.shape_cast %swap3A_977 : vector<1x16xf32> to vector<16xf32>
      %swap3A_979 = vector.shape_cast %mul3A_974 : vector<16xf32> to vector<1x16xf32>
      tpu.vector_store %arg12[%swap3A_975, %swap3A_976], %swap3A_979 {strides = array<i32>} : memref<200x64xf32, #tpu.memory_space<vmem>>, vector<1x16xf32>,
    }
    %scan3A_346 = arith.constant 200 : i32
    %add3A_347 = arith.constant 200 : i32
    %add3A_348 = arith.addi %mul3A_1, %add3A_347 : i32
    %eq3A_349 = arith.constant 0 : i32
    %eq3A_350 = arith.cmpi eq, %arg0, %eq3A_349 : i32
    %convert_element_type3A_351 = arith.extui %eq3A_350 : i1 to i32
    %cond3A_352 = arith.constant 0 : i32
    %cond3A_353 = arith.cmpi ne, %convert_element_type3A_351, %cond3A_352 : i32
    scf.if %cond3A_353 {
      %dma_start3A_927 = arith.constant 0 : i32
      %dma_start3A_928 = arith.constant 0 : i32
      %dma_start3A_929 = tpu.memref_slice %arg12[%dma_start3A_927, %dma_start3A_928] : memref<200x64xf32, #tpu.memory_space<vmem>> -> memref<200x64xf32, #tpu.memory_space<vmem>>
      %dma_start3A_930 = arith.constant 0 : i32
      %dma_start3A_931 = tpu.memref_slice %arg7[%add3A_348, %dma_start3A_930] : memref<20000x64xf32, #tpu.memory_space<hbm>> -> memref<200x64xf32, #tpu.memory_space<hbm>>
      %dma_start3A_932 = arith.constant 0 : i32
      %dma_start3A_933 = tpu.memref_slice %arg7[%add3A_348, %dma_start3A_932] : memref<20000x64xf32, #tpu.memory_space<hbm>> -> memref<200x64xf32, #tpu.memory_space<hbm>>
      %dma_start3A_934 = arith.constant 0 : i32
      %dma_start3A_935 = arith.constant 0 : i32
      %dma_start3A_936 = tpu.memref_slice %arg12[%dma_start3A_934, %dma_start3A_935] : memref<200x64xf32, #tpu.memory_space<vmem>> -> memref<200x64xf32, #tpu.memory_space<vmem>>
      tpu.enqueue_dma source(%dma_start3A_936 : memref<200x64xf32, #tpu.memory_space<vmem>>) target(%dma_start3A_933 : memref<200x64xf32, #tpu.memory_space<hbm>>) target_semaphore(%arg29 : memref<!tpu.dma_semaphore, #tpu.memory_space<semaphore_mem>>)
    } else {
    }
    %eq3A_354 = arith.constant 1 : i32
    %eq3A_355 = arith.cmpi eq, %arg0, %eq3A_354 : i32
    %convert_element_type3A_356 = arith.extui %eq3A_355 : i1 to i32
    %cond3A_357 = arith.constant 0 : i32
    %cond3A_358 = arith.cmpi ne, %convert_element_type3A_356, %cond3A_357 : i32
    scf.if %cond3A_358 {
      %dma_start3A_927 = arith.constant 0 : i32
      %dma_start3A_928 = arith.constant 0 : i32
      %dma_start3A_929 = tpu.memref_slice %arg12[%dma_start3A_927, %dma_start3A_928] : memref<200x64xf32, #tpu.memory_space<vmem>> -> memref<200x64xf32, #tpu.memory_space<vmem>>
      %dma_start3A_930 = arith.constant 0 : i32
      %dma_start3A_931 = tpu.memref_slice %arg8[%add3A_348, %dma_start3A_930] : memref<20000x64xf32, #tpu.memory_space<hbm>> -> memref<200x64xf32, #tpu.memory_space<hbm>>
      %dma_start3A_932 = arith.constant 0 : i32
      %dma_start3A_933 = tpu.memref_slice %arg8[%add3A_348, %dma_start3A_932] : memref<20000x64xf32, #tpu.memory_space<hbm>> -> memref<200x64xf32, #tpu.memory_space<hbm>>
      %dma_start3A_934 = arith.constant 0 : i32
      %dma_start3A_935 = arith.constant 0 : i32
      %dma_start3A_936 = tpu.memref_slice %arg12[%dma_start3A_934, %dma_start3A_935] : memref<200x64xf32, #tpu.memory_space<vmem>> -> memref<200x64xf32, #tpu.memory_space<vmem>>
      tpu.enqueue_dma source(%dma_start3A_936 : memref<200x64xf32, #tpu.memory_space<vmem>>) target(%dma_start3A_933 : memref<200x64xf32, #tpu.memory_space<hbm>>) target_semaphore(%arg29 : memref<!tpu.dma_semaphore, #tpu.memory_space<semaphore_mem>>)
    } else {
    }
    %add3A_359 = arith.constant 400 : i32
    %add3A_360 = arith.addi %mul3A_1, %add3A_359 : i32
    %dma_wait3A_361 = arith.constant 0 : i32
    %dma_wait3A_362 = arith.constant 0 : i32
    %dma_wait3A_363 = tpu.memref_slice %arg11[%dma_wait3A_361, %dma_wait3A_362] : memref<200x64xf32, #tpu.memory_space<vmem>> -> memref<200x64xf32, #tpu.memory_space<vmem>>
    %dma_wait3A_364 = arith.constant 0 : i32
    %dma_wait3A_365 = tpu.memref_slice %arg9[%add3A_360, %dma_wait3A_364] : memref<20000x64xf32, #tpu.memory_space<vmem_shared>> -> memref<200x64xf32, #tpu.memory_space<vmem_shared>>
    %dma_wait3A_366 = arith.constant 0 : i32
    %dma_wait3A_367 = arith.constant 0 : i32
    %dma_wait3A_368 = tpu.memref_slice %arg11[%dma_wait3A_366, %dma_wait3A_367] : memref<200x64xf32, #tpu.memory_space<vmem>> -> memref<200x64xf32, #tpu.memory_space<vmem>>
    %dma_wait3A_369 = arith.constant 0 : i32
    %dma_wait3A_370 = tpu.memref_slice %arg9[%add3A_360, %dma_wait3A_369] : memref<20000x64xf32, #tpu.memory_space<vmem_shared>> -> memref<200x64xf32, #tpu.memory_space<vmem_shared>>
    tpu.wait_dma2 semaphore(%arg26 : memref<!tpu.dma_semaphore, #tpu.memory_space<semaphore_mem>>) src(%dma_wait3A_370 : memref<200x64xf32, #tpu.memory_space<vmem_shared>>) dst(%dma_wait3A_368 : memref<200x64xf32, #tpu.memory_space<vmem>>)
    %add3A_371 = arith.constant 400 : i32
    %add3A_372 = arith.addi %mul3A_1, %add3A_371 : i32
    %dma_start3A_373 = arith.constant 0 : i32
    %dma_start3A_374 = arith.constant 0 : i32
    %dma_start3A_375 = tpu.memref_slice %arg23[%dma_start3A_373, %dma_start3A_374] : memref<200x64xf32, #tpu.memory_space<vmem>> -> memref<200x64xf32, #tpu.memory_space<vmem>>
    %dma_start3A_376 = arith.constant 0 : i32
    %dma_start3A_377 = tpu.memref_slice %arg9[%add3A_372, %dma_start3A_376] : memref<20000x64xf32, #tpu.memory_space<vmem_shared>> -> memref<200x64xf32, #tpu.memory_space<vmem_shared>>
    %dma_start3A_378 = arith.constant 0 : i32
    %dma_start3A_379 = tpu.memref_slice %arg9[%add3A_372, %dma_start3A_378] : memref<20000x64xf32, #tpu.memory_space<vmem_shared>> -> memref<200x64xf32, #tpu.memory_space<vmem_shared>>
    %dma_start3A_380 = arith.constant 0 : i32
    %dma_start3A_381 = arith.constant 0 : i32
    %dma_start3A_382 = tpu.memref_slice %arg23[%dma_start3A_380, %dma_start3A_381] : memref<200x64xf32, #tpu.memory_space<vmem>> -> memref<200x64xf32, #tpu.memory_space<vmem>>
    tpu.enqueue_dma source(%dma_start3A_382 : memref<200x64xf32, #tpu.memory_space<vmem>>) target(%dma_start3A_379 : memref<200x64xf32, #tpu.memory_space<vmem_shared>>) target_semaphore(%arg25 : memref<!tpu.dma_semaphore, #tpu.memory_space<semaphore_mem>>)
    %add3A_383 = arith.constant 200 : i32
    %add3A_384 = arith.addi %mul3A_1, %add3A_383 : i32
    %dma_wait3A_385 = arith.constant 0 : i32
    %dma_wait3A_386 = arith.constant 0 : i32
    %dma_wait3A_387 = tpu.memref_slice %arg12[%dma_wait3A_385, %dma_wait3A_386] : memref<200x64xf32, #tpu.memory_space<vmem>> -> memref<200x64xf32, #tpu.memory_space<vmem>>
    %dma_wait3A_388 = arith.constant 0 : i32
    %dma_wait3A_389 = tpu.memref_slice %arg7[%add3A_384, %dma_wait3A_388] : memref<20000x64xf32, #tpu.memory_space<hbm>> -> memref<200x64xf32, #tpu.memory_space<hbm>>
    %dma_wait3A_390 = arith.constant 0 : i32
    %dma_wait3A_391 = tpu.memref_slice %arg7[%add3A_384, %dma_wait3A_390] : memref<20000x64xf32, #tpu.memory_space<hbm>> -> memref<200x64xf32, #tpu.memory_space<hbm>>
    %dma_wait3A_392 = arith.constant 0 : i32
    %dma_wait3A_393 = arith.constant 0 : i32
    %dma_wait3A_394 = tpu.memref_slice %arg12[%dma_wait3A_392, %dma_wait3A_393] : memref<200x64xf32, #tpu.memory_space<vmem>> -> memref<200x64xf32, #tpu.memory_space<vmem>>
    tpu.wait_dma2 semaphore(%arg29 : memref<!tpu.dma_semaphore, #tpu.memory_space<semaphore_mem>>) src(%dma_wait3A_394 : memref<200x64xf32, #tpu.memory_space<vmem>>) dst(%dma_wait3A_391 : memref<200x64xf32, #tpu.memory_space<hbm>>)
    %add3A_395 = arith.constant 600 : i32
    %add3A_396 = arith.addi %mul3A_1, %add3A_395 : i32
    %dma_start3A_397 = arith.constant 0 : i32
    %dma_start3A_398 = arith.constant 0 : i32
    %dma_start3A_399 = tpu.memref_slice %arg12[%dma_start3A_397, %dma_start3A_398] : memref<200x64xf32, #tpu.memory_space<vmem>> -> memref<200x64xf32, #tpu.memory_space<vmem>>
    %dma_start3A_400 = arith.constant 0 : i32
    %dma_start3A_401 = tpu.memref_slice %arg9[%add3A_396, %dma_start3A_400] : memref<20000x64xf32, #tpu.memory_space<vmem_shared>> -> memref<200x64xf32, #tpu.memory_space<vmem_shared>>
    %dma_start3A_402 = arith.constant 0 : i32
    %dma_start3A_403 = arith.constant 0 : i32
    %dma_start3A_404 = tpu.memref_slice %arg12[%dma_start3A_402, %dma_start3A_403] : memref<200x64xf32, #tpu.memory_space<vmem>> -> memref<200x64xf32, #tpu.memory_space<vmem>>
    %dma_start3A_405 = arith.constant 0 : i32
    %dma_start3A_406 = tpu.memref_slice %arg9[%add3A_396, %dma_start3A_405] : memref<20000x64xf32, #tpu.memory_space<vmem_shared>> -> memref<200x64xf32, #tpu.memory_space<vmem_shared>>
    tpu.enqueue_dma source(%dma_start3A_406 : memref<200x64xf32, #tpu.memory_space<vmem_shared>>) target(%dma_start3A_404 : memref<200x64xf32, #tpu.memory_space<vmem>>) target_semaphore(%arg27 : memref<!tpu.dma_semaphore, #tpu.memory_space<semaphore_mem>>)
    %scan3A_407 = arith.constant 0 : i32
    %scan3A_408 = arith.constant 200 : i32
    %scan3A_409 = arith.addi %scan3A_407, %scan3A_408 : i32
    %scan3A_410 = arith.constant 1 : i32
    scf.for %scan3A_927 = %scan3A_407 to %scan3A_409 step %scan3A_410  : i32 {
      %mul3A_928 = arith.constant 1 : i32
      %mul3A_929 = arith.muli %scan3A_927, %mul3A_928 : i32
      %add3A_930 = arith.constant 0 : i32
      %add3A_931 = arith.addi %add3A_930, %mul3A_929 : i32
      %add3A_932 = arith.constant 400 : i32
      %add3A_933 = arith.addi %add3A_931, %add3A_932 : i32
      %get3A = arith.index_cast %add3A_933 : i32 to index
      %get3A_934 = tpu.vector_load %arg22[%get3A] {strides = array<i32>} : memref<1296xf32, #tpu.memory_space<vmem>>, vector<16xf32>,
      %get3A_935 = vector.shape_cast %get3A_934 : vector<16xf32> to vector<16xf32>
      %slice3A = vector.extract_strided_slice %get3A_935 {offsets = [0], sizes = [1], strides = [1]} : vector<16xf32> to vector<1xf32>
      %squeeze3A = vector.extract %slice3A[0] : f32 from vector<1xf32>
      %get3A_936 = arith.index_cast %add3A_931 : i32 to index
      %get3A_937 = arith.constant 0 : index
      %get3A_938 = tpu.vector_load %arg11[%get3A_936, %get3A_937] {strides = array<i32>} : memref<200x64xf32, #tpu.memory_space<vmem>>, vector<1x16xf32>,
      %get3A_939 = vector.shape_cast %get3A_938 : vector<1x16xf32> to vector<16xf32>
      %mul3A_940 = vector.broadcast %squeeze3A : f32 to vector<16xf32>
      %mul3A_941 = arith.mulf %get3A_939, %mul3A_940 : vector<16xf32>
      %swap3A_942 = arith.index_cast %add3A_931 : i32 to index
      %swap3A_943 = arith.constant 0 : index
      %swap3A_944 = tpu.vector_load %arg11[%swap3A_942, %swap3A_943] {strides = array<i32>} : memref<200x64xf32, #tpu.memory_space<vmem>>, vector<1x16xf32>,
      %swap3A_945 = vector.shape_cast %swap3A_944 : vector<1x16xf32> to vector<16xf32>
      %swap3A_946 = vector.shape_cast %mul3A_941 : vector<16xf32> to vector<1x16xf32>
      tpu.vector_store %arg11[%swap3A_942, %swap3A_943], %swap3A_946 {strides = array<i32>} : memref<200x64xf32, #tpu.memory_space<vmem>>, vector<1x16xf32>,
      %get3A_947 = arith.index_cast %add3A_931 : i32 to index
      %get3A_948 = arith.constant 16 : index
      %get3A_949 = tpu.vector_load %arg11[%get3A_947, %get3A_948] {strides = array<i32>} : memref<200x64xf32, #tpu.memory_space<vmem>>, vector<1x16xf32>,
      %get3A_950 = vector.shape_cast %get3A_949 : vector<1x16xf32> to vector<16xf32>
      %mul3A_951 = vector.broadcast %squeeze3A : f32 to vector<16xf32>
      %mul3A_952 = arith.mulf %get3A_950, %mul3A_951 : vector<16xf32>
      %swap3A_953 = arith.index_cast %add3A_931 : i32 to index
      %swap3A_954 = arith.constant 16 : index
      %swap3A_955 = tpu.vector_load %arg11[%swap3A_953, %swap3A_954] {strides = array<i32>} : memref<200x64xf32, #tpu.memory_space<vmem>>, vector<1x16xf32>,
      %swap3A_956 = vector.shape_cast %swap3A_955 : vector<1x16xf32> to vector<16xf32>
      %swap3A_957 = vector.shape_cast %mul3A_952 : vector<16xf32> to vector<1x16xf32>
      tpu.vector_store %arg11[%swap3A_953, %swap3A_954], %swap3A_957 {strides = array<i32>} : memref<200x64xf32, #tpu.memory_space<vmem>>, vector<1x16xf32>,
      %get3A_958 = arith.index_cast %add3A_931 : i32 to index
      %get3A_959 = arith.constant 32 : index
      %get3A_960 = tpu.vector_load %arg11[%get3A_958, %get3A_959] {strides = array<i32>} : memref<200x64xf32, #tpu.memory_space<vmem>>, vector<1x16xf32>,
      %get3A_961 = vector.shape_cast %get3A_960 : vector<1x16xf32> to vector<16xf32>
      %mul3A_962 = vector.broadcast %squeeze3A : f32 to vector<16xf32>
      %mul3A_963 = arith.mulf %get3A_961, %mul3A_962 : vector<16xf32>
      %swap3A_964 = arith.index_cast %add3A_931 : i32 to index
      %swap3A_965 = arith.constant 32 : index
      %swap3A_966 = tpu.vector_load %arg11[%swap3A_964, %swap3A_965] {strides = array<i32>} : memref<200x64xf32, #tpu.memory_space<vmem>>, vector<1x16xf32>,
      %swap3A_967 = vector.shape_cast %swap3A_966 : vector<1x16xf32> to vector<16xf32>
      %swap3A_968 = vector.shape_cast %mul3A_963 : vector<16xf32> to vector<1x16xf32>
      tpu.vector_store %arg11[%swap3A_964, %swap3A_965], %swap3A_968 {strides = array<i32>} : memref<200x64xf32, #tpu.memory_space<vmem>>, vector<1x16xf32>,
      %get3A_969 = arith.index_cast %add3A_931 : i32 to index
      %get3A_970 = arith.constant 48 : index
      %get3A_971 = tpu.vector_load %arg11[%get3A_969, %get3A_970] {strides = array<i32>} : memref<200x64xf32, #tpu.memory_space<vmem>>, vector<1x16xf32>,
      %get3A_972 = vector.shape_cast %get3A_971 : vector<1x16xf32> to vector<16xf32>
      %mul3A_973 = vector.broadcast %squeeze3A : f32 to vector<16xf32>
      %mul3A_974 = arith.mulf %get3A_972, %mul3A_973 : vector<16xf32>
      %swap3A_975 = arith.index_cast %add3A_931 : i32 to index
      %swap3A_976 = arith.constant 48 : index
      %swap3A_977 = tpu.vector_load %arg11[%swap3A_975, %swap3A_976] {strides = array<i32>} : memref<200x64xf32, #tpu.memory_space<vmem>>, vector<1x16xf32>,
      %swap3A_978 = vector.shape_cast %swap3A_977 : vector<1x16xf32> to vector<16xf32>
      %swap3A_979 = vector.shape_cast %mul3A_974 : vector<16xf32> to vector<1x16xf32>
      tpu.vector_store %arg11[%swap3A_975, %swap3A_976], %swap3A_979 {strides = array<i32>} : memref<200x64xf32, #tpu.memory_space<vmem>>, vector<1x16xf32>,
    }
    %scan3A_411 = arith.constant 200 : i32
    %add3A_412 = arith.constant 400 : i32
    %add3A_413 = arith.addi %mul3A_1, %add3A_412 : i32
    %eq3A_414 = arith.constant 0 : i32
    %eq3A_415 = arith.cmpi eq, %arg0, %eq3A_414 : i32
    %convert_element_type3A_416 = arith.extui %eq3A_415 : i1 to i32
    %cond3A_417 = arith.constant 0 : i32
    %cond3A_418 = arith.cmpi ne, %convert_element_type3A_416, %cond3A_417 : i32
    scf.if %cond3A_418 {
      %dma_start3A_927 = arith.constant 0 : i32
      %dma_start3A_928 = arith.constant 0 : i32
      %dma_start3A_929 = tpu.memref_slice %arg11[%dma_start3A_927, %dma_start3A_928] : memref<200x64xf32, #tpu.memory_space<vmem>> -> memref<200x64xf32, #tpu.memory_space<vmem>>
      %dma_start3A_930 = arith.constant 0 : i32
      %dma_start3A_931 = tpu.memref_slice %arg7[%add3A_413, %dma_start3A_930] : memref<20000x64xf32, #tpu.memory_space<hbm>> -> memref<200x64xf32, #tpu.memory_space<hbm>>
      %dma_start3A_932 = arith.constant 0 : i32
      %dma_start3A_933 = tpu.memref_slice %arg7[%add3A_413, %dma_start3A_932] : memref<20000x64xf32, #tpu.memory_space<hbm>> -> memref<200x64xf32, #tpu.memory_space<hbm>>
      %dma_start3A_934 = arith.constant 0 : i32
      %dma_start3A_935 = arith.constant 0 : i32
      %dma_start3A_936 = tpu.memref_slice %arg11[%dma_start3A_934, %dma_start3A_935] : memref<200x64xf32, #tpu.memory_space<vmem>> -> memref<200x64xf32, #tpu.memory_space<vmem>>
      tpu.enqueue_dma source(%dma_start3A_936 : memref<200x64xf32, #tpu.memory_space<vmem>>) target(%dma_start3A_933 : memref<200x64xf32, #tpu.memory_space<hbm>>) target_semaphore(%arg28 : memref<!tpu.dma_semaphore, #tpu.memory_space<semaphore_mem>>)
    } else {
    }
    %eq3A_419 = arith.constant 1 : i32
    %eq3A_420 = arith.cmpi eq, %arg0, %eq3A_419 : i32
    %convert_element_type3A_421 = arith.extui %eq3A_420 : i1 to i32
    %cond3A_422 = arith.constant 0 : i32
    %cond3A_423 = arith.cmpi ne, %convert_element_type3A_421, %cond3A_422 : i32
    scf.if %cond3A_423 {
      %dma_start3A_927 = arith.constant 0 : i32
      %dma_start3A_928 = arith.constant 0 : i32
      %dma_start3A_929 = tpu.memref_slice %arg11[%dma_start3A_927, %dma_start3A_928] : memref<200x64xf32, #tpu.memory_space<vmem>> -> memref<200x64xf32, #tpu.memory_space<vmem>>
      %dma_start3A_930 = arith.constant 0 : i32
      %dma_start3A_931 = tpu.memref_slice %arg8[%add3A_413, %dma_start3A_930] : memref<20000x64xf32, #tpu.memory_space<hbm>> -> memref<200x64xf32, #tpu.memory_space<hbm>>
      %dma_start3A_932 = arith.constant 0 : i32
      %dma_start3A_933 = tpu.memref_slice %arg8[%add3A_413, %dma_start3A_932] : memref<20000x64xf32, #tpu.memory_space<hbm>> -> memref<200x64xf32, #tpu.memory_space<hbm>>
      %dma_start3A_934 = arith.constant 0 : i32
      %dma_start3A_935 = arith.constant 0 : i32
      %dma_start3A_936 = tpu.memref_slice %arg11[%dma_start3A_934, %dma_start3A_935] : memref<200x64xf32, #tpu.memory_space<vmem>> -> memref<200x64xf32, #tpu.memory_space<vmem>>
      tpu.enqueue_dma source(%dma_start3A_936 : memref<200x64xf32, #tpu.memory_space<vmem>>) target(%dma_start3A_933 : memref<200x64xf32, #tpu.memory_space<hbm>>) target_semaphore(%arg28 : memref<!tpu.dma_semaphore, #tpu.memory_space<semaphore_mem>>)
    } else {
    }
    %add3A_424 = arith.constant 600 : i32
    %add3A_425 = arith.addi %mul3A_1, %add3A_424 : i32
    %dma_wait3A_426 = arith.constant 0 : i32
    %dma_wait3A_427 = arith.constant 0 : i32
    %dma_wait3A_428 = tpu.memref_slice %arg12[%dma_wait3A_426, %dma_wait3A_427] : memref<200x64xf32, #tpu.memory_space<vmem>> -> memref<200x64xf32, #tpu.memory_space<vmem>>
    %dma_wait3A_429 = arith.constant 0 : i32
    %dma_wait3A_430 = tpu.memref_slice %arg9[%add3A_425, %dma_wait3A_429] : memref<20000x64xf32, #tpu.memory_space<vmem_shared>> -> memref<200x64xf32, #tpu.memory_space<vmem_shared>>
    %dma_wait3A_431 = arith.constant 0 : i32
    %dma_wait3A_432 = arith.constant 0 : i32
    %dma_wait3A_433 = tpu.memref_slice %arg12[%dma_wait3A_431, %dma_wait3A_432] : memref<200x64xf32, #tpu.memory_space<vmem>> -> memref<200x64xf32, #tpu.memory_space<vmem>>
    %dma_wait3A_434 = arith.constant 0 : i32
    %dma_wait3A_435 = tpu.memref_slice %arg9[%add3A_425, %dma_wait3A_434] : memref<20000x64xf32, #tpu.memory_space<vmem_shared>> -> memref<200x64xf32, #tpu.memory_space<vmem_shared>>
    tpu.wait_dma2 semaphore(%arg27 : memref<!tpu.dma_semaphore, #tpu.memory_space<semaphore_mem>>) src(%dma_wait3A_435 : memref<200x64xf32, #tpu.memory_space<vmem_shared>>) dst(%dma_wait3A_433 : memref<200x64xf32, #tpu.memory_space<vmem>>)
    %add3A_436 = arith.constant 600 : i32
    %add3A_437 = arith.addi %mul3A_1, %add3A_436 : i32
    %dma_start3A_438 = arith.constant 0 : i32
    %dma_start3A_439 = arith.constant 0 : i32
    %dma_start3A_440 = tpu.memref_slice %arg23[%dma_start3A_438, %dma_start3A_439] : memref<200x64xf32, #tpu.memory_space<vmem>> -> memref<200x64xf32, #tpu.memory_space<vmem>>
    %dma_start3A_441 = arith.constant 0 : i32
    %dma_start3A_442 = tpu.memref_slice %arg9[%add3A_437, %dma_start3A_441] : memref<20000x64xf32, #tpu.memory_space<vmem_shared>> -> memref<200x64xf32, #tpu.memory_space<vmem_shared>>
    %dma_start3A_443 = arith.constant 0 : i32
    %dma_start3A_444 = tpu.memref_slice %arg9[%add3A_437, %dma_start3A_443] : memref<20000x64xf32, #tpu.memory_space<vmem_shared>> -> memref<200x64xf32, #tpu.memory_space<vmem_shared>>
    %dma_start3A_445 = arith.constant 0 : i32
    %dma_start3A_446 = arith.constant 0 : i32
    %dma_start3A_447 = tpu.memref_slice %arg23[%dma_start3A_445, %dma_start3A_446] : memref<200x64xf32, #tpu.memory_space<vmem>> -> memref<200x64xf32, #tpu.memory_space<vmem>>
    tpu.enqueue_dma source(%dma_start3A_447 : memref<200x64xf32, #tpu.memory_space<vmem>>) target(%dma_start3A_444 : memref<200x64xf32, #tpu.memory_space<vmem_shared>>) target_semaphore(%arg25 : memref<!tpu.dma_semaphore, #tpu.memory_space<semaphore_mem>>)
    %add3A_448 = arith.constant 400 : i32
    %add3A_449 = arith.addi %mul3A_1, %add3A_448 : i32
    %dma_wait3A_450 = arith.constant 0 : i32
    %dma_wait3A_451 = arith.constant 0 : i32
    %dma_wait3A_452 = tpu.memref_slice %arg11[%dma_wait3A_450, %dma_wait3A_451] : memref<200x64xf32, #tpu.memory_space<vmem>> -> memref<200x64xf32, #tpu.memory_space<vmem>>
    %dma_wait3A_453 = arith.constant 0 : i32
    %dma_wait3A_454 = tpu.memref_slice %arg7[%add3A_449, %dma_wait3A_453] : memref<20000x64xf32, #tpu.memory_space<hbm>> -> memref<200x64xf32, #tpu.memory_space<hbm>>
    %dma_wait3A_455 = arith.constant 0 : i32
    %dma_wait3A_456 = tpu.memref_slice %arg7[%add3A_449, %dma_wait3A_455] : memref<20000x64xf32, #tpu.memory_space<hbm>> -> memref<200x64xf32, #tpu.memory_space<hbm>>
    %dma_wait3A_457 = arith.constant 0 : i32
    %dma_wait3A_458 = arith.constant 0 : i32
    %dma_wait3A_459 = tpu.memref_slice %arg11[%dma_wait3A_457, %dma_wait3A_458] : memref<200x64xf32, #tpu.memory_space<vmem>> -> memref<200x64xf32, #tpu.memory_space<vmem>>
    tpu.wait_dma2 semaphore(%arg28 : memref<!tpu.dma_semaphore, #tpu.memory_space<semaphore_mem>>) src(%dma_wait3A_459 : memref<200x64xf32, #tpu.memory_space<vmem>>) dst(%dma_wait3A_456 : memref<200x64xf32, #tpu.memory_space<hbm>>)
    %add3A_460 = arith.constant 800 : i32
    %add3A_461 = arith.addi %mul3A_1, %add3A_460 : i32
    %dma_start3A_462 = arith.constant 0 : i32
    %dma_start3A_463 = arith.constant 0 : i32
    %dma_start3A_464 = tpu.memref_slice %arg11[%dma_start3A_462, %dma_start3A_463] : memref<200x64xf32, #tpu.memory_space<vmem>> -> memref<200x64xf32, #tpu.memory_space<vmem>>
    %dma_start3A_465 = arith.constant 0 : i32
    %dma_start3A_466 = tpu.memref_slice %arg9[%add3A_461, %dma_start3A_465] : memref<20000x64xf32, #tpu.memory_space<vmem_shared>> -> memref<200x64xf32, #tpu.memory_space<vmem_shared>>
    %dma_start3A_467 = arith.constant 0 : i32
    %dma_start3A_468 = arith.constant 0 : i32
    %dma_start3A_469 = tpu.memref_slice %arg11[%dma_start3A_467, %dma_start3A_468] : memref<200x64xf32, #tpu.memory_space<vmem>> -> memref<200x64xf32, #tpu.memory_space<vmem>>
    %dma_start3A_470 = arith.constant 0 : i32
    %dma_start3A_471 = tpu.memref_slice %arg9[%add3A_461, %dma_start3A_470] : memref<20000x64xf32, #tpu.memory_space<vmem_shared>> -> memref<200x64xf32, #tpu.memory_space<vmem_shared>>
    tpu.enqueue_dma source(%dma_start3A_471 : memref<200x64xf32, #tpu.memory_space<vmem_shared>>) target(%dma_start3A_469 : memref<200x64xf32, #tpu.memory_space<vmem>>) target_semaphore(%arg26 : memref<!tpu.dma_semaphore, #tpu.memory_space<semaphore_mem>>)
    %scan3A_472 = arith.constant 0 : i32
    %scan3A_473 = arith.constant 200 : i32
    %scan3A_474 = arith.addi %scan3A_472, %scan3A_473 : i32
    %scan3A_475 = arith.constant 1 : i32
    scf.for %scan3A_927 = %scan3A_472 to %scan3A_474 step %scan3A_475  : i32 {
      %mul3A_928 = arith.constant 1 : i32
      %mul3A_929 = arith.muli %scan3A_927, %mul3A_928 : i32
      %add3A_930 = arith.constant 0 : i32
      %add3A_931 = arith.addi %add3A_930, %mul3A_929 : i32
      %add3A_932 = arith.constant 600 : i32
      %add3A_933 = arith.addi %add3A_931, %add3A_932 : i32
      %get3A = arith.index_cast %add3A_933 : i32 to index
      %get3A_934 = tpu.vector_load %arg22[%get3A] {strides = array<i32>} : memref<1296xf32, #tpu.memory_space<vmem>>, vector<16xf32>,
      %get3A_935 = vector.shape_cast %get3A_934 : vector<16xf32> to vector<16xf32>
      %slice3A = vector.extract_strided_slice %get3A_935 {offsets = [0], sizes = [1], strides = [1]} : vector<16xf32> to vector<1xf32>
      %squeeze3A = vector.extract %slice3A[0] : f32 from vector<1xf32>
      %get3A_936 = arith.index_cast %add3A_931 : i32 to index
      %get3A_937 = arith.constant 0 : index
      %get3A_938 = tpu.vector_load %arg12[%get3A_936, %get3A_937] {strides = array<i32>} : memref<200x64xf32, #tpu.memory_space<vmem>>, vector<1x16xf32>,
      %get3A_939 = vector.shape_cast %get3A_938 : vector<1x16xf32> to vector<16xf32>
      %mul3A_940 = vector.broadcast %squeeze3A : f32 to vector<16xf32>
      %mul3A_941 = arith.mulf %get3A_939, %mul3A_940 : vector<16xf32>
      %swap3A_942 = arith.index_cast %add3A_931 : i32 to index
      %swap3A_943 = arith.constant 0 : index
      %swap3A_944 = tpu.vector_load %arg12[%swap3A_942, %swap3A_943] {strides = array<i32>} : memref<200x64xf32, #tpu.memory_space<vmem>>, vector<1x16xf32>,
      %swap3A_945 = vector.shape_cast %swap3A_944 : vector<1x16xf32> to vector<16xf32>
      %swap3A_946 = vector.shape_cast %mul3A_941 : vector<16xf32> to vector<1x16xf32>
      tpu.vector_store %arg12[%swap3A_942, %swap3A_943], %swap3A_946 {strides = array<i32>} : memref<200x64xf32, #tpu.memory_space<vmem>>, vector<1x16xf32>,
      %get3A_947 = arith.index_cast %add3A_931 : i32 to index
      %get3A_948 = arith.constant 16 : index
      %get3A_949 = tpu.vector_load %arg12[%get3A_947, %get3A_948] {strides = array<i32>} : memref<200x64xf32, #tpu.memory_space<vmem>>, vector<1x16xf32>,
      %get3A_950 = vector.shape_cast %get3A_949 : vector<1x16xf32> to vector<16xf32>
      %mul3A_951 = vector.broadcast %squeeze3A : f32 to vector<16xf32>
      %mul3A_952 = arith.mulf %get3A_950, %mul3A_951 : vector<16xf32>
      %swap3A_953 = arith.index_cast %add3A_931 : i32 to index
      %swap3A_954 = arith.constant 16 : index
      %swap3A_955 = tpu.vector_load %arg12[%swap3A_953, %swap3A_954] {strides = array<i32>} : memref<200x64xf32, #tpu.memory_space<vmem>>, vector<1x16xf32>,
      %swap3A_956 = vector.shape_cast %swap3A_955 : vector<1x16xf32> to vector<16xf32>
      %swap3A_957 = vector.shape_cast %mul3A_952 : vector<16xf32> to vector<1x16xf32>
      tpu.vector_store %arg12[%swap3A_953, %swap3A_954], %swap3A_957 {strides = array<i32>} : memref<200x64xf32, #tpu.memory_space<vmem>>, vector<1x16xf32>,
      %get3A_958 = arith.index_cast %add3A_931 : i32 to index
      %get3A_959 = arith.constant 32 : index
      %get3A_960 = tpu.vector_load %arg12[%get3A_958, %get3A_959] {strides = array<i32>} : memref<200x64xf32, #tpu.memory_space<vmem>>, vector<1x16xf32>,
      %get3A_961 = vector.shape_cast %get3A_960 : vector<1x16xf32> to vector<16xf32>
      %mul3A_962 = vector.broadcast %squeeze3A : f32 to vector<16xf32>
      %mul3A_963 = arith.mulf %get3A_961, %mul3A_962 : vector<16xf32>
      %swap3A_964 = arith.index_cast %add3A_931 : i32 to index
      %swap3A_965 = arith.constant 32 : index
      %swap3A_966 = tpu.vector_load %arg12[%swap3A_964, %swap3A_965] {strides = array<i32>} : memref<200x64xf32, #tpu.memory_space<vmem>>, vector<1x16xf32>,
      %swap3A_967 = vector.shape_cast %swap3A_966 : vector<1x16xf32> to vector<16xf32>
      %swap3A_968 = vector.shape_cast %mul3A_963 : vector<16xf32> to vector<1x16xf32>
      tpu.vector_store %arg12[%swap3A_964, %swap3A_965], %swap3A_968 {strides = array<i32>} : memref<200x64xf32, #tpu.memory_space<vmem>>, vector<1x16xf32>,
      %get3A_969 = arith.index_cast %add3A_931 : i32 to index
      %get3A_970 = arith.constant 48 : index
      %get3A_971 = tpu.vector_load %arg12[%get3A_969, %get3A_970] {strides = array<i32>} : memref<200x64xf32, #tpu.memory_space<vmem>>, vector<1x16xf32>,
      %get3A_972 = vector.shape_cast %get3A_971 : vector<1x16xf32> to vector<16xf32>
      %mul3A_973 = vector.broadcast %squeeze3A : f32 to vector<16xf32>
      %mul3A_974 = arith.mulf %get3A_972, %mul3A_973 : vector<16xf32>
      %swap3A_975 = arith.index_cast %add3A_931 : i32 to index
      %swap3A_976 = arith.constant 48 : index
      %swap3A_977 = tpu.vector_load %arg12[%swap3A_975, %swap3A_976] {strides = array<i32>} : memref<200x64xf32, #tpu.memory_space<vmem>>, vector<1x16xf32>,
      %swap3A_978 = vector.shape_cast %swap3A_977 : vector<1x16xf32> to vector<16xf32>
      %swap3A_979 = vector.shape_cast %mul3A_974 : vector<16xf32> to vector<1x16xf32>
      tpu.vector_store %arg12[%swap3A_975, %swap3A_976], %swap3A_979 {strides = array<i32>} : memref<200x64xf32, #tpu.memory_space<vmem>>, vector<1x16xf32>,
    }
    %scan3A_476 = arith.constant 200 : i32
    %add3A_477 = arith.constant 600 : i32
    %add3A_478 = arith.addi %mul3A_1, %add3A_477 : i32
    %eq3A_479 = arith.constant 0 : i32
    %eq3A_480 = arith.cmpi eq, %arg0, %eq3A_479 : i32
    %convert_element_type3A_481 = arith.extui %eq3A_480 : i1 to i32
    %cond3A_482 = arith.constant 0 : i32
    %cond3A_483 = arith.cmpi ne, %convert_element_type3A_481, %cond3A_482 : i32
    scf.if %cond3A_483 {
      %dma_start3A_927 = arith.constant 0 : i32
      %dma_start3A_928 = arith.constant 0 : i32
      %dma_start3A_929 = tpu.memref_slice %arg12[%dma_start3A_927, %dma_start3A_928] : memref<200x64xf32, #tpu.memory_space<vmem>> -> memref<200x64xf32, #tpu.memory_space<vmem>>
      %dma_start3A_930 = arith.constant 0 : i32
      %dma_start3A_931 = tpu.memref_slice %arg7[%add3A_478, %dma_start3A_930] : memref<20000x64xf32, #tpu.memory_space<hbm>> -> memref<200x64xf32, #tpu.memory_space<hbm>>
      %dma_start3A_932 = arith.constant 0 : i32
      %dma_start3A_933 = tpu.memref_slice %arg7[%add3A_478, %dma_start3A_932] : memref<20000x64xf32, #tpu.memory_space<hbm>> -> memref<200x64xf32, #tpu.memory_space<hbm>>
      %dma_start3A_934 = arith.constant 0 : i32
      %dma_start3A_935 = arith.constant 0 : i32
      %dma_start3A_936 = tpu.memref_slice %arg12[%dma_start3A_934, %dma_start3A_935] : memref<200x64xf32, #tpu.memory_space<vmem>> -> memref<200x64xf32, #tpu.memory_space<vmem>>
      tpu.enqueue_dma source(%dma_start3A_936 : memref<200x64xf32, #tpu.memory_space<vmem>>) target(%dma_start3A_933 : memref<200x64xf32, #tpu.memory_space<hbm>>) target_semaphore(%arg29 : memref<!tpu.dma_semaphore, #tpu.memory_space<semaphore_mem>>)
    } else {
    }
    %eq3A_484 = arith.constant 1 : i32
    %eq3A_485 = arith.cmpi eq, %arg0, %eq3A_484 : i32
    %convert_element_type3A_486 = arith.extui %eq3A_485 : i1 to i32
    %cond3A_487 = arith.constant 0 : i32
    %cond3A_488 = arith.cmpi ne, %convert_element_type3A_486, %cond3A_487 : i32
    scf.if %cond3A_488 {
      %dma_start3A_927 = arith.constant 0 : i32
      %dma_start3A_928 = arith.constant 0 : i32
      %dma_start3A_929 = tpu.memref_slice %arg12[%dma_start3A_927, %dma_start3A_928] : memref<200x64xf32, #tpu.memory_space<vmem>> -> memref<200x64xf32, #tpu.memory_space<vmem>>
      %dma_start3A_930 = arith.constant 0 : i32
      %dma_start3A_931 = tpu.memref_slice %arg8[%add3A_478, %dma_start3A_930] : memref<20000x64xf32, #tpu.memory_space<hbm>> -> memref<200x64xf32, #tpu.memory_space<hbm>>
      %dma_start3A_932 = arith.constant 0 : i32
      %dma_start3A_933 = tpu.memref_slice %arg8[%add3A_478, %dma_start3A_932] : memref<20000x64xf32, #tpu.memory_space<hbm>> -> memref<200x64xf32, #tpu.memory_space<hbm>>
      %dma_start3A_934 = arith.constant 0 : i32
      %dma_start3A_935 = arith.constant 0 : i32
      %dma_start3A_936 = tpu.memref_slice %arg12[%dma_start3A_934, %dma_start3A_935] : memref<200x64xf32, #tpu.memory_space<vmem>> -> memref<200x64xf32, #tpu.memory_space<vmem>>
      tpu.enqueue_dma source(%dma_start3A_936 : memref<200x64xf32, #tpu.memory_space<vmem>>) target(%dma_start3A_933 : memref<200x64xf32, #tpu.memory_space<hbm>>) target_semaphore(%arg29 : memref<!tpu.dma_semaphore, #tpu.memory_space<semaphore_mem>>)
    } else {
    }
    %add3A_489 = arith.constant 800 : i32
    %add3A_490 = arith.addi %mul3A_1, %add3A_489 : i32
    %dma_wait3A_491 = arith.constant 0 : i32
    %dma_wait3A_492 = arith.constant 0 : i32
    %dma_wait3A_493 = tpu.memref_slice %arg11[%dma_wait3A_491, %dma_wait3A_492] : memref<200x64xf32, #tpu.memory_space<vmem>> -> memref<200x64xf32, #tpu.memory_space<vmem>>
    %dma_wait3A_494 = arith.constant 0 : i32
    %dma_wait3A_495 = tpu.memref_slice %arg9[%add3A_490, %dma_wait3A_494] : memref<20000x64xf32, #tpu.memory_space<vmem_shared>> -> memref<200x64xf32, #tpu.memory_space<vmem_shared>>
    %dma_wait3A_496 = arith.constant 0 : i32
    %dma_wait3A_497 = arith.constant 0 : i32
    %dma_wait3A_498 = tpu.memref_slice %arg11[%dma_wait3A_496, %dma_wait3A_497] : memref<200x64xf32, #tpu.memory_space<vmem>> -> memref<200x64xf32, #tpu.memory_space<vmem>>
    %dma_wait3A_499 = arith.constant 0 : i32
    %dma_wait3A_500 = tpu.memref_slice %arg9[%add3A_490, %dma_wait3A_499] : memref<20000x64xf32, #tpu.memory_space<vmem_shared>> -> memref<200x64xf32, #tpu.memory_space<vmem_shared>>
    tpu.wait_dma2 semaphore(%arg26 : memref<!tpu.dma_semaphore, #tpu.memory_space<semaphore_mem>>) src(%dma_wait3A_500 : memref<200x64xf32, #tpu.memory_space<vmem_shared>>) dst(%dma_wait3A_498 : memref<200x64xf32, #tpu.memory_space<vmem>>)
    %add3A_501 = arith.constant 800 : i32
    %add3A_502 = arith.addi %mul3A_1, %add3A_501 : i32
    %dma_start3A_503 = arith.constant 0 : i32
    %dma_start3A_504 = arith.constant 0 : i32
    %dma_start3A_505 = tpu.memref_slice %arg23[%dma_start3A_503, %dma_start3A_504] : memref<200x64xf32, #tpu.memory_space<vmem>> -> memref<200x64xf32, #tpu.memory_space<vmem>>
    %dma_start3A_506 = arith.constant 0 : i32
    %dma_start3A_507 = tpu.memref_slice %arg9[%add3A_502, %dma_start3A_506] : memref<20000x64xf32, #tpu.memory_space<vmem_shared>> -> memref<200x64xf32, #tpu.memory_space<vmem_shared>>
    %dma_start3A_508 = arith.constant 0 : i32
    %dma_start3A_509 = tpu.memref_slice %arg9[%add3A_502, %dma_start3A_508] : memref<20000x64xf32, #tpu.memory_space<vmem_shared>> -> memref<200x64xf32, #tpu.memory_space<vmem_shared>>
    %dma_start3A_510 = arith.constant 0 : i32
    %dma_start3A_511 = arith.constant 0 : i32
    %dma_start3A_512 = tpu.memref_slice %arg23[%dma_start3A_510, %dma_start3A_511] : memref<200x64xf32, #tpu.memory_space<vmem>> -> memref<200x64xf32, #tpu.memory_space<vmem>>
    tpu.enqueue_dma source(%dma_start3A_512 : memref<200x64xf32, #tpu.memory_space<vmem>>) target(%dma_start3A_509 : memref<200x64xf32, #tpu.memory_space<vmem_shared>>) target_semaphore(%arg25 : memref<!tpu.dma_semaphore, #tpu.memory_space<semaphore_mem>>)
    %add3A_513 = arith.constant 600 : i32
    %add3A_514 = arith.addi %mul3A_1, %add3A_513 : i32
    %dma_wait3A_515 = arith.constant 0 : i32
    %dma_wait3A_516 = arith.constant 0 : i32
    %dma_wait3A_517 = tpu.memref_slice %arg12[%dma_wait3A_515, %dma_wait3A_516] : memref<200x64xf32, #tpu.memory_space<vmem>> -> memref<200x64xf32, #tpu.memory_space<vmem>>
    %dma_wait3A_518 = arith.constant 0 : i32
    %dma_wait3A_519 = tpu.memref_slice %arg7[%add3A_514, %dma_wait3A_518] : memref<20000x64xf32, #tpu.memory_space<hbm>> -> memref<200x64xf32, #tpu.memory_space<hbm>>
    %dma_wait3A_520 = arith.constant 0 : i32
    %dma_wait3A_521 = tpu.memref_slice %arg7[%add3A_514, %dma_wait3A_520] : memref<20000x64xf32, #tpu.memory_space<hbm>> -> memref<200x64xf32, #tpu.memory_space<hbm>>
    %dma_wait3A_522 = arith.constant 0 : i32
    %dma_wait3A_523 = arith.constant 0 : i32
    %dma_wait3A_524 = tpu.memref_slice %arg12[%dma_wait3A_522, %dma_wait3A_523] : memref<200x64xf32, #tpu.memory_space<vmem>> -> memref<200x64xf32, #tpu.memory_space<vmem>>
    tpu.wait_dma2 semaphore(%arg29 : memref<!tpu.dma_semaphore, #tpu.memory_space<semaphore_mem>>) src(%dma_wait3A_524 : memref<200x64xf32, #tpu.memory_space<vmem>>) dst(%dma_wait3A_521 : memref<200x64xf32, #tpu.memory_space<hbm>>)
    %add3A_525 = arith.constant 1000 : i32
    %add3A_526 = arith.addi %mul3A_1, %add3A_525 : i32
    %dma_start3A_527 = arith.constant 0 : i32
    %dma_start3A_528 = arith.constant 0 : i32
    %dma_start3A_529 = tpu.memref_slice %arg12[%dma_start3A_527, %dma_start3A_528] : memref<200x64xf32, #tpu.memory_space<vmem>> -> memref<200x64xf32, #tpu.memory_space<vmem>>
    %dma_start3A_530 = arith.constant 0 : i32
    %dma_start3A_531 = tpu.memref_slice %arg9[%add3A_526, %dma_start3A_530] : memref<20000x64xf32, #tpu.memory_space<vmem_shared>> -> memref<200x64xf32, #tpu.memory_space<vmem_shared>>
    %dma_start3A_532 = arith.constant 0 : i32
    %dma_start3A_533 = arith.constant 0 : i32
    %dma_start3A_534 = tpu.memref_slice %arg12[%dma_start3A_532, %dma_start3A_533] : memref<200x64xf32, #tpu.memory_space<vmem>> -> memref<200x64xf32, #tpu.memory_space<vmem>>
    %dma_start3A_535 = arith.constant 0 : i32
    %dma_start3A_536 = tpu.memref_slice %arg9[%add3A_526, %dma_start3A_535] : memref<20000x64xf32, #tpu.memory_space<vmem_shared>> -> memref<200x64xf32, #tpu.memory_space<vmem_shared>>
    tpu.enqueue_dma source(%dma_start3A_536 : memref<200x64xf32, #tpu.memory_space<vmem_shared>>) target(%dma_start3A_534 : memref<200x64xf32, #tpu.memory_space<vmem>>) target_semaphore(%arg27 : memref<!tpu.dma_semaphore, #tpu.memory_space<semaphore_mem>>)
    %scan3A_537 = arith.constant 0 : i32
    %scan3A_538 = arith.constant 200 : i32
    %scan3A_539 = arith.addi %scan3A_537, %scan3A_538 : i32
    %scan3A_540 = arith.constant 1 : i32
    scf.for %scan3A_927 = %scan3A_537 to %scan3A_539 step %scan3A_540  : i32 {
      %mul3A_928 = arith.constant 1 : i32
      %mul3A_929 = arith.muli %scan3A_927, %mul3A_928 : i32
      %add3A_930 = arith.constant 0 : i32
      %add3A_931 = arith.addi %add3A_930, %mul3A_929 : i32
      %add3A_932 = arith.constant 800 : i32
      %add3A_933 = arith.addi %add3A_931, %add3A_932 : i32
      %get3A = arith.index_cast %add3A_933 : i32 to index
      %get3A_934 = tpu.vector_load %arg22[%get3A] {strides = array<i32>} : memref<1296xf32, #tpu.memory_space<vmem>>, vector<16xf32>,
      %get3A_935 = vector.shape_cast %get3A_934 : vector<16xf32> to vector<16xf32>
      %slice3A = vector.extract_strided_slice %get3A_935 {offsets = [0], sizes = [1], strides = [1]} : vector<16xf32> to vector<1xf32>
      %squeeze3A = vector.extract %slice3A[0] : f32 from vector<1xf32>
      %get3A_936 = arith.index_cast %add3A_931 : i32 to index
      %get3A_937 = arith.constant 0 : index
      %get3A_938 = tpu.vector_load %arg11[%get3A_936, %get3A_937] {strides = array<i32>} : memref<200x64xf32, #tpu.memory_space<vmem>>, vector<1x16xf32>,
      %get3A_939 = vector.shape_cast %get3A_938 : vector<1x16xf32> to vector<16xf32>
      %mul3A_940 = vector.broadcast %squeeze3A : f32 to vector<16xf32>
      %mul3A_941 = arith.mulf %get3A_939, %mul3A_940 : vector<16xf32>
      %swap3A_942 = arith.index_cast %add3A_931 : i32 to index
      %swap3A_943 = arith.constant 0 : index
      %swap3A_944 = tpu.vector_load %arg11[%swap3A_942, %swap3A_943] {strides = array<i32>} : memref<200x64xf32, #tpu.memory_space<vmem>>, vector<1x16xf32>,
      %swap3A_945 = vector.shape_cast %swap3A_944 : vector<1x16xf32> to vector<16xf32>
      %swap3A_946 = vector.shape_cast %mul3A_941 : vector<16xf32> to vector<1x16xf32>
      tpu.vector_store %arg11[%swap3A_942, %swap3A_943], %swap3A_946 {strides = array<i32>} : memref<200x64xf32, #tpu.memory_space<vmem>>, vector<1x16xf32>,
      %get3A_947 = arith.index_cast %add3A_931 : i32 to index
      %get3A_948 = arith.constant 16 : index
      %get3A_949 = tpu.vector_load %arg11[%get3A_947, %get3A_948] {strides = array<i32>} : memref<200x64xf32, #tpu.memory_space<vmem>>, vector<1x16xf32>,
      %get3A_950 = vector.shape_cast %get3A_949 : vector<1x16xf32> to vector<16xf32>
      %mul3A_951 = vector.broadcast %squeeze3A : f32 to vector<16xf32>
      %mul3A_952 = arith.mulf %get3A_950, %mul3A_951 : vector<16xf32>
      %swap3A_953 = arith.index_cast %add3A_931 : i32 to index
      %swap3A_954 = arith.constant 16 : index
      %swap3A_955 = tpu.vector_load %arg11[%swap3A_953, %swap3A_954] {strides = array<i32>} : memref<200x64xf32, #tpu.memory_space<vmem>>, vector<1x16xf32>,
      %swap3A_956 = vector.shape_cast %swap3A_955 : vector<1x16xf32> to vector<16xf32>
      %swap3A_957 = vector.shape_cast %mul3A_952 : vector<16xf32> to vector<1x16xf32>
      tpu.vector_store %arg11[%swap3A_953, %swap3A_954], %swap3A_957 {strides = array<i32>} : memref<200x64xf32, #tpu.memory_space<vmem>>, vector<1x16xf32>,
      %get3A_958 = arith.index_cast %add3A_931 : i32 to index
      %get3A_959 = arith.constant 32 : index
      %get3A_960 = tpu.vector_load %arg11[%get3A_958, %get3A_959] {strides = array<i32>} : memref<200x64xf32, #tpu.memory_space<vmem>>, vector<1x16xf32>,
      %get3A_961 = vector.shape_cast %get3A_960 : vector<1x16xf32> to vector<16xf32>
      %mul3A_962 = vector.broadcast %squeeze3A : f32 to vector<16xf32>
      %mul3A_963 = arith.mulf %get3A_961, %mul3A_962 : vector<16xf32>
      %swap3A_964 = arith.index_cast %add3A_931 : i32 to index
      %swap3A_965 = arith.constant 32 : index
      %swap3A_966 = tpu.vector_load %arg11[%swap3A_964, %swap3A_965] {strides = array<i32>} : memref<200x64xf32, #tpu.memory_space<vmem>>, vector<1x16xf32>,
      %swap3A_967 = vector.shape_cast %swap3A_966 : vector<1x16xf32> to vector<16xf32>
      %swap3A_968 = vector.shape_cast %mul3A_963 : vector<16xf32> to vector<1x16xf32>
      tpu.vector_store %arg11[%swap3A_964, %swap3A_965], %swap3A_968 {strides = array<i32>} : memref<200x64xf32, #tpu.memory_space<vmem>>, vector<1x16xf32>,
      %get3A_969 = arith.index_cast %add3A_931 : i32 to index
      %get3A_970 = arith.constant 48 : index
      %get3A_971 = tpu.vector_load %arg11[%get3A_969, %get3A_970] {strides = array<i32>} : memref<200x64xf32, #tpu.memory_space<vmem>>, vector<1x16xf32>,
      %get3A_972 = vector.shape_cast %get3A_971 : vector<1x16xf32> to vector<16xf32>
      %mul3A_973 = vector.broadcast %squeeze3A : f32 to vector<16xf32>
      %mul3A_974 = arith.mulf %get3A_972, %mul3A_973 : vector<16xf32>
      %swap3A_975 = arith.index_cast %add3A_931 : i32 to index
      %swap3A_976 = arith.constant 48 : index
      %swap3A_977 = tpu.vector_load %arg11[%swap3A_975, %swap3A_976] {strides = array<i32>} : memref<200x64xf32, #tpu.memory_space<vmem>>, vector<1x16xf32>,
      %swap3A_978 = vector.shape_cast %swap3A_977 : vector<1x16xf32> to vector<16xf32>
      %swap3A_979 = vector.shape_cast %mul3A_974 : vector<16xf32> to vector<1x16xf32>
      tpu.vector_store %arg11[%swap3A_975, %swap3A_976], %swap3A_979 {strides = array<i32>} : memref<200x64xf32, #tpu.memory_space<vmem>>, vector<1x16xf32>,
    }
    %scan3A_541 = arith.constant 200 : i32
    %add3A_542 = arith.constant 800 : i32
    %add3A_543 = arith.addi %mul3A_1, %add3A_542 : i32
    %eq3A_544 = arith.constant 0 : i32
    %eq3A_545 = arith.cmpi eq, %arg0, %eq3A_544 : i32
    %convert_element_type3A_546 = arith.extui %eq3A_545 : i1 to i32
    %cond3A_547 = arith.constant 0 : i32
    %cond3A_548 = arith.cmpi ne, %convert_element_type3A_546, %cond3A_547 : i32
    scf.if %cond3A_548 {
      %dma_start3A_927 = arith.constant 0 : i32
      %dma_start3A_928 = arith.constant 0 : i32
      %dma_start3A_929 = tpu.memref_slice %arg11[%dma_start3A_927, %dma_start3A_928] : memref<200x64xf32, #tpu.memory_space<vmem>> -> memref<200x64xf32, #tpu.memory_space<vmem>>
      %dma_start3A_930 = arith.constant 0 : i32
      %dma_start3A_931 = tpu.memref_slice %arg7[%add3A_543, %dma_start3A_930] : memref<20000x64xf32, #tpu.memory_space<hbm>> -> memref<200x64xf32, #tpu.memory_space<hbm>>
      %dma_start3A_932 = arith.constant 0 : i32
      %dma_start3A_933 = tpu.memref_slice %arg7[%add3A_543, %dma_start3A_932] : memref<20000x64xf32, #tpu.memory_space<hbm>> -> memref<200x64xf32, #tpu.memory_space<hbm>>
      %dma_start3A_934 = arith.constant 0 : i32
      %dma_start3A_935 = arith.constant 0 : i32
      %dma_start3A_936 = tpu.memref_slice %arg11[%dma_start3A_934, %dma_start3A_935] : memref<200x64xf32, #tpu.memory_space<vmem>> -> memref<200x64xf32, #tpu.memory_space<vmem>>
      tpu.enqueue_dma source(%dma_start3A_936 : memref<200x64xf32, #tpu.memory_space<vmem>>) target(%dma_start3A_933 : memref<200x64xf32, #tpu.memory_space<hbm>>) target_semaphore(%arg28 : memref<!tpu.dma_semaphore, #tpu.memory_space<semaphore_mem>>)
    } else {
    }
    %eq3A_549 = arith.constant 1 : i32
    %eq3A_550 = arith.cmpi eq, %arg0, %eq3A_549 : i32
    %convert_element_type3A_551 = arith.extui %eq3A_550 : i1 to i32
    %cond3A_552 = arith.constant 0 : i32
    %cond3A_553 = arith.cmpi ne, %convert_element_type3A_551, %cond3A_552 : i32
    scf.if %cond3A_553 {
      %dma_start3A_927 = arith.constant 0 : i32
      %dma_start3A_928 = arith.constant 0 : i32
      %dma_start3A_929 = tpu.memref_slice %arg11[%dma_start3A_927, %dma_start3A_928] : memref<200x64xf32, #tpu.memory_space<vmem>> -> memref<200x64xf32, #tpu.memory_space<vmem>>
      %dma_start3A_930 = arith.constant 0 : i32
      %dma_start3A_931 = tpu.memref_slice %arg8[%add3A_543, %dma_start3A_930] : memref<20000x64xf32, #tpu.memory_space<hbm>> -> memref<200x64xf32, #tpu.memory_space<hbm>>
      %dma_start3A_932 = arith.constant 0 : i32
      %dma_start3A_933 = tpu.memref_slice %arg8[%add3A_543, %dma_start3A_932] : memref<20000x64xf32, #tpu.memory_space<hbm>> -> memref<200x64xf32, #tpu.memory_space<hbm>>
      %dma_start3A_934 = arith.constant 0 : i32
      %dma_start3A_935 = arith.constant 0 : i32
      %dma_start3A_936 = tpu.memref_slice %arg11[%dma_start3A_934, %dma_start3A_935] : memref<200x64xf32, #tpu.memory_space<vmem>> -> memref<200x64xf32, #tpu.memory_space<vmem>>
      tpu.enqueue_dma source(%dma_start3A_936 : memref<200x64xf32, #tpu.memory_space<vmem>>) target(%dma_start3A_933 : memref<200x64xf32, #tpu.memory_space<hbm>>) target_semaphore(%arg28 : memref<!tpu.dma_semaphore, #tpu.memory_space<semaphore_mem>>)
    } else {
    }
    %add3A_554 = arith.constant 1000 : i32
    %add3A_555 = arith.addi %mul3A_1, %add3A_554 : i32
    %dma_wait3A_556 = arith.constant 0 : i32
    %dma_wait3A_557 = arith.constant 0 : i32
    %dma_wait3A_558 = tpu.memref_slice %arg12[%dma_wait3A_556, %dma_wait3A_557] : memref<200x64xf32, #tpu.memory_space<vmem>> -> memref<200x64xf32, #tpu.memory_space<vmem>>
    %dma_wait3A_559 = arith.constant 0 : i32
    %dma_wait3A_560 = tpu.memref_slice %arg9[%add3A_555, %dma_wait3A_559] : memref<20000x64xf32, #tpu.memory_space<vmem_shared>> -> memref<200x64xf32, #tpu.memory_space<vmem_shared>>
    %dma_wait3A_561 = arith.constant 0 : i32
    %dma_wait3A_562 = arith.constant 0 : i32
    %dma_wait3A_563 = tpu.memref_slice %arg12[%dma_wait3A_561, %dma_wait3A_562] : memref<200x64xf32, #tpu.memory_space<vmem>> -> memref<200x64xf32, #tpu.memory_space<vmem>>
    %dma_wait3A_564 = arith.constant 0 : i32
    %dma_wait3A_565 = tpu.memref_slice %arg9[%add3A_555, %dma_wait3A_564] : memref<20000x64xf32, #tpu.memory_space<vmem_shared>> -> memref<200x64xf32, #tpu.memory_space<vmem_shared>>
    tpu.wait_dma2 semaphore(%arg27 : memref<!tpu.dma_semaphore, #tpu.memory_space<semaphore_mem>>) src(%dma_wait3A_565 : memref<200x64xf32, #tpu.memory_space<vmem_shared>>) dst(%dma_wait3A_563 : memref<200x64xf32, #tpu.memory_space<vmem>>)
    %add3A_566 = arith.constant 1000 : i32
    %add3A_567 = arith.addi %mul3A_1, %add3A_566 : i32
    %dma_start3A_568 = arith.constant 0 : i32
    %dma_start3A_569 = arith.constant 0 : i32
    %dma_start3A_570 = tpu.memref_slice %arg23[%dma_start3A_568, %dma_start3A_569] : memref<200x64xf32, #tpu.memory_space<vmem>> -> memref<200x64xf32, #tpu.memory_space<vmem>>
    %dma_start3A_571 = arith.constant 0 : i32
    %dma_start3A_572 = tpu.memref_slice %arg9[%add3A_567, %dma_start3A_571] : memref<20000x64xf32, #tpu.memory_space<vmem_shared>> -> memref<200x64xf32, #tpu.memory_space<vmem_shared>>
    %dma_start3A_573 = arith.constant 0 : i32
    %dma_start3A_574 = tpu.memref_slice %arg9[%add3A_567, %dma_start3A_573] : memref<20000x64xf32, #tpu.memory_space<vmem_shared>> -> memref<200x64xf32, #tpu.memory_space<vmem_shared>>
    %dma_start3A_575 = arith.constant 0 : i32
    %dma_start3A_576 = arith.constant 0 : i32
    %dma_start3A_577 = tpu.memref_slice %arg23[%dma_start3A_575, %dma_start3A_576] : memref<200x64xf32, #tpu.memory_space<vmem>> -> memref<200x64xf32, #tpu.memory_space<vmem>>
    tpu.enqueue_dma source(%dma_start3A_577 : memref<200x64xf32, #tpu.memory_space<vmem>>) target(%dma_start3A_574 : memref<200x64xf32, #tpu.memory_space<vmem_shared>>) target_semaphore(%arg25 : memref<!tpu.dma_semaphore, #tpu.memory_space<semaphore_mem>>)
    %add3A_578 = arith.constant 800 : i32
    %add3A_579 = arith.addi %mul3A_1, %add3A_578 : i32
    %dma_wait3A_580 = arith.constant 0 : i32
    %dma_wait3A_581 = arith.constant 0 : i32
    %dma_wait3A_582 = tpu.memref_slice %arg11[%dma_wait3A_580, %dma_wait3A_581] : memref<200x64xf32, #tpu.memory_space<vmem>> -> memref<200x64xf32, #tpu.memory_space<vmem>>
    %dma_wait3A_583 = arith.constant 0 : i32
    %dma_wait3A_584 = tpu.memref_slice %arg7[%add3A_579, %dma_wait3A_583] : memref<20000x64xf32, #tpu.memory_space<hbm>> -> memref<200x64xf32, #tpu.memory_space<hbm>>
    %dma_wait3A_585 = arith.constant 0 : i32
    %dma_wait3A_586 = tpu.memref_slice %arg7[%add3A_579, %dma_wait3A_585] : memref<20000x64xf32, #tpu.memory_space<hbm>> -> memref<200x64xf32, #tpu.memory_space<hbm>>
    %dma_wait3A_587 = arith.constant 0 : i32
    %dma_wait3A_588 = arith.constant 0 : i32
    %dma_wait3A_589 = tpu.memref_slice %arg11[%dma_wait3A_587, %dma_wait3A_588] : memref<200x64xf32, #tpu.memory_space<vmem>> -> memref<200x64xf32, #tpu.memory_space<vmem>>
    tpu.wait_dma2 semaphore(%arg28 : memref<!tpu.dma_semaphore, #tpu.memory_space<semaphore_mem>>) src(%dma_wait3A_589 : memref<200x64xf32, #tpu.memory_space<vmem>>) dst(%dma_wait3A_586 : memref<200x64xf32, #tpu.memory_space<hbm>>)
    %add3A_590 = arith.constant 1200 : i32
    %add3A_591 = arith.addi %mul3A_1, %add3A_590 : i32
    %dma_start3A_592 = arith.constant 0 : i32
    %dma_start3A_593 = arith.constant 0 : i32
    %dma_start3A_594 = tpu.memref_slice %arg11[%dma_start3A_592, %dma_start3A_593] : memref<200x64xf32, #tpu.memory_space<vmem>> -> memref<48x64xf32, #tpu.memory_space<vmem>>
    %dma_start3A_595 = arith.constant 0 : i32
    %dma_start3A_596 = tpu.memref_slice %arg9[%add3A_591, %dma_start3A_595] : memref<20000x64xf32, #tpu.memory_space<vmem_shared>> -> memref<48x64xf32, #tpu.memory_space<vmem_shared>>
    %dma_start3A_597 = arith.constant 0 : i32
    %dma_start3A_598 = arith.constant 0 : i32
    %dma_start3A_599 = tpu.memref_slice %arg11[%dma_start3A_597, %dma_start3A_598] : memref<200x64xf32, #tpu.memory_space<vmem>> -> memref<48x64xf32, #tpu.memory_space<vmem>>
    %dma_start3A_600 = arith.constant 0 : i32
    %dma_start3A_601 = tpu.memref_slice %arg9[%add3A_591, %dma_start3A_600] : memref<20000x64xf32, #tpu.memory_space<vmem_shared>> -> memref<48x64xf32, #tpu.memory_space<vmem_shared>>
    tpu.enqueue_dma source(%dma_start3A_601 : memref<48x64xf32, #tpu.memory_space<vmem_shared>>) target(%dma_start3A_599 : memref<48x64xf32, #tpu.memory_space<vmem>>) target_semaphore(%arg26 : memref<!tpu.dma_semaphore, #tpu.memory_space<semaphore_mem>>)
    %scan3A_602 = arith.constant 0 : i32
    %scan3A_603 = arith.constant 200 : i32
    %scan3A_604 = arith.addi %scan3A_602, %scan3A_603 : i32
    %scan3A_605 = arith.constant 1 : i32
    scf.for %scan3A_927 = %scan3A_602 to %scan3A_604 step %scan3A_605  : i32 {
      %mul3A_928 = arith.constant 1 : i32
      %mul3A_929 = arith.muli %scan3A_927, %mul3A_928 : i32
      %add3A_930 = arith.constant 0 : i32
      %add3A_931 = arith.addi %add3A_930, %mul3A_929 : i32
      %add3A_932 = arith.constant 1000 : i32
      %add3A_933 = arith.addi %add3A_931, %add3A_932 : i32
      %get3A = arith.index_cast %add3A_933 : i32 to index
      %get3A_934 = tpu.vector_load %arg22[%get3A] {strides = array<i32>} : memref<1296xf32, #tpu.memory_space<vmem>>, vector<16xf32>,
      %get3A_935 = vector.shape_cast %get3A_934 : vector<16xf32> to vector<16xf32>
      %slice3A = vector.extract_strided_slice %get3A_935 {offsets = [0], sizes = [1], strides = [1]} : vector<16xf32> to vector<1xf32>
      %squeeze3A = vector.extract %slice3A[0] : f32 from vector<1xf32>
      %get3A_936 = arith.index_cast %add3A_931 : i32 to index
      %get3A_937 = arith.constant 0 : index
      %get3A_938 = tpu.vector_load %arg12[%get3A_936, %get3A_937] {strides = array<i32>} : memref<200x64xf32, #tpu.memory_space<vmem>>, vector<1x16xf32>,
      %get3A_939 = vector.shape_cast %get3A_938 : vector<1x16xf32> to vector<16xf32>
      %mul3A_940 = vector.broadcast %squeeze3A : f32 to vector<16xf32>
      %mul3A_941 = arith.mulf %get3A_939, %mul3A_940 : vector<16xf32>
      %swap3A_942 = arith.index_cast %add3A_931 : i32 to index
      %swap3A_943 = arith.constant 0 : index
      %swap3A_944 = tpu.vector_load %arg12[%swap3A_942, %swap3A_943] {strides = array<i32>} : memref<200x64xf32, #tpu.memory_space<vmem>>, vector<1x16xf32>,
      %swap3A_945 = vector.shape_cast %swap3A_944 : vector<1x16xf32> to vector<16xf32>
      %swap3A_946 = vector.shape_cast %mul3A_941 : vector<16xf32> to vector<1x16xf32>
      tpu.vector_store %arg12[%swap3A_942, %swap3A_943], %swap3A_946 {strides = array<i32>} : memref<200x64xf32, #tpu.memory_space<vmem>>, vector<1x16xf32>,
      %get3A_947 = arith.index_cast %add3A_931 : i32 to index
      %get3A_948 = arith.constant 16 : index
      %get3A_949 = tpu.vector_load %arg12[%get3A_947, %get3A_948] {strides = array<i32>} : memref<200x64xf32, #tpu.memory_space<vmem>>, vector<1x16xf32>,
      %get3A_950 = vector.shape_cast %get3A_949 : vector<1x16xf32> to vector<16xf32>
      %mul3A_951 = vector.broadcast %squeeze3A : f32 to vector<16xf32>
      %mul3A_952 = arith.mulf %get3A_950, %mul3A_951 : vector<16xf32>
      %swap3A_953 = arith.index_cast %add3A_931 : i32 to index
      %swap3A_954 = arith.constant 16 : index
      %swap3A_955 = tpu.vector_load %arg12[%swap3A_953, %swap3A_954] {strides = array<i32>} : memref<200x64xf32, #tpu.memory_space<vmem>>, vector<1x16xf32>,
      %swap3A_956 = vector.shape_cast %swap3A_955 : vector<1x16xf32> to vector<16xf32>
      %swap3A_957 = vector.shape_cast %mul3A_952 : vector<16xf32> to vector<1x16xf32>
      tpu.vector_store %arg12[%swap3A_953, %swap3A_954], %swap3A_957 {strides = array<i32>} : memref<200x64xf32, #tpu.memory_space<vmem>>, vector<1x16xf32>,
      %get3A_958 = arith.index_cast %add3A_931 : i32 to index
      %get3A_959 = arith.constant 32 : index
      %get3A_960 = tpu.vector_load %arg12[%get3A_958, %get3A_959] {strides = array<i32>} : memref<200x64xf32, #tpu.memory_space<vmem>>, vector<1x16xf32>,
      %get3A_961 = vector.shape_cast %get3A_960 : vector<1x16xf32> to vector<16xf32>
      %mul3A_962 = vector.broadcast %squeeze3A : f32 to vector<16xf32>
      %mul3A_963 = arith.mulf %get3A_961, %mul3A_962 : vector<16xf32>
      %swap3A_964 = arith.index_cast %add3A_931 : i32 to index
      %swap3A_965 = arith.constant 32 : index
      %swap3A_966 = tpu.vector_load %arg12[%swap3A_964, %swap3A_965] {strides = array<i32>} : memref<200x64xf32, #tpu.memory_space<vmem>>, vector<1x16xf32>,
      %swap3A_967 = vector.shape_cast %swap3A_966 : vector<1x16xf32> to vector<16xf32>
      %swap3A_968 = vector.shape_cast %mul3A_963 : vector<16xf32> to vector<1x16xf32>
      tpu.vector_store %arg12[%swap3A_964, %swap3A_965], %swap3A_968 {strides = array<i32>} : memref<200x64xf32, #tpu.memory_space<vmem>>, vector<1x16xf32>,
      %get3A_969 = arith.index_cast %add3A_931 : i32 to index
      %get3A_970 = arith.constant 48 : index
      %get3A_971 = tpu.vector_load %arg12[%get3A_969, %get3A_970] {strides = array<i32>} : memref<200x64xf32, #tpu.memory_space<vmem>>, vector<1x16xf32>,
      %get3A_972 = vector.shape_cast %get3A_971 : vector<1x16xf32> to vector<16xf32>
      %mul3A_973 = vector.broadcast %squeeze3A : f32 to vector<16xf32>
      %mul3A_974 = arith.mulf %get3A_972, %mul3A_973 : vector<16xf32>
      %swap3A_975 = arith.index_cast %add3A_931 : i32 to index
      %swap3A_976 = arith.constant 48 : index
      %swap3A_977 = tpu.vector_load %arg12[%swap3A_975, %swap3A_976] {strides = array<i32>} : memref<200x64xf32, #tpu.memory_space<vmem>>, vector<1x16xf32>,
      %swap3A_978 = vector.shape_cast %swap3A_977 : vector<1x16xf32> to vector<16xf32>
      %swap3A_979 = vector.shape_cast %mul3A_974 : vector<16xf32> to vector<1x16xf32>
      tpu.vector_store %arg12[%swap3A_975, %swap3A_976], %swap3A_979 {strides = array<i32>} : memref<200x64xf32, #tpu.memory_space<vmem>>, vector<1x16xf32>,
    }
    %scan3A_606 = arith.constant 200 : i32
    %add3A_607 = arith.constant 1000 : i32
    %add3A_608 = arith.addi %mul3A_1, %add3A_607 : i32
    %eq3A_609 = arith.constant 0 : i32
    %eq3A_610 = arith.cmpi eq, %arg0, %eq3A_609 : i32
    %convert_element_type3A_611 = arith.extui %eq3A_610 : i1 to i32
    %cond3A_612 = arith.constant 0 : i32
    %cond3A_613 = arith.cmpi ne, %convert_element_type3A_611, %cond3A_612 : i32
    scf.if %cond3A_613 {
      %dma_start3A_927 = arith.constant 0 : i32
      %dma_start3A_928 = arith.constant 0 : i32
      %dma_start3A_929 = tpu.memref_slice %arg12[%dma_start3A_927, %dma_start3A_928] : memref<200x64xf32, #tpu.memory_space<vmem>> -> memref<200x64xf32, #tpu.memory_space<vmem>>
      %dma_start3A_930 = arith.constant 0 : i32
      %dma_start3A_931 = tpu.memref_slice %arg7[%add3A_608, %dma_start3A_930] : memref<20000x64xf32, #tpu.memory_space<hbm>> -> memref<200x64xf32, #tpu.memory_space<hbm>>
      %dma_start3A_932 = arith.constant 0 : i32
      %dma_start3A_933 = tpu.memref_slice %arg7[%add3A_608, %dma_start3A_932] : memref<20000x64xf32, #tpu.memory_space<hbm>> -> memref<200x64xf32, #tpu.memory_space<hbm>>
      %dma_start3A_934 = arith.constant 0 : i32
      %dma_start3A_935 = arith.constant 0 : i32
      %dma_start3A_936 = tpu.memref_slice %arg12[%dma_start3A_934, %dma_start3A_935] : memref<200x64xf32, #tpu.memory_space<vmem>> -> memref<200x64xf32, #tpu.memory_space<vmem>>
      tpu.enqueue_dma source(%dma_start3A_936 : memref<200x64xf32, #tpu.memory_space<vmem>>) target(%dma_start3A_933 : memref<200x64xf32, #tpu.memory_space<hbm>>) target_semaphore(%arg29 : memref<!tpu.dma_semaphore, #tpu.memory_space<semaphore_mem>>)
    } else {
    }
    %eq3A_614 = arith.constant 1 : i32
    %eq3A_615 = arith.cmpi eq, %arg0, %eq3A_614 : i32
    %convert_element_type3A_616 = arith.extui %eq3A_615 : i1 to i32
    %cond3A_617 = arith.constant 0 : i32
    %cond3A_618 = arith.cmpi ne, %convert_element_type3A_616, %cond3A_617 : i32
    scf.if %cond3A_618 {
      %dma_start3A_927 = arith.constant 0 : i32
      %dma_start3A_928 = arith.constant 0 : i32
      %dma_start3A_929 = tpu.memref_slice %arg12[%dma_start3A_927, %dma_start3A_928] : memref<200x64xf32, #tpu.memory_space<vmem>> -> memref<200x64xf32, #tpu.memory_space<vmem>>
      %dma_start3A_930 = arith.constant 0 : i32
      %dma_start3A_931 = tpu.memref_slice %arg8[%add3A_608, %dma_start3A_930] : memref<20000x64xf32, #tpu.memory_space<hbm>> -> memref<200x64xf32, #tpu.memory_space<hbm>>
      %dma_start3A_932 = arith.constant 0 : i32
      %dma_start3A_933 = tpu.memref_slice %arg8[%add3A_608, %dma_start3A_932] : memref<20000x64xf32, #tpu.memory_space<hbm>> -> memref<200x64xf32, #tpu.memory_space<hbm>>
      %dma_start3A_934 = arith.constant 0 : i32
      %dma_start3A_935 = arith.constant 0 : i32
      %dma_start3A_936 = tpu.memref_slice %arg12[%dma_start3A_934, %dma_start3A_935] : memref<200x64xf32, #tpu.memory_space<vmem>> -> memref<200x64xf32, #tpu.memory_space<vmem>>
      tpu.enqueue_dma source(%dma_start3A_936 : memref<200x64xf32, #tpu.memory_space<vmem>>) target(%dma_start3A_933 : memref<200x64xf32, #tpu.memory_space<hbm>>) target_semaphore(%arg29 : memref<!tpu.dma_semaphore, #tpu.memory_space<semaphore_mem>>)
    } else {
    }
    %add3A_619 = arith.constant 1200 : i32
    %add3A_620 = arith.addi %mul3A_1, %add3A_619 : i32
    %dma_wait3A_621 = arith.constant 0 : i32
    %dma_wait3A_622 = arith.constant 0 : i32
    %dma_wait3A_623 = tpu.memref_slice %arg11[%dma_wait3A_621, %dma_wait3A_622] : memref<200x64xf32, #tpu.memory_space<vmem>> -> memref<48x64xf32, #tpu.memory_space<vmem>>
    %dma_wait3A_624 = arith.constant 0 : i32
    %dma_wait3A_625 = tpu.memref_slice %arg9[%add3A_620, %dma_wait3A_624] : memref<20000x64xf32, #tpu.memory_space<vmem_shared>> -> memref<48x64xf32, #tpu.memory_space<vmem_shared>>
    %dma_wait3A_626 = arith.constant 0 : i32
    %dma_wait3A_627 = arith.constant 0 : i32
    %dma_wait3A_628 = tpu.memref_slice %arg11[%dma_wait3A_626, %dma_wait3A_627] : memref<200x64xf32, #tpu.memory_space<vmem>> -> memref<48x64xf32, #tpu.memory_space<vmem>>
    %dma_wait3A_629 = arith.constant 0 : i32
    %dma_wait3A_630 = tpu.memref_slice %arg9[%add3A_620, %dma_wait3A_629] : memref<20000x64xf32, #tpu.memory_space<vmem_shared>> -> memref<48x64xf32, #tpu.memory_space<vmem_shared>>
    tpu.wait_dma2 semaphore(%arg26 : memref<!tpu.dma_semaphore, #tpu.memory_space<semaphore_mem>>) src(%dma_wait3A_630 : memref<48x64xf32, #tpu.memory_space<vmem_shared>>) dst(%dma_wait3A_628 : memref<48x64xf32, #tpu.memory_space<vmem>>)
    %add3A_631 = arith.constant 1200 : i32
    %add3A_632 = arith.addi %mul3A_1, %add3A_631 : i32
    %dma_start3A_633 = arith.constant 0 : i32
    %dma_start3A_634 = arith.constant 0 : i32
    %dma_start3A_635 = tpu.memref_slice %arg23[%dma_start3A_633, %dma_start3A_634] : memref<200x64xf32, #tpu.memory_space<vmem>> -> memref<48x64xf32, #tpu.memory_space<vmem>>
    %dma_start3A_636 = arith.constant 0 : i32
    %dma_start3A_637 = tpu.memref_slice %arg9[%add3A_632, %dma_start3A_636] : memref<20000x64xf32, #tpu.memory_space<vmem_shared>> -> memref<48x64xf32, #tpu.memory_space<vmem_shared>>
    %dma_start3A_638 = arith.constant 0 : i32
    %dma_start3A_639 = tpu.memref_slice %arg9[%add3A_632, %dma_start3A_638] : memref<20000x64xf32, #tpu.memory_space<vmem_shared>> -> memref<48x64xf32, #tpu.memory_space<vmem_shared>>
    %dma_start3A_640 = arith.constant 0 : i32
    %dma_start3A_641 = arith.constant 0 : i32
    %dma_start3A_642 = tpu.memref_slice %arg23[%dma_start3A_640, %dma_start3A_641] : memref<200x64xf32, #tpu.memory_space<vmem>> -> memref<48x64xf32, #tpu.memory_space<vmem>>
    tpu.enqueue_dma source(%dma_start3A_642 : memref<48x64xf32, #tpu.memory_space<vmem>>) target(%dma_start3A_639 : memref<48x64xf32, #tpu.memory_space<vmem_shared>>) target_semaphore(%arg25 : memref<!tpu.dma_semaphore, #tpu.memory_space<semaphore_mem>>)
    %scan3A_643 = arith.constant 0 : i32
    %scan3A_644 = arith.constant 48 : i32
    %scan3A_645 = arith.addi %scan3A_643, %scan3A_644 : i32
    %scan3A_646 = arith.constant 1 : i32
    scf.for %scan3A_927 = %scan3A_643 to %scan3A_645 step %scan3A_646  : i32 {
      %mul3A_928 = arith.constant 1 : i32
      %mul3A_929 = arith.muli %scan3A_927, %mul3A_928 : i32
      %add3A_930 = arith.constant 0 : i32
      %add3A_931 = arith.addi %add3A_930, %mul3A_929 : i32
      %add3A_932 = arith.constant 1200 : i32
      %add3A_933 = arith.addi %add3A_931, %add3A_932 : i32
      %get3A = arith.index_cast %add3A_933 : i32 to index
      %get3A_934 = tpu.vector_load %arg22[%get3A] {strides = array<i32>} : memref<1296xf32, #tpu.memory_space<vmem>>, vector<16xf32>,
      %get3A_935 = vector.shape_cast %get3A_934 : vector<16xf32> to vector<16xf32>
      %slice3A = vector.extract_strided_slice %get3A_935 {offsets = [0], sizes = [1], strides = [1]} : vector<16xf32> to vector<1xf32>
      %squeeze3A = vector.extract %slice3A[0] : f32 from vector<1xf32>
      %get3A_936 = arith.index_cast %add3A_931 : i32 to index
      %get3A_937 = arith.constant 0 : index
      %get3A_938 = tpu.vector_load %arg11[%get3A_936, %get3A_937] {strides = array<i32>} : memref<200x64xf32, #tpu.memory_space<vmem>>, vector<1x16xf32>,
      %get3A_939 = vector.shape_cast %get3A_938 : vector<1x16xf32> to vector<16xf32>
      %mul3A_940 = vector.broadcast %squeeze3A : f32 to vector<16xf32>
      %mul3A_941 = arith.mulf %get3A_939, %mul3A_940 : vector<16xf32>
      %swap3A_942 = arith.index_cast %add3A_931 : i32 to index
      %swap3A_943 = arith.constant 0 : index
      %swap3A_944 = tpu.vector_load %arg11[%swap3A_942, %swap3A_943] {strides = array<i32>} : memref<200x64xf32, #tpu.memory_space<vmem>>, vector<1x16xf32>,
      %swap3A_945 = vector.shape_cast %swap3A_944 : vector<1x16xf32> to vector<16xf32>
      %swap3A_946 = vector.shape_cast %mul3A_941 : vector<16xf32> to vector<1x16xf32>
      tpu.vector_store %arg11[%swap3A_942, %swap3A_943], %swap3A_946 {strides = array<i32>} : memref<200x64xf32, #tpu.memory_space<vmem>>, vector<1x16xf32>,
      %get3A_947 = arith.index_cast %add3A_931 : i32 to index
      %get3A_948 = arith.constant 16 : index
      %get3A_949 = tpu.vector_load %arg11[%get3A_947, %get3A_948] {strides = array<i32>} : memref<200x64xf32, #tpu.memory_space<vmem>>, vector<1x16xf32>,
      %get3A_950 = vector.shape_cast %get3A_949 : vector<1x16xf32> to vector<16xf32>
      %mul3A_951 = vector.broadcast %squeeze3A : f32 to vector<16xf32>
      %mul3A_952 = arith.mulf %get3A_950, %mul3A_951 : vector<16xf32>
      %swap3A_953 = arith.index_cast %add3A_931 : i32 to index
      %swap3A_954 = arith.constant 16 : index
      %swap3A_955 = tpu.vector_load %arg11[%swap3A_953, %swap3A_954] {strides = array<i32>} : memref<200x64xf32, #tpu.memory_space<vmem>>, vector<1x16xf32>,
      %swap3A_956 = vector.shape_cast %swap3A_955 : vector<1x16xf32> to vector<16xf32>
      %swap3A_957 = vector.shape_cast %mul3A_952 : vector<16xf32> to vector<1x16xf32>
      tpu.vector_store %arg11[%swap3A_953, %swap3A_954], %swap3A_957 {strides = array<i32>} : memref<200x64xf32, #tpu.memory_space<vmem>>, vector<1x16xf32>,
      %get3A_958 = arith.index_cast %add3A_931 : i32 to index
      %get3A_959 = arith.constant 32 : index
      %get3A_960 = tpu.vector_load %arg11[%get3A_958, %get3A_959] {strides = array<i32>} : memref<200x64xf32, #tpu.memory_space<vmem>>, vector<1x16xf32>,
      %get3A_961 = vector.shape_cast %get3A_960 : vector<1x16xf32> to vector<16xf32>
      %mul3A_962 = vector.broadcast %squeeze3A : f32 to vector<16xf32>
      %mul3A_963 = arith.mulf %get3A_961, %mul3A_962 : vector<16xf32>
      %swap3A_964 = arith.index_cast %add3A_931 : i32 to index
      %swap3A_965 = arith.constant 32 : index
      %swap3A_966 = tpu.vector_load %arg11[%swap3A_964, %swap3A_965] {strides = array<i32>} : memref<200x64xf32, #tpu.memory_space<vmem>>, vector<1x16xf32>,
      %swap3A_967 = vector.shape_cast %swap3A_966 : vector<1x16xf32> to vector<16xf32>
      %swap3A_968 = vector.shape_cast %mul3A_963 : vector<16xf32> to vector<1x16xf32>
      tpu.vector_store %arg11[%swap3A_964, %swap3A_965], %swap3A_968 {strides = array<i32>} : memref<200x64xf32, #tpu.memory_space<vmem>>, vector<1x16xf32>,
      %get3A_969 = arith.index_cast %add3A_931 : i32 to index
      %get3A_970 = arith.constant 48 : index
      %get3A_971 = tpu.vector_load %arg11[%get3A_969, %get3A_970] {strides = array<i32>} : memref<200x64xf32, #tpu.memory_space<vmem>>, vector<1x16xf32>,
      %get3A_972 = vector.shape_cast %get3A_971 : vector<1x16xf32> to vector<16xf32>
      %mul3A_973 = vector.broadcast %squeeze3A : f32 to vector<16xf32>
      %mul3A_974 = arith.mulf %get3A_972, %mul3A_973 : vector<16xf32>
      %swap3A_975 = arith.index_cast %add3A_931 : i32 to index
      %swap3A_976 = arith.constant 48 : index
      %swap3A_977 = tpu.vector_load %arg11[%swap3A_975, %swap3A_976] {strides = array<i32>} : memref<200x64xf32, #tpu.memory_space<vmem>>, vector<1x16xf32>,
      %swap3A_978 = vector.shape_cast %swap3A_977 : vector<1x16xf32> to vector<16xf32>
      %swap3A_979 = vector.shape_cast %mul3A_974 : vector<16xf32> to vector<1x16xf32>
      tpu.vector_store %arg11[%swap3A_975, %swap3A_976], %swap3A_979 {strides = array<i32>} : memref<200x64xf32, #tpu.memory_space<vmem>>, vector<1x16xf32>,
    }
    %scan3A_647 = arith.constant 48 : i32
    %add3A_648 = arith.constant 1200 : i32
    %add3A_649 = arith.addi %mul3A_1, %add3A_648 : i32
    %eq3A_650 = arith.constant 0 : i32
    %eq3A_651 = arith.cmpi eq, %arg0, %eq3A_650 : i32
    %convert_element_type3A_652 = arith.extui %eq3A_651 : i1 to i32
    %cond3A_653 = arith.constant 0 : i32
    %cond3A_654 = arith.cmpi ne, %convert_element_type3A_652, %cond3A_653 : i32
    scf.if %cond3A_654 {
      %dma_start3A_927 = arith.constant 0 : i32
      %dma_start3A_928 = arith.constant 0 : i32
      %dma_start3A_929 = tpu.memref_slice %arg11[%dma_start3A_927, %dma_start3A_928] : memref<200x64xf32, #tpu.memory_space<vmem>> -> memref<48x64xf32, #tpu.memory_space<vmem>>
      %dma_start3A_930 = arith.constant 0 : i32
      %dma_start3A_931 = tpu.memref_slice %arg7[%add3A_649, %dma_start3A_930] : memref<20000x64xf32, #tpu.memory_space<hbm>> -> memref<48x64xf32, #tpu.memory_space<hbm>>
      %dma_start3A_932 = arith.constant 0 : i32
      %dma_start3A_933 = tpu.memref_slice %arg7[%add3A_649, %dma_start3A_932] : memref<20000x64xf32, #tpu.memory_space<hbm>> -> memref<48x64xf32, #tpu.memory_space<hbm>>
      %dma_start3A_934 = arith.constant 0 : i32
      %dma_start3A_935 = arith.constant 0 : i32
      %dma_start3A_936 = tpu.memref_slice %arg11[%dma_start3A_934, %dma_start3A_935] : memref<200x64xf32, #tpu.memory_space<vmem>> -> memref<48x64xf32, #tpu.memory_space<vmem>>
      tpu.enqueue_dma source(%dma_start3A_936 : memref<48x64xf32, #tpu.memory_space<vmem>>) target(%dma_start3A_933 : memref<48x64xf32, #tpu.memory_space<hbm>>) target_semaphore(%arg28 : memref<!tpu.dma_semaphore, #tpu.memory_space<semaphore_mem>>)
    } else {
    }
    %eq3A_655 = arith.constant 1 : i32
    %eq3A_656 = arith.cmpi eq, %arg0, %eq3A_655 : i32
    %convert_element_type3A_657 = arith.extui %eq3A_656 : i1 to i32
    %cond3A_658 = arith.constant 0 : i32
    %cond3A_659 = arith.cmpi ne, %convert_element_type3A_657, %cond3A_658 : i32
    scf.if %cond3A_659 {
      %dma_start3A_927 = arith.constant 0 : i32
      %dma_start3A_928 = arith.constant 0 : i32
      %dma_start3A_929 = tpu.memref_slice %arg11[%dma_start3A_927, %dma_start3A_928] : memref<200x64xf32, #tpu.memory_space<vmem>> -> memref<48x64xf32, #tpu.memory_space<vmem>>
      %dma_start3A_930 = arith.constant 0 : i32
      %dma_start3A_931 = tpu.memref_slice %arg8[%add3A_649, %dma_start3A_930] : memref<20000x64xf32, #tpu.memory_space<hbm>> -> memref<48x64xf32, #tpu.memory_space<hbm>>
      %dma_start3A_932 = arith.constant 0 : i32
      %dma_start3A_933 = tpu.memref_slice %arg8[%add3A_649, %dma_start3A_932] : memref<20000x64xf32, #tpu.memory_space<hbm>> -> memref<48x64xf32, #tpu.memory_space<hbm>>
      %dma_start3A_934 = arith.constant 0 : i32
      %dma_start3A_935 = arith.constant 0 : i32
      %dma_start3A_936 = tpu.memref_slice %arg11[%dma_start3A_934, %dma_start3A_935] : memref<200x64xf32, #tpu.memory_space<vmem>> -> memref<48x64xf32, #tpu.memory_space<vmem>>
      tpu.enqueue_dma source(%dma_start3A_936 : memref<48x64xf32, #tpu.memory_space<vmem>>) target(%dma_start3A_933 : memref<48x64xf32, #tpu.memory_space<hbm>>) target_semaphore(%arg28 : memref<!tpu.dma_semaphore, #tpu.memory_space<semaphore_mem>>)
    } else {
    }
    %add3A_660 = arith.constant 1000 : i32
    %add3A_661 = arith.addi %mul3A_1, %add3A_660 : i32
    %dma_wait3A_662 = arith.constant 0 : i32
    %dma_wait3A_663 = arith.constant 0 : i32
    %dma_wait3A_664 = tpu.memref_slice %arg12[%dma_wait3A_662, %dma_wait3A_663] : memref<200x64xf32, #tpu.memory_space<vmem>> -> memref<200x64xf32, #tpu.memory_space<vmem>>
    %dma_wait3A_665 = arith.constant 0 : i32
    %dma_wait3A_666 = tpu.memref_slice %arg7[%add3A_661, %dma_wait3A_665] : memref<20000x64xf32, #tpu.memory_space<hbm>> -> memref<200x64xf32, #tpu.memory_space<hbm>>
    %dma_wait3A_667 = arith.constant 0 : i32
    %dma_wait3A_668 = tpu.memref_slice %arg7[%add3A_661, %dma_wait3A_667] : memref<20000x64xf32, #tpu.memory_space<hbm>> -> memref<200x64xf32, #tpu.memory_space<hbm>>
    %dma_wait3A_669 = arith.constant 0 : i32
    %dma_wait3A_670 = arith.constant 0 : i32
    %dma_wait3A_671 = tpu.memref_slice %arg12[%dma_wait3A_669, %dma_wait3A_670] : memref<200x64xf32, #tpu.memory_space<vmem>> -> memref<200x64xf32, #tpu.memory_space<vmem>>
    tpu.wait_dma2 semaphore(%arg29 : memref<!tpu.dma_semaphore, #tpu.memory_space<semaphore_mem>>) src(%dma_wait3A_671 : memref<200x64xf32, #tpu.memory_space<vmem>>) dst(%dma_wait3A_668 : memref<200x64xf32, #tpu.memory_space<hbm>>)
    %add3A_672 = arith.constant 1200 : i32
    %add3A_673 = arith.addi %mul3A_1, %add3A_672 : i32
    %dma_wait3A_674 = arith.constant 0 : i32
    %dma_wait3A_675 = arith.constant 0 : i32
    %dma_wait3A_676 = tpu.memref_slice %arg11[%dma_wait3A_674, %dma_wait3A_675] : memref<200x64xf32, #tpu.memory_space<vmem>> -> memref<48x64xf32, #tpu.memory_space<vmem>>
    %dma_wait3A_677 = arith.constant 0 : i32
    %dma_wait3A_678 = tpu.memref_slice %arg7[%add3A_673, %dma_wait3A_677] : memref<20000x64xf32, #tpu.memory_space<hbm>> -> memref<48x64xf32, #tpu.memory_space<hbm>>
    %dma_wait3A_679 = arith.constant 0 : i32
    %dma_wait3A_680 = tpu.memref_slice %arg7[%add3A_673, %dma_wait3A_679] : memref<20000x64xf32, #tpu.memory_space<hbm>> -> memref<48x64xf32, #tpu.memory_space<hbm>>
    %dma_wait3A_681 = arith.constant 0 : i32
    %dma_wait3A_682 = arith.constant 0 : i32
    %dma_wait3A_683 = tpu.memref_slice %arg11[%dma_wait3A_681, %dma_wait3A_682] : memref<200x64xf32, #tpu.memory_space<vmem>> -> memref<48x64xf32, #tpu.memory_space<vmem>>
    tpu.wait_dma2 semaphore(%arg28 : memref<!tpu.dma_semaphore, #tpu.memory_space<semaphore_mem>>) src(%dma_wait3A_683 : memref<48x64xf32, #tpu.memory_space<vmem>>) dst(%dma_wait3A_680 : memref<48x64xf32, #tpu.memory_space<hbm>>)
    %add3A_684 = arith.constant 0 : i32
    %add3A_685 = arith.addi %mul3A_1, %add3A_684 : i32
    %dma_wait3A_686 = arith.constant 0 : i32
    %dma_wait3A_687 = arith.constant 0 : i32
    %dma_wait3A_688 = tpu.memref_slice %arg23[%dma_wait3A_686, %dma_wait3A_687] : memref<200x64xf32, #tpu.memory_space<vmem>> -> memref<200x64xf32, #tpu.memory_space<vmem>>
    %dma_wait3A_689 = arith.constant 0 : i32
    %dma_wait3A_690 = tpu.memref_slice %arg9[%add3A_685, %dma_wait3A_689] : memref<20000x64xf32, #tpu.memory_space<vmem_shared>> -> memref<200x64xf32, #tpu.memory_space<vmem_shared>>
    %dma_wait3A_691 = arith.constant 0 : i32
    %dma_wait3A_692 = tpu.memref_slice %arg9[%add3A_685, %dma_wait3A_691] : memref<20000x64xf32, #tpu.memory_space<vmem_shared>> -> memref<200x64xf32, #tpu.memory_space<vmem_shared>>
    %dma_wait3A_693 = arith.constant 0 : i32
    %dma_wait3A_694 = arith.constant 0 : i32
    %dma_wait3A_695 = tpu.memref_slice %arg23[%dma_wait3A_693, %dma_wait3A_694] : memref<200x64xf32, #tpu.memory_space<vmem>> -> memref<200x64xf32, #tpu.memory_space<vmem>>
    tpu.wait_dma2 semaphore(%arg25 : memref<!tpu.dma_semaphore, #tpu.memory_space<semaphore_mem>>) src(%dma_wait3A_695 : memref<200x64xf32, #tpu.memory_space<vmem>>) dst(%dma_wait3A_692 : memref<200x64xf32, #tpu.memory_space<vmem_shared>>)
    %add3A_696 = arith.constant 200 : i32
    %add3A_697 = arith.addi %mul3A_1, %add3A_696 : i32
    %dma_wait3A_698 = arith.constant 0 : i32
    %dma_wait3A_699 = arith.constant 0 : i32
    %dma_wait3A_700 = tpu.memref_slice %arg23[%dma_wait3A_698, %dma_wait3A_699] : memref<200x64xf32, #tpu.memory_space<vmem>> -> memref<200x64xf32, #tpu.memory_space<vmem>>
    %dma_wait3A_701 = arith.constant 0 : i32
    %dma_wait3A_702 = tpu.memref_slice %arg9[%add3A_697, %dma_wait3A_701] : memref<20000x64xf32, #tpu.memory_space<vmem_shared>> -> memref<200x64xf32, #tpu.memory_space<vmem_shared>>
    %dma_wait3A_703 = arith.constant 0 : i32
    %dma_wait3A_704 = tpu.memref_slice %arg9[%add3A_697, %dma_wait3A_703] : memref<20000x64xf32, #tpu.memory_space<vmem_shared>> -> memref<200x64xf32, #tpu.memory_space<vmem_shared>>
    %dma_wait3A_705 = arith.constant 0 : i32
    %dma_wait3A_706 = arith.constant 0 : i32
    %dma_wait3A_707 = tpu.memref_slice %arg23[%dma_wait3A_705, %dma_wait3A_706] : memref<200x64xf32, #tpu.memory_space<vmem>> -> memref<200x64xf32, #tpu.memory_space<vmem>>
    tpu.wait_dma2 semaphore(%arg25 : memref<!tpu.dma_semaphore, #tpu.memory_space<semaphore_mem>>) src(%dma_wait3A_707 : memref<200x64xf32, #tpu.memory_space<vmem>>) dst(%dma_wait3A_704 : memref<200x64xf32, #tpu.memory_space<vmem_shared>>)
    %add3A_708 = arith.constant 400 : i32
    %add3A_709 = arith.addi %mul3A_1, %add3A_708 : i32
    %dma_wait3A_710 = arith.constant 0 : i32
    %dma_wait3A_711 = arith.constant 0 : i32
    %dma_wait3A_712 = tpu.memref_slice %arg23[%dma_wait3A_710, %dma_wait3A_711] : memref<200x64xf32, #tpu.memory_space<vmem>> -> memref<200x64xf32, #tpu.memory_space<vmem>>
    %dma_wait3A_713 = arith.constant 0 : i32
    %dma_wait3A_714 = tpu.memref_slice %arg9[%add3A_709, %dma_wait3A_713] : memref<20000x64xf32, #tpu.memory_space<vmem_shared>> -> memref<200x64xf32, #tpu.memory_space<vmem_shared>>
    %dma_wait3A_715 = arith.constant 0 : i32
    %dma_wait3A_716 = tpu.memref_slice %arg9[%add3A_709, %dma_wait3A_715] : memref<20000x64xf32, #tpu.memory_space<vmem_shared>> -> memref<200x64xf32, #tpu.memory_space<vmem_shared>>
    %dma_wait3A_717 = arith.constant 0 : i32
    %dma_wait3A_718 = arith.constant 0 : i32
    %dma_wait3A_719 = tpu.memref_slice %arg23[%dma_wait3A_717, %dma_wait3A_718] : memref<200x64xf32, #tpu.memory_space<vmem>> -> memref<200x64xf32, #tpu.memory_space<vmem>>
    tpu.wait_dma2 semaphore(%arg25 : memref<!tpu.dma_semaphore, #tpu.memory_space<semaphore_mem>>) src(%dma_wait3A_719 : memref<200x64xf32, #tpu.memory_space<vmem>>) dst(%dma_wait3A_716 : memref<200x64xf32, #tpu.memory_space<vmem_shared>>)
    %add3A_720 = arith.constant 600 : i32
    %add3A_721 = arith.addi %mul3A_1, %add3A_720 : i32
    %dma_wait3A_722 = arith.constant 0 : i32
    %dma_wait3A_723 = arith.constant 0 : i32
    %dma_wait3A_724 = tpu.memref_slice %arg23[%dma_wait3A_722, %dma_wait3A_723] : memref<200x64xf32, #tpu.memory_space<vmem>> -> memref<200x64xf32, #tpu.memory_space<vmem>>
    %dma_wait3A_725 = arith.constant 0 : i32
    %dma_wait3A_726 = tpu.memref_slice %arg9[%add3A_721, %dma_wait3A_725] : memref<20000x64xf32, #tpu.memory_space<vmem_shared>> -> memref<200x64xf32, #tpu.memory_space<vmem_shared>>
    %dma_wait3A_727 = arith.constant 0 : i32
    %dma_wait3A_728 = tpu.memref_slice %arg9[%add3A_721, %dma_wait3A_727] : memref<20000x64xf32, #tpu.memory_space<vmem_shared>> -> memref<200x64xf32, #tpu.memory_space<vmem_shared>>
    %dma_wait3A_729 = arith.constant 0 : i32
    %dma_wait3A_730 = arith.constant 0 : i32
    %dma_wait3A_731 = tpu.memref_slice %arg23[%dma_wait3A_729, %dma_wait3A_730] : memref<200x64xf32, #tpu.memory_space<vmem>> -> memref<200x64xf32, #tpu.memory_space<vmem>>
    tpu.wait_dma2 semaphore(%arg25 : memref<!tpu.dma_semaphore, #tpu.memory_space<semaphore_mem>>) src(%dma_wait3A_731 : memref<200x64xf32, #tpu.memory_space<vmem>>) dst(%dma_wait3A_728 : memref<200x64xf32, #tpu.memory_space<vmem_shared>>)
    %add3A_732 = arith.constant 800 : i32
    %add3A_733 = arith.addi %mul3A_1, %add3A_732 : i32
    %dma_wait3A_734 = arith.constant 0 : i32
    %dma_wait3A_735 = arith.constant 0 : i32
    %dma_wait3A_736 = tpu.memref_slice %arg23[%dma_wait3A_734, %dma_wait3A_735] : memref<200x64xf32, #tpu.memory_space<vmem>> -> memref<200x64xf32, #tpu.memory_space<vmem>>
    %dma_wait3A_737 = arith.constant 0 : i32
    %dma_wait3A_738 = tpu.memref_slice %arg9[%add3A_733, %dma_wait3A_737] : memref<20000x64xf32, #tpu.memory_space<vmem_shared>> -> memref<200x64xf32, #tpu.memory_space<vmem_shared>>
    %dma_wait3A_739 = arith.constant 0 : i32
    %dma_wait3A_740 = tpu.memref_slice %arg9[%add3A_733, %dma_wait3A_739] : memref<20000x64xf32, #tpu.memory_space<vmem_shared>> -> memref<200x64xf32, #tpu.memory_space<vmem_shared>>
    %dma_wait3A_741 = arith.constant 0 : i32
    %dma_wait3A_742 = arith.constant 0 : i32
    %dma_wait3A_743 = tpu.memref_slice %arg23[%dma_wait3A_741, %dma_wait3A_742] : memref<200x64xf32, #tpu.memory_space<vmem>> -> memref<200x64xf32, #tpu.memory_space<vmem>>
    tpu.wait_dma2 semaphore(%arg25 : memref<!tpu.dma_semaphore, #tpu.memory_space<semaphore_mem>>) src(%dma_wait3A_743 : memref<200x64xf32, #tpu.memory_space<vmem>>) dst(%dma_wait3A_740 : memref<200x64xf32, #tpu.memory_space<vmem_shared>>)
    %add3A_744 = arith.constant 1000 : i32
    %add3A_745 = arith.addi %mul3A_1, %add3A_744 : i32
    %dma_wait3A_746 = arith.constant 0 : i32
    %dma_wait3A_747 = arith.constant 0 : i32
    %dma_wait3A_748 = tpu.memref_slice %arg23[%dma_wait3A_746, %dma_wait3A_747] : memref<200x64xf32, #tpu.memory_space<vmem>> -> memref<200x64xf32, #tpu.memory_space<vmem>>
    %dma_wait3A_749 = arith.constant 0 : i32
    %dma_wait3A_750 = tpu.memref_slice %arg9[%add3A_745, %dma_wait3A_749] : memref<20000x64xf32, #tpu.memory_space<vmem_shared>> -> memref<200x64xf32, #tpu.memory_space<vmem_shared>>
    %dma_wait3A_751 = arith.constant 0 : i32
    %dma_wait3A_752 = tpu.memref_slice %arg9[%add3A_745, %dma_wait3A_751] : memref<20000x64xf32, #tpu.memory_space<vmem_shared>> -> memref<200x64xf32, #tpu.memory_space<vmem_shared>>
    %dma_wait3A_753 = arith.constant 0 : i32
    %dma_wait3A_754 = arith.constant 0 : i32
    %dma_wait3A_755 = tpu.memref_slice %arg23[%dma_wait3A_753, %dma_wait3A_754] : memref<200x64xf32, #tpu.memory_space<vmem>> -> memref<200x64xf32, #tpu.memory_space<vmem>>
    tpu.wait_dma2 semaphore(%arg25 : memref<!tpu.dma_semaphore, #tpu.memory_space<semaphore_mem>>) src(%dma_wait3A_755 : memref<200x64xf32, #tpu.memory_space<vmem>>) dst(%dma_wait3A_752 : memref<200x64xf32, #tpu.memory_space<vmem_shared>>)
    %add3A_756 = arith.constant 1200 : i32
    %add3A_757 = arith.addi %mul3A_1, %add3A_756 : i32
    %dma_wait3A_758 = arith.constant 0 : i32
    %dma_wait3A_759 = arith.constant 0 : i32
    %dma_wait3A_760 = tpu.memref_slice %arg23[%dma_wait3A_758, %dma_wait3A_759] : memref<200x64xf32, #tpu.memory_space<vmem>> -> memref<48x64xf32, #tpu.memory_space<vmem>>
    %dma_wait3A_761 = arith.constant 0 : i32
    %dma_wait3A_762 = tpu.memref_slice %arg9[%add3A_757, %dma_wait3A_761] : memref<20000x64xf32, #tpu.memory_space<vmem_shared>> -> memref<48x64xf32, #tpu.memory_space<vmem_shared>>
    %dma_wait3A_763 = arith.constant 0 : i32
    %dma_wait3A_764 = tpu.memref_slice %arg9[%add3A_757, %dma_wait3A_763] : memref<20000x64xf32, #tpu.memory_space<vmem_shared>> -> memref<48x64xf32, #tpu.memory_space<vmem_shared>>
    %dma_wait3A_765 = arith.constant 0 : i32
    %dma_wait3A_766 = arith.constant 0 : i32
    %dma_wait3A_767 = tpu.memref_slice %arg23[%dma_wait3A_765, %dma_wait3A_766] : memref<200x64xf32, #tpu.memory_space<vmem>> -> memref<48x64xf32, #tpu.memory_space<vmem>>
    tpu.wait_dma2 semaphore(%arg25 : memref<!tpu.dma_semaphore, #tpu.memory_space<semaphore_mem>>) src(%dma_wait3A_767 : memref<48x64xf32, #tpu.memory_space<vmem>>) dst(%dma_wait3A_764 : memref<48x64xf32, #tpu.memory_space<vmem_shared>>)
    %convert_element_type3A_768 = arith.extui %eq3A_0 : i1 to i32
    %cond3A_769 = arith.constant 0 : i32
    %cond3A_770 = arith.cmpi ne, %convert_element_type3A_768, %cond3A_769 : i32
    scf.if %cond3A_770 {
      "tpu.region"() ({
        %run_scoped3A = tpu.sem_alloc : memref<!tpu.dma_semaphore, #tpu.memory_space<semaphore_mem>>
        %dma_start3A_983 = arith.constant 0 : i32
        %dma_start3A_984 = tpu.memref_slice %arg22[%dma_start3A_983] : memref<1296xf32, #tpu.memory_space<vmem>> -> memref<32xf32, #tpu.memory_space<vmem>>
        %dma_start3A_985 = arith.constant 19968 : i32
        %dma_start3A_986 = tpu.memref_slice %arg10[%dma_start3A_985] : memref<20000xf32, #tpu.memory_space<vmem_shared>> -> memref<32xf32, #tpu.memory_space<vmem_shared>>
        %dma_start3A_987 = arith.constant 0 : i32
        %dma_start3A_988 = tpu.memref_slice %arg22[%dma_start3A_987] : memref<1296xf32, #tpu.memory_space<vmem>> -> memref<32xf32, #tpu.memory_space<vmem>>
        %dma_start3A_989 = arith.constant 19968 : i32
        %dma_start3A_990 = tpu.memref_slice %arg10[%dma_start3A_989] : memref<20000xf32, #tpu.memory_space<vmem_shared>> -> memref<32xf32, #tpu.memory_space<vmem_shared>>
        tpu.enqueue_dma source(%dma_start3A_990 : memref<32xf32, #tpu.memory_space<vmem_shared>>) target(%dma_start3A_988 : memref<32xf32, #tpu.memory_space<vmem>>) target_semaphore(%run_scoped3A : memref<!tpu.dma_semaphore, #tpu.memory_space<semaphore_mem>>)
        %dma_wait3A_991 = arith.constant 0 : i32
        %dma_wait3A_992 = tpu.memref_slice %arg22[%dma_wait3A_991] : memref<1296xf32, #tpu.memory_space<vmem>> -> memref<32xf32, #tpu.memory_space<vmem>>
        %dma_wait3A_993 = arith.constant 19968 : i32
        %dma_wait3A_994 = tpu.memref_slice %arg10[%dma_wait3A_993] : memref<20000xf32, #tpu.memory_space<vmem_shared>> -> memref<32xf32, #tpu.memory_space<vmem_shared>>
        %dma_wait3A_995 = arith.constant 0 : i32
        %dma_wait3A_996 = tpu.memref_slice %arg22[%dma_wait3A_995] : memref<1296xf32, #tpu.memory_space<vmem>> -> memref<32xf32, #tpu.memory_space<vmem>>
        %dma_wait3A_997 = arith.constant 19968 : i32
        %dma_wait3A_998 = tpu.memref_slice %arg10[%dma_wait3A_997] : memref<20000xf32, #tpu.memory_space<vmem_shared>> -> memref<32xf32, #tpu.memory_space<vmem_shared>>
        tpu.wait_dma2 semaphore(%run_scoped3A : memref<!tpu.dma_semaphore, #tpu.memory_space<semaphore_mem>>) src(%dma_wait3A_998 : memref<32xf32, #tpu.memory_space<vmem_shared>>) dst(%dma_wait3A_996 : memref<32xf32, #tpu.memory_space<vmem>>)
        tpu.yield
      }) : () -> ()
      %scan3A_927 = arith.constant 0 : i32
      %scan3A_928 = arith.constant 2 : i32
      %scan3A_929 = arith.addi %scan3A_927, %scan3A_928 : i32
      %scan3A_930 = arith.constant 1 : i32
      scf.for %scan3A_983 = %scan3A_927 to %scan3A_929 step %scan3A_930  : i32 {
        %mul3A_984 = arith.constant 1 : i32
        %mul3A_985 = arith.muli %scan3A_983, %mul3A_984 : i32
        %add3A_986 = arith.constant 0 : i32
        %add3A_987 = arith.addi %add3A_986, %mul3A_985 : i32
        %mul3A_988 = arith.constant 16 : i32
        %mul3A_989 = arith.muli %add3A_987, %mul3A_988 : i32
        %get3A = arith.index_cast %mul3A_989 : i32 to index
        %get3A_990 = tpu.vector_load %arg22[%get3A] {strides = array<i32>} : memref<1296xf32, #tpu.memory_space<vmem>>, vector<16xf32>,
        %get3A_991 = vector.shape_cast %get3A_990 : vector<16xf32> to vector<16xf32>
        %max3A = arith.constant 1.000000e+00 : f32
        %max3A_992 = vector.broadcast %max3A : f32 to vector<16xf32>
        %max3A_993 = arith.maximumf %get3A_991, %max3A_992 : vector<16xf32>
        %div3A = arith.constant 6.250000e-02 : f32
        %div3A_994 = vector.broadcast %div3A : f32 to vector<16xf32>
        %div3A_995 = arith.divf %div3A_994, %max3A_993 : vector<16xf32>
        %mul3A_996 = arith.constant 16 : i32
        %mul3A_997 = arith.muli %add3A_987, %mul3A_996 : i32
        %swap3A_998 = arith.index_cast %mul3A_997 : i32 to index
        %swap3A_999 = tpu.vector_load %arg22[%swap3A_998] {strides = array<i32>} : memref<1296xf32, #tpu.memory_space<vmem>>, vector<16xf32>,
        %swap3A_1000 = vector.shape_cast %swap3A_999 : vector<16xf32> to vector<16xf32>
        %swap3A_1001 = vector.shape_cast %div3A_995 : vector<16xf32> to vector<16xf32>
        tpu.vector_store %arg22[%swap3A_998], %swap3A_1001 {strides = array<i32>} : memref<1296xf32, #tpu.memory_space<vmem>>, vector<16xf32>,
      }
      %scan3A_931 = arith.constant 2 : i32
      "tpu.region"() ({
        %run_scoped3A = tpu.sem_alloc : memref<!tpu.dma_semaphore, #tpu.memory_space<semaphore_mem>>
        %dma_start3A_983 = arith.constant 0 : i32
        %dma_start3A_984 = arith.constant 0 : i32
        %dma_start3A_985 = tpu.memref_slice %arg11[%dma_start3A_983, %dma_start3A_984] : memref<200x64xf32, #tpu.memory_space<vmem>> -> memref<32x64xf32, #tpu.memory_space<vmem>>
        %dma_start3A_986 = arith.constant 19968 : i32
        %dma_start3A_987 = arith.constant 0 : i32
        %dma_start3A_988 = tpu.memref_slice %arg9[%dma_start3A_986, %dma_start3A_987] : memref<20000x64xf32, #tpu.memory_space<vmem_shared>> -> memref<32x64xf32, #tpu.memory_space<vmem_shared>>
        %dma_start3A_989 = arith.constant 0 : i32
        %dma_start3A_990 = arith.constant 0 : i32
        %dma_start3A_991 = tpu.memref_slice %arg11[%dma_start3A_989, %dma_start3A_990] : memref<200x64xf32, #tpu.memory_space<vmem>> -> memref<32x64xf32, #tpu.memory_space<vmem>>
        %dma_start3A_992 = arith.constant 19968 : i32
        %dma_start3A_993 = arith.constant 0 : i32
        %dma_start3A_994 = tpu.memref_slice %arg9[%dma_start3A_992, %dma_start3A_993] : memref<20000x64xf32, #tpu.memory_space<vmem_shared>> -> memref<32x64xf32, #tpu.memory_space<vmem_shared>>
        tpu.enqueue_dma source(%dma_start3A_994 : memref<32x64xf32, #tpu.memory_space<vmem_shared>>) target(%dma_start3A_991 : memref<32x64xf32, #tpu.memory_space<vmem>>) target_semaphore(%run_scoped3A : memref<!tpu.dma_semaphore, #tpu.memory_space<semaphore_mem>>)
        %dma_wait3A_995 = arith.constant 0 : i32
        %dma_wait3A_996 = arith.constant 0 : i32
        %dma_wait3A_997 = tpu.memref_slice %arg11[%dma_wait3A_995, %dma_wait3A_996] : memref<200x64xf32, #tpu.memory_space<vmem>> -> memref<32x64xf32, #tpu.memory_space<vmem>>
        %dma_wait3A_998 = arith.constant 19968 : i32
        %dma_wait3A_999 = arith.constant 0 : i32
        %dma_wait3A_1000 = tpu.memref_slice %arg9[%dma_wait3A_998, %dma_wait3A_999] : memref<20000x64xf32, #tpu.memory_space<vmem_shared>> -> memref<32x64xf32, #tpu.memory_space<vmem_shared>>
        %dma_wait3A_1001 = arith.constant 0 : i32
        %dma_wait3A_1002 = arith.constant 0 : i32
        %dma_wait3A_1003 = tpu.memref_slice %arg11[%dma_wait3A_1001, %dma_wait3A_1002] : memref<200x64xf32, #tpu.memory_space<vmem>> -> memref<32x64xf32, #tpu.memory_space<vmem>>
        %dma_wait3A_1004 = arith.constant 19968 : i32
        %dma_wait3A_1005 = arith.constant 0 : i32
        %dma_wait3A_1006 = tpu.memref_slice %arg9[%dma_wait3A_1004, %dma_wait3A_1005] : memref<20000x64xf32, #tpu.memory_space<vmem_shared>> -> memref<32x64xf32, #tpu.memory_space<vmem_shared>>
        tpu.wait_dma2 semaphore(%run_scoped3A : memref<!tpu.dma_semaphore, #tpu.memory_space<semaphore_mem>>) src(%dma_wait3A_1006 : memref<32x64xf32, #tpu.memory_space<vmem_shared>>) dst(%dma_wait3A_1003 : memref<32x64xf32, #tpu.memory_space<vmem>>)
        tpu.yield
      }) : () -> ()
      %dma_start3A_932 = arith.constant 0 : i32
      %dma_start3A_933 = arith.constant 0 : i32
      %dma_start3A_934 = tpu.memref_slice %arg23[%dma_start3A_932, %dma_start3A_933] : memref<200x64xf32, #tpu.memory_space<vmem>> -> memref<32x64xf32, #tpu.memory_space<vmem>>
      %dma_start3A_935 = arith.constant 19968 : i32
      %dma_start3A_936 = arith.constant 0 : i32
      %dma_start3A_937 = tpu.memref_slice %arg9[%dma_start3A_935, %dma_start3A_936] : memref<20000x64xf32, #tpu.memory_space<vmem_shared>> -> memref<32x64xf32, #tpu.memory_space<vmem_shared>>
      %dma_start3A_938 = arith.constant 19968 : i32
      %dma_start3A_939 = arith.constant 0 : i32
      %dma_start3A_940 = tpu.memref_slice %arg9[%dma_start3A_938, %dma_start3A_939] : memref<20000x64xf32, #tpu.memory_space<vmem_shared>> -> memref<32x64xf32, #tpu.memory_space<vmem_shared>>
      %dma_start3A_941 = arith.constant 0 : i32
      %dma_start3A_942 = arith.constant 0 : i32
      %dma_start3A_943 = tpu.memref_slice %arg23[%dma_start3A_941, %dma_start3A_942] : memref<200x64xf32, #tpu.memory_space<vmem>> -> memref<32x64xf32, #tpu.memory_space<vmem>>
      tpu.enqueue_dma source(%dma_start3A_943 : memref<32x64xf32, #tpu.memory_space<vmem>>) target(%dma_start3A_940 : memref<32x64xf32, #tpu.memory_space<vmem_shared>>) target_semaphore(%arg25 : memref<!tpu.dma_semaphore, #tpu.memory_space<semaphore_mem>>)
      %scan3A_944 = arith.constant 0 : i32
      %scan3A_945 = arith.constant 32 : i32
      %scan3A_946 = arith.addi %scan3A_944, %scan3A_945 : i32
      %scan3A_947 = arith.constant 1 : i32
      scf.for %scan3A_983 = %scan3A_944 to %scan3A_946 step %scan3A_947  : i32 {
        %mul3A_984 = arith.constant 1 : i32
        %mul3A_985 = arith.muli %scan3A_983, %mul3A_984 : i32
        %add3A_986 = arith.constant 0 : i32
        %add3A_987 = arith.addi %add3A_986, %mul3A_985 : i32
        %add3A_988 = arith.constant 0 : i32
        %add3A_989 = arith.addi %add3A_987, %add3A_988 : i32
        %get3A = arith.index_cast %add3A_989 : i32 to index
        %get3A_990 = tpu.vector_load %arg22[%get3A] {strides = array<i32>} : memref<1296xf32, #tpu.memory_space<vmem>>, vector<16xf32>,
        %get3A_991 = vector.shape_cast %get3A_990 : vector<16xf32> to vector<16xf32>
        %slice3A = vector.extract_strided_slice %get3A_991 {offsets = [0], sizes = [1], strides = [1]} : vector<16xf32> to vector<1xf32>
        %squeeze3A = vector.extract %slice3A[0] : f32 from vector<1xf32>
        %get3A_992 = arith.index_cast %add3A_987 : i32 to index
        %get3A_993 = arith.constant 0 : index
        %get3A_994 = tpu.vector_load %arg11[%get3A_992, %get3A_993] {strides = array<i32>} : memref<200x64xf32, #tpu.memory_space<vmem>>, vector<1x16xf32>,
        %get3A_995 = vector.shape_cast %get3A_994 : vector<1x16xf32> to vector<16xf32>
        %mul3A_996 = vector.broadcast %squeeze3A : f32 to vector<16xf32>
        %mul3A_997 = arith.mulf %get3A_995, %mul3A_996 : vector<16xf32>
        %swap3A_998 = arith.index_cast %add3A_987 : i32 to index
        %swap3A_999 = arith.constant 0 : index
        %swap3A_1000 = tpu.vector_load %arg11[%swap3A_998, %swap3A_999] {strides = array<i32>} : memref<200x64xf32, #tpu.memory_space<vmem>>, vector<1x16xf32>,
        %swap3A_1001 = vector.shape_cast %swap3A_1000 : vector<1x16xf32> to vector<16xf32>
        %swap3A_1002 = vector.shape_cast %mul3A_997 : vector<16xf32> to vector<1x16xf32>
        tpu.vector_store %arg11[%swap3A_998, %swap3A_999], %swap3A_1002 {strides = array<i32>} : memref<200x64xf32, #tpu.memory_space<vmem>>, vector<1x16xf32>,
        %get3A_1003 = arith.index_cast %add3A_987 : i32 to index
        %get3A_1004 = arith.constant 16 : index
        %get3A_1005 = tpu.vector_load %arg11[%get3A_1003, %get3A_1004] {strides = array<i32>} : memref<200x64xf32, #tpu.memory_space<vmem>>, vector<1x16xf32>,
        %get3A_1006 = vector.shape_cast %get3A_1005 : vector<1x16xf32> to vector<16xf32>
        %mul3A_1007 = vector.broadcast %squeeze3A : f32 to vector<16xf32>
        %mul3A_1008 = arith.mulf %get3A_1006, %mul3A_1007 : vector<16xf32>
        %swap3A_1009 = arith.index_cast %add3A_987 : i32 to index
        %swap3A_1010 = arith.constant 16 : index
        %swap3A_1011 = tpu.vector_load %arg11[%swap3A_1009, %swap3A_1010] {strides = array<i32>} : memref<200x64xf32, #tpu.memory_space<vmem>>, vector<1x16xf32>,
        %swap3A_1012 = vector.shape_cast %swap3A_1011 : vector<1x16xf32> to vector<16xf32>
        %swap3A_1013 = vector.shape_cast %mul3A_1008 : vector<16xf32> to vector<1x16xf32>
        tpu.vector_store %arg11[%swap3A_1009, %swap3A_1010], %swap3A_1013 {strides = array<i32>} : memref<200x64xf32, #tpu.memory_space<vmem>>, vector<1x16xf32>,
        %get3A_1014 = arith.index_cast %add3A_987 : i32 to index
        %get3A_1015 = arith.constant 32 : index
        %get3A_1016 = tpu.vector_load %arg11[%get3A_1014, %get3A_1015] {strides = array<i32>} : memref<200x64xf32, #tpu.memory_space<vmem>>, vector<1x16xf32>,
        %get3A_1017 = vector.shape_cast %get3A_1016 : vector<1x16xf32> to vector<16xf32>
        %mul3A_1018 = vector.broadcast %squeeze3A : f32 to vector<16xf32>
        %mul3A_1019 = arith.mulf %get3A_1017, %mul3A_1018 : vector<16xf32>
        %swap3A_1020 = arith.index_cast %add3A_987 : i32 to index
        %swap3A_1021 = arith.constant 32 : index
        %swap3A_1022 = tpu.vector_load %arg11[%swap3A_1020, %swap3A_1021] {strides = array<i32>} : memref<200x64xf32, #tpu.memory_space<vmem>>, vector<1x16xf32>,
        %swap3A_1023 = vector.shape_cast %swap3A_1022 : vector<1x16xf32> to vector<16xf32>
        %swap3A_1024 = vector.shape_cast %mul3A_1019 : vector<16xf32> to vector<1x16xf32>
        tpu.vector_store %arg11[%swap3A_1020, %swap3A_1021], %swap3A_1024 {strides = array<i32>} : memref<200x64xf32, #tpu.memory_space<vmem>>, vector<1x16xf32>,
        %get3A_1025 = arith.index_cast %add3A_987 : i32 to index
        %get3A_1026 = arith.constant 48 : index
        %get3A_1027 = tpu.vector_load %arg11[%get3A_1025, %get3A_1026] {strides = array<i32>} : memref<200x64xf32, #tpu.memory_space<vmem>>, vector<1x16xf32>,
        %get3A_1028 = vector.shape_cast %get3A_1027 : vector<1x16xf32> to vector<16xf32>
        %mul3A_1029 = vector.broadcast %squeeze3A : f32 to vector<16xf32>
        %mul3A_1030 = arith.mulf %get3A_1028, %mul3A_1029 : vector<16xf32>
        %swap3A_1031 = arith.index_cast %add3A_987 : i32 to index
        %swap3A_1032 = arith.constant 48 : index
        %swap3A_1033 = tpu.vector_load %arg11[%swap3A_1031, %swap3A_1032] {strides = array<i32>} : memref<200x64xf32, #tpu.memory_space<vmem>>, vector<1x16xf32>,
        %swap3A_1034 = vector.shape_cast %swap3A_1033 : vector<1x16xf32> to vector<16xf32>
        %swap3A_1035 = vector.shape_cast %mul3A_1030 : vector<16xf32> to vector<1x16xf32>
        tpu.vector_store %arg11[%swap3A_1031, %swap3A_1032], %swap3A_1035 {strides = array<i32>} : memref<200x64xf32, #tpu.memory_space<vmem>>, vector<1x16xf32>,
      }
      %scan3A_948 = arith.constant 32 : i32
      %eq3A_949 = arith.constant 0 : i32
      %eq3A_950 = arith.cmpi eq, %arg0, %eq3A_949 : i32
      %convert_element_type3A_951 = arith.extui %eq3A_950 : i1 to i32
      %cond3A_952 = arith.constant 0 : i32
      %cond3A_953 = arith.cmpi ne, %convert_element_type3A_951, %cond3A_952 : i32
      scf.if %cond3A_953 {
        %dma_start3A_983 = arith.constant 0 : i32
        %dma_start3A_984 = arith.constant 0 : i32
        %dma_start3A_985 = tpu.memref_slice %arg11[%dma_start3A_983, %dma_start3A_984] : memref<200x64xf32, #tpu.memory_space<vmem>> -> memref<32x64xf32, #tpu.memory_space<vmem>>
        %dma_start3A_986 = arith.constant 19968 : i32
        %dma_start3A_987 = arith.constant 0 : i32
        %dma_start3A_988 = tpu.memref_slice %arg7[%dma_start3A_986, %dma_start3A_987] : memref<20000x64xf32, #tpu.memory_space<hbm>> -> memref<32x64xf32, #tpu.memory_space<hbm>>
        %dma_start3A_989 = arith.constant 19968 : i32
        %dma_start3A_990 = arith.constant 0 : i32
        %dma_start3A_991 = tpu.memref_slice %arg7[%dma_start3A_989, %dma_start3A_990] : memref<20000x64xf32, #tpu.memory_space<hbm>> -> memref<32x64xf32, #tpu.memory_space<hbm>>
        %dma_start3A_992 = arith.constant 0 : i32
        %dma_start3A_993 = arith.constant 0 : i32
        %dma_start3A_994 = tpu.memref_slice %arg11[%dma_start3A_992, %dma_start3A_993] : memref<200x64xf32, #tpu.memory_space<vmem>> -> memref<32x64xf32, #tpu.memory_space<vmem>>
        tpu.enqueue_dma source(%dma_start3A_994 : memref<32x64xf32, #tpu.memory_space<vmem>>) target(%dma_start3A_991 : memref<32x64xf32, #tpu.memory_space<hbm>>) target_semaphore(%arg28 : memref<!tpu.dma_semaphore, #tpu.memory_space<semaphore_mem>>)
      } else {
      }
      %eq3A_954 = arith.constant 1 : i32
      %eq3A_955 = arith.cmpi eq, %arg0, %eq3A_954 : i32
      %convert_element_type3A_956 = arith.extui %eq3A_955 : i1 to i32
      %cond3A_957 = arith.constant 0 : i32
      %cond3A_958 = arith.cmpi ne, %convert_element_type3A_956, %cond3A_957 : i32
      scf.if %cond3A_958 {
        %dma_start3A_983 = arith.constant 0 : i32
        %dma_start3A_984 = arith.constant 0 : i32
        %dma_start3A_985 = tpu.memref_slice %arg11[%dma_start3A_983, %dma_start3A_984] : memref<200x64xf32, #tpu.memory_space<vmem>> -> memref<32x64xf32, #tpu.memory_space<vmem>>
        %dma_start3A_986 = arith.constant 19968 : i32
        %dma_start3A_987 = arith.constant 0 : i32
        %dma_start3A_988 = tpu.memref_slice %arg8[%dma_start3A_986, %dma_start3A_987] : memref<20000x64xf32, #tpu.memory_space<hbm>> -> memref<32x64xf32, #tpu.memory_space<hbm>>
        %dma_start3A_989 = arith.constant 19968 : i32
        %dma_start3A_990 = arith.constant 0 : i32
        %dma_start3A_991 = tpu.memref_slice %arg8[%dma_start3A_989, %dma_start3A_990] : memref<20000x64xf32, #tpu.memory_space<hbm>> -> memref<32x64xf32, #tpu.memory_space<hbm>>
        %dma_start3A_992 = arith.constant 0 : i32
        %dma_start3A_993 = arith.constant 0 : i32
        %dma_start3A_994 = tpu.memref_slice %arg11[%dma_start3A_992, %dma_start3A_993] : memref<200x64xf32, #tpu.memory_space<vmem>> -> memref<32x64xf32, #tpu.memory_space<vmem>>
        tpu.enqueue_dma source(%dma_start3A_994 : memref<32x64xf32, #tpu.memory_space<vmem>>) target(%dma_start3A_991 : memref<32x64xf32, #tpu.memory_space<hbm>>) target_semaphore(%arg28 : memref<!tpu.dma_semaphore, #tpu.memory_space<semaphore_mem>>)
      } else {
      }
      %dma_wait3A_959 = arith.constant 0 : i32
      %dma_wait3A_960 = arith.constant 0 : i32
      %dma_wait3A_961 = tpu.memref_slice %arg11[%dma_wait3A_959, %dma_wait3A_960] : memref<200x64xf32, #tpu.memory_space<vmem>> -> memref<32x64xf32, #tpu.memory_space<vmem>>
      %dma_wait3A_962 = arith.constant 19968 : i32
      %dma_wait3A_963 = arith.constant 0 : i32
      %dma_wait3A_964 = tpu.memref_slice %arg7[%dma_wait3A_962, %dma_wait3A_963] : memref<20000x64xf32, #tpu.memory_space<hbm>> -> memref<32x64xf32, #tpu.memory_space<hbm>>
      %dma_wait3A_965 = arith.constant 19968 : i32
      %dma_wait3A_966 = arith.constant 0 : i32
      %dma_wait3A_967 = tpu.memref_slice %arg7[%dma_wait3A_965, %dma_wait3A_966] : memref<20000x64xf32, #tpu.memory_space<hbm>> -> memref<32x64xf32, #tpu.memory_space<hbm>>
      %dma_wait3A_968 = arith.constant 0 : i32
      %dma_wait3A_969 = arith.constant 0 : i32
      %dma_wait3A_970 = tpu.memref_slice %arg11[%dma_wait3A_968, %dma_wait3A_969] : memref<200x64xf32, #tpu.memory_space<vmem>> -> memref<32x64xf32, #tpu.memory_space<vmem>>
      tpu.wait_dma2 semaphore(%arg28 : memref<!tpu.dma_semaphore, #tpu.memory_space<semaphore_mem>>) src(%dma_wait3A_970 : memref<32x64xf32, #tpu.memory_space<vmem>>) dst(%dma_wait3A_967 : memref<32x64xf32, #tpu.memory_space<hbm>>)
      %dma_wait3A_971 = arith.constant 0 : i32
      %dma_wait3A_972 = arith.constant 0 : i32
      %dma_wait3A_973 = tpu.memref_slice %arg23[%dma_wait3A_971, %dma_wait3A_972] : memref<200x64xf32, #tpu.memory_space<vmem>> -> memref<32x64xf32, #tpu.memory_space<vmem>>
      %dma_wait3A_974 = arith.constant 19968 : i32
      %dma_wait3A_975 = arith.constant 0 : i32
      %dma_wait3A_976 = tpu.memref_slice %arg9[%dma_wait3A_974, %dma_wait3A_975] : memref<20000x64xf32, #tpu.memory_space<vmem_shared>> -> memref<32x64xf32, #tpu.memory_space<vmem_shared>>
      %dma_wait3A_977 = arith.constant 19968 : i32
      %dma_wait3A_978 = arith.constant 0 : i32
      %dma_wait3A_979 = tpu.memref_slice %arg9[%dma_wait3A_977, %dma_wait3A_978] : memref<20000x64xf32, #tpu.memory_space<vmem_shared>> -> memref<32x64xf32, #tpu.memory_space<vmem_shared>>
      %dma_wait3A_980 = arith.constant 0 : i32
      %dma_wait3A_981 = arith.constant 0 : i32
      %dma_wait3A_982 = tpu.memref_slice %arg23[%dma_wait3A_980, %dma_wait3A_981] : memref<200x64xf32, #tpu.memory_space<vmem>> -> memref<32x64xf32, #tpu.memory_space<vmem>>
      tpu.wait_dma2 semaphore(%arg25 : memref<!tpu.dma_semaphore, #tpu.memory_space<semaphore_mem>>) src(%dma_wait3A_982 : memref<32x64xf32, #tpu.memory_space<vmem>>) dst(%dma_wait3A_979 : memref<32x64xf32, #tpu.memory_space<vmem_shared>>)
    } else {
    }
    %barrier3A_771 = arith.constant 0 : index
    tpu.barrier barrier_id(%barrier3A_771)
    %mul3A_772 = arith.constant 20000 : i32
    %mul3A_773 = arith.muli %arg1, %mul3A_772 : i32
    %add3A_774 = arith.constant 0 : i32
    %add3A_775 = arith.addi %mul3A_773, %add3A_774 : i32
    %dma_start3A_776 = tpu.memref_slice %arg4[%add3A_775] : memref<320000xi32, #tpu.memory_space<hbm>> -> memref<200xi32, #tpu.memory_space<hbm>>
    %dma_start3A_777 = tpu.memref_slice %arg4[%add3A_775] : memref<320000xi32, #tpu.memory_space<hbm>> -> memref<200xi32, #tpu.memory_space<hbm>>
    tpu.enqueue_dma source(%dma_start3A_777 : memref<200xi32, #tpu.memory_space<hbm>>) target(%arg13 : memref<200xi32, #tpu.memory_space<vmem>>) target_semaphore(%arg26 : memref<!tpu.dma_semaphore, #tpu.memory_space<semaphore_mem>>)
    %dma_start3A_778 = tpu.memref_slice %arg5[%add3A_775] : memref<320000xi32, #tpu.memory_space<hbm>> -> memref<200xi32, #tpu.memory_space<hbm>>
    %dma_start3A_779 = tpu.memref_slice %arg5[%add3A_775] : memref<320000xi32, #tpu.memory_space<hbm>> -> memref<200xi32, #tpu.memory_space<hbm>>
    tpu.enqueue_dma source(%dma_start3A_779 : memref<200xi32, #tpu.memory_space<hbm>>) target(%arg14 : memref<200xi32, #tpu.memory_space<vmem>>) target_semaphore(%arg26 : memref<!tpu.dma_semaphore, #tpu.memory_space<semaphore_mem>>)
    %mul3A_780 = arith.constant 20000 : i32
    %mul3A_781 = arith.muli %arg1, %mul3A_780 : i32
    %add3A_782 = arith.constant 200 : i32
    %add3A_783 = arith.addi %mul3A_781, %add3A_782 : i32
    %dma_start3A_784 = tpu.memref_slice %arg4[%add3A_783] : memref<320000xi32, #tpu.memory_space<hbm>> -> memref<200xi32, #tpu.memory_space<hbm>>
    %dma_start3A_785 = tpu.memref_slice %arg4[%add3A_783] : memref<320000xi32, #tpu.memory_space<hbm>> -> memref<200xi32, #tpu.memory_space<hbm>>
    tpu.enqueue_dma source(%dma_start3A_785 : memref<200xi32, #tpu.memory_space<hbm>>) target(%arg15 : memref<200xi32, #tpu.memory_space<vmem>>) target_semaphore(%arg27 : memref<!tpu.dma_semaphore, #tpu.memory_space<semaphore_mem>>)
    %dma_start3A_786 = tpu.memref_slice %arg5[%add3A_783] : memref<320000xi32, #tpu.memory_space<hbm>> -> memref<200xi32, #tpu.memory_space<hbm>>
    %dma_start3A_787 = tpu.memref_slice %arg5[%add3A_783] : memref<320000xi32, #tpu.memory_space<hbm>> -> memref<200xi32, #tpu.memory_space<hbm>>
    tpu.enqueue_dma source(%dma_start3A_787 : memref<200xi32, #tpu.memory_space<hbm>>) target(%arg16 : memref<200xi32, #tpu.memory_space<vmem>>) target_semaphore(%arg27 : memref<!tpu.dma_semaphore, #tpu.memory_space<semaphore_mem>>)
    %mul3A_788 = arith.constant 20000 : i32
    %mul3A_789 = arith.muli %arg1, %mul3A_788 : i32
    %add3A_790 = arith.constant 400 : i32
    %add3A_791 = arith.addi %mul3A_789, %add3A_790 : i32
    %dma_start3A_792 = tpu.memref_slice %arg4[%add3A_791] : memref<320000xi32, #tpu.memory_space<hbm>> -> memref<200xi32, #tpu.memory_space<hbm>>
    %dma_start3A_793 = tpu.memref_slice %arg4[%add3A_791] : memref<320000xi32, #tpu.memory_space<hbm>> -> memref<200xi32, #tpu.memory_space<hbm>>
    tpu.enqueue_dma source(%dma_start3A_793 : memref<200xi32, #tpu.memory_space<hbm>>) target(%arg17 : memref<200xi32, #tpu.memory_space<vmem>>) target_semaphore(%arg28 : memref<!tpu.dma_semaphore, #tpu.memory_space<semaphore_mem>>)
    %dma_start3A_794 = tpu.memref_slice %arg5[%add3A_791] : memref<320000xi32, #tpu.memory_space<hbm>> -> memref<200xi32, #tpu.memory_space<hbm>>
    %dma_start3A_795 = tpu.memref_slice %arg5[%add3A_791] : memref<320000xi32, #tpu.memory_space<hbm>> -> memref<200xi32, #tpu.memory_space<hbm>>
    tpu.enqueue_dma source(%dma_start3A_795 : memref<200xi32, #tpu.memory_space<hbm>>) target(%arg18 : memref<200xi32, #tpu.memory_space<vmem>>) target_semaphore(%arg28 : memref<!tpu.dma_semaphore, #tpu.memory_space<semaphore_mem>>)
    %mul3A_796 = arith.constant 20000 : i32
    %mul3A_797 = arith.muli %arg1, %mul3A_796 : i32
    %add3A_798 = arith.constant 600 : i32
    %add3A_799 = arith.addi %mul3A_797, %add3A_798 : i32
    %dma_start3A_800 = tpu.memref_slice %arg4[%add3A_799] : memref<320000xi32, #tpu.memory_space<hbm>> -> memref<200xi32, #tpu.memory_space<hbm>>
    %dma_start3A_801 = tpu.memref_slice %arg4[%add3A_799] : memref<320000xi32, #tpu.memory_space<hbm>> -> memref<200xi32, #tpu.memory_space<hbm>>
    tpu.enqueue_dma source(%dma_start3A_801 : memref<200xi32, #tpu.memory_space<hbm>>) target(%arg19 : memref<200xi32, #tpu.memory_space<vmem>>) target_semaphore(%arg29 : memref<!tpu.dma_semaphore, #tpu.memory_space<semaphore_mem>>)
    %dma_start3A_802 = tpu.memref_slice %arg5[%add3A_799] : memref<320000xi32, #tpu.memory_space<hbm>> -> memref<200xi32, #tpu.memory_space<hbm>>
    %dma_start3A_803 = tpu.memref_slice %arg5[%add3A_799] : memref<320000xi32, #tpu.memory_space<hbm>> -> memref<200xi32, #tpu.memory_space<hbm>>
    tpu.enqueue_dma source(%dma_start3A_803 : memref<200xi32, #tpu.memory_space<hbm>>) target(%arg20 : memref<200xi32, #tpu.memory_space<vmem>>) target_semaphore(%arg29 : memref<!tpu.dma_semaphore, #tpu.memory_space<semaphore_mem>>)
    %dma_wait3A_804 = arith.constant 0 : i32
    %dma_wait3A_805 = tpu.memref_slice %arg4[%dma_wait3A_804] : memref<320000xi32, #tpu.memory_space<hbm>> -> memref<200xi32, #tpu.memory_space<hbm>>
    %dma_wait3A_806 = arith.constant 0 : i32
    %dma_wait3A_807 = tpu.memref_slice %arg4[%dma_wait3A_806] : memref<320000xi32, #tpu.memory_space<hbm>> -> memref<200xi32, #tpu.memory_space<hbm>>
    tpu.wait_dma2 semaphore(%arg26 : memref<!tpu.dma_semaphore, #tpu.memory_space<semaphore_mem>>) src(%dma_wait3A_807 : memref<200xi32, #tpu.memory_space<hbm>>) dst(%arg13 : memref<200xi32, #tpu.memory_space<vmem>>)
    %dma_wait3A_808 = arith.constant 0 : i32
    %dma_wait3A_809 = tpu.memref_slice %arg5[%dma_wait3A_808] : memref<320000xi32, #tpu.memory_space<hbm>> -> memref<200xi32, #tpu.memory_space<hbm>>
    %dma_wait3A_810 = arith.constant 0 : i32
    %dma_wait3A_811 = tpu.memref_slice %arg5[%dma_wait3A_810] : memref<320000xi32, #tpu.memory_space<hbm>> -> memref<200xi32, #tpu.memory_space<hbm>>
    tpu.wait_dma2 semaphore(%arg26 : memref<!tpu.dma_semaphore, #tpu.memory_space<semaphore_mem>>) src(%dma_wait3A_811 : memref<200xi32, #tpu.memory_space<hbm>>) dst(%arg14 : memref<200xi32, #tpu.memory_space<vmem>>)
    %eq3A_812 = arith.constant 0 : i32
    %eq3A_813 = arith.cmpi eq, %arg0, %eq3A_812 : i32
    %convert_element_type3A_814 = arith.extui %eq3A_813 : i1 to i32
    %cond3A_815 = arith.constant 0 : i32
    %cond3A_816 = arith.cmpi ne, %convert_element_type3A_814, %cond3A_815 : i32
    scf.if %cond3A_816 {
      %dma_start3A_927 = arith.constant 0 : i32
      %dma_start3A_928 = arith.constant 0 : i32
      %dma_start3A_929 = tpu.memref_slice %arg7[%dma_start3A_927, %dma_start3A_928] : memref<20000x64xf32, #tpu.memory_space<hbm>> -> memref<20000x64xf32, #tpu.memory_space<hbm>>
      tpu.enqueue_indirect_dma source(%dma_start3A_929 : memref<20000x64xf32, #tpu.memory_space<hbm>>) target(%arg11 : memref<200x64xf32, #tpu.memory_space<vmem>>) offsets(%arg14 : memref<200xi32, #tpu.memory_space<vmem>>) semaphore(%arg24 : memref<!tpu.dma_semaphore, #tpu.memory_space<semaphore_mem>>)
    } else {
    }
    %eq3A_817 = arith.constant 1 : i32
    %eq3A_818 = arith.cmpi eq, %arg0, %eq3A_817 : i32
    %convert_element_type3A_819 = arith.extui %eq3A_818 : i1 to i32
    %cond3A_820 = arith.constant 0 : i32
    %cond3A_821 = arith.cmpi ne, %convert_element_type3A_819, %cond3A_820 : i32
    scf.if %cond3A_821 {
      %dma_start3A_927 = arith.constant 0 : i32
      %dma_start3A_928 = arith.constant 0 : i32
      %dma_start3A_929 = tpu.memref_slice %arg8[%dma_start3A_927, %dma_start3A_928] : memref<20000x64xf32, #tpu.memory_space<hbm>> -> memref<20000x64xf32, #tpu.memory_space<hbm>>
      tpu.enqueue_indirect_dma source(%dma_start3A_929 : memref<20000x64xf32, #tpu.memory_space<hbm>>) target(%arg11 : memref<200x64xf32, #tpu.memory_space<vmem>>) offsets(%arg14 : memref<200xi32, #tpu.memory_space<vmem>>) semaphore(%arg24 : memref<!tpu.dma_semaphore, #tpu.memory_space<semaphore_mem>>)
    } else {
    }
    %scan3A_822 = arith.constant 0 : i32
    %scan3A_823 = arith.constant 25 : i32
    %scan3A_824 = arith.addi %scan3A_822, %scan3A_823 : i32
    %scan3A_825 = arith.constant 1 : i32
    scf.for %scan3A_927 = %scan3A_822 to %scan3A_824 step %scan3A_825  : i32 {
      %mul3A_928 = arith.constant 4 : i32
      %mul3A_929 = arith.muli %scan3A_927, %mul3A_928 : i32
      %add3A_930 = arith.constant 0 : i32
      %add3A_931 = arith.addi %add3A_930, %mul3A_929 : i32
      %dma_wait3A_932 = arith.constant 0 : i32
      %dma_wait3A_933 = tpu.memref_slice %arg4[%dma_wait3A_932] : memref<320000xi32, #tpu.memory_space<hbm>> -> memref<200xi32, #tpu.memory_space<hbm>>
      %dma_wait3A_934 = arith.constant 0 : i32
      %dma_wait3A_935 = tpu.memref_slice %arg4[%dma_wait3A_934] : memref<320000xi32, #tpu.memory_space<hbm>> -> memref<200xi32, #tpu.memory_space<hbm>>
      tpu.wait_dma2 semaphore(%arg27 : memref<!tpu.dma_semaphore, #tpu.memory_space<semaphore_mem>>) src(%dma_wait3A_935 : memref<200xi32, #tpu.memory_space<hbm>>) dst(%arg15 : memref<200xi32, #tpu.memory_space<vmem>>)
      %dma_wait3A_936 = arith.constant 0 : i32
      %dma_wait3A_937 = tpu.memref_slice %arg5[%dma_wait3A_936] : memref<320000xi32, #tpu.memory_space<hbm>> -> memref<200xi32, #tpu.memory_space<hbm>>
      %dma_wait3A_938 = arith.constant 0 : i32
      %dma_wait3A_939 = tpu.memref_slice %arg5[%dma_wait3A_938] : memref<320000xi32, #tpu.memory_space<hbm>> -> memref<200xi32, #tpu.memory_space<hbm>>
      tpu.wait_dma2 semaphore(%arg27 : memref<!tpu.dma_semaphore, #tpu.memory_space<semaphore_mem>>) src(%dma_wait3A_939 : memref<200xi32, #tpu.memory_space<hbm>>) dst(%arg16 : memref<200xi32, #tpu.memory_space<vmem>>)
      %eq3A_940 = arith.constant 0 : i32
      %eq3A_941 = arith.cmpi eq, %arg0, %eq3A_940 : i32
      %convert_element_type3A_942 = arith.extui %eq3A_941 : i1 to i32
      %cond3A_943 = arith.constant 0 : i32
      %cond3A_944 = arith.cmpi ne, %convert_element_type3A_942, %cond3A_943 : i32
      scf.if %cond3A_944 {
        %dma_start3A_1040 = arith.constant 0 : i32
        %dma_start3A_1041 = arith.constant 0 : i32
        %dma_start3A_1042 = tpu.memref_slice %arg7[%dma_start3A_1040, %dma_start3A_1041] : memref<20000x64xf32, #tpu.memory_space<hbm>> -> memref<20000x64xf32, #tpu.memory_space<hbm>>
        tpu.enqueue_indirect_dma source(%dma_start3A_1042 : memref<20000x64xf32, #tpu.memory_space<hbm>>) target(%arg12 : memref<200x64xf32, #tpu.memory_space<vmem>>) offsets(%arg16 : memref<200xi32, #tpu.memory_space<vmem>>) semaphore(%arg25 : memref<!tpu.dma_semaphore, #tpu.memory_space<semaphore_mem>>)
      } else {
      }
      %eq3A_945 = arith.constant 1 : i32
      %eq3A_946 = arith.cmpi eq, %arg0, %eq3A_945 : i32
      %convert_element_type3A_947 = arith.extui %eq3A_946 : i1 to i32
      %cond3A_948 = arith.constant 0 : i32
      %cond3A_949 = arith.cmpi ne, %convert_element_type3A_947, %cond3A_948 : i32
      scf.if %cond3A_949 {
        %dma_start3A_1040 = arith.constant 0 : i32
        %dma_start3A_1041 = arith.constant 0 : i32
        %dma_start3A_1042 = tpu.memref_slice %arg8[%dma_start3A_1040, %dma_start3A_1041] : memref<20000x64xf32, #tpu.memory_space<hbm>> -> memref<20000x64xf32, #tpu.memory_space<hbm>>
        tpu.enqueue_indirect_dma source(%dma_start3A_1042 : memref<20000x64xf32, #tpu.memory_space<hbm>>) target(%arg12 : memref<200x64xf32, #tpu.memory_space<vmem>>) offsets(%arg16 : memref<200xi32, #tpu.memory_space<vmem>>) semaphore(%arg25 : memref<!tpu.dma_semaphore, #tpu.memory_space<semaphore_mem>>)
      } else {
      }
      %dma_wait3A_950 = arith.constant 0 : i32
      %dma_wait3A_951 = arith.constant 0 : i32
      %dma_wait3A_952 = tpu.memref_slice %arg7[%dma_wait3A_950, %dma_wait3A_951] : memref<20000x64xf32, #tpu.memory_space<hbm>> -> memref<20000x64xf32, #tpu.memory_space<hbm>>
      tpu.wait_indirect_dma semaphore(%arg24 : memref<!tpu.dma_semaphore, #tpu.memory_space<semaphore_mem>>) src(%dma_wait3A_952 : memref<20000x64xf32, #tpu.memory_space<hbm>>) dst(%arg11 : memref<200x64xf32, #tpu.memory_space<vmem>>)
      "tpu.region"() ({
        %run_scoped3A = tpu.sem_alloc : memref<!tpu.dma_semaphore, #tpu.memory_space<semaphore_mem>>
        %dma_start3A_1040 = arith.constant 0 : i32
        %dma_start3A_1041 = arith.constant 0 : i32
        %dma_start3A_1042 = tpu.memref_slice %arg9[%dma_start3A_1040, %dma_start3A_1041] : memref<20000x64xf32, #tpu.memory_space<vmem_shared>> -> memref<20000x64xf32, #tpu.memory_space<vmem_shared>>
        tpu.enqueue_indirect_dma source(%arg11 : memref<200x64xf32, #tpu.memory_space<vmem>>) target(%dma_start3A_1042 : memref<20000x64xf32, #tpu.memory_space<vmem_shared>>) offsets(%arg13 : memref<200xi32, #tpu.memory_space<vmem>>) semaphore(%run_scoped3A : memref<!tpu.dma_semaphore, #tpu.memory_space<semaphore_mem>>) {add = true}
        %dma_wait3A_1043 = arith.constant 0 : i32
        %dma_wait3A_1044 = arith.constant 0 : i32
        %dma_wait3A_1045 = tpu.memref_slice %arg9[%dma_wait3A_1043, %dma_wait3A_1044] : memref<20000x64xf32, #tpu.memory_space<vmem_shared>> -> memref<20000x64xf32, #tpu.memory_space<vmem_shared>>
        tpu.wait_indirect_dma semaphore(%run_scoped3A : memref<!tpu.dma_semaphore, #tpu.memory_space<semaphore_mem>>) src(%arg11 : memref<200x64xf32, #tpu.memory_space<vmem>>) dst(%dma_wait3A_1045 : memref<20000x64xf32, #tpu.memory_space<vmem_shared>>)
        tpu.yield
      }) : () -> ()
      %add3A_953 = arith.constant 0 : i32
      %add3A_954 = arith.addi %add3A_931, %add3A_953 : i32
      %add3A_955 = arith.constant 4 : i32
      %add3A_956 = arith.addi %add3A_954, %add3A_955 : i32
      %lt3A = arith.constant 100 : i32
      %lt3A_957 = arith.cmpi slt, %add3A_956, %lt3A : i32
      %convert_element_type3A_958 = arith.extui %lt3A_957 : i1 to i32
      %cond3A_959 = arith.constant 0 : i32
      %cond3A_960 = arith.cmpi ne, %convert_element_type3A_958, %cond3A_959 : i32
      scf.if %cond3A_960 {
        %add3A_1040 = arith.constant 0 : i32
        %add3A_1041 = arith.addi %add3A_931, %add3A_1040 : i32
        %add3A_1042 = arith.constant 4 : i32
        %add3A_1043 = arith.addi %add3A_1041, %add3A_1042 : i32
        %mul3A_1044 = arith.constant 20000 : i32
        %mul3A_1045 = arith.muli %arg1, %mul3A_1044 : i32
        %mul3A_1046 = arith.constant 200 : i32
        %mul3A_1047 = arith.muli %add3A_1043, %mul3A_1046 : i32
        %add3A_1048 = arith.addi %mul3A_1045, %mul3A_1047 : i32
        %dma_start3A_1049 = tpu.memref_slice %arg4[%add3A_1048] : memref<320000xi32, #tpu.memory_space<hbm>> -> memref<200xi32, #tpu.memory_space<hbm>>
        %dma_start3A_1050 = tpu.memref_slice %arg4[%add3A_1048] : memref<320000xi32, #tpu.memory_space<hbm>> -> memref<200xi32, #tpu.memory_space<hbm>>
        tpu.enqueue_dma source(%dma_start3A_1050 : memref<200xi32, #tpu.memory_space<hbm>>) target(%arg13 : memref<200xi32, #tpu.memory_space<vmem>>) target_semaphore(%arg26 : memref<!tpu.dma_semaphore, #tpu.memory_space<semaphore_mem>>)
        %dma_start3A_1051 = tpu.memref_slice %arg5[%add3A_1048] : memref<320000xi32, #tpu.memory_space<hbm>> -> memref<200xi32, #tpu.memory_space<hbm>>
        %dma_start3A_1052 = tpu.memref_slice %arg5[%add3A_1048] : memref<320000xi32, #tpu.memory_space<hbm>> -> memref<200xi32, #tpu.memory_space<hbm>>
        tpu.enqueue_dma source(%dma_start3A_1052 : memref<200xi32, #tpu.memory_space<hbm>>) target(%arg14 : memref<200xi32, #tpu.memory_space<vmem>>) target_semaphore(%arg26 : memref<!tpu.dma_semaphore, #tpu.memory_space<semaphore_mem>>)
      } else {
      }
      %dma_wait3A_961 = arith.constant 0 : i32
      %dma_wait3A_962 = tpu.memref_slice %arg4[%dma_wait3A_961] : memref<320000xi32, #tpu.memory_space<hbm>> -> memref<200xi32, #tpu.memory_space<hbm>>
      %dma_wait3A_963 = arith.constant 0 : i32
      %dma_wait3A_964 = tpu.memref_slice %arg4[%dma_wait3A_963] : memref<320000xi32, #tpu.memory_space<hbm>> -> memref<200xi32, #tpu.memory_space<hbm>>
      tpu.wait_dma2 semaphore(%arg28 : memref<!tpu.dma_semaphore, #tpu.memory_space<semaphore_mem>>) src(%dma_wait3A_964 : memref<200xi32, #tpu.memory_space<hbm>>) dst(%arg17 : memref<200xi32, #tpu.memory_space<vmem>>)
      %dma_wait3A_965 = arith.constant 0 : i32
      %dma_wait3A_966 = tpu.memref_slice %arg5[%dma_wait3A_965] : memref<320000xi32, #tpu.memory_space<hbm>> -> memref<200xi32, #tpu.memory_space<hbm>>
      %dma_wait3A_967 = arith.constant 0 : i32
      %dma_wait3A_968 = tpu.memref_slice %arg5[%dma_wait3A_967] : memref<320000xi32, #tpu.memory_space<hbm>> -> memref<200xi32, #tpu.memory_space<hbm>>
      tpu.wait_dma2 semaphore(%arg28 : memref<!tpu.dma_semaphore, #tpu.memory_space<semaphore_mem>>) src(%dma_wait3A_968 : memref<200xi32, #tpu.memory_space<hbm>>) dst(%arg18 : memref<200xi32, #tpu.memory_space<vmem>>)
      %eq3A_969 = arith.constant 0 : i32
      %eq3A_970 = arith.cmpi eq, %arg0, %eq3A_969 : i32
      %convert_element_type3A_971 = arith.extui %eq3A_970 : i1 to i32
      %cond3A_972 = arith.constant 0 : i32
      %cond3A_973 = arith.cmpi ne, %convert_element_type3A_971, %cond3A_972 : i32
      scf.if %cond3A_973 {
        %dma_start3A_1040 = arith.constant 0 : i32
        %dma_start3A_1041 = arith.constant 0 : i32
        %dma_start3A_1042 = tpu.memref_slice %arg7[%dma_start3A_1040, %dma_start3A_1041] : memref<20000x64xf32, #tpu.memory_space<hbm>> -> memref<20000x64xf32, #tpu.memory_space<hbm>>
        tpu.enqueue_indirect_dma source(%dma_start3A_1042 : memref<20000x64xf32, #tpu.memory_space<hbm>>) target(%arg11 : memref<200x64xf32, #tpu.memory_space<vmem>>) offsets(%arg18 : memref<200xi32, #tpu.memory_space<vmem>>) semaphore(%arg24 : memref<!tpu.dma_semaphore, #tpu.memory_space<semaphore_mem>>)
      } else {
      }
      %eq3A_974 = arith.constant 1 : i32
      %eq3A_975 = arith.cmpi eq, %arg0, %eq3A_974 : i32
      %convert_element_type3A_976 = arith.extui %eq3A_975 : i1 to i32
      %cond3A_977 = arith.constant 0 : i32
      %cond3A_978 = arith.cmpi ne, %convert_element_type3A_976, %cond3A_977 : i32
      scf.if %cond3A_978 {
        %dma_start3A_1040 = arith.constant 0 : i32
        %dma_start3A_1041 = arith.constant 0 : i32
        %dma_start3A_1042 = tpu.memref_slice %arg8[%dma_start3A_1040, %dma_start3A_1041] : memref<20000x64xf32, #tpu.memory_space<hbm>> -> memref<20000x64xf32, #tpu.memory_space<hbm>>
        tpu.enqueue_indirect_dma source(%dma_start3A_1042 : memref<20000x64xf32, #tpu.memory_space<hbm>>) target(%arg11 : memref<200x64xf32, #tpu.memory_space<vmem>>) offsets(%arg18 : memref<200xi32, #tpu.memory_space<vmem>>) semaphore(%arg24 : memref<!tpu.dma_semaphore, #tpu.memory_space<semaphore_mem>>)
      } else {
      }
      %dma_wait3A_979 = arith.constant 0 : i32
      %dma_wait3A_980 = arith.constant 0 : i32
      %dma_wait3A_981 = tpu.memref_slice %arg7[%dma_wait3A_979, %dma_wait3A_980] : memref<20000x64xf32, #tpu.memory_space<hbm>> -> memref<20000x64xf32, #tpu.memory_space<hbm>>
      tpu.wait_indirect_dma semaphore(%arg25 : memref<!tpu.dma_semaphore, #tpu.memory_space<semaphore_mem>>) src(%dma_wait3A_981 : memref<20000x64xf32, #tpu.memory_space<hbm>>) dst(%arg12 : memref<200x64xf32, #tpu.memory_space<vmem>>)
      "tpu.region"() ({
        %run_scoped3A = tpu.sem_alloc : memref<!tpu.dma_semaphore, #tpu.memory_space<semaphore_mem>>
        %dma_start3A_1040 = arith.constant 0 : i32
        %dma_start3A_1041 = arith.constant 0 : i32
        %dma_start3A_1042 = tpu.memref_slice %arg9[%dma_start3A_1040, %dma_start3A_1041] : memref<20000x64xf32, #tpu.memory_space<vmem_shared>> -> memref<20000x64xf32, #tpu.memory_space<vmem_shared>>
        tpu.enqueue_indirect_dma source(%arg12 : memref<200x64xf32, #tpu.memory_space<vmem>>) target(%dma_start3A_1042 : memref<20000x64xf32, #tpu.memory_space<vmem_shared>>) offsets(%arg15 : memref<200xi32, #tpu.memory_space<vmem>>) semaphore(%run_scoped3A : memref<!tpu.dma_semaphore, #tpu.memory_space<semaphore_mem>>) {add = true}
        %dma_wait3A_1043 = arith.constant 0 : i32
        %dma_wait3A_1044 = arith.constant 0 : i32
        %dma_wait3A_1045 = tpu.memref_slice %arg9[%dma_wait3A_1043, %dma_wait3A_1044] : memref<20000x64xf32, #tpu.memory_space<vmem_shared>> -> memref<20000x64xf32, #tpu.memory_space<vmem_shared>>
        tpu.wait_indirect_dma semaphore(%run_scoped3A : memref<!tpu.dma_semaphore, #tpu.memory_space<semaphore_mem>>) src(%arg12 : memref<200x64xf32, #tpu.memory_space<vmem>>) dst(%dma_wait3A_1045 : memref<20000x64xf32, #tpu.memory_space<vmem_shared>>)
        tpu.yield
      }) : () -> ()
      %add3A_982 = arith.constant 1 : i32
      %add3A_983 = arith.addi %add3A_931, %add3A_982 : i32
      %add3A_984 = arith.constant 4 : i32
      %add3A_985 = arith.addi %add3A_983, %add3A_984 : i32
      %lt3A_986 = arith.constant 100 : i32
      %lt3A_987 = arith.cmpi slt, %add3A_985, %lt3A_986 : i32
      %convert_element_type3A_988 = arith.extui %lt3A_987 : i1 to i32
      %cond3A_989 = arith.constant 0 : i32
      %cond3A_990 = arith.cmpi ne, %convert_element_type3A_988, %cond3A_989 : i32
      scf.if %cond3A_990 {
        %add3A_1040 = arith.constant 1 : i32
        %add3A_1041 = arith.addi %add3A_931, %add3A_1040 : i32
        %add3A_1042 = arith.constant 4 : i32
        %add3A_1043 = arith.addi %add3A_1041, %add3A_1042 : i32
        %mul3A_1044 = arith.constant 20000 : i32
        %mul3A_1045 = arith.muli %arg1, %mul3A_1044 : i32
        %mul3A_1046 = arith.constant 200 : i32
        %mul3A_1047 = arith.muli %add3A_1043, %mul3A_1046 : i32
        %add3A_1048 = arith.addi %mul3A_1045, %mul3A_1047 : i32
        %dma_start3A_1049 = tpu.memref_slice %arg4[%add3A_1048] : memref<320000xi32, #tpu.memory_space<hbm>> -> memref<200xi32, #tpu.memory_space<hbm>>
        %dma_start3A_1050 = tpu.memref_slice %arg4[%add3A_1048] : memref<320000xi32, #tpu.memory_space<hbm>> -> memref<200xi32, #tpu.memory_space<hbm>>
        tpu.enqueue_dma source(%dma_start3A_1050 : memref<200xi32, #tpu.memory_space<hbm>>) target(%arg15 : memref<200xi32, #tpu.memory_space<vmem>>) target_semaphore(%arg27 : memref<!tpu.dma_semaphore, #tpu.memory_space<semaphore_mem>>)
        %dma_start3A_1051 = tpu.memref_slice %arg5[%add3A_1048] : memref<320000xi32, #tpu.memory_space<hbm>> -> memref<200xi32, #tpu.memory_space<hbm>>
        %dma_start3A_1052 = tpu.memref_slice %arg5[%add3A_1048] : memref<320000xi32, #tpu.memory_space<hbm>> -> memref<200xi32, #tpu.memory_space<hbm>>
        tpu.enqueue_dma source(%dma_start3A_1052 : memref<200xi32, #tpu.memory_space<hbm>>) target(%arg16 : memref<200xi32, #tpu.memory_space<vmem>>) target_semaphore(%arg27 : memref<!tpu.dma_semaphore, #tpu.memory_space<semaphore_mem>>)
      } else {
      }
      %dma_wait3A_991 = arith.constant 0 : i32
      %dma_wait3A_992 = tpu.memref_slice %arg4[%dma_wait3A_991] : memref<320000xi32, #tpu.memory_space<hbm>> -> memref<200xi32, #tpu.memory_space<hbm>>
      %dma_wait3A_993 = arith.constant 0 : i32
      %dma_wait3A_994 = tpu.memref_slice %arg4[%dma_wait3A_993] : memref<320000xi32, #tpu.memory_space<hbm>> -> memref<200xi32, #tpu.memory_space<hbm>>
      tpu.wait_dma2 semaphore(%arg29 : memref<!tpu.dma_semaphore, #tpu.memory_space<semaphore_mem>>) src(%dma_wait3A_994 : memref<200xi32, #tpu.memory_space<hbm>>) dst(%arg19 : memref<200xi32, #tpu.memory_space<vmem>>)
      %dma_wait3A_995 = arith.constant 0 : i32
      %dma_wait3A_996 = tpu.memref_slice %arg5[%dma_wait3A_995] : memref<320000xi32, #tpu.memory_space<hbm>> -> memref<200xi32, #tpu.memory_space<hbm>>
      %dma_wait3A_997 = arith.constant 0 : i32
      %dma_wait3A_998 = tpu.memref_slice %arg5[%dma_wait3A_997] : memref<320000xi32, #tpu.memory_space<hbm>> -> memref<200xi32, #tpu.memory_space<hbm>>
      tpu.wait_dma2 semaphore(%arg29 : memref<!tpu.dma_semaphore, #tpu.memory_space<semaphore_mem>>) src(%dma_wait3A_998 : memref<200xi32, #tpu.memory_space<hbm>>) dst(%arg20 : memref<200xi32, #tpu.memory_space<vmem>>)
      %eq3A_999 = arith.constant 0 : i32
      %eq3A_1000 = arith.cmpi eq, %arg0, %eq3A_999 : i32
      %convert_element_type3A_1001 = arith.extui %eq3A_1000 : i1 to i32
      %cond3A_1002 = arith.constant 0 : i32
      %cond3A_1003 = arith.cmpi ne, %convert_element_type3A_1001, %cond3A_1002 : i32
      scf.if %cond3A_1003 {
        %dma_start3A_1040 = arith.constant 0 : i32
        %dma_start3A_1041 = arith.constant 0 : i32
        %dma_start3A_1042 = tpu.memref_slice %arg7[%dma_start3A_1040, %dma_start3A_1041] : memref<20000x64xf32, #tpu.memory_space<hbm>> -> memref<20000x64xf32, #tpu.memory_space<hbm>>
        tpu.enqueue_indirect_dma source(%dma_start3A_1042 : memref<20000x64xf32, #tpu.memory_space<hbm>>) target(%arg12 : memref<200x64xf32, #tpu.memory_space<vmem>>) offsets(%arg20 : memref<200xi32, #tpu.memory_space<vmem>>) semaphore(%arg25 : memref<!tpu.dma_semaphore, #tpu.memory_space<semaphore_mem>>)
      } else {
      }
      %eq3A_1004 = arith.constant 1 : i32
      %eq3A_1005 = arith.cmpi eq, %arg0, %eq3A_1004 : i32
      %convert_element_type3A_1006 = arith.extui %eq3A_1005 : i1 to i32
      %cond3A_1007 = arith.constant 0 : i32
      %cond3A_1008 = arith.cmpi ne, %convert_element_type3A_1006, %cond3A_1007 : i32
      scf.if %cond3A_1008 {
        %dma_start3A_1040 = arith.constant 0 : i32
        %dma_start3A_1041 = arith.constant 0 : i32
        %dma_start3A_1042 = tpu.memref_slice %arg8[%dma_start3A_1040, %dma_start3A_1041] : memref<20000x64xf32, #tpu.memory_space<hbm>> -> memref<20000x64xf32, #tpu.memory_space<hbm>>
        tpu.enqueue_indirect_dma source(%dma_start3A_1042 : memref<20000x64xf32, #tpu.memory_space<hbm>>) target(%arg12 : memref<200x64xf32, #tpu.memory_space<vmem>>) offsets(%arg20 : memref<200xi32, #tpu.memory_space<vmem>>) semaphore(%arg25 : memref<!tpu.dma_semaphore, #tpu.memory_space<semaphore_mem>>)
      } else {
      }
      %dma_wait3A_1009 = arith.constant 0 : i32
      %dma_wait3A_1010 = arith.constant 0 : i32
      %dma_wait3A_1011 = tpu.memref_slice %arg7[%dma_wait3A_1009, %dma_wait3A_1010] : memref<20000x64xf32, #tpu.memory_space<hbm>> -> memref<20000x64xf32, #tpu.memory_space<hbm>>
      tpu.wait_indirect_dma semaphore(%arg24 : memref<!tpu.dma_semaphore, #tpu.memory_space<semaphore_mem>>) src(%dma_wait3A_1011 : memref<20000x64xf32, #tpu.memory_space<hbm>>) dst(%arg11 : memref<200x64xf32, #tpu.memory_space<vmem>>)
      "tpu.region"() ({
        %run_scoped3A = tpu.sem_alloc : memref<!tpu.dma_semaphore, #tpu.memory_space<semaphore_mem>>
        %dma_start3A_1040 = arith.constant 0 : i32
        %dma_start3A_1041 = arith.constant 0 : i32
        %dma_start3A_1042 = tpu.memref_slice %arg9[%dma_start3A_1040, %dma_start3A_1041] : memref<20000x64xf32, #tpu.memory_space<vmem_shared>> -> memref<20000x64xf32, #tpu.memory_space<vmem_shared>>
        tpu.enqueue_indirect_dma source(%arg11 : memref<200x64xf32, #tpu.memory_space<vmem>>) target(%dma_start3A_1042 : memref<20000x64xf32, #tpu.memory_space<vmem_shared>>) offsets(%arg17 : memref<200xi32, #tpu.memory_space<vmem>>) semaphore(%run_scoped3A : memref<!tpu.dma_semaphore, #tpu.memory_space<semaphore_mem>>) {add = true}
        %dma_wait3A_1043 = arith.constant 0 : i32
        %dma_wait3A_1044 = arith.constant 0 : i32
        %dma_wait3A_1045 = tpu.memref_slice %arg9[%dma_wait3A_1043, %dma_wait3A_1044] : memref<20000x64xf32, #tpu.memory_space<vmem_shared>> -> memref<20000x64xf32, #tpu.memory_space<vmem_shared>>
        tpu.wait_indirect_dma semaphore(%run_scoped3A : memref<!tpu.dma_semaphore, #tpu.memory_space<semaphore_mem>>) src(%arg11 : memref<200x64xf32, #tpu.memory_space<vmem>>) dst(%dma_wait3A_1045 : memref<20000x64xf32, #tpu.memory_space<vmem_shared>>)
        tpu.yield
      }) : () -> ()
      %add3A_1012 = arith.constant 2 : i32
      %add3A_1013 = arith.addi %add3A_931, %add3A_1012 : i32
      %add3A_1014 = arith.constant 4 : i32
      %add3A_1015 = arith.addi %add3A_1013, %add3A_1014 : i32
      %lt3A_1016 = arith.constant 100 : i32
      %lt3A_1017 = arith.cmpi slt, %add3A_1015, %lt3A_1016 : i32
      %convert_element_type3A_1018 = arith.extui %lt3A_1017 : i1 to i32
      %cond3A_1019 = arith.constant 0 : i32
      %cond3A_1020 = arith.cmpi ne, %convert_element_type3A_1018, %cond3A_1019 : i32
      scf.if %cond3A_1020 {
        %add3A_1040 = arith.constant 2 : i32
        %add3A_1041 = arith.addi %add3A_931, %add3A_1040 : i32
        %add3A_1042 = arith.constant 4 : i32
        %add3A_1043 = arith.addi %add3A_1041, %add3A_1042 : i32
        %mul3A_1044 = arith.constant 20000 : i32
        %mul3A_1045 = arith.muli %arg1, %mul3A_1044 : i32
        %mul3A_1046 = arith.constant 200 : i32
        %mul3A_1047 = arith.muli %add3A_1043, %mul3A_1046 : i32
        %add3A_1048 = arith.addi %mul3A_1045, %mul3A_1047 : i32
        %dma_start3A_1049 = tpu.memref_slice %arg4[%add3A_1048] : memref<320000xi32, #tpu.memory_space<hbm>> -> memref<200xi32, #tpu.memory_space<hbm>>
        %dma_start3A_1050 = tpu.memref_slice %arg4[%add3A_1048] : memref<320000xi32, #tpu.memory_space<hbm>> -> memref<200xi32, #tpu.memory_space<hbm>>
        tpu.enqueue_dma source(%dma_start3A_1050 : memref<200xi32, #tpu.memory_space<hbm>>) target(%arg17 : memref<200xi32, #tpu.memory_space<vmem>>) target_semaphore(%arg28 : memref<!tpu.dma_semaphore, #tpu.memory_space<semaphore_mem>>)
        %dma_start3A_1051 = tpu.memref_slice %arg5[%add3A_1048] : memref<320000xi32, #tpu.memory_space<hbm>> -> memref<200xi32, #tpu.memory_space<hbm>>
        %dma_start3A_1052 = tpu.memref_slice %arg5[%add3A_1048] : memref<320000xi32, #tpu.memory_space<hbm>> -> memref<200xi32, #tpu.memory_space<hbm>>
        tpu.enqueue_dma source(%dma_start3A_1052 : memref<200xi32, #tpu.memory_space<hbm>>) target(%arg18 : memref<200xi32, #tpu.memory_space<vmem>>) target_semaphore(%arg28 : memref<!tpu.dma_semaphore, #tpu.memory_space<semaphore_mem>>)
      } else {
      }
      %add3A_1021 = arith.constant 4 : i32
      %add3A_1022 = arith.addi %add3A_931, %add3A_1021 : i32
      %lt3A_1023 = arith.constant 100 : i32
      %lt3A_1024 = arith.cmpi slt, %add3A_1022, %lt3A_1023 : i32
      %convert_element_type3A_1025 = arith.extui %lt3A_1024 : i1 to i32
      %cond3A_1026 = arith.constant 0 : i32
      %cond3A_1027 = arith.cmpi ne, %convert_element_type3A_1025, %cond3A_1026 : i32
      scf.if %cond3A_1027 {
        %dma_wait3A_1040 = arith.constant 0 : i32
        %dma_wait3A_1041 = tpu.memref_slice %arg4[%dma_wait3A_1040] : memref<320000xi32, #tpu.memory_space<hbm>> -> memref<200xi32, #tpu.memory_space<hbm>>
        %dma_wait3A_1042 = arith.constant 0 : i32
        %dma_wait3A_1043 = tpu.memref_slice %arg4[%dma_wait3A_1042] : memref<320000xi32, #tpu.memory_space<hbm>> -> memref<200xi32, #tpu.memory_space<hbm>>
        tpu.wait_dma2 semaphore(%arg26 : memref<!tpu.dma_semaphore, #tpu.memory_space<semaphore_mem>>) src(%dma_wait3A_1043 : memref<200xi32, #tpu.memory_space<hbm>>) dst(%arg13 : memref<200xi32, #tpu.memory_space<vmem>>)
        %dma_wait3A_1044 = arith.constant 0 : i32
        %dma_wait3A_1045 = tpu.memref_slice %arg5[%dma_wait3A_1044] : memref<320000xi32, #tpu.memory_space<hbm>> -> memref<200xi32, #tpu.memory_space<hbm>>
        %dma_wait3A_1046 = arith.constant 0 : i32
        %dma_wait3A_1047 = tpu.memref_slice %arg5[%dma_wait3A_1046] : memref<320000xi32, #tpu.memory_space<hbm>> -> memref<200xi32, #tpu.memory_space<hbm>>
        tpu.wait_dma2 semaphore(%arg26 : memref<!tpu.dma_semaphore, #tpu.memory_space<semaphore_mem>>) src(%dma_wait3A_1047 : memref<200xi32, #tpu.memory_space<hbm>>) dst(%arg14 : memref<200xi32, #tpu.memory_space<vmem>>)
        %eq3A_1048 = arith.constant 0 : i32
        %eq3A_1049 = arith.cmpi eq, %arg0, %eq3A_1048 : i32
        %convert_element_type3A_1050 = arith.extui %eq3A_1049 : i1 to i32
        %cond3A_1051 = arith.constant 0 : i32
        %cond3A_1052 = arith.cmpi ne, %convert_element_type3A_1050, %cond3A_1051 : i32
        scf.if %cond3A_1052 {
          %dma_start3A_1058 = arith.constant 0 : i32
          %dma_start3A_1059 = arith.constant 0 : i32
          %dma_start3A_1060 = tpu.memref_slice %arg7[%dma_start3A_1058, %dma_start3A_1059] : memref<20000x64xf32, #tpu.memory_space<hbm>> -> memref<20000x64xf32, #tpu.memory_space<hbm>>
          tpu.enqueue_indirect_dma source(%dma_start3A_1060 : memref<20000x64xf32, #tpu.memory_space<hbm>>) target(%arg11 : memref<200x64xf32, #tpu.memory_space<vmem>>) offsets(%arg14 : memref<200xi32, #tpu.memory_space<vmem>>) semaphore(%arg24 : memref<!tpu.dma_semaphore, #tpu.memory_space<semaphore_mem>>)
        } else {
        }
        %eq3A_1053 = arith.constant 1 : i32
        %eq3A_1054 = arith.cmpi eq, %arg0, %eq3A_1053 : i32
        %convert_element_type3A_1055 = arith.extui %eq3A_1054 : i1 to i32
        %cond3A_1056 = arith.constant 0 : i32
        %cond3A_1057 = arith.cmpi ne, %convert_element_type3A_1055, %cond3A_1056 : i32
        scf.if %cond3A_1057 {
          %dma_start3A_1058 = arith.constant 0 : i32
          %dma_start3A_1059 = arith.constant 0 : i32
          %dma_start3A_1060 = tpu.memref_slice %arg8[%dma_start3A_1058, %dma_start3A_1059] : memref<20000x64xf32, #tpu.memory_space<hbm>> -> memref<20000x64xf32, #tpu.memory_space<hbm>>
          tpu.enqueue_indirect_dma source(%dma_start3A_1060 : memref<20000x64xf32, #tpu.memory_space<hbm>>) target(%arg11 : memref<200x64xf32, #tpu.memory_space<vmem>>) offsets(%arg14 : memref<200xi32, #tpu.memory_space<vmem>>) semaphore(%arg24 : memref<!tpu.dma_semaphore, #tpu.memory_space<semaphore_mem>>)
        } else {
        }
      } else {
      }
      %dma_wait3A_1028 = arith.constant 0 : i32
      %dma_wait3A_1029 = arith.constant 0 : i32
      %dma_wait3A_1030 = tpu.memref_slice %arg7[%dma_wait3A_1028, %dma_wait3A_1029] : memref<20000x64xf32, #tpu.memory_space<hbm>> -> memref<20000x64xf32, #tpu.memory_space<hbm>>
      tpu.wait_indirect_dma semaphore(%arg25 : memref<!tpu.dma_semaphore, #tpu.memory_space<semaphore_mem>>) src(%dma_wait3A_1030 : memref<20000x64xf32, #tpu.memory_space<hbm>>) dst(%arg12 : memref<200x64xf32, #tpu.memory_space<vmem>>)
      "tpu.region"() ({
        %run_scoped3A = tpu.sem_alloc : memref<!tpu.dma_semaphore, #tpu.memory_space<semaphore_mem>>
        %dma_start3A_1040 = arith.constant 0 : i32
        %dma_start3A_1041 = arith.constant 0 : i32
        %dma_start3A_1042 = tpu.memref_slice %arg9[%dma_start3A_1040, %dma_start3A_1041] : memref<20000x64xf32, #tpu.memory_space<vmem_shared>> -> memref<20000x64xf32, #tpu.memory_space<vmem_shared>>
        tpu.enqueue_indirect_dma source(%arg12 : memref<200x64xf32, #tpu.memory_space<vmem>>) target(%dma_start3A_1042 : memref<20000x64xf32, #tpu.memory_space<vmem_shared>>) offsets(%arg19 : memref<200xi32, #tpu.memory_space<vmem>>) semaphore(%run_scoped3A : memref<!tpu.dma_semaphore, #tpu.memory_space<semaphore_mem>>) {add = true}
        %dma_wait3A_1043 = arith.constant 0 : i32
        %dma_wait3A_1044 = arith.constant 0 : i32
        %dma_wait3A_1045 = tpu.memref_slice %arg9[%dma_wait3A_1043, %dma_wait3A_1044] : memref<20000x64xf32, #tpu.memory_space<vmem_shared>> -> memref<20000x64xf32, #tpu.memory_space<vmem_shared>>
        tpu.wait_indirect_dma semaphore(%run_scoped3A : memref<!tpu.dma_semaphore, #tpu.memory_space<semaphore_mem>>) src(%arg12 : memref<200x64xf32, #tpu.memory_space<vmem>>) dst(%dma_wait3A_1045 : memref<20000x64xf32, #tpu.memory_space<vmem_shared>>)
        tpu.yield
      }) : () -> ()
      %add3A_1031 = arith.constant 3 : i32
      %add3A_1032 = arith.addi %add3A_931, %add3A_1031 : i32
      %add3A_1033 = arith.constant 4 : i32
      %add3A_1034 = arith.addi %add3A_1032, %add3A_1033 : i32
      %lt3A_1035 = arith.constant 100 : i32
      %lt3A_1036 = arith.cmpi slt, %add3A_1034, %lt3A_1035 : i32
      %convert_element_type3A_1037 = arith.extui %lt3A_1036 : i1 to i32
      %cond3A_1038 = arith.constant 0 : i32
      %cond3A_1039 = arith.cmpi ne, %convert_element_type3A_1037, %cond3A_1038 : i32
      scf.if %cond3A_1039 {
        %add3A_1040 = arith.constant 3 : i32
        %add3A_1041 = arith.addi %add3A_931, %add3A_1040 : i32
        %add3A_1042 = arith.constant 4 : i32
        %add3A_1043 = arith.addi %add3A_1041, %add3A_1042 : i32
        %mul3A_1044 = arith.constant 20000 : i32
        %mul3A_1045 = arith.muli %arg1, %mul3A_1044 : i32
        %mul3A_1046 = arith.constant 200 : i32
        %mul3A_1047 = arith.muli %add3A_1043, %mul3A_1046 : i32
        %add3A_1048 = arith.addi %mul3A_1045, %mul3A_1047 : i32
        %dma_start3A_1049 = tpu.memref_slice %arg4[%add3A_1048] : memref<320000xi32, #tpu.memory_space<hbm>> -> memref<200xi32, #tpu.memory_space<hbm>>
        %dma_start3A_1050 = tpu.memref_slice %arg4[%add3A_1048] : memref<320000xi32, #tpu.memory_space<hbm>> -> memref<200xi32, #tpu.memory_space<hbm>>
        tpu.enqueue_dma source(%dma_start3A_1050 : memref<200xi32, #tpu.memory_space<hbm>>) target(%arg19 : memref<200xi32, #tpu.memory_space<vmem>>) target_semaphore(%arg29 : memref<!tpu.dma_semaphore, #tpu.memory_space<semaphore_mem>>)
        %dma_start3A_1051 = tpu.memref_slice %arg5[%add3A_1048] : memref<320000xi32, #tpu.memory_space<hbm>> -> memref<200xi32, #tpu.memory_space<hbm>>
        %dma_start3A_1052 = tpu.memref_slice %arg5[%add3A_1048] : memref<320000xi32, #tpu.memory_space<hbm>> -> memref<200xi32, #tpu.memory_space<hbm>>
        tpu.enqueue_dma source(%dma_start3A_1052 : memref<200xi32, #tpu.memory_space<hbm>>) target(%arg20 : memref<200xi32, #tpu.memory_space<vmem>>) target_semaphore(%arg29 : memref<!tpu.dma_semaphore, #tpu.memory_space<semaphore_mem>>)
      } else {
      }
    }
    %scan3A_826 = arith.constant 25 : i32
    %barrier3A_827 = arith.constant 0 : index
    tpu.barrier barrier_id(%barrier3A_827)
    %add3A_828 = arith.constant 0 : i32
    %add3A_829 = arith.addi %mul3A_3, %add3A_828 : i32
    "tpu.region"() ({
      %run_scoped3A = tpu.sem_alloc : memref<!tpu.dma_semaphore, #tpu.memory_space<semaphore_mem>>
      %dma_start3A_927 = arith.constant 0 : i32
      %dma_start3A_928 = arith.constant 0 : i32
      %dma_start3A_929 = tpu.memref_slice %arg11[%dma_start3A_927, %dma_start3A_928] : memref<200x64xf32, #tpu.memory_space<vmem>> -> memref<200x64xf32, #tpu.memory_space<vmem>>
      %dma_start3A_930 = arith.constant 0 : i32
      %dma_start3A_931 = tpu.memref_slice %arg9[%add3A_829, %dma_start3A_930] : memref<20000x64xf32, #tpu.memory_space<vmem_shared>> -> memref<200x64xf32, #tpu.memory_space<vmem_shared>>
      %dma_start3A_932 = arith.constant 0 : i32
      %dma_start3A_933 = arith.constant 0 : i32
      %dma_start3A_934 = tpu.memref_slice %arg11[%dma_start3A_932, %dma_start3A_933] : memref<200x64xf32, #tpu.memory_space<vmem>> -> memref<200x64xf32, #tpu.memory_space<vmem>>
      %dma_start3A_935 = arith.constant 0 : i32
      %dma_start3A_936 = tpu.memref_slice %arg9[%add3A_829, %dma_start3A_935] : memref<20000x64xf32, #tpu.memory_space<vmem_shared>> -> memref<200x64xf32, #tpu.memory_space<vmem_shared>>
      tpu.enqueue_dma source(%dma_start3A_936 : memref<200x64xf32, #tpu.memory_space<vmem_shared>>) target(%dma_start3A_934 : memref<200x64xf32, #tpu.memory_space<vmem>>) target_semaphore(%run_scoped3A : memref<!tpu.dma_semaphore, #tpu.memory_space<semaphore_mem>>)
      %dma_wait3A_937 = arith.constant 0 : i32
      %dma_wait3A_938 = arith.constant 0 : i32
      %dma_wait3A_939 = tpu.memref_slice %arg11[%dma_wait3A_937, %dma_wait3A_938] : memref<200x64xf32, #tpu.memory_space<vmem>> -> memref<200x64xf32, #tpu.memory_space<vmem>>
      %dma_wait3A_940 = arith.constant 0 : i32
      %dma_wait3A_941 = tpu.memref_slice %arg9[%add3A_829, %dma_wait3A_940] : memref<20000x64xf32, #tpu.memory_space<vmem_shared>> -> memref<200x64xf32, #tpu.memory_space<vmem_shared>>
      %dma_wait3A_942 = arith.constant 0 : i32
      %dma_wait3A_943 = arith.constant 0 : i32
      %dma_wait3A_944 = tpu.memref_slice %arg11[%dma_wait3A_942, %dma_wait3A_943] : memref<200x64xf32, #tpu.memory_space<vmem>> -> memref<200x64xf32, #tpu.memory_space<vmem>>
      %dma_wait3A_945 = arith.constant 0 : i32
      %dma_wait3A_946 = tpu.memref_slice %arg9[%add3A_829, %dma_wait3A_945] : memref<20000x64xf32, #tpu.memory_space<vmem_shared>> -> memref<200x64xf32, #tpu.memory_space<vmem_shared>>
      tpu.wait_dma2 semaphore(%run_scoped3A : memref<!tpu.dma_semaphore, #tpu.memory_space<semaphore_mem>>) src(%dma_wait3A_946 : memref<200x64xf32, #tpu.memory_space<vmem_shared>>) dst(%dma_wait3A_944 : memref<200x64xf32, #tpu.memory_space<vmem>>)
      tpu.yield
    }) : () -> ()
    %eq3A_830 = arith.constant 0 : i32
    %eq3A_831 = arith.cmpi eq, %arg0, %eq3A_830 : i32
    %convert_element_type3A_832 = arith.extui %eq3A_831 : i1 to i32
    %cond3A_833 = arith.constant 0 : i32
    %cond3A_834 = arith.cmpi ne, %convert_element_type3A_832, %cond3A_833 : i32
    scf.if %cond3A_834 {
      %add3A_927 = arith.constant 0 : i32
      %add3A_928 = arith.addi %mul3A_3, %add3A_927 : i32
      %dma_start3A_929 = arith.constant 0 : i32
      %dma_start3A_930 = arith.constant 0 : i32
      %dma_start3A_931 = tpu.memref_slice %arg11[%dma_start3A_929, %dma_start3A_930] : memref<200x64xf32, #tpu.memory_space<vmem>> -> memref<200x64xf32, #tpu.memory_space<vmem>>
      %dma_start3A_932 = arith.constant 0 : i32
      %dma_start3A_933 = tpu.memref_slice %arg6[%add3A_928, %dma_start3A_932] : memref<10000x128xf32, #tpu.memory_space<hbm>> -> memref<200x64xf32, #tpu.memory_space<hbm>>
      %dma_start3A_934 = arith.constant 0 : i32
      %dma_start3A_935 = tpu.memref_slice %arg6[%add3A_928, %dma_start3A_934] : memref<10000x128xf32, #tpu.memory_space<hbm>> -> memref<200x64xf32, #tpu.memory_space<hbm>>
      %dma_start3A_936 = arith.constant 0 : i32
      %dma_start3A_937 = arith.constant 0 : i32
      %dma_start3A_938 = tpu.memref_slice %arg11[%dma_start3A_936, %dma_start3A_937] : memref<200x64xf32, #tpu.memory_space<vmem>> -> memref<200x64xf32, #tpu.memory_space<vmem>>
      tpu.enqueue_dma source(%dma_start3A_938 : memref<200x64xf32, #tpu.memory_space<vmem>>) target(%dma_start3A_935 : memref<200x64xf32, #tpu.memory_space<hbm>>) target_semaphore(%arg28 : memref<!tpu.dma_semaphore, #tpu.memory_space<semaphore_mem>>)
    } else {
    }
    %eq3A_835 = arith.constant 1 : i32
    %eq3A_836 = arith.cmpi eq, %arg0, %eq3A_835 : i32
    %convert_element_type3A_837 = arith.extui %eq3A_836 : i1 to i32
    %cond3A_838 = arith.constant 0 : i32
    %cond3A_839 = arith.cmpi ne, %convert_element_type3A_837, %cond3A_838 : i32
    scf.if %cond3A_839 {
      %add3A_927 = arith.constant 0 : i32
      %add3A_928 = arith.addi %mul3A_3, %add3A_927 : i32
      %dma_start3A_929 = arith.constant 0 : i32
      %dma_start3A_930 = arith.constant 0 : i32
      %dma_start3A_931 = tpu.memref_slice %arg11[%dma_start3A_929, %dma_start3A_930] : memref<200x64xf32, #tpu.memory_space<vmem>> -> memref<200x64xf32, #tpu.memory_space<vmem>>
      %dma_start3A_932 = arith.constant 64 : i32
      %dma_start3A_933 = tpu.memref_slice %arg6[%add3A_928, %dma_start3A_932] : memref<10000x128xf32, #tpu.memory_space<hbm>> -> memref<200x64xf32, #tpu.memory_space<hbm>>
      %dma_start3A_934 = arith.constant 64 : i32
      %dma_start3A_935 = tpu.memref_slice %arg6[%add3A_928, %dma_start3A_934] : memref<10000x128xf32, #tpu.memory_space<hbm>> -> memref<200x64xf32, #tpu.memory_space<hbm>>
      %dma_start3A_936 = arith.constant 0 : i32
      %dma_start3A_937 = arith.constant 0 : i32
      %dma_start3A_938 = tpu.memref_slice %arg11[%dma_start3A_936, %dma_start3A_937] : memref<200x64xf32, #tpu.memory_space<vmem>> -> memref<200x64xf32, #tpu.memory_space<vmem>>
      tpu.enqueue_dma source(%dma_start3A_938 : memref<200x64xf32, #tpu.memory_space<vmem>>) target(%dma_start3A_935 : memref<200x64xf32, #tpu.memory_space<hbm>>) target_semaphore(%arg28 : memref<!tpu.dma_semaphore, #tpu.memory_space<semaphore_mem>>)
    } else {
    }
    %add3A_840 = arith.constant 200 : i32
    %add3A_841 = arith.addi %mul3A_3, %add3A_840 : i32
    "tpu.region"() ({
      %run_scoped3A = tpu.sem_alloc : memref<!tpu.dma_semaphore, #tpu.memory_space<semaphore_mem>>
      %dma_start3A_927 = arith.constant 0 : i32
      %dma_start3A_928 = arith.constant 0 : i32
      %dma_start3A_929 = tpu.memref_slice %arg12[%dma_start3A_927, %dma_start3A_928] : memref<200x64xf32, #tpu.memory_space<vmem>> -> memref<200x64xf32, #tpu.memory_space<vmem>>
      %dma_start3A_930 = arith.constant 0 : i32
      %dma_start3A_931 = tpu.memref_slice %arg9[%add3A_841, %dma_start3A_930] : memref<20000x64xf32, #tpu.memory_space<vmem_shared>> -> memref<200x64xf32, #tpu.memory_space<vmem_shared>>
      %dma_start3A_932 = arith.constant 0 : i32
      %dma_start3A_933 = arith.constant 0 : i32
      %dma_start3A_934 = tpu.memref_slice %arg12[%dma_start3A_932, %dma_start3A_933] : memref<200x64xf32, #tpu.memory_space<vmem>> -> memref<200x64xf32, #tpu.memory_space<vmem>>
      %dma_start3A_935 = arith.constant 0 : i32
      %dma_start3A_936 = tpu.memref_slice %arg9[%add3A_841, %dma_start3A_935] : memref<20000x64xf32, #tpu.memory_space<vmem_shared>> -> memref<200x64xf32, #tpu.memory_space<vmem_shared>>
      tpu.enqueue_dma source(%dma_start3A_936 : memref<200x64xf32, #tpu.memory_space<vmem_shared>>) target(%dma_start3A_934 : memref<200x64xf32, #tpu.memory_space<vmem>>) target_semaphore(%run_scoped3A : memref<!tpu.dma_semaphore, #tpu.memory_space<semaphore_mem>>)
      %dma_wait3A_937 = arith.constant 0 : i32
      %dma_wait3A_938 = arith.constant 0 : i32
      %dma_wait3A_939 = tpu.memref_slice %arg12[%dma_wait3A_937, %dma_wait3A_938] : memref<200x64xf32, #tpu.memory_space<vmem>> -> memref<200x64xf32, #tpu.memory_space<vmem>>
      %dma_wait3A_940 = arith.constant 0 : i32
      %dma_wait3A_941 = tpu.memref_slice %arg9[%add3A_841, %dma_wait3A_940] : memref<20000x64xf32, #tpu.memory_space<vmem_shared>> -> memref<200x64xf32, #tpu.memory_space<vmem_shared>>
      %dma_wait3A_942 = arith.constant 0 : i32
      %dma_wait3A_943 = arith.constant 0 : i32
      %dma_wait3A_944 = tpu.memref_slice %arg12[%dma_wait3A_942, %dma_wait3A_943] : memref<200x64xf32, #tpu.memory_space<vmem>> -> memref<200x64xf32, #tpu.memory_space<vmem>>
      %dma_wait3A_945 = arith.constant 0 : i32
      %dma_wait3A_946 = tpu.memref_slice %arg9[%add3A_841, %dma_wait3A_945] : memref<20000x64xf32, #tpu.memory_space<vmem_shared>> -> memref<200x64xf32, #tpu.memory_space<vmem_shared>>
      tpu.wait_dma2 semaphore(%run_scoped3A : memref<!tpu.dma_semaphore, #tpu.memory_space<semaphore_mem>>) src(%dma_wait3A_946 : memref<200x64xf32, #tpu.memory_space<vmem_shared>>) dst(%dma_wait3A_944 : memref<200x64xf32, #tpu.memory_space<vmem>>)
      tpu.yield
    }) : () -> ()
    %eq3A_842 = arith.constant 0 : i32
    %eq3A_843 = arith.cmpi eq, %arg0, %eq3A_842 : i32
    %convert_element_type3A_844 = arith.extui %eq3A_843 : i1 to i32
    %cond3A_845 = arith.constant 0 : i32
    %cond3A_846 = arith.cmpi ne, %convert_element_type3A_844, %cond3A_845 : i32
    scf.if %cond3A_846 {
      %add3A_927 = arith.constant 200 : i32
      %add3A_928 = arith.addi %mul3A_3, %add3A_927 : i32
      %dma_start3A_929 = arith.constant 0 : i32
      %dma_start3A_930 = arith.constant 0 : i32
      %dma_start3A_931 = tpu.memref_slice %arg12[%dma_start3A_929, %dma_start3A_930] : memref<200x64xf32, #tpu.memory_space<vmem>> -> memref<200x64xf32, #tpu.memory_space<vmem>>
      %dma_start3A_932 = arith.constant 0 : i32
      %dma_start3A_933 = tpu.memref_slice %arg6[%add3A_928, %dma_start3A_932] : memref<10000x128xf32, #tpu.memory_space<hbm>> -> memref<200x64xf32, #tpu.memory_space<hbm>>
      %dma_start3A_934 = arith.constant 0 : i32
      %dma_start3A_935 = tpu.memref_slice %arg6[%add3A_928, %dma_start3A_934] : memref<10000x128xf32, #tpu.memory_space<hbm>> -> memref<200x64xf32, #tpu.memory_space<hbm>>
      %dma_start3A_936 = arith.constant 0 : i32
      %dma_start3A_937 = arith.constant 0 : i32
      %dma_start3A_938 = tpu.memref_slice %arg12[%dma_start3A_936, %dma_start3A_937] : memref<200x64xf32, #tpu.memory_space<vmem>> -> memref<200x64xf32, #tpu.memory_space<vmem>>
      tpu.enqueue_dma source(%dma_start3A_938 : memref<200x64xf32, #tpu.memory_space<vmem>>) target(%dma_start3A_935 : memref<200x64xf32, #tpu.memory_space<hbm>>) target_semaphore(%arg29 : memref<!tpu.dma_semaphore, #tpu.memory_space<semaphore_mem>>)
    } else {
    }
    %eq3A_847 = arith.constant 1 : i32
    %eq3A_848 = arith.cmpi eq, %arg0, %eq3A_847 : i32
    %convert_element_type3A_849 = arith.extui %eq3A_848 : i1 to i32
    %cond3A_850 = arith.constant 0 : i32
    %cond3A_851 = arith.cmpi ne, %convert_element_type3A_849, %cond3A_850 : i32
    scf.if %cond3A_851 {
      %add3A_927 = arith.constant 200 : i32
      %add3A_928 = arith.addi %mul3A_3, %add3A_927 : i32
      %dma_start3A_929 = arith.constant 0 : i32
      %dma_start3A_930 = arith.constant 0 : i32
      %dma_start3A_931 = tpu.memref_slice %arg12[%dma_start3A_929, %dma_start3A_930] : memref<200x64xf32, #tpu.memory_space<vmem>> -> memref<200x64xf32, #tpu.memory_space<vmem>>
      %dma_start3A_932 = arith.constant 64 : i32
      %dma_start3A_933 = tpu.memref_slice %arg6[%add3A_928, %dma_start3A_932] : memref<10000x128xf32, #tpu.memory_space<hbm>> -> memref<200x64xf32, #tpu.memory_space<hbm>>
      %dma_start3A_934 = arith.constant 64 : i32
      %dma_start3A_935 = tpu.memref_slice %arg6[%add3A_928, %dma_start3A_934] : memref<10000x128xf32, #tpu.memory_space<hbm>> -> memref<200x64xf32, #tpu.memory_space<hbm>>
      %dma_start3A_936 = arith.constant 0 : i32
      %dma_start3A_937 = arith.constant 0 : i32
      %dma_start3A_938 = tpu.memref_slice %arg12[%dma_start3A_936, %dma_start3A_937] : memref<200x64xf32, #tpu.memory_space<vmem>> -> memref<200x64xf32, #tpu.memory_space<vmem>>
      tpu.enqueue_dma source(%dma_start3A_938 : memref<200x64xf32, #tpu.memory_space<vmem>>) target(%dma_start3A_935 : memref<200x64xf32, #tpu.memory_space<hbm>>) target_semaphore(%arg29 : memref<!tpu.dma_semaphore, #tpu.memory_space<semaphore_mem>>)
    } else {
    }
    %add3A_852 = arith.constant 0 : i32
    %add3A_853 = arith.addi %mul3A_3, %add3A_852 : i32
    %dma_wait3A_854 = arith.constant 0 : i32
    %dma_wait3A_855 = arith.constant 0 : i32
    %dma_wait3A_856 = tpu.memref_slice %arg11[%dma_wait3A_854, %dma_wait3A_855] : memref<200x64xf32, #tpu.memory_space<vmem>> -> memref<200x64xf32, #tpu.memory_space<vmem>>
    %dma_wait3A_857 = arith.constant 0 : i32
    %dma_wait3A_858 = tpu.memref_slice %arg6[%add3A_853, %dma_wait3A_857] : memref<10000x128xf32, #tpu.memory_space<hbm>> -> memref<200x64xf32, #tpu.memory_space<hbm>>
    %dma_wait3A_859 = arith.constant 0 : i32
    %dma_wait3A_860 = tpu.memref_slice %arg6[%add3A_853, %dma_wait3A_859] : memref<10000x128xf32, #tpu.memory_space<hbm>> -> memref<200x64xf32, #tpu.memory_space<hbm>>
    %dma_wait3A_861 = arith.constant 0 : i32
    %dma_wait3A_862 = arith.constant 0 : i32
    %dma_wait3A_863 = tpu.memref_slice %arg11[%dma_wait3A_861, %dma_wait3A_862] : memref<200x64xf32, #tpu.memory_space<vmem>> -> memref<200x64xf32, #tpu.memory_space<vmem>>
    tpu.wait_dma2 semaphore(%arg28 : memref<!tpu.dma_semaphore, #tpu.memory_space<semaphore_mem>>) src(%dma_wait3A_863 : memref<200x64xf32, #tpu.memory_space<vmem>>) dst(%dma_wait3A_860 : memref<200x64xf32, #tpu.memory_space<hbm>>)
    %add3A_864 = arith.constant 400 : i32
    %add3A_865 = arith.addi %mul3A_3, %add3A_864 : i32
    "tpu.region"() ({
      %run_scoped3A = tpu.sem_alloc : memref<!tpu.dma_semaphore, #tpu.memory_space<semaphore_mem>>
      %dma_start3A_927 = arith.constant 0 : i32
      %dma_start3A_928 = arith.constant 0 : i32
      %dma_start3A_929 = tpu.memref_slice %arg11[%dma_start3A_927, %dma_start3A_928] : memref<200x64xf32, #tpu.memory_space<vmem>> -> memref<200x64xf32, #tpu.memory_space<vmem>>
      %dma_start3A_930 = arith.constant 0 : i32
      %dma_start3A_931 = tpu.memref_slice %arg9[%add3A_865, %dma_start3A_930] : memref<20000x64xf32, #tpu.memory_space<vmem_shared>> -> memref<200x64xf32, #tpu.memory_space<vmem_shared>>
      %dma_start3A_932 = arith.constant 0 : i32
      %dma_start3A_933 = arith.constant 0 : i32
      %dma_start3A_934 = tpu.memref_slice %arg11[%dma_start3A_932, %dma_start3A_933] : memref<200x64xf32, #tpu.memory_space<vmem>> -> memref<200x64xf32, #tpu.memory_space<vmem>>
      %dma_start3A_935 = arith.constant 0 : i32
      %dma_start3A_936 = tpu.memref_slice %arg9[%add3A_865, %dma_start3A_935] : memref<20000x64xf32, #tpu.memory_space<vmem_shared>> -> memref<200x64xf32, #tpu.memory_space<vmem_shared>>
      tpu.enqueue_dma source(%dma_start3A_936 : memref<200x64xf32, #tpu.memory_space<vmem_shared>>) target(%dma_start3A_934 : memref<200x64xf32, #tpu.memory_space<vmem>>) target_semaphore(%run_scoped3A : memref<!tpu.dma_semaphore, #tpu.memory_space<semaphore_mem>>)
      %dma_wait3A_937 = arith.constant 0 : i32
      %dma_wait3A_938 = arith.constant 0 : i32
      %dma_wait3A_939 = tpu.memref_slice %arg11[%dma_wait3A_937, %dma_wait3A_938] : memref<200x64xf32, #tpu.memory_space<vmem>> -> memref<200x64xf32, #tpu.memory_space<vmem>>
      %dma_wait3A_940 = arith.constant 0 : i32
      %dma_wait3A_941 = tpu.memref_slice %arg9[%add3A_865, %dma_wait3A_940] : memref<20000x64xf32, #tpu.memory_space<vmem_shared>> -> memref<200x64xf32, #tpu.memory_space<vmem_shared>>
      %dma_wait3A_942 = arith.constant 0 : i32
      %dma_wait3A_943 = arith.constant 0 : i32
      %dma_wait3A_944 = tpu.memref_slice %arg11[%dma_wait3A_942, %dma_wait3A_943] : memref<200x64xf32, #tpu.memory_space<vmem>> -> memref<200x64xf32, #tpu.memory_space<vmem>>
      %dma_wait3A_945 = arith.constant 0 : i32
      %dma_wait3A_946 = tpu.memref_slice %arg9[%add3A_865, %dma_wait3A_945] : memref<20000x64xf32, #tpu.memory_space<vmem_shared>> -> memref<200x64xf32, #tpu.memory_space<vmem_shared>>
      tpu.wait_dma2 semaphore(%run_scoped3A : memref<!tpu.dma_semaphore, #tpu.memory_space<semaphore_mem>>) src(%dma_wait3A_946 : memref<200x64xf32, #tpu.memory_space<vmem_shared>>) dst(%dma_wait3A_944 : memref<200x64xf32, #tpu.memory_space<vmem>>)
      tpu.yield
    }) : () -> ()
    %eq3A_866 = arith.constant 0 : i32
    %eq3A_867 = arith.cmpi eq, %arg0, %eq3A_866 : i32
    %convert_element_type3A_868 = arith.extui %eq3A_867 : i1 to i32
    %cond3A_869 = arith.constant 0 : i32
    %cond3A_870 = arith.cmpi ne, %convert_element_type3A_868, %cond3A_869 : i32
    scf.if %cond3A_870 {
      %add3A_927 = arith.constant 400 : i32
      %add3A_928 = arith.addi %mul3A_3, %add3A_927 : i32
      %dma_start3A_929 = arith.constant 0 : i32
      %dma_start3A_930 = arith.constant 0 : i32
      %dma_start3A_931 = tpu.memref_slice %arg11[%dma_start3A_929, %dma_start3A_930] : memref<200x64xf32, #tpu.memory_space<vmem>> -> memref<200x64xf32, #tpu.memory_space<vmem>>
      %dma_start3A_932 = arith.constant 0 : i32
      %dma_start3A_933 = tpu.memref_slice %arg6[%add3A_928, %dma_start3A_932] : memref<10000x128xf32, #tpu.memory_space<hbm>> -> memref<200x64xf32, #tpu.memory_space<hbm>>
      %dma_start3A_934 = arith.constant 0 : i32
      %dma_start3A_935 = tpu.memref_slice %arg6[%add3A_928, %dma_start3A_934] : memref<10000x128xf32, #tpu.memory_space<hbm>> -> memref<200x64xf32, #tpu.memory_space<hbm>>
      %dma_start3A_936 = arith.constant 0 : i32
      %dma_start3A_937 = arith.constant 0 : i32
      %dma_start3A_938 = tpu.memref_slice %arg11[%dma_start3A_936, %dma_start3A_937] : memref<200x64xf32, #tpu.memory_space<vmem>> -> memref<200x64xf32, #tpu.memory_space<vmem>>
      tpu.enqueue_dma source(%dma_start3A_938 : memref<200x64xf32, #tpu.memory_space<vmem>>) target(%dma_start3A_935 : memref<200x64xf32, #tpu.memory_space<hbm>>) target_semaphore(%arg28 : memref<!tpu.dma_semaphore, #tpu.memory_space<semaphore_mem>>)
    } else {
    }
    %eq3A_871 = arith.constant 1 : i32
    %eq3A_872 = arith.cmpi eq, %arg0, %eq3A_871 : i32
    %convert_element_type3A_873 = arith.extui %eq3A_872 : i1 to i32
    %cond3A_874 = arith.constant 0 : i32
    %cond3A_875 = arith.cmpi ne, %convert_element_type3A_873, %cond3A_874 : i32
    scf.if %cond3A_875 {
      %add3A_927 = arith.constant 400 : i32
      %add3A_928 = arith.addi %mul3A_3, %add3A_927 : i32
      %dma_start3A_929 = arith.constant 0 : i32
      %dma_start3A_930 = arith.constant 0 : i32
      %dma_start3A_931 = tpu.memref_slice %arg11[%dma_start3A_929, %dma_start3A_930] : memref<200x64xf32, #tpu.memory_space<vmem>> -> memref<200x64xf32, #tpu.memory_space<vmem>>
      %dma_start3A_932 = arith.constant 64 : i32
      %dma_start3A_933 = tpu.memref_slice %arg6[%add3A_928, %dma_start3A_932] : memref<10000x128xf32, #tpu.memory_space<hbm>> -> memref<200x64xf32, #tpu.memory_space<hbm>>
      %dma_start3A_934 = arith.constant 64 : i32
      %dma_start3A_935 = tpu.memref_slice %arg6[%add3A_928, %dma_start3A_934] : memref<10000x128xf32, #tpu.memory_space<hbm>> -> memref<200x64xf32, #tpu.memory_space<hbm>>
      %dma_start3A_936 = arith.constant 0 : i32
      %dma_start3A_937 = arith.constant 0 : i32
      %dma_start3A_938 = tpu.memref_slice %arg11[%dma_start3A_936, %dma_start3A_937] : memref<200x64xf32, #tpu.memory_space<vmem>> -> memref<200x64xf32, #tpu.memory_space<vmem>>
      tpu.enqueue_dma source(%dma_start3A_938 : memref<200x64xf32, #tpu.memory_space<vmem>>) target(%dma_start3A_935 : memref<200x64xf32, #tpu.memory_space<hbm>>) target_semaphore(%arg28 : memref<!tpu.dma_semaphore, #tpu.memory_space<semaphore_mem>>)
    } else {
    }
    %add3A_876 = arith.constant 200 : i32
    %add3A_877 = arith.addi %mul3A_3, %add3A_876 : i32
    %dma_wait3A_878 = arith.constant 0 : i32
    %dma_wait3A_879 = arith.constant 0 : i32
    %dma_wait3A_880 = tpu.memref_slice %arg12[%dma_wait3A_878, %dma_wait3A_879] : memref<200x64xf32, #tpu.memory_space<vmem>> -> memref<200x64xf32, #tpu.memory_space<vmem>>
    %dma_wait3A_881 = arith.constant 0 : i32
    %dma_wait3A_882 = tpu.memref_slice %arg6[%add3A_877, %dma_wait3A_881] : memref<10000x128xf32, #tpu.memory_space<hbm>> -> memref<200x64xf32, #tpu.memory_space<hbm>>
    %dma_wait3A_883 = arith.constant 0 : i32
    %dma_wait3A_884 = tpu.memref_slice %arg6[%add3A_877, %dma_wait3A_883] : memref<10000x128xf32, #tpu.memory_space<hbm>> -> memref<200x64xf32, #tpu.memory_space<hbm>>
    %dma_wait3A_885 = arith.constant 0 : i32
    %dma_wait3A_886 = arith.constant 0 : i32
    %dma_wait3A_887 = tpu.memref_slice %arg12[%dma_wait3A_885, %dma_wait3A_886] : memref<200x64xf32, #tpu.memory_space<vmem>> -> memref<200x64xf32, #tpu.memory_space<vmem>>
    tpu.wait_dma2 semaphore(%arg29 : memref<!tpu.dma_semaphore, #tpu.memory_space<semaphore_mem>>) src(%dma_wait3A_887 : memref<200x64xf32, #tpu.memory_space<vmem>>) dst(%dma_wait3A_884 : memref<200x64xf32, #tpu.memory_space<hbm>>)
    %add3A_888 = arith.constant 600 : i32
    %add3A_889 = arith.addi %mul3A_3, %add3A_888 : i32
    "tpu.region"() ({
      %run_scoped3A = tpu.sem_alloc : memref<!tpu.dma_semaphore, #tpu.memory_space<semaphore_mem>>
      %dma_start3A_927 = arith.constant 0 : i32
      %dma_start3A_928 = arith.constant 0 : i32
      %dma_start3A_929 = tpu.memref_slice %arg12[%dma_start3A_927, %dma_start3A_928] : memref<200x64xf32, #tpu.memory_space<vmem>> -> memref<24x64xf32, #tpu.memory_space<vmem>>
      %dma_start3A_930 = arith.constant 0 : i32
      %dma_start3A_931 = tpu.memref_slice %arg9[%add3A_889, %dma_start3A_930] : memref<20000x64xf32, #tpu.memory_space<vmem_shared>> -> memref<24x64xf32, #tpu.memory_space<vmem_shared>>
      %dma_start3A_932 = arith.constant 0 : i32
      %dma_start3A_933 = arith.constant 0 : i32
      %dma_start3A_934 = tpu.memref_slice %arg12[%dma_start3A_932, %dma_start3A_933] : memref<200x64xf32, #tpu.memory_space<vmem>> -> memref<24x64xf32, #tpu.memory_space<vmem>>
      %dma_start3A_935 = arith.constant 0 : i32
      %dma_start3A_936 = tpu.memref_slice %arg9[%add3A_889, %dma_start3A_935] : memref<20000x64xf32, #tpu.memory_space<vmem_shared>> -> memref<24x64xf32, #tpu.memory_space<vmem_shared>>
      tpu.enqueue_dma source(%dma_start3A_936 : memref<24x64xf32, #tpu.memory_space<vmem_shared>>) target(%dma_start3A_934 : memref<24x64xf32, #tpu.memory_space<vmem>>) target_semaphore(%run_scoped3A : memref<!tpu.dma_semaphore, #tpu.memory_space<semaphore_mem>>)
      %dma_wait3A_937 = arith.constant 0 : i32
      %dma_wait3A_938 = arith.constant 0 : i32
      %dma_wait3A_939 = tpu.memref_slice %arg12[%dma_wait3A_937, %dma_wait3A_938] : memref<200x64xf32, #tpu.memory_space<vmem>> -> memref<24x64xf32, #tpu.memory_space<vmem>>
      %dma_wait3A_940 = arith.constant 0 : i32
      %dma_wait3A_941 = tpu.memref_slice %arg9[%add3A_889, %dma_wait3A_940] : memref<20000x64xf32, #tpu.memory_space<vmem_shared>> -> memref<24x64xf32, #tpu.memory_space<vmem_shared>>
      %dma_wait3A_942 = arith.constant 0 : i32
      %dma_wait3A_943 = arith.constant 0 : i32
      %dma_wait3A_944 = tpu.memref_slice %arg12[%dma_wait3A_942, %dma_wait3A_943] : memref<200x64xf32, #tpu.memory_space<vmem>> -> memref<24x64xf32, #tpu.memory_space<vmem>>
      %dma_wait3A_945 = arith.constant 0 : i32
      %dma_wait3A_946 = tpu.memref_slice %arg9[%add3A_889, %dma_wait3A_945] : memref<20000x64xf32, #tpu.memory_space<vmem_shared>> -> memref<24x64xf32, #tpu.memory_space<vmem_shared>>
      tpu.wait_dma2 semaphore(%run_scoped3A : memref<!tpu.dma_semaphore, #tpu.memory_space<semaphore_mem>>) src(%dma_wait3A_946 : memref<24x64xf32, #tpu.memory_space<vmem_shared>>) dst(%dma_wait3A_944 : memref<24x64xf32, #tpu.memory_space<vmem>>)
      tpu.yield
    }) : () -> ()
    %eq3A_890 = arith.constant 0 : i32
    %eq3A_891 = arith.cmpi eq, %arg0, %eq3A_890 : i32
    %convert_element_type3A_892 = arith.extui %eq3A_891 : i1 to i32
    %cond3A_893 = arith.constant 0 : i32
    %cond3A_894 = arith.cmpi ne, %convert_element_type3A_892, %cond3A_893 : i32
    scf.if %cond3A_894 {
      %add3A_927 = arith.constant 600 : i32
      %add3A_928 = arith.addi %mul3A_3, %add3A_927 : i32
      %dma_start3A_929 = arith.constant 0 : i32
      %dma_start3A_930 = arith.constant 0 : i32
      %dma_start3A_931 = tpu.memref_slice %arg12[%dma_start3A_929, %dma_start3A_930] : memref<200x64xf32, #tpu.memory_space<vmem>> -> memref<24x64xf32, #tpu.memory_space<vmem>>
      %dma_start3A_932 = arith.constant 0 : i32
      %dma_start3A_933 = tpu.memref_slice %arg6[%add3A_928, %dma_start3A_932] : memref<10000x128xf32, #tpu.memory_space<hbm>> -> memref<24x64xf32, #tpu.memory_space<hbm>>
      %dma_start3A_934 = arith.constant 0 : i32
      %dma_start3A_935 = tpu.memref_slice %arg6[%add3A_928, %dma_start3A_934] : memref<10000x128xf32, #tpu.memory_space<hbm>> -> memref<24x64xf32, #tpu.memory_space<hbm>>
      %dma_start3A_936 = arith.constant 0 : i32
      %dma_start3A_937 = arith.constant 0 : i32
      %dma_start3A_938 = tpu.memref_slice %arg12[%dma_start3A_936, %dma_start3A_937] : memref<200x64xf32, #tpu.memory_space<vmem>> -> memref<24x64xf32, #tpu.memory_space<vmem>>
      tpu.enqueue_dma source(%dma_start3A_938 : memref<24x64xf32, #tpu.memory_space<vmem>>) target(%dma_start3A_935 : memref<24x64xf32, #tpu.memory_space<hbm>>) target_semaphore(%arg29 : memref<!tpu.dma_semaphore, #tpu.memory_space<semaphore_mem>>)
    } else {
    }
    %eq3A_895 = arith.constant 1 : i32
    %eq3A_896 = arith.cmpi eq, %arg0, %eq3A_895 : i32
    %convert_element_type3A_897 = arith.extui %eq3A_896 : i1 to i32
    %cond3A_898 = arith.constant 0 : i32
    %cond3A_899 = arith.cmpi ne, %convert_element_type3A_897, %cond3A_898 : i32
    scf.if %cond3A_899 {
      %add3A_927 = arith.constant 600 : i32
      %add3A_928 = arith.addi %mul3A_3, %add3A_927 : i32
      %dma_start3A_929 = arith.constant 0 : i32
      %dma_start3A_930 = arith.constant 0 : i32
      %dma_start3A_931 = tpu.memref_slice %arg12[%dma_start3A_929, %dma_start3A_930] : memref<200x64xf32, #tpu.memory_space<vmem>> -> memref<24x64xf32, #tpu.memory_space<vmem>>
      %dma_start3A_932 = arith.constant 64 : i32
      %dma_start3A_933 = tpu.memref_slice %arg6[%add3A_928, %dma_start3A_932] : memref<10000x128xf32, #tpu.memory_space<hbm>> -> memref<24x64xf32, #tpu.memory_space<hbm>>
      %dma_start3A_934 = arith.constant 64 : i32
      %dma_start3A_935 = tpu.memref_slice %arg6[%add3A_928, %dma_start3A_934] : memref<10000x128xf32, #tpu.memory_space<hbm>> -> memref<24x64xf32, #tpu.memory_space<hbm>>
      %dma_start3A_936 = arith.constant 0 : i32
      %dma_start3A_937 = arith.constant 0 : i32
      %dma_start3A_938 = tpu.memref_slice %arg12[%dma_start3A_936, %dma_start3A_937] : memref<200x64xf32, #tpu.memory_space<vmem>> -> memref<24x64xf32, #tpu.memory_space<vmem>>
      tpu.enqueue_dma source(%dma_start3A_938 : memref<24x64xf32, #tpu.memory_space<vmem>>) target(%dma_start3A_935 : memref<24x64xf32, #tpu.memory_space<hbm>>) target_semaphore(%arg29 : memref<!tpu.dma_semaphore, #tpu.memory_space<semaphore_mem>>)
    } else {
    }
    %add3A_900 = arith.constant 400 : i32
    %add3A_901 = arith.addi %mul3A_3, %add3A_900 : i32
    %dma_wait3A_902 = arith.constant 0 : i32
    %dma_wait3A_903 = arith.constant 0 : i32
    %dma_wait3A_904 = tpu.memref_slice %arg11[%dma_wait3A_902, %dma_wait3A_903] : memref<200x64xf32, #tpu.memory_space<vmem>> -> memref<200x64xf32, #tpu.memory_space<vmem>>
    %dma_wait3A_905 = arith.constant 0 : i32
    %dma_wait3A_906 = tpu.memref_slice %arg6[%add3A_901, %dma_wait3A_905] : memref<10000x128xf32, #tpu.memory_space<hbm>> -> memref<200x64xf32, #tpu.memory_space<hbm>>
    %dma_wait3A_907 = arith.constant 0 : i32
    %dma_wait3A_908 = tpu.memref_slice %arg6[%add3A_901, %dma_wait3A_907] : memref<10000x128xf32, #tpu.memory_space<hbm>> -> memref<200x64xf32, #tpu.memory_space<hbm>>
    %dma_wait3A_909 = arith.constant 0 : i32
    %dma_wait3A_910 = arith.constant 0 : i32
    %dma_wait3A_911 = tpu.memref_slice %arg11[%dma_wait3A_909, %dma_wait3A_910] : memref<200x64xf32, #tpu.memory_space<vmem>> -> memref<200x64xf32, #tpu.memory_space<vmem>>
    tpu.wait_dma2 semaphore(%arg28 : memref<!tpu.dma_semaphore, #tpu.memory_space<semaphore_mem>>) src(%dma_wait3A_911 : memref<200x64xf32, #tpu.memory_space<vmem>>) dst(%dma_wait3A_908 : memref<200x64xf32, #tpu.memory_space<hbm>>)
    %add3A_912 = arith.constant 600 : i32
    %add3A_913 = arith.addi %mul3A_3, %add3A_912 : i32
    %dma_wait3A_914 = arith.constant 0 : i32
    %dma_wait3A_915 = arith.constant 0 : i32
    %dma_wait3A_916 = tpu.memref_slice %arg12[%dma_wait3A_914, %dma_wait3A_915] : memref<200x64xf32, #tpu.memory_space<vmem>> -> memref<24x64xf32, #tpu.memory_space<vmem>>
    %dma_wait3A_917 = arith.constant 0 : i32
    %dma_wait3A_918 = tpu.memref_slice %arg6[%add3A_913, %dma_wait3A_917] : memref<10000x128xf32, #tpu.memory_space<hbm>> -> memref<24x64xf32, #tpu.memory_space<hbm>>
    %dma_wait3A_919 = arith.constant 0 : i32
    %dma_wait3A_920 = tpu.memref_slice %arg6[%add3A_913, %dma_wait3A_919] : memref<10000x128xf32, #tpu.memory_space<hbm>> -> memref<24x64xf32, #tpu.memory_space<hbm>>
    %dma_wait3A_921 = arith.constant 0 : i32
    %dma_wait3A_922 = arith.constant 0 : i32
    %dma_wait3A_923 = tpu.memref_slice %arg12[%dma_wait3A_921, %dma_wait3A_922] : memref<200x64xf32, #tpu.memory_space<vmem>> -> memref<24x64xf32, #tpu.memory_space<vmem>>
    tpu.wait_dma2 semaphore(%arg29 : memref<!tpu.dma_semaphore, #tpu.memory_space<semaphore_mem>>) src(%dma_wait3A_923 : memref<24x64xf32, #tpu.memory_space<vmem>>) dst(%dma_wait3A_920 : memref<24x64xf32, #tpu.memory_space<hbm>>)
    %convert_element_type3A_924 = arith.extui %eq3A_0 : i1 to i32
    %cond3A_925 = arith.constant 0 : i32
    %cond3A_926 = arith.cmpi ne, %convert_element_type3A_924, %cond3A_925 : i32
    scf.if %cond3A_926 {
      "tpu.region"() ({
        %run_scoped3A = tpu.sem_alloc : memref<!tpu.dma_semaphore, #tpu.memory_space<semaphore_mem>>
        %dma_start3A_949 = arith.constant 0 : i32
        %dma_start3A_950 = arith.constant 0 : i32
        %dma_start3A_951 = tpu.memref_slice %arg11[%dma_start3A_949, %dma_start3A_950] : memref<200x64xf32, #tpu.memory_space<vmem>> -> memref<16x64xf32, #tpu.memory_space<vmem>>
        %dma_start3A_952 = arith.constant 9984 : i32
        %dma_start3A_953 = arith.constant 0 : i32
        %dma_start3A_954 = tpu.memref_slice %arg9[%dma_start3A_952, %dma_start3A_953] : memref<20000x64xf32, #tpu.memory_space<vmem_shared>> -> memref<16x64xf32, #tpu.memory_space<vmem_shared>>
        %dma_start3A_955 = arith.constant 0 : i32
        %dma_start3A_956 = arith.constant 0 : i32
        %dma_start3A_957 = tpu.memref_slice %arg11[%dma_start3A_955, %dma_start3A_956] : memref<200x64xf32, #tpu.memory_space<vmem>> -> memref<16x64xf32, #tpu.memory_space<vmem>>
        %dma_start3A_958 = arith.constant 9984 : i32
        %dma_start3A_959 = arith.constant 0 : i32
        %dma_start3A_960 = tpu.memref_slice %arg9[%dma_start3A_958, %dma_start3A_959] : memref<20000x64xf32, #tpu.memory_space<vmem_shared>> -> memref<16x64xf32, #tpu.memory_space<vmem_shared>>
        tpu.enqueue_dma source(%dma_start3A_960 : memref<16x64xf32, #tpu.memory_space<vmem_shared>>) target(%dma_start3A_957 : memref<16x64xf32, #tpu.memory_space<vmem>>) target_semaphore(%run_scoped3A : memref<!tpu.dma_semaphore, #tpu.memory_space<semaphore_mem>>)
        %dma_wait3A_961 = arith.constant 0 : i32
        %dma_wait3A_962 = arith.constant 0 : i32
        %dma_wait3A_963 = tpu.memref_slice %arg11[%dma_wait3A_961, %dma_wait3A_962] : memref<200x64xf32, #tpu.memory_space<vmem>> -> memref<16x64xf32, #tpu.memory_space<vmem>>
        %dma_wait3A_964 = arith.constant 9984 : i32
        %dma_wait3A_965 = arith.constant 0 : i32
        %dma_wait3A_966 = tpu.memref_slice %arg9[%dma_wait3A_964, %dma_wait3A_965] : memref<20000x64xf32, #tpu.memory_space<vmem_shared>> -> memref<16x64xf32, #tpu.memory_space<vmem_shared>>
        %dma_wait3A_967 = arith.constant 0 : i32
        %dma_wait3A_968 = arith.constant 0 : i32
        %dma_wait3A_969 = tpu.memref_slice %arg11[%dma_wait3A_967, %dma_wait3A_968] : memref<200x64xf32, #tpu.memory_space<vmem>> -> memref<16x64xf32, #tpu.memory_space<vmem>>
        %dma_wait3A_970 = arith.constant 9984 : i32
        %dma_wait3A_971 = arith.constant 0 : i32
        %dma_wait3A_972 = tpu.memref_slice %arg9[%dma_wait3A_970, %dma_wait3A_971] : memref<20000x64xf32, #tpu.memory_space<vmem_shared>> -> memref<16x64xf32, #tpu.memory_space<vmem_shared>>
        tpu.wait_dma2 semaphore(%run_scoped3A : memref<!tpu.dma_semaphore, #tpu.memory_space<semaphore_mem>>) src(%dma_wait3A_972 : memref<16x64xf32, #tpu.memory_space<vmem_shared>>) dst(%dma_wait3A_969 : memref<16x64xf32, #tpu.memory_space<vmem>>)
        tpu.yield
      }) : () -> ()
      %eq3A_927 = arith.constant 0 : i32
      %eq3A_928 = arith.cmpi eq, %arg0, %eq3A_927 : i32
      %convert_element_type3A_929 = arith.extui %eq3A_928 : i1 to i32
      %cond3A_930 = arith.constant 0 : i32
      %cond3A_931 = arith.cmpi ne, %convert_element_type3A_929, %cond3A_930 : i32
      scf.if %cond3A_931 {
        %dma_start3A_949 = arith.constant 0 : i32
        %dma_start3A_950 = arith.constant 0 : i32
        %dma_start3A_951 = tpu.memref_slice %arg11[%dma_start3A_949, %dma_start3A_950] : memref<200x64xf32, #tpu.memory_space<vmem>> -> memref<16x64xf32, #tpu.memory_space<vmem>>
        %dma_start3A_952 = arith.constant 9984 : i32
        %dma_start3A_953 = arith.constant 0 : i32
        %dma_start3A_954 = tpu.memref_slice %arg6[%dma_start3A_952, %dma_start3A_953] : memref<10000x128xf32, #tpu.memory_space<hbm>> -> memref<16x64xf32, #tpu.memory_space<hbm>>
        %dma_start3A_955 = arith.constant 9984 : i32
        %dma_start3A_956 = arith.constant 0 : i32
        %dma_start3A_957 = tpu.memref_slice %arg6[%dma_start3A_955, %dma_start3A_956] : memref<10000x128xf32, #tpu.memory_space<hbm>> -> memref<16x64xf32, #tpu.memory_space<hbm>>
        %dma_start3A_958 = arith.constant 0 : i32
        %dma_start3A_959 = arith.constant 0 : i32
        %dma_start3A_960 = tpu.memref_slice %arg11[%dma_start3A_958, %dma_start3A_959] : memref<200x64xf32, #tpu.memory_space<vmem>> -> memref<16x64xf32, #tpu.memory_space<vmem>>
        tpu.enqueue_dma source(%dma_start3A_960 : memref<16x64xf32, #tpu.memory_space<vmem>>) target(%dma_start3A_957 : memref<16x64xf32, #tpu.memory_space<hbm>>) target_semaphore(%arg28 : memref<!tpu.dma_semaphore, #tpu.memory_space<semaphore_mem>>)
      } else {
      }
      %eq3A_932 = arith.constant 1 : i32
      %eq3A_933 = arith.cmpi eq, %arg0, %eq3A_932 : i32
      %convert_element_type3A_934 = arith.extui %eq3A_933 : i1 to i32
      %cond3A_935 = arith.constant 0 : i32
      %cond3A_936 = arith.cmpi ne, %convert_element_type3A_934, %cond3A_935 : i32
      scf.if %cond3A_936 {
        %dma_start3A_949 = arith.constant 0 : i32
        %dma_start3A_950 = arith.constant 0 : i32
        %dma_start3A_951 = tpu.memref_slice %arg11[%dma_start3A_949, %dma_start3A_950] : memref<200x64xf32, #tpu.memory_space<vmem>> -> memref<16x64xf32, #tpu.memory_space<vmem>>
        %dma_start3A_952 = arith.constant 9984 : i32
        %dma_start3A_953 = arith.constant 64 : i32
        %dma_start3A_954 = tpu.memref_slice %arg6[%dma_start3A_952, %dma_start3A_953] : memref<10000x128xf32, #tpu.memory_space<hbm>> -> memref<16x64xf32, #tpu.memory_space<hbm>>
        %dma_start3A_955 = arith.constant 9984 : i32
        %dma_start3A_956 = arith.constant 64 : i32
        %dma_start3A_957 = tpu.memref_slice %arg6[%dma_start3A_955, %dma_start3A_956] : memref<10000x128xf32, #tpu.memory_space<hbm>> -> memref<16x64xf32, #tpu.memory_space<hbm>>
        %dma_start3A_958 = arith.constant 0 : i32
        %dma_start3A_959 = arith.constant 0 : i32
        %dma_start3A_960 = tpu.memref_slice %arg11[%dma_start3A_958, %dma_start3A_959] : memref<200x64xf32, #tpu.memory_space<vmem>> -> memref<16x64xf32, #tpu.memory_space<vmem>>
        tpu.enqueue_dma source(%dma_start3A_960 : memref<16x64xf32, #tpu.memory_space<vmem>>) target(%dma_start3A_957 : memref<16x64xf32, #tpu.memory_space<hbm>>) target_semaphore(%arg28 : memref<!tpu.dma_semaphore, #tpu.memory_space<semaphore_mem>>)
      } else {
      }
      %dma_wait3A_937 = arith.constant 0 : i32
      %dma_wait3A_938 = arith.constant 0 : i32
      %dma_wait3A_939 = tpu.memref_slice %arg11[%dma_wait3A_937, %dma_wait3A_938] : memref<200x64xf32, #tpu.memory_space<vmem>> -> memref<16x64xf32, #tpu.memory_space<vmem>>
      %dma_wait3A_940 = arith.constant 9984 : i32
      %dma_wait3A_941 = arith.constant 0 : i32
      %dma_wait3A_942 = tpu.memref_slice %arg6[%dma_wait3A_940, %dma_wait3A_941] : memref<10000x128xf32, #tpu.memory_space<hbm>> -> memref<16x64xf32, #tpu.memory_space<hbm>>
      %dma_wait3A_943 = arith.constant 9984 : i32
      %dma_wait3A_944 = arith.constant 0 : i32
      %dma_wait3A_945 = tpu.memref_slice %arg6[%dma_wait3A_943, %dma_wait3A_944] : memref<10000x128xf32, #tpu.memory_space<hbm>> -> memref<16x64xf32, #tpu.memory_space<hbm>>
      %dma_wait3A_946 = arith.constant 0 : i32
      %dma_wait3A_947 = arith.constant 0 : i32
      %dma_wait3A_948 = tpu.memref_slice %arg11[%dma_wait3A_946, %dma_wait3A_947] : memref<200x64xf32, #tpu.memory_space<vmem>> -> memref<16x64xf32, #tpu.memory_space<vmem>>
      tpu.wait_dma2 semaphore(%arg28 : memref<!tpu.dma_semaphore, #tpu.memory_space<semaphore_mem>>) src(%dma_wait3A_948 : memref<16x64xf32, #tpu.memory_space<vmem>>) dst(%dma_wait3A_945 : memref<16x64xf32, #tpu.memory_space<hbm>>)
    } else {
    }
    return
  }
}

module attributes {stable_mosaic.version = 14 : i64} {
  func.func @body(%arg0: i32, %arg1: memref<400x128xf32, #tpu.memory_space<vmem>>, %arg2: memref<128x128xf32, #tpu.memory_space<vmem>>, %arg3: memref<400x64xf32, #tpu.memory_space<vmem>>, %arg4: memref<400x64xf32, #tpu.memory_space<vmem>>) attributes {dimension_semantics = [#tpu.dimension_semantics<arbitrary>], iteration_bounds = array<i64: 25>, scalar_prefetch = 0 : i64, scratch_operands = 0 : i64, tpu.core_type = #tpu.core_type<tc>, window_params = [{transform_indices = @transform_0, window_bounds = array<i64: 400, 128>}, {pipeline_mode = #tpu.pipeline_mode<synchronous>, transform_indices = @transform_1, window_bounds = array<i64: 128, 128>}, {transform_indices = @transform_2, window_bounds = array<i64: 400, 64>}, {transform_indices = @transform_3, window_bounds = array<i64: 400, 64>}]} {
    %get3A = arith.constant 0 : index
    %get3A_0 = arith.constant 0 : index
    %get3A_1 = vector.load %arg1[%get3A, %get3A_0] : memref<400x128xf32, #tpu.memory_space<vmem>>, vector<400x128xf32>
    %get3A_2 = arith.constant 0 : index
    %get3A_3 = arith.constant 0 : index
    %get3A_4 = vector.load %arg2[%get3A_2, %get3A_3] : memref<128x128xf32, #tpu.memory_space<vmem>>, vector<128x128xf32>
    %dot_general3A = arith.constant dense<0.000000e+00> : vector<400x128xf32>
    %dot_general3A_5 = tpu.matmul %get3A_1, %get3A_4, %dot_general3A {dimension_numbers = #tpu.dot_dimension_numbers<[1], [1], [0], [0], [0, 0, 1, 0], [], []>, transpose_lhs_hint = false} : vector<400x128xf32>, vector<128x128xf32>, vector<400x128xf32> -> vector<400x128xf32>
    %slice3A = vector.extract_strided_slice %dot_general3A_5 {offsets = [0, 0], sizes = [400, 64], strides = [1, 1]} : vector<400x128xf32> to vector<400x64xf32>
    %swap3A = arith.constant 0 : index
    %swap3A_6 = arith.constant 0 : index
    %swap3A_7 = vector.load %arg3[%swap3A, %swap3A_6] : memref<400x64xf32, #tpu.memory_space<vmem>>, vector<400x64xf32>
    tpu.vector_store %arg3[%swap3A, %swap3A_6], %slice3A {strides = array<i32>} : memref<400x64xf32, #tpu.memory_space<vmem>>, vector<400x64xf32>,
    %slice3A_8 = vector.extract_strided_slice %dot_general3A_5 {offsets = [0, 64], sizes = [400, 64], strides = [1, 1]} : vector<400x128xf32> to vector<400x64xf32>
    %swap3A_9 = arith.constant 0 : index
    %swap3A_10 = arith.constant 0 : index
    %swap3A_11 = vector.load %arg4[%swap3A_9, %swap3A_10] : memref<400x64xf32, #tpu.memory_space<vmem>>, vector<400x64xf32>
    tpu.vector_store %arg4[%swap3A_9, %swap3A_10], %slice3A_8 {strides = array<i32>} : memref<400x64xf32, #tpu.memory_space<vmem>>, vector<400x64xf32>,
    return
  }
  func.func @transform_0(%arg0: i32) -> (i32, i32) {
    %c0_i32 = arith.constant 0 : i32
    %c0_i32_0 = arith.constant 0 : i32
    return %arg0, %c0_i32 : i32, i32
  }
  func.func @transform_1(%arg0: i32) -> (i32, i32) {
    %c0_i32 = arith.constant 0 : i32
    %c0_i32_0 = arith.constant 0 : i32
    %c0_i32_1 = arith.constant 0 : i32
    return %c0_i32, %c0_i32_0 : i32, i32
  }
  func.func @transform_2(%arg0: i32) -> (i32, i32) {
    %c0_i32 = arith.constant 0 : i32
    %c0_i32_0 = arith.constant 0 : i32
    return %arg0, %c0_i32 : i32, i32
  }
  func.func @transform_3(%arg0: i32) -> (i32, i32) {
    %c0_i32 = arith.constant 0 : i32
    %c0_i32_0 = arith.constant 0 : i32
    return %arg0, %c0_i32 : i32, i32
  }
}

</mosaic_0001>

<sc_bundles>
// kernel: kernel.4.cloned.1.call-start
scs
__scs_entry_jumppad:
0x0: {  	(pc) =	sbr.rel $0x88, $3  }
0x1: {  	(tag) =	ssettag $0x0;
	lr =	simm.s32 $0x1  }
0x2: {  	[smem:$0x3F9D] =	sst lr;
	_ =	strace $0xD0000000  }
0x3: {  	_ = 	snop  }
0x4: {  	_ = 	snop  }
0x5: {  	_ = 	snop  }
0x6: {  	_ = 	snop  }
0x7: {  	_ = 	snop  }
__scs_overlays_trampoline_lowered:
0x8: {  	[smem:$0x3FAC] =	sst s0  }
0x9: {  	[smem:$0x3FAD] =	sst s1  }
0xa: {  	[smem:$0x3FAE] =	sst s2  }
0xb: {  	[smem:$0x3FAF] =	sst s3  }
0xc: {  	[smem:$0x3FB0] =	sst s4  }
0xd: {  	[smem:$0x3FB1] =	sst s5  }
0xe: {  	[smem:$0x3FB2] =	sst s6  }
0xf: {  	[smem:$0x3FB3] =	sst s7  }
0x10: {  	[smem:$0x3FB4] =	sst s8  }
0x11: {  	[smem:$0x3FB5] =	sst s9;
	s0 =	simm.s32 @!p0 $0x0  }
0x12: {  	s1 =	sld [smem:$0x3F9B];
	s0 =	simm.s32 @p0 $0x1  }
0x13: {  	[smem:$0x3FB6] =	sst s0;
	s0 =	simm.s32 @!p1 $0x0  }
0x14: {  	s2 =	sld [smem:$0x3F9A];
	s0 =	simm.s32 @p1 $0x1  }
0x15: {  	[smem:$0x3FB7] =	sst s0;
	s0 =	simm.s32 @!p2 $0x0  }
0x16: {  	s3 =	sld [smem:$0x3FDB];
	s0 =	simm.s32 @p2 $0x1  }
0x17: {  	s4 =	simm.s32 $0x1BF5;
	[smem:$0x3FB9] =	sst s0  }
0x18: {  	s0 =	sld [smem:$0x3F9C];
	_ =	swait.ge [sflag:s4], $0x0  }
0x19: {  	s7 =	sld [smem:$0x3F9D]  }
0x1a: {  	s8 =	sadd.s32 $0xFFFFE003, lr  }
0x1b: {  	s9 =	sadd.s32 $0xFFFFFEF7, lr;
	s5 =	simm.s32 $0xFFFFFFFF;
	p2 =	slt.u32 s8, $0xFFFFF086  }
0x1c: {  	p1 =	slt.u32 s9, $0xF7A;
	s5 =	simm.s32 @!p2 $0x0  }
0x1d: {  	s5 =	simm.s32 @p1 $0x1;
	p0 =	seq.s32 s7, s2  }
0x1e: {  	s7 =	smul.u32 @!p0 $0xF7A, s2;
	p2 =	seq.s32 @!p0 s5, $0x0  }
0x1f: {  	s9 =	smul.u32 $0xF7A, s1;
	s8 =	simm.s32 @!p0 $0x1BF5;
	p2 =	por !p2, p0  }
0x20: {  	[sflag:s8] =	ssyncset.s32 @!p0 $0xFFFFF086;
	s6 =	sadd.s32 @!p0 s3, s7;
	s7 =	simm.s32 @!p0 $0x108  }
0x21: {  	s3 =	sadd.s32 s3, s9;
	s6 =	sadd.s32 @!p0 $0x88, s6;
	s7 =	simm.s32 @p2 $0x1082  }
0x22: {  	[simem:s7], [sflag:s8] =	dma.local @!p0 [hbm:s6], $0xF7A  }
0x23: {  	s9 =	sor.u32 $0xD0000000, s2;
	s6 =	simm.s32 $0x108;
	_ =	swait.ge @!p0 [sflag:s8], $0x0  }
0x24: {  	s3 =	sadd.s32 $0x88, s3;
	s6 =	simm.s32 @!p1 $0x1082;
	[sflag:s4] =	ssyncset.s32 $0xFFFFF086  }
0x25: {  	[simem:s6], [sflag:s4] =	dma.local [hbm:s3], $0xF7A  }
0x26: {  	[smem:$0x3F9D] =	sst s1;
	(tag) =	ssettag s2;
	_ =	strace s9  }
0x27: {  	s1 =	sld [smem:$0x3FAD]  }
0x28: {  	s2 =	sld [smem:$0x3FAE]  }
0x29: {  	s4 =	sld [smem:$0x3FB0]  }
0x2a: {  	p0 =	seq.s32 s5, $0x0;
	s5 =	sld [smem:$0x3FB1]  }
0x2b: {  	s6 =	sld [smem:$0x3FB2]  }
0x2c: {  	s7 =	sld [smem:$0x3FB3]  }
0x2d: {  	s3 =	simm.s32 $0x108;
	s8 =	sld [smem:$0x3FB4]  }
0x2e: {  	s3 =	simm.s32 @!p0 $0x1082;
	s9 =	sld [smem:$0x3FB5]  }
0x2f: {  	lr =	sadd.s32 s0, s3;
	s0 =	sld [smem:$0x3FAC]  }
0x30: {  	s3 =	sld [smem:$0x3FAF]  }
0x31: {  	[smem:$0x3FB8] =	sst s10  }
0x32: {  	s10 =	sld [smem:$0x3FB6];
	_ =	sdelay $0x3  }
0x33: {  	p0 =	seq.s32 s10, $0x1;
	s10 =	sld [smem:$0x3FB8];
	_ =	sdelay $0x3  }
0x34: {  	[smem:$0x3FB8] =	sst s10  }
0x35: {  	s10 =	sld [smem:$0x3FB7];
	_ =	sdelay $0x3  }
0x36: {  	p1 =	seq.s32 s10, $0x1;
	s10 =	sld [smem:$0x3FB8];
	_ =	sdelay $0x3  }
0x37: {  	[smem:$0x3FB8] =	sst s10  }
0x38: {  	s10 =	sld [smem:$0x3FB9]  }
0x39: {  	_ = 	snop;
	(pc) =	sbr.ind lr, $3  }
0x3a: {  	_ = 	snop  }
0x3b: {  	_ = 	snop  }
0x3c: {  	p2 =	seq.s32 s10, $0x1;
	s10 =	sld [smem:$0x3FB8]  }
0x3d: {  	_ =	shalt  }
0x3e: {  	_ =	shalt  }
0x3f: {  	_ =	shalt  }
0x40: {  	_ =	shalt  }
0x41: {  	_ =	shalt  }
0x42: {  	_ =	shalt  }
0x43: {  	_ =	shalt  }
0x44: {  	_ =	shalt  }
0x45: {  	_ =	shalt  }
0x46: {  	_ =	shalt  }
0x47: {  	_ =	shalt  }
0x48: {  	_ =	shalt  }
0x49: {  	_ =	shalt  }
0x4a: {  	_ =	shalt  }
0x4b: {  	_ =	shalt  }
0x4c: {  	_ =	shalt  }
0x4d: {  	_ =	shalt  }
0x4e: {  	_ =	shalt  }
0x4f: {  	_ =	shalt  }
0x50: {  	_ =	shalt  }
0x51: {  	_ =	shalt  }
0x52: {  	_ =	shalt  }
0x53: {  	_ =	shalt  }
0x54: {  	_ =	shalt  }
0x55: {  	_ =	shalt  }
0x56: {  	_ =	shalt  }
0x57: {  	_ =	shalt  }
0x58: {  	_ =	shalt  }
0x59: {  	_ =	shalt  }
0x5a: {  	_ =	shalt  }
0x5b: {  	_ =	shalt  }
0x5c: {  	_ =	shalt  }
0x5d: {  	_ =	shalt  }
0x5e: {  	_ =	shalt  }
0x5f: {  	_ =	shalt  }
0x60: {  	_ =	shalt  }
0x61: {  	_ =	shalt  }
0x62: {  	_ =	shalt  }
0x63: {  	_ =	shalt  }
0x64: {  	_ =	shalt  }
0x65: {  	_ =	shalt  }
0x66: {  	_ =	shalt  }
0x67: {  	_ =	shalt  }
0x68: {  	_ =	shalt  }
0x69: {  	_ =	shalt  }
0x6a: {  	_ =	shalt  }
0x6b: {  	_ =	shalt  }
0x6c: {  	_ =	shalt  }
0x6d: {  	_ =	shalt  }
0x6e: {  	_ =	shalt  }
0x6f: {  	_ =	shalt  }
0x70: {  	_ =	shalt  }
0x71: {  	_ =	shalt  }
0x72: {  	_ =	shalt  }
0x73: {  	_ =	shalt  }
0x74: {  	_ =	shalt  }
0x75: {  	_ =	shalt  }
0x76: {  	_ =	shalt  }
0x77: {  	_ =	shalt  }
0x78: {  	_ =	shalt  }
0x79: {  	_ =	shalt  }
0x7a: {  	_ =	shalt  }
0x7b: {  	_ =	shalt  }
0x7c: {  	_ =	shalt  }
0x7d: {  	_ =	shalt  }
0x7e: {  	_ =	shalt  }
0x7f: {  	_ =	shalt  }
0x80: {  	_ =	shalt  }
0x81: {  	_ =	shalt  }
0x82: {  	_ =	shalt  }
0x83: {  	_ =	shalt  }
0x84: {  	_ =	shalt  }
0x85: {  	_ =	shalt  }
0x86: {  	_ =	shalt  }
0x87: {  	_ =	shalt  }
.Lfunc_end0:
.L_simem_size_0:
called_computation_lowered:
.L_overlay_start_0:
0x88: {  	s2 =	sld [smem:$0x3FD9]  }
0x89: {  	s3 =	sld [smem:$0x3FFE];
	_ =	sdelay $0x1  }
0x8a: {  	s1 =	srdreg.scid  }
0x8b: {  	s0 =	sand.u32 $0x1, s1  }
0x8c: {  	s17 =	sshll.u32 s0, $0xA;
	s2 =	sadd.s32 s3, s2  }
0x8d: {  	s2 =	sadd.s32 s2, s17  }
0x8e: {  	[smem:$0x3FC4] =	sst s2  }
0x8f: {  	_ = 	snop  }
0x90: {  	s2 =	sld [smem:$0x3FC8]  }
0x91: {  	s18 =	sld [smem:$0x3FC7]  }
0x92: {  	s4 =	sld [smem:$0x3FD0];
	(tm) =	ssettm $0x1  }
0x93: {  	s5 =	sld [smem:$0x3FFB];
	_ =	sdelay $0x3  }
0x94: {  	_ =	strace s5  }
0x95: {  	s5 =	sld [smem:$0x3FFC];
	_ =	sdelay $0x3  }
0x96: {  	_ =	strace s5  }
0x97: {  	s5 =	sld [smem:$0x3FFD];
	_ =	sdelay $0x3  }
0x98: {  	_ =	strace s5  }
0x99: {  	_ =	strace $0x8FFFFFFF  }
0x9a: {  	s19 =	sld [smem:$0x3FDB];
	_ =	sdelay $0x1  }
0x9b: {  	s6 =	simm.s32 $_scs_section_size  }
0x9c: {  	s7 =	simm.s32 $_size__tile_overlayer_lowered;
	s8 =	simm.s32 $_tile_overlayer_lowered  }
0x9d: {  	s22 =	simm.s32 $0x1BFF;
	s21 =	sshll.u32 s8, $0x1;
	s5 =	sadd.s32 s6, s19  }
0x9e: {  	s9 =	simm.s32 $0x0;
	s20 =	sshll.u32 s7, $0x1;
	s7 =	sadd.s32 s21, s5  }
0x9f: {  	[timem:s9], [sflag:s22] =	dma.local [hbm:s7], s20  }
0xa0: {  	_ =	swait.ge [sflag:s22], s20  }
0xa1: {  	s6 =	ssub.s32 $0x0, s20;
	[sflag:s22] =	ssyncset.done $0x0  }
0xa2: {  	[sflag:s22] =	ssyncadd.s32 s6;
	_ =	sdelay $0x1  }
0xa3: {  	s23 =	simm.s32 $0x1B8B  }
0xa4: {  	_ =	swait.ge [sflag:s23], $0x1  }
0xa5: {  	[sflag:s23] =	ssyncset.done $0x0  }
0xa6: {  	s25 =	simm.s32 $0x1B8E;
	s24 =	sld [smem:$0x3FFE];
	[sflag:s23] =	ssyncadd.s32 $0xFFFFFFFF  }
0xa7: {  	s26 =	simm.s32 $execute0_lowered;
	[smem:$0x3FD2] =	sst s25  }
0xa8: {  	s7 =	sshll.u32 s26, $0x1;
	_ =	strace $0x80000046;
	[dreg:$0x1] =	wrdreg $0xFFFFFFFF  }
0xa9: {  	s28 =	simm.s32 $_size_execute0_lowered;
	s5 =	sadd.s32 s5, s7;
	[dreg:$0x0] =	wrdreg $0x0  }
0xaa: {  	s7 =	sshll.u32 s28, $0x1;
	[dreg:$0x2] =	wrdreg s5  }
0xab: {  	[dreg:$0x3] =	wrdreg s7  }
0xac: {  	[dreg:$0x4] =	wrdreg $0xC0  }
0xad: {  	_ =	task [dreg:s9], $0x5FFFF  }
0xae: {  	[dreg:$0x1] =	wrdreg $0xFFFFFFFF  }
0xaf: {  	[dreg:$0x0] =	wrdreg $0x60  }
0xb0: {  	[dreg:$0x2] =	wrdreg s24  }
0xb1: {  	[dreg:$0x3] =	wrdreg s2  }
0xb2: {  	[dreg:$0x4] =	wrdreg s18  }
0xb3: {  	[dreg:$0x5] =	wrdreg s4  }
0xb4: {  	[dreg:$0x6] =	wrdreg $0x0  }
0xb5: {  	[dreg:$0x7] =	wrdreg $0x138800  }
0xb6: {  	[dreg:$0x8] =	wrdreg $0x9  }
0xb7: {  	_ =	task.clear_ibuf [dreg:s9], $0x9FFFF;
	_ =	strace $0x90000046  }
0xb8: {  	s29 =	simm.s32 $0x9;
	_ =	strace $0x80000048  }
0xb9: {  	_ =	swait.ge [sflag:s29], $0x1  }
0xba: {  	[sflag:s29] =	ssyncadd.s32 $0xFFFFFFFF  }
0xbb: {  	_ =	strace $0x90000048  }
0xbc: {  	_ =	sfence  }
0xbd: {  	s30 =	sld [smem:$0x0];
	_ =	sdelay $0x2  }
0xbe: {  	s31 =	sshll.u32 s1, $0xD;
	s1 =	sshrl.u32 s1, $0x2  }
0xbf: {  	s3 =	sand.u32 $0x4000, s31;
	s1 =	sadd.s32 s1, s30  }
0xc0: {  	s0 =	sor.u32 s3, s0;
	s1 =	sshll.u32 s1, $0x11  }
0xc1: {  	s0 =	sor.u32 s1, s0  }
0xc2: {  	s0 =	sadd.s32 $0x8F2B, s0  }
0xc3: {  	[sflag:s0] =	ssyncadd.remote.s32 $0x1  }
0xc4: {  	_ =	sfence.sel $0xFFFF  }
0xc5: {  	[dreg:$0x0] =	wrdreg $0xFFFFFFFF;
	(pc) =	sbr.abs _section_cstart, $3  }
0xc6: {  	[dreg:$0x1] =	wrdreg $0xFFFFFFFF  }
0xc7: {  	_ =	task.clear_ibuf [dreg:s9], $0x2FFFF;
	_ =	strace $0x9FFFFFFF  }
0xc8: {  	(tm) =	ssettm $0x7FFFFFFF  }
0xc9: {  	_ =	shalt  }
tec
execute0_lowered:
.L_overlay_start_1:
0x0: {  	(tag) =	ssettag $0x1  }
0x1: {  	s1 =	rddreg [dreg:$0x0]  }
0x2: {  	s5 =	rddreg [dreg:$0x1]  }
0x3: {  	s6 =	rddreg [dreg:$0x2]  }
0x4: {  	s7 =	rddreg [dreg:$0x3]  }
0x5: {  	s0 =	rddreg [dreg:$0x4];
	s2 =	simm.s32 $0x0;
	s22 =	stileid.u32  }
0x6: {  	s3 =	srdreg.scid;
	s31 =	simm.s32 $0x1;
	s11 =	smul.u32 $0x1380, s22  }
0x7: {  	[smem:$0x7FF] =	sst s2;
	s8 =	sadd.s32 $0xE00, s1;
	s14 =	smul.u32 $0x4E20, s22  }
0x8: {  	s9 =	sand.u32 $0x1, s3;
	s3 =	sadd.s32 $0x14800, s1;
	s29 =	smul.u32 $0x270, s22  }
0x9: {  	s12 =	sadd.s32 $0x28200, s1;
	s4 =	sadd.s32 $0x4F400, s1;
	s23 =	smul.u32 $0x2700, s22  }
0xa: {  	s10 =	ssub.s32 $0x2, s9;
	p0 =	seq.s32 s9, $0x0;
	s9 =	sshll.u32 s9, $0x3  }
0xb: {  	s13 =	sshrl.u32 s10, $0x1;
	s11 =	sshrl.u32 s11, $0x2;
	s18 =	sshrl.u32 s14, $0x3  }
0xc: {  	s15 =	sadd.s32 $0xC8, s14;
	s21 =	sadd.s32 $0x258, s14;
	s14 =	sadd.s32 $0xC8, s29  }
0xd: {  	s17 =	sadd.s32 $0x190, s29;
	s3 =	smov.u32 @p0 s8;
	s9 =	sadd.s32 s9, s7  }
0xe: {  	s4 =	smov.u32 @p0 s12;
	s12 =	simm.s32 $0x27000;
	s1 =	ssub.s32 s10, s13  }
0xf: {  	s30 =	sadd.s32 s5, s18;
	s16 =	sadd.s32 s6, s18;
	s15 =	sshrl.u32 s15, $0x3  }
0x10: {  	s13 =	sadd.s32 $0x32, s18;
	s26 =	sadd.s32 s9, s23;
	[dreg:$0x8] =	wrdreg s16  }
0x11: {  	s24 =	sshll.u32 s14, $0x4;
	s19 =	sadd.s32 s5, s15;
	[dreg:$0xd] =	wrdreg s26  }
0x12: {  	s18 =	sshll.u32 s17, $0x4;
	s15 =	sadd.s32 s6, s15;
	[dreg:$0x9] =	wrdreg s19  }
0x13: {  	s10 =	sadd.s32 $0x258, s29;
	s20 =	sadd.s32 s5, s13;
	[dreg:$0xa] =	wrdreg s15  }
0x14: {  	s12 =	simm.s32 @!p0 $0x27008;
	s13 =	sadd.s32 s6, s13;
	[dreg:$0xb] =	wrdreg s20  }
0x15: {  	p0 =	sne.s32 s22, $0xF;
	s28 =	sadd.s32 s9, s24;
	[dreg:$0xc] =	wrdreg s13  }
0x16: {  	s25 =	sshll.u32 s10, $0x4;
	s29 =	sadd.s32 s9, s18;
	[dreg:$0xe] =	wrdreg s28  }
0x17: {  	s7 =	sadd.s32 s12, s7;
	s10 =	sshll.u32 s10, $0x6;
	[dreg:$0xf] =	wrdreg s29  }
0x18: {  	s1 =	smax.u32 s1, $0x1;
	s13 =	sshrl.u32 s21, $0x3;
	[dreg:$0x11] =	wrdreg s7  }
0x19: {  	s8 =	sadd.s32 s9, s25;
	s9 =	smul.u32 $0x9C4, s22;
	s19 =	rddreg [dreg:$0x5]  }
0x1a: {  	s15 =	smul.u32 $0x13800, s22;
	[dreg:$0x10] =	wrdreg s8;
	s12 =	sadd.s32 s5, s13  }
0x1b: {  	s10 =	sadd.s32 s10, s0;
	s13 =	sadd.s32 s6, s13;
	[dreg:$0x12] =	wrdreg s12  }
0x1c: {  	s16 =	sadd.s32 s11, s19;
	[dreg:$0x13] =	wrdreg s13;
	s20 =	sadd.s32 s9, s6  }
0x1d: {  	s21 =	sadd.s32 s9, s5;
	s18 =	sadd.s32 s15, s0;
	s23 =	sadd.s32 $0x3200, s15  }
0x1e: {  	s24 =	sadd.s32 $0x6400, s15;
	s25 =	sadd.s32 $0x9600, s15;
	s26 =	sadd.s32 $0xC800, s15  }
0x1f: {  	s28 =	sadd.s32 $0xFA00, s15;
	_ =	strace $0x80000047;
	[dreg:$0x14] =	wrdreg s16  }
0x20: {  	s29 =	sadd.s32 $0x12C00, s15;
	s6 =	sshrl.u32 s15, $0x3;
	[dreg:$0x15] =	wrdreg s18  }
0x21: {  	s15 =	sadd.s32 s23, s0;
	s5 =	sshrl.u32 s23, $0x3;
	[dreg:$0x1f] =	wrdreg s10  }
0x22: {  	s16 =	sadd.s32 s24, s0;
	s7 =	sshrl.u32 s24, $0x3;
	[smem:$0x7F2] =	sst s1  }
0x23: {  	s18 =	sadd.s32 s25, s0;
	s8 =	sshrl.u32 s25, $0x3;
	[dreg:$0x7] =	wrdreg s30  }
0x24: {  	s23 =	smul.u32 $0x27000, s22;
	s24 =	sadd.s32 s26, s0;
	[dreg:$0x16] =	wrdreg s15  }
0x25: {  	s9 =	sshrl.u32 s26, $0x3;
	s25 =	sadd.s32 s28, s0;
	[dreg:$0x17] =	wrdreg s16  }
0x26: {  	s11 =	sshrl.u32 s28, $0x3;
	s26 =	sadd.s32 s29, s0;
	[dreg:$0x18] =	wrdreg s18  }
0x27: {  	s12 =	sshrl.u32 s29, $0x3;
	s28 =	sshll.u32 s14, $0x6;
	[dreg:$0x19] =	wrdreg s24  }
0x28: {  	s29 =	sshll.u32 s17, $0x6;
	s14 =	sadd.s32 s4, s6;
	[dreg:$0x1a] =	wrdreg s25  }
0x29: {  	s1 =	simm.s32 $0x7;
	s6 =	simm.s32 $0x1A550;
	[dreg:$0x1b] =	wrdreg s26  }
0x2a: {  	s10 =	simm.s32 $0xC8;
	s22 =	simm.s32 $0x16F68;
	[smem:$0x7F3] =	sst s14  }
0x2b: {  	s15 =	sadd.s32 s4, s5;
	s16 =	sadd.s32 s4, s7;
	s17 =	sadd.s32 s4, s8  }
0x2c: {  	s18 =	sadd.s32 s4, s9;
	s24 =	sadd.s32 s4, s12;
	[smem:$0x7F4] =	sst s15  }
0x2d: {  	s25 =	sadd.s32 $0x138000, s0;
	s26 =	sadd.s32 $0x4E00, s19;
	[smem:$0x7F5] =	sst s16  }
0x2e: {  	s14 =	simm.s32 $0x1A230;
	s5 =	simm.s32 $0x1A488;
	[smem:$0x7F6] =	sst s17  }
0x2f: {  	s7 =	simm.s32 $0x1A618;
	s8 =	simm.s32 $0x1A6E0;
	[smem:$0x7F7] =	sst s18  }
0x30: {  	s9 =	simm.s32 $0x3;
	s12 =	simm.s32 $0x1A7A8;
	[smem:$0x7F9] =	sst s24  }
0x31: {  	s13 =	sshrl.u32 s23, $0x2;
	s23 =	sadd.s32 s4, s11;
	[smem:$0x7FA] =	sst s25  }
0x32: {  	[smem:$0x7FB] =	sst s26;
	s15 =	simm.s32 $0x1AD80;
	s17 =	simm.s32 $0x13D68  }
0x33: {  	s18 =	simm.s32 $0x4;
	s13 =	sadd.s32 s13, s0;
	[smem:$0x7F8] =	sst s23  }
.Ltmp0:
0x34: {  	[dreg:$0x1c] =	wrdreg s13;
	s13 =	sadd.s32 s28, s0;
	(pc) =	sbr.rel .LBB2_1-.Ltmp0, $4  }
0x35: {  	s24 =	simm.s32 $0x2;
	s28 =	sadd.s32 $0x9C000, s0;
	[dreg:$0x1d] =	wrdreg s13  }
0x36: {  	s25 =	simm.s32 $0x6;
	s13 =	sadd.s32 s29, s0;
	[smem:$0x7FC] =	sst s28  }
0x37: {  	s16 =	simm.s32 $0x0;
	s29 =	sadd.s32 $0x27000, s4;
	[dreg:$0x1e] =	wrdreg s13  }
0x38: {  	v0 =	vimm.f32 $0.0e+00;
	v1 =	vimm.f32 $1.000000000e+00;
	s23 =	simm.s32 $0x5;
	[smem:$0x7FD] =	sst s29;
	s13 =	simm.s32 $0x1A3C0  }
.LBB2_31:
0x39: {  	_ =	swait.ge [sflag:s24], $0x3200  }
0x3a: {  	[sflag:s24] =	ssyncset.done $0x0  }
0x3b: {  	[sflag:s24] =	ssyncadd.s32 $0xFFFFCE00  }
0x3c: {  	[spmem:s0] =	stream.indirect.scatter.add.f32 [tilespmem:s22], [sflag:$0x7], $0x40, s7, s10, $0xb8;
	[tilespmem:$0x1DF80] =	vst v63  }
0x3d: {  	_ =	swait.ge [sflag:s1], $0x3200  }
0x3e: {  	[sflag:s1] =	ssyncset.done $0x0  }
0x3f: {  	[sflag:s1] =	ssyncadd.s32 $0xFFFFCE00  }
0x40: {  	[bflag:$0x0] =	sbarrier.arrive $0xFFFF  }
0x41: {  	s11 =	rddreg [dreg:$0x1c]  }
0x42: {  	[tilespmem:s17], [sflag:$0x7] =	stream.linear.gather [spmem:s11], $0x3200, $0x38;
	[tilespmem:$0x1DF80] =	vst v63  }
0x43: {  	_ =	swait.ge [sflag:s1], $0x3200  }
0x44: {  	s15 =	simm.s32 $0x40;
	[sflag:s1] =	ssyncset.done $0x0  }
0x45: {  	s16 =	simm.s32 $0x80;
	s26 =	rddreg [dreg:$0xd];
	[sflag:s1] =	ssyncadd.s32 $0xFFFFCE00  }
0x46: {  	[hbm4b:s26+s15] =	stream.strided.scatter [tilespmem:s17], [sflag:$0x5], $0x3200, s16, s15, $0x38;
	[tilespmem:$0x1DF80] =	vst v63  }
0x47: {  	s28 =	rddreg [dreg:$0x1d]  }
0x48: {  	[tilespmem:s22], [sflag:$0x7] =	stream.linear.gather [spmem:s28], $0x3200, $0x38;
	[tilespmem:$0x1DF80] =	vst v63  }
0x49: {  	_ =	swait.ge [sflag:s1], $0x3200  }
0x4a: {  	[sflag:s1] =	ssyncset.done $0x0  }
0x4b: {  	s29 =	rddreg [dreg:$0xe];
	[sflag:s1] =	ssyncadd.s32 $0xFFFFCE00  }
0x4c: {  	[hbm4b:s29+s15] =	stream.strided.scatter [tilespmem:s22], [sflag:$0x6], $0x3200, s16, s15, $0x38;
	[tilespmem:$0x1DF80] =	vst v63  }
0x4d: {  	_ =	swait.ge [sflag:s23], $0x3200  }
0x4e: {  	[sflag:s23] =	ssyncset.done $0x0  }
0x4f: {  	s26 =	rddreg [dreg:$0x1e];
	[sflag:s23] =	ssyncadd.s32 $0xFFFFCE00  }
0x50: {  	[tilespmem:s17], [sflag:$0x7] =	stream.linear.gather [spmem:s26], $0x3200, $0x38;
	[tilespmem:$0x1DF80] =	vst v63  }
0x51: {  	_ =	swait.ge [sflag:s1], $0x3200  }
0x52: {  	[sflag:s1] =	ssyncset.done $0x0  }
0x53: {  	s28 =	rddreg [dreg:$0xf];
	[sflag:s1] =	ssyncadd.s32 $0xFFFFCE00  }
0x54: {  	[hbm4b:s28+s15] =	stream.strided.scatter [tilespmem:s17], [sflag:$0x5], $0x3200, s16, s15, $0x38;
	[tilespmem:$0x1DF80] =	vst v63  }
0x55: {  	_ =	swait.ge [sflag:s25], $0x3200  }
0x56: {  	[sflag:s25] =	ssyncset.done $0x0  }
0x57: {  	s29 =	rddreg [dreg:$0x1f];
	[sflag:s25] =	ssyncadd.s32 $0xFFFFCE00  }
0x58: {  	[tilespmem:s22], [sflag:$0x7] =	stream.linear.gather [spmem:s29], $0x600, $0x38;
	[tilespmem:$0x1DF80] =	vst v63  }
0x59: {  	_ =	swait.ge [sflag:s1], $0x600  }
0x5a: {  	[sflag:s1] =	ssyncset.done $0x0  }
0x5b: {  	s26 =	rddreg [dreg:$0x10];
	[sflag:s1] =	ssyncadd.s32 $0xFFFFFA00  }
0x5c: {  	[hbm4b:s26+s15] =	stream.strided.scatter [tilespmem:s22], [sflag:$0x6], $0x600, s16, s15, $0x38;
	[tilespmem:$0x1DF80] =	vst v63  }
0x5d: {  	_ =	swait.ge [sflag:s23], $0x3200  }
0x5e: {  	[sflag:s23] =	ssyncset.done $0x0  }
0x5f: {  	[sflag:s23] =	ssyncadd.s32 $0xFFFFCE00  }
0x60: {  	_ =	swait.ge [sflag:s25], $0x600  }
0x61: {  	s15 =	sld [smem:$0x7FC]  }
0x62: {  	[sflag:s25] =	ssyncset.done $0x0  }
0x63: {  	s11 =	simm.s32 @!p0 $0x13D68;
	[sflag:s25] =	ssyncadd.s32 $0xFFFFFA00  }
0x64: {  	[tilespmem:s11], [sflag:$0x7] =	stream.linear.gather @!p0 [spmem:s15], $0x400, $0x38;
	[tilespmem:$0x1DF80] =	vst v63  }
0x65: {  	s15 =	simm.s32 @!p0 $0x7  }
0x66: {  	_ =	swait.ge @!p0 [sflag:s15], $0x400  }
0x67: {  	s16 =	simm.s32 @!p0 $0x80;
	[sflag:s15] =	ssyncset.done @!p0 $0x0  }
0x68: {  	s26 =	rddreg [dreg:$0x11];
	[sflag:s15] =	ssyncadd.s32 @!p0 $0xFFFFFC00;
	s15 =	simm.s32 @!p0 $0x40  }
0x69: {  	[hbm4b:s26+s15] =	stream.strided.scatter @!p0 [tilespmem:s11], [sflag:$0x5], $0x400, s16, s15, $0x38;
	[tilespmem:$0x1DF80] =	vst v63  }
0x6a: {  	s11 =	simm.s32 @!p0 $0x5  }
0x6b: {  	_ =	swait.ge @!p0 [sflag:s11], $0x400  }
0x6c: {  	s28 =	sld [smem:$0x7F1]  }
0x6d: {  	s29 =	sld [smem:$0x7F2];
	_ =	sdelay $0x1  }
0x6e: {  	s16 =	sadd.s32 $0x1, s28  }
0x6f: {  	p1 =	sne.s32 s16, s29  }
.Ltmp1:
0x70: {  	_ = 	snop;
	(pc) =	sbr.rel @!p1 .LBB2_32-.Ltmp1, $3  }
0x71: {  	_ =	sdelay $0x1  }
0x72: {  	[sflag:s11] =	ssyncset.done @!p0 $0x0  }
0x73: {  	s15 =	simm.s32 $0x1AD80;
	[sflag:s11] =	ssyncadd.s32 @!p0 $0xFFFFFC00  }
.LBB2_1:
0x74: {  	s28 =	simm.s32 $0x0  }
.LBB2_2:
0x75: {  	p1 =	sne.s32 s28, $0xC700  }
.Ltmp2:
0x76: {  	s29 =	sshra.s32 s28, $0x2;
	(pc) =	sbr.rel @p1 .LBB2_2-.Ltmp2, $4  }
0x77: {  	[tilespmem:s29+$0x1AD80] =	vst v0  }
0x78: {  	[tilespmem:s29+$0x1AD90] =	vst v0  }
0x79: {  	[tilespmem:s29+$0x1ADA0] =	vst v0  }
0x7a: {  	s28 =	sadd.s32 $0x100, s28;
	[tilespmem:s29+$0x1ADB0] =	vst v0  }
0x7b: {  	[smem:$0x7F1] =	sst s16;
	s28 =	simm.s32 $0x40;
	s29 =	simm.s32 $0x0  }
.LBB2_4:
0x7c: {  	p1 =	sne.s32 s28, $0x1400;
	[tilespmem:s29+$0x1A870] =	vst v0;
	s29 =	smov.u32 s28;
	s28 =	sadd.s32 $0x40, s28  }
.Ltmp3:
0x7d: {  	(pc) =	sbr.rel @p1 .LBB2_4-.Ltmp3, $2  }
0x7e: {  	_ =	sdelay $0x2  }
0x7f: {  	s29 =	sshra.s32 s29, $0x2  }
0x80: {  	[tilespmem:s29+$0x1A870] =	vst v0  }
0x81: {  	[tilespmem:$0x1A7A8] =	vst v1  }
0x82: {  	[tilespmem:$0x1A7B8] =	vst v1  }
0x83: {  	[tilespmem:$0x1A7C8] =	vst v1  }
0x84: {  	[tilespmem:$0x1A7D8] =	vst v1  }
0x85: {  	[tilespmem:$0x1A7E8] =	vst v1  }
0x86: {  	[tilespmem:$0x1A7F8] =	vst v1  }
0x87: {  	[tilespmem:$0x1A808] =	vst v1  }
0x88: {  	[tilespmem:$0x1A818] =	vst v1  }
0x89: {  	[tilespmem:$0x1A828] =	vst v1  }
0x8a: {  	[tilespmem:$0x1A838] =	vst v1  }
0x8b: {  	[tilespmem:$0x1A848] =	vst v1  }
0x8c: {  	[tilespmem:$0x1A858] =	vst v1  }
0x8d: {  	s11 =	rddreg [dreg:$0x15];
	[tilespmem:$0x1A860] =	vst v1  }
0x8e: {  	[spmem:s11] =	stream.linear.scatter [tilespmem:s15], [sflag:$0x1], $0x3200, $0x38;
	[tilespmem:$0x1DF80] =	vst v63  }
0x8f: {  	s16 =	rddreg [dreg:$0x16]  }
0x90: {  	[spmem:s16] =	stream.linear.scatter [tilespmem:s15], [sflag:$0x1], $0x3200, $0x38;
	[tilespmem:$0x1DF80] =	vst v63  }
0x91: {  	s26 =	rddreg [dreg:$0x17]  }
0x92: {  	[spmem:s26] =	stream.linear.scatter [tilespmem:s15], [sflag:$0x1], $0x3200, $0x38;
	[tilespmem:$0x1DF80] =	vst v63  }
0x93: {  	s29 =	rddreg [dreg:$0x18]  }
0x94: {  	[spmem:s29] =	stream.linear.scatter [tilespmem:s15], [sflag:$0x1], $0x3200, $0x38;
	[tilespmem:$0x1DF80] =	vst v63  }
0x95: {  	s16 =	rddreg [dreg:$0x19]  }
0x96: {  	[spmem:s16] =	stream.linear.scatter [tilespmem:s15], [sflag:$0x1], $0x3200, $0x38;
	[tilespmem:$0x1DF80] =	vst v63  }
0x97: {  	s26 =	rddreg [dreg:$0x1a]  }
0x98: {  	[spmem:s26] =	stream.linear.scatter [tilespmem:s15], [sflag:$0x1], $0x3200, $0x38;
	[tilespmem:$0x1DF80] =	vst v63  }
0x99: {  	s29 =	rddreg [dreg:$0x1b]  }
0x9a: {  	[spmem:s29] =	stream.linear.scatter [tilespmem:s15], [sflag:$0x1], $0xC00, $0x38;
	[tilespmem:$0x1DF80] =	vst v63  }
0x9b: {  	_ =	swait.ge [sflag:s31], $0x3200  }
0x9c: {  	[sflag:s31] =	ssyncset.done $0x0  }
0x9d: {  	[sflag:s31] =	ssyncadd.s32 $0xFFFFCE00  }
0x9e: {  	_ =	swait.ge [sflag:s31], $0x3200  }
0x9f: {  	[sflag:s31] =	ssyncset.done $0x0  }
0xa0: {  	[sflag:s31] =	ssyncadd.s32 $0xFFFFCE00  }
0xa1: {  	_ =	swait.ge [sflag:s31], $0x3200  }
0xa2: {  	[sflag:s31] =	ssyncset.done $0x0  }
0xa3: {  	[sflag:s31] =	ssyncadd.s32 $0xFFFFCE00  }
0xa4: {  	_ =	swait.ge [sflag:s31], $0x3200  }
0xa5: {  	[sflag:s31] =	ssyncset.done $0x0  }
0xa6: {  	[sflag:s31] =	ssyncadd.s32 $0xFFFFCE00  }
0xa7: {  	_ =	swait.ge [sflag:s31], $0x3200  }
0xa8: {  	[sflag:s31] =	ssyncset.done $0x0  }
0xa9: {  	[sflag:s31] =	ssyncadd.s32 $0xFFFFCE00  }
0xaa: {  	_ =	swait.ge [sflag:s31], $0x3200  }
0xab: {  	[sflag:s31] =	ssyncset.done $0x0  }
0xac: {  	[sflag:s31] =	ssyncadd.s32 $0xFFFFCE00  }
0xad: {  	_ =	swait.ge [sflag:s31], $0xC00  }
0xae: {  	[sflag:s31] =	ssyncset.done $0x0  }
0xaf: {  	s16 =	simm.s32 $0x1A870;
	s15 =	rddreg [dreg:$0x14];
	[sflag:s31] =	ssyncadd.s32 $0xFFFFF400  }
0xb0: {  	[spmem:s15] =	stream.linear.scatter [tilespmem:s16], [sflag:$0x7], $0x4E0, $0x38;
	[tilespmem:$0x1DF80] =	vst v63  }
0xb1: {  	_ =	swait.ge [sflag:s1], $0x4E0  }
0xb2: {  	s11 =	sld [smem:$0x7FA]  }
0xb3: {  	[sflag:s1] =	ssyncset.done $0x0  }
0xb4: {  	s28 =	simm.s32 @!p0 $0x1AD80;
	[sflag:s1] =	ssyncadd.s32 $0xFFFFFB20  }
0xb5: {  	[spmem:s11] =	stream.linear.scatter @!p0 [tilespmem:s28], [sflag:$0x1], $0x800, $0x38;
	[tilespmem:$0x1DF80] =	vst v63  }
0xb6: {  	s28 =	simm.s32 @!p0 $0x1  }
0xb7: {  	_ =	swait.ge @!p0 [sflag:s28], $0x800  }
0xb8: {  	s11 =	sld [smem:$0x7FB]  }
0xb9: {  	[sflag:s28] =	ssyncset.done @!p0 $0x0  }
0xba: {  	[sflag:s28] =	ssyncadd.s32 @!p0 $0xFFFFF800;
	s28 =	simm.s32 @!p0 $0x1A870  }
0xbb: {  	[spmem:s11] =	stream.linear.scatter @!p0 [tilespmem:s28], [sflag:$0x7], $0x20, $0x38;
	[tilespmem:$0x1DF80] =	vst v63  }
0xbc: {  	s28 =	simm.s32 @!p0 $0x7  }
0xbd: {  	_ =	swait.ge @!p0 [sflag:s28], $0x20  }
0xbe: {  	[sflag:s28] =	ssyncset.done @!p0 $0x0  }
0xbf: {  	[sflag:s28] =	ssyncadd.s32 @!p0 $0xFFFFFFE0  }
0xc0: {  	s15 =	simm.s32 $0x1A168;
	s28 =	simm.s32 $0x0;
	[bflag:$0x0] =	sbarrier.arrive $0xFFFF  }
0xc1: {  	[tilespmem:s15], [sflag:$0x3] =	stream.linear.gather [hbm4b:s30+s28], $0xC8, $0x38;
	[tilespmem:$0x1DF80] =	vst v63  }
0xc2: {  	s26 =	rddreg [dreg:$0x8]  }
0xc3: {  	[tilespmem:s14], [sflag:$0x3] =	stream.linear.gather [hbm4b:s26+s28], $0xC8, $0x38;
	[tilespmem:$0x1DF80] =	vst v63  }
0xc4: {  	s16 =	simm.s32 $0x1A2F8;
	s29 =	rddreg [dreg:$0x9]  }
0xc5: {  	[tilespmem:s16], [sflag:$0x4] =	stream.linear.gather [hbm4b:s29+s28], $0xC8, $0x38;
	[tilespmem:$0x1DF80] =	vst v63  }
0xc6: {  	s30 =	rddreg [dreg:$0xa]  }
0xc7: {  	[tilespmem:s13], [sflag:$0x4] =	stream.linear.gather [hbm4b:s30+s28], $0xC8, $0x38;
	[tilespmem:$0x1DF80] =	vst v63  }
0xc8: {  	s16 =	rddreg [dreg:$0xb]  }
0xc9: {  	[tilespmem:s5], [sflag:$0x5] =	stream.linear.gather [hbm4b:s16+s28], $0xC8, $0x38;
	[tilespmem:$0x1DF80] =	vst v63  }
0xca: {  	s26 =	rddreg [dreg:$0xc]  }
0xcb: {  	[tilespmem:s6], [sflag:$0x5] =	stream.linear.gather [hbm4b:s26+s28], $0xC8, $0x38;
	[tilespmem:$0x1DF80] =	vst v63  }
0xcc: {  	s29 =	rddreg [dreg:$0x12]  }
0xcd: {  	[tilespmem:s7], [sflag:$0x6] =	stream.linear.gather [hbm4b:s29+s28], $0xC8, $0x38;
	[tilespmem:$0x1DF80] =	vst v63  }
0xce: {  	s30 =	rddreg [dreg:$0x13]  }
0xcf: {  	[tilespmem:s8], [sflag:$0x6] =	stream.linear.gather [hbm4b:s30+s28], $0xC8, $0x38;
	[tilespmem:$0x1DF80] =	vst v63  }
0xd0: {  	_ =	swait.ge [sflag:s9], $0xC8  }
0xd1: {  	[sflag:s9] =	ssyncset.done $0x0  }
0xd2: {  	[sflag:s9] =	ssyncadd.s32 $0xFFFFFF38  }
0xd3: {  	_ =	swait.ge [sflag:s9], $0xC8  }
0xd4: {  	[sflag:s9] =	ssyncset.done $0x0  }
0xd5: {  	[sflag:s9] =	ssyncadd.s32 $0xFFFFFF38  }
0xd6: {  	[tilespmem:s17], [sflag:$0x1] =	stream.indirect.gather [hbm4b:s3+s10], $0x40, s15, s10, $0xb8;
	[tilespmem:$0x1DF80] =	vst v63  }
.LBB2_6:
0xd7: {  	_ =	swait.ge [sflag:s18], $0xC8  }
0xd8: {  	[sflag:s18] =	ssyncset.done $0x0  }
0xd9: {  	[sflag:s18] =	ssyncadd.s32 $0xFFFFFF38  }
0xda: {  	_ =	swait.ge [sflag:s18], $0xC8  }
0xdb: {  	[sflag:s18] =	ssyncset.done $0x0  }
0xdc: {  	s11 =	simm.s32 $0x1A2F8;
	[sflag:s18] =	ssyncadd.s32 $0xFFFFFF38  }
0xdd: {  	[tilespmem:s22], [sflag:$0x2] =	stream.indirect.gather [hbm4b:s3+s10], $0x40, s11, s10, $0xb8;
	[tilespmem:$0x1DF80] =	vst v63  }
0xde: {  	_ =	swait.ge [sflag:s31], $0x3200  }
0xdf: {  	[sflag:s31] =	ssyncset.done $0x0  }
0xe0: {  	[sflag:s31] =	ssyncadd.s32 $0xFFFFCE00  }
0xe1: {  	[spmem:s0] =	stream.indirect.scatter.add.f32 [tilespmem:s17], [sflag:$0x7], $0x40, s14, s10, $0xb8;
	[tilespmem:$0x1DF80] =	vst v63  }
0xe2: {  	_ =	swait.ge [sflag:s1], $0x3200  }
0xe3: {  	[sflag:s1] =	ssyncset.done $0x0  }
0xe4: {  	[sflag:s1] =	ssyncadd.s32 $0xFFFFCE00  }
0xe5: {  	[spmem:s19] =	stream.indirect.scatter.add.f32 [tilespmem:s12], [sflag:$0x7], $0x1, s14, s10, $0xb8;
	[tilespmem:$0x1DF80] =	vst v63  }
0xe6: {  	p1 =	seq.s32 s28, $0x960;
	_ =	swait.ge [sflag:s1], $0xC8  }
0xe7: {  	s30 =	sadd.s32 @!p1 s28, s21;
	s16 =	simm.s32 @!p1 $0x0;
	[sflag:s1] =	ssyncset.done $0x0  }
0xe8: {  	s29 =	simm.s32 @!p1 $0x1A168;
	s26 =	sadd.s32 @!p1 $0x64, s30;
	[sflag:s1] =	ssyncadd.s32 $0xFFFFFF38  }
0xe9: {  	[tilespmem:s29], [sflag:$0x3] =	stream.linear.gather @!p1 [hbm4b:s26+s16], $0xC8, $0x38;
	[tilespmem:$0x1DF80] =	vst v63  }
0xea: {  	s26 =	sadd.s32 @!p1 s28, s20  }
0xeb: {  	s15 =	simm.s32 @!p1 $0x1A230;
	s11 =	sadd.s32 @!p1 $0x64, s26  }
0xec: {  	[tilespmem:s15], [sflag:$0x3] =	stream.linear.gather @!p1 [hbm4b:s11+s16], $0xC8, $0x38;
	[tilespmem:$0x1DF80] =	vst v63  }
0xed: {  	_ =	swait.ge [sflag:s23], $0xC8  }
0xee: {  	[sflag:s23] =	ssyncset.done $0x0  }
0xef: {  	[sflag:s23] =	ssyncadd.s32 $0xFFFFFF38  }
0xf0: {  	_ =	swait.ge [sflag:s23], $0xC8  }
0xf1: {  	[sflag:s23] =	ssyncset.done $0x0  }
0xf2: {  	[sflag:s23] =	ssyncadd.s32 $0xFFFFFF38  }
0xf3: {  	[tilespmem:s17], [sflag:$0x1] =	stream.indirect.gather [hbm4b:s3+s10], $0x40, s5, s10, $0xb8;
	[tilespmem:$0x1DF80] =	vst v63  }
0xf4: {  	_ =	swait.ge [sflag:s24], $0x3200  }
0xf5: {  	[sflag:s24] =	ssyncset.done $0x0  }
0xf6: {  	[sflag:s24] =	ssyncadd.s32 $0xFFFFCE00  }
0xf7: {  	[spmem:s0] =	stream.indirect.scatter.add.f32 [tilespmem:s22], [sflag:$0x7], $0x40, s13, s10, $0xb8;
	[tilespmem:$0x1DF80] =	vst v63  }
0xf8: {  	_ =	swait.ge [sflag:s1], $0x3200  }
0xf9: {  	[sflag:s1] =	ssyncset.done $0x0  }
0xfa: {  	[sflag:s1] =	ssyncadd.s32 $0xFFFFCE00  }
0xfb: {  	[spmem:s19] =	stream.indirect.scatter.add.f32 [tilespmem:s12], [sflag:$0x7], $0x1, s13, s10, $0xb8;
	[tilespmem:$0x1DF80] =	vst v63  }
0xfc: {  	_ =	swait.ge [sflag:s1], $0xC8  }
0xfd: {  	[sflag:s1] =	ssyncset.done $0x0  }
0xfe: {  	s11 =	sadd.s32 @!p1 $0x7D, s30;
	s15 =	simm.s32 @!p1 $0x1A2F8;
	[sflag:s1] =	ssyncadd.s32 $0xFFFFFF38  }
0xff: {  	[tilespmem:s15], [sflag:$0x4] =	stream.linear.gather @!p1 [hbm4b:s11+s16], $0xC8, $0x38;
	[tilespmem:$0x1DF80] =	vst v63  }
0x100: {  	s11 =	sadd.s32 @!p1 $0x7D, s26;
	s15 =	simm.s32 @!p1 $0x1A3C0  }
0x101: {  	[tilespmem:s15], [sflag:$0x4] =	stream.linear.gather @!p1 [hbm4b:s11+s16], $0xC8, $0x38;
	[tilespmem:$0x1DF80] =	vst v63  }
0x102: {  	_ =	swait.ge [sflag:s25], $0xC8  }
0x103: {  	[sflag:s25] =	ssyncset.done $0x0  }
0x104: {  	[sflag:s25] =	ssyncadd.s32 $0xFFFFFF38  }
0x105: {  	_ =	swait.ge [sflag:s25], $0xC8  }
0x106: {  	[sflag:s25] =	ssyncset.done $0x0  }
0x107: {  	[sflag:s25] =	ssyncadd.s32 $0xFFFFFF38  }
0x108: {  	[tilespmem:s22], [sflag:$0x2] =	stream.indirect.gather [hbm4b:s3+s10], $0x40, s7, s10, $0xb8;
	[tilespmem:$0x1DF80] =	vst v63  }
0x109: {  	_ =	swait.ge [sflag:s31], $0x3200  }
0x10a: {  	[sflag:s31] =	ssyncset.done $0x0  }
0x10b: {  	[sflag:s31] =	ssyncadd.s32 $0xFFFFCE00  }
0x10c: {  	[spmem:s0] =	stream.indirect.scatter.add.f32 [tilespmem:s17], [sflag:$0x7], $0x40, s6, s10, $0xb8;
	[tilespmem:$0x1DF80] =	vst v63  }
0x10d: {  	_ =	swait.ge [sflag:s1], $0x3200  }
0x10e: {  	[sflag:s1] =	ssyncset.done $0x0  }
0x10f: {  	[sflag:s1] =	ssyncadd.s32 $0xFFFFCE00  }
0x110: {  	[spmem:s19] =	stream.indirect.scatter.add.f32 [tilespmem:s12], [sflag:$0x7], $0x1, s6, s10, $0xb8;
	[tilespmem:$0x1DF80] =	vst v63  }
0x111: {  	_ =	swait.ge [sflag:s1], $0xC8  }
0x112: {  	[sflag:s1] =	ssyncset.done $0x0  }
0x113: {  	s11 =	sadd.s32 @!p1 $0x96, s30;
	s15 =	simm.s32 @!p1 $0x1A488;
	[sflag:s1] =	ssyncadd.s32 $0xFFFFFF38  }
0x114: {  	[tilespmem:s15], [sflag:$0x5] =	stream.linear.gather @!p1 [hbm4b:s11+s16], $0xC8, $0x38;
	[tilespmem:$0x1DF80] =	vst v63  }
0x115: {  	s11 =	sadd.s32 @!p1 $0x96, s26;
	s15 =	simm.s32 @!p1 $0x1A550  }
0x116: {  	[tilespmem:s15], [sflag:$0x5] =	stream.linear.gather @!p1 [hbm4b:s11+s16], $0xC8, $0x38;
	[tilespmem:$0x1DF80] =	vst v63  }
0x117: {  	s11 =	simm.s32 @!p1 $0x3  }
0x118: {  	_ =	swait.ge @!p1 [sflag:s11], $0xC8  }
0x119: {  	[sflag:s11] =	ssyncset.done @!p1 $0x0  }
0x11a: {  	[sflag:s11] =	ssyncadd.s32 @!p1 $0xFFFFFF38  }
0x11b: {  	_ =	swait.ge @!p1 [sflag:s11], $0xC8  }
0x11c: {  	[sflag:s11] =	ssyncset.done @!p1 $0x0  }
0x11d: {  	s15 =	simm.s32 @!p1 $0x13D68;
	[sflag:s11] =	ssyncadd.s32 @!p1 $0xFFFFFF38;
	s11 =	simm.s32 @!p1 $0xC8  }
0x11e: {  	[tilespmem:s15], [sflag:$0x1] =	stream.indirect.gather @!p1 [hbm4b:s3+s11], $0x40, s29, s11, $0xb8;
	[tilespmem:$0x1DF80] =	vst v63  }
0x11f: {  	_ =	swait.ge [sflag:s24], $0x3200  }
0x120: {  	[sflag:s24] =	ssyncset.done $0x0  }
0x121: {  	[sflag:s24] =	ssyncadd.s32 $0xFFFFCE00  }
0x122: {  	[spmem:s0] =	stream.indirect.scatter.add.f32 [tilespmem:s22], [sflag:$0x7], $0x40, s8, s10, $0xb8;
	[tilespmem:$0x1DF80] =	vst v63  }
0x123: {  	_ =	swait.ge [sflag:s1], $0x3200  }
0x124: {  	[sflag:s1] =	ssyncset.done $0x0  }
.Ltmp4:
0x125: {  	[sflag:s1] =	ssyncadd.s32 $0xFFFFCE00;
	(pc) =	sbr.rel @p1 .LBB2_8-.Ltmp4, $4  }
0x126: {  	[spmem:s19] =	stream.indirect.scatter.add.f32 [tilespmem:s12], [sflag:$0x7], $0x1, s8, s10, $0xb8;
	[tilespmem:$0x1DF80] =	vst v63  }
0x127: {  	_ =	swait.ge [sflag:s1], $0xC8  }
0x128: {  	[sflag:s1] =	ssyncset.done $0x0  }
0x129: {  	[sflag:s1] =	ssyncadd.s32 $0xFFFFFF38  }
.Ltmp5:
0x12a: {  	s11 =	sadd.s32 s28, s21;
	(pc) =	sbr.rel .LBB2_6-.Ltmp5, $4  }
0x12b: {  	s30 =	sadd.s32 s28, s20;
	s11 =	sadd.s32 $0xAF, s11  }
0x12c: {  	[tilespmem:s7], [sflag:$0x6] =	stream.linear.gather [hbm4b:s11+s2], $0xC8, $0x38;
	[tilespmem:$0x1DF80] =	vst v63  }
0x12d: {  	s28 =	sadd.s32 $0x64, s28;
	s11 =	sadd.s32 $0xAF, s30  }
0x12e: {  	[tilespmem:s8], [sflag:$0x6] =	stream.linear.gather [hbm4b:s11+s2], $0xC8, $0x38;
	[tilespmem:$0x1DF80] =	vst v63  }
.LBB2_8:
0x12f: {  	[bflag:$0x0] =	sbarrier.arrive $0xFFFF  }
0x130: {  	s15 =	simm.s32 $0x1A870;
	s11 =	rddreg [dreg:$0x14]  }
0x131: {  	[tilespmem:s15], [sflag:$0x7] =	stream.linear.gather [spmem:s11], $0x4E0, $0x38;
	[tilespmem:$0x1DF80] =	vst v63  }
0x132: {  	_ =	swait.ge [sflag:s1], $0x4E0  }
0x133: {  	s28 =	simm.s32 $0x0;
	[sflag:s1] =	ssyncset.done $0x0  }
0x134: {  	s29 =	simm.s32 $0x40;
	s16 =	simm.s32 $0x1AD80;
	[sflag:s1] =	ssyncadd.s32 $0xFFFFFB20  }
.LBB2_9:
0x135: {  	p1 =	sne.s32 s29, $0x1340;
	v2 =	vld [tilespmem:s28+$0x1A870];
	_ =	sdelay $0x4  }
0x136: {  	v2 =	vmax.f32 v2, $1.000000000e+00  }
0x137: {  	(erf) = vrcp.f32 v2;
	_ =	sdelay $0x7  }
.Ltmp6:
0x138: {  	(pc) =	sbr.rel @p1 .LBB2_9-.Ltmp6, $3  }
0x139: {  	v2 =	vpop (erf)  }
0x13a: {  	v2 =	vmul.f32 $6.250000000e-02, v2;
	_ =	sdelay $0x1  }
0x13b: {  	[tilespmem:s28+$0x1A870] =	vst v2;
	s28 =	sshra.s32 s29, $0x2;
	s29 =	sadd.s32 $0x40, s29  }
0x13c: {  	v2 =	vld [tilespmem:s28+$0x1A870];
	_ =	sdelay $0x4  }
0x13d: {  	v2 =	vmax.f32 v2, $1.000000000e+00  }
0x13e: {  	(erf) = vrcp.f32 v2;
	_ =	sdelay $0x8  }
0x13f: {  	v2 =	vpop (erf)  }
0x140: {  	v2 =	vmul.f32 $6.250000000e-02, v2;
	_ =	sdelay $0x1  }
0x141: {  	s11 =	rddreg [dreg:$0x15];
	[tilespmem:s28+$0x1A870] =	vst v2  }
0x142: {  	[tilespmem:s17], [sflag:$0x7] =	stream.linear.gather [spmem:s11], $0x3200, $0x38;
	[tilespmem:$0x1DF80] =	vst v63  }
0x143: {  	_ =	swait.ge [sflag:s1], $0x3200  }
0x144: {  	[sflag:s1] =	ssyncset.done $0x0  }
0x145: {  	[sflag:s1] =	ssyncadd.s32 $0xFFFFCE00  }
0x146: {  	[spmem:s11] =	stream.linear.scatter [tilespmem:s16], [sflag:$0x2], $0x3200, $0x38;
	[tilespmem:$0x1DF80] =	vst v63  }
0x147: {  	s28 =	simm.s32 $0x13D88;
	s15 =	rddreg [dreg:$0x16]  }
0x148: {  	[tilespmem:s22], [sflag:$0x4] =	stream.linear.gather [spmem:s15], $0x3200, $0x38;
	[tilespmem:$0x1DF80] =	vst v63  }
0x149: {  	v2 =	vld [tilespmem:s28+$0xFFFFFFF0]  }
0x14a: {  	s26 =	simm.s32 $0x0;
	v4 =	vld [tilespmem:s28+$0x10]  }
0x14b: {  	v6 =	vld.msk [tilespmem:s26+$0x1A870 ss:$0x0], $0xffff  }
0x14c: {  	v3 =	vld [tilespmem:s28+$0xFFFFFFE0]  }
0x14d: {  	v7 =	vld [tilespmem:s28+$0x0];
	_ =	sdelay $0x3  }
0x14e: {  	v3 =	vmul.f32 v6, v3;
	v5 =	vmul.f32 v4, v6  }
0x14f: {  	s29 =	simm.s32 $0x4;
	s30 =	simm.s32 $0x13D88;
	v4 =	vmul.f32 v2, v6;
	v2 =	vmul.f32 v7, v6  }
.LBB2_11:
0x150: {  	p1 =	sne.s32 s29, $0x31C  }
0x151: {  	[tilespmem:s28+$0x10] =	vst v5;
	s30 =	sadd.s32 $0x40, s30;
	s11 =	smov.u32 s29;
	s29 =	sadd.s32 $0x4, s29  }
0x152: {  	[tilespmem:s28+$0xFFFFFFE0] =	vst v3  }
0x153: {  	v6 =	vld [tilespmem:s30+$0xFFFFFFF0];
	[tilespmem:s28+$0xFFFFFFF0] =	vst v4  }
0x154: {  	s11 =	sshra.s32 s11, $0x2;
	v4 =	vld [tilespmem:s30+$0x10];
	[tilespmem:s28+$0x0] =	vst v2;
	s28 =	smov.u32 s30  }
0x155: {  	v2 =	vld.msk [tilespmem:s11+$0x1A870 ss:$0x0], $0xffff  }
0x156: {  	v3 =	vld [tilespmem:s30+$0xFFFFFFE0]  }
0x157: {  	v7 =	vld [tilespmem:s30+$0x0]  }
.Ltmp7:
0x158: {  	(pc) =	sbr.rel @p1 .LBB2_11-.Ltmp7, $3  }
0x159: {  	_ =	sdelay $0x1  }
0x15a: {  	v5 =	vmul.f32 v4, v2;
	v3 =	vmul.f32 v2, v3  }
0x15b: {  	v4 =	vmul.f32 v6, v2;
	v2 =	vmul.f32 v7, v2  }
0x15c: {  	[tilespmem:s28+$0x10] =	vst v5  }
0x15d: {  	[tilespmem:s28+$0xFFFFFFE0] =	vst v3;
	s15 =	sld [smem:$0x7F3]  }
0x15e: {  	[tilespmem:s28+$0xFFFFFFF0] =	vst v4  }
0x15f: {  	s11 =	simm.s32 $0x0;
	[tilespmem:s28+$0x0] =	vst v2  }
0x160: {  	[hbm4b:s15+s11] =	stream.linear.scatter [tilespmem:s17], [sflag:$0x5], $0x3200, $0x38;
	[tilespmem:$0x1DF80] =	vst v63  }
0x161: {  	_ =	swait.ge [sflag:s18], $0x3200  }
0x162: {  	[sflag:s18] =	ssyncset.done $0x0  }
0x163: {  	s26 =	rddreg [dreg:$0x16];
	[sflag:s18] =	ssyncadd.s32 $0xFFFFCE00  }
0x164: {  	[spmem:s26] =	stream.linear.scatter [tilespmem:s16], [sflag:$0x2], $0x3200, $0x38;
	[tilespmem:$0x1DF80] =	vst v63  }
0x165: {  	_ =	swait.ge [sflag:s23], $0x3200  }
0x166: {  	[sflag:s23] =	ssyncset.done $0x0  }
0x167: {  	s28 =	simm.s32 $0x16F88;
	s26 =	rddreg [dreg:$0x17];
	[sflag:s23] =	ssyncadd.s32 $0xFFFFCE00  }
0x168: {  	[tilespmem:s17], [sflag:$0x3] =	stream.linear.gather [spmem:s26], $0x3200, $0x38;
	[tilespmem:$0x1DF80] =	vst v63  }
0x169: {  	v2 =	vld [tilespmem:s28+$0xFFFFFFF0]  }
0x16a: {  	s11 =	sand.u32 $0xFF, s11;
	v4 =	vld [tilespmem:s28+$0x10]  }
0x16b: {  	v6 =	vld.msk [tilespmem:s11+$0x1A938 ss:$0x0], $0xffff  }
0x16c: {  	v3 =	vld [tilespmem:s28+$0xFFFFFFE0]  }
0x16d: {  	v7 =	vld [tilespmem:s28+$0x0];
	_ =	sdelay $0x3  }
0x16e: {  	v3 =	vmul.f32 v6, v3;
	v5 =	vmul.f32 v4, v6  }
0x16f: {  	s29 =	simm.s32 $0x1;
	s30 =	simm.s32 $0x16F88;
	v4 =	vmul.f32 v2, v6;
	v2 =	vmul.f32 v7, v6  }
.LBB2_13:
0x170: {  	p1 =	sne.s32 s29, $0xC7  }
0x171: {  	[tilespmem:s28+$0x10] =	vst v5;
	s30 =	sadd.s32 $0x40, s30;
	s11 =	smov.u32 s29;
	s29 =	sadd.s32 $0x1, s29  }
0x172: {  	[tilespmem:s28+$0xFFFFFFE0] =	vst v3  }
0x173: {  	v6 =	vld [tilespmem:s30+$0xFFFFFFF0];
	[tilespmem:s28+$0xFFFFFFF0] =	vst v4  }
0x174: {  	s11 =	sand.u32 $0xFF, s11;
	v4 =	vld [tilespmem:s30+$0x10];
	[tilespmem:s28+$0x0] =	vst v2;
	s28 =	smov.u32 s30  }
0x175: {  	v2 =	vld.msk [tilespmem:s11+$0x1A938 ss:$0x0], $0xffff  }
0x176: {  	v3 =	vld [tilespmem:s30+$0xFFFFFFE0]  }
0x177: {  	v7 =	vld [tilespmem:s30+$0x0]  }
.Ltmp8:
0x178: {  	(pc) =	sbr.rel @p1 .LBB2_13-.Ltmp8, $3  }
0x179: {  	_ =	sdelay $0x1  }
0x17a: {  	v5 =	vmul.f32 v4, v2;
	v3 =	vmul.f32 v2, v3  }
0x17b: {  	v4 =	vmul.f32 v6, v2;
	v2 =	vmul.f32 v7, v2  }
0x17c: {  	[tilespmem:s28+$0x10] =	vst v5  }
0x17d: {  	[tilespmem:s28+$0xFFFFFFE0] =	vst v3;
	s15 =	sld [smem:$0x7F4]  }
0x17e: {  	[tilespmem:s28+$0xFFFFFFF0] =	vst v4  }
0x17f: {  	s11 =	simm.s32 $0x0;
	[tilespmem:s28+$0x0] =	vst v2  }
0x180: {  	[hbm4b:s15+s11] =	stream.linear.scatter [tilespmem:s22], [sflag:$0x6], $0x3200, $0x38;
	[tilespmem:$0x1DF80] =	vst v63  }
0x181: {  	_ =	swait.ge [sflag:s9], $0x3200  }
0x182: {  	[sflag:s9] =	ssyncset.done $0x0  }
0x183: {  	s26 =	rddreg [dreg:$0x17];
	[sflag:s9] =	ssyncadd.s32 $0xFFFFCE00  }
0x184: {  	[spmem:s26] =	stream.linear.scatter [tilespmem:s16], [sflag:$0x2], $0x3200, $0x38;
	[tilespmem:$0x1DF80] =	vst v63  }
0x185: {  	_ =	swait.ge [sflag:s25], $0x3200  }
0x186: {  	[sflag:s25] =	ssyncset.done $0x0  }
0x187: {  	s28 =	simm.s32 $0x13D88;
	s26 =	rddreg [dreg:$0x18];
	[sflag:s25] =	ssyncadd.s32 $0xFFFFCE00  }
0x188: {  	[tilespmem:s22], [sflag:$0x4] =	stream.linear.gather [spmem:s26], $0x3200, $0x38;
	[tilespmem:$0x1DF80] =	vst v63  }
0x189: {  	s11 =	sand.u32 $0xFF, s11;
	v2 =	vld [tilespmem:s28+$0xFFFFFFF0]  }
0x18a: {  	s11 =	sor.u32 $0x1AA00, s11;
	v4 =	vld [tilespmem:s28+$0x10]  }
0x18b: {  	v6 =	vld.msk [tilespmem:s11+$0x0 ss:$0x0], $0xffff  }
0x18c: {  	v3 =	vld [tilespmem:s28+$0xFFFFFFE0]  }
0x18d: {  	v7 =	vld [tilespmem:s28+$0x0];
	_ =	sdelay $0x3  }
0x18e: {  	v3 =	vmul.f32 v6, v3;
	v5 =	vmul.f32 v4, v6  }
0x18f: {  	s29 =	simm.s32 $0x1;
	s30 =	simm.s32 $0x13D88;
	v4 =	vmul.f32 v2, v6;
	v2 =	vmul.f32 v7, v6  }
.LBB2_15:
0x190: {  	p1 =	sne.s32 s29, $0xC7  }
0x191: {  	[tilespmem:s28+$0x10] =	vst v5;
	s30 =	sadd.s32 $0x40, s30;
	s11 =	smov.u32 s29;
	s29 =	sadd.s32 $0x1, s29  }
0x192: {  	[tilespmem:s28+$0xFFFFFFE0] =	vst v3  }
0x193: {  	s11 =	sand.u32 $0xFF, s11;
	v6 =	vld [tilespmem:s30+$0xFFFFFFF0];
	[tilespmem:s28+$0xFFFFFFF0] =	vst v4  }
0x194: {  	s11 =	sor.u32 $0x1AA00, s11;
	v4 =	vld [tilespmem:s30+$0x10];
	[tilespmem:s28+$0x0] =	vst v2;
	s28 =	smov.u32 s30  }
0x195: {  	v2 =	vld.msk [tilespmem:s11+$0x0 ss:$0x0], $0xffff  }
0x196: {  	v3 =	vld [tilespmem:s30+$0xFFFFFFE0]  }
0x197: {  	v7 =	vld [tilespmem:s30+$0x0]  }
.Ltmp9:
0x198: {  	(pc) =	sbr.rel @p1 .LBB2_15-.Ltmp9, $3  }
0x199: {  	_ =	sdelay $0x1  }
0x19a: {  	v5 =	vmul.f32 v4, v2;
	v3 =	vmul.f32 v2, v3  }
0x19b: {  	v4 =	vmul.f32 v6, v2;
	v2 =	vmul.f32 v7, v2  }
0x19c: {  	[tilespmem:s28+$0x10] =	vst v5  }
0x19d: {  	[tilespmem:s28+$0xFFFFFFE0] =	vst v3;
	s15 =	sld [smem:$0x7F5]  }
0x19e: {  	[tilespmem:s28+$0xFFFFFFF0] =	vst v4  }
0x19f: {  	s11 =	simm.s32 $0x0;
	[tilespmem:s28+$0x0] =	vst v2  }
0x1a0: {  	[hbm4b:s15+s11] =	stream.linear.scatter [tilespmem:s17], [sflag:$0x5], $0x3200, $0x38;
	[tilespmem:$0x1DF80] =	vst v63  }
0x1a1: {  	_ =	swait.ge [sflag:s18], $0x3200  }
0x1a2: {  	[sflag:s18] =	ssyncset.done $0x0  }
0x1a3: {  	s26 =	rddreg [dreg:$0x18];
	[sflag:s18] =	ssyncadd.s32 $0xFFFFCE00  }
0x1a4: {  	[spmem:s26] =	stream.linear.scatter [tilespmem:s16], [sflag:$0x2], $0x3200, $0x38;
	[tilespmem:$0x1DF80] =	vst v63  }
0x1a5: {  	_ =	swait.ge [sflag:s23], $0x3200  }
0x1a6: {  	[sflag:s23] =	ssyncset.done $0x0  }
0x1a7: {  	s28 =	simm.s32 $0x16F88;
	s26 =	rddreg [dreg:$0x19];
	[sflag:s23] =	ssyncadd.s32 $0xFFFFCE00  }
0x1a8: {  	[tilespmem:s17], [sflag:$0x3] =	stream.linear.gather [spmem:s26], $0x3200, $0x38;
	[tilespmem:$0x1DF80] =	vst v63  }
0x1a9: {  	v2 =	vld [tilespmem:s28+$0xFFFFFFF0]  }
0x1aa: {  	s11 =	sand.u32 $0xFF, s11;
	v4 =	vld [tilespmem:s28+$0x10]  }
0x1ab: {  	v6 =	vld.msk [tilespmem:s11+$0x1AAC8 ss:$0x0], $0xffff  }
0x1ac: {  	v3 =	vld [tilespmem:s28+$0xFFFFFFE0]  }
0x1ad: {  	v7 =	vld [tilespmem:s28+$0x0];
	_ =	sdelay $0x3  }
0x1ae: {  	v3 =	vmul.f32 v6, v3;
	v5 =	vmul.f32 v4, v6  }
0x1af: {  	s29 =	simm.s32 $0x1;
	s30 =	simm.s32 $0x16F88;
	v4 =	vmul.f32 v2, v6;
	v2 =	vmul.f32 v7, v6  }
.LBB2_17:
0x1b0: {  	p1 =	sne.s32 s29, $0xC7  }
0x1b1: {  	[tilespmem:s28+$0x10] =	vst v5;
	s30 =	sadd.s32 $0x40, s30;
	s11 =	smov.u32 s29;
	s29 =	sadd.s32 $0x1, s29  }
0x1b2: {  	[tilespmem:s28+$0xFFFFFFE0] =	vst v3  }
0x1b3: {  	v6 =	vld [tilespmem:s30+$0xFFFFFFF0];
	[tilespmem:s28+$0xFFFFFFF0] =	vst v4  }
0x1b4: {  	s11 =	sand.u32 $0xFF, s11;
	v4 =	vld [tilespmem:s30+$0x10];
	[tilespmem:s28+$0x0] =	vst v2;
	s28 =	smov.u32 s30  }
0x1b5: {  	v2 =	vld.msk [tilespmem:s11+$0x1AAC8 ss:$0x0], $0xffff  }
0x1b6: {  	v3 =	vld [tilespmem:s30+$0xFFFFFFE0]  }
0x1b7: {  	v7 =	vld [tilespmem:s30+$0x0]  }
.Ltmp10:
0x1b8: {  	(pc) =	sbr.rel @p1 .LBB2_17-.Ltmp10, $3  }
0x1b9: {  	_ =	sdelay $0x1  }
0x1ba: {  	v5 =	vmul.f32 v4, v2;
	v3 =	vmul.f32 v2, v3  }
0x1bb: {  	v4 =	vmul.f32 v6, v2;
	v2 =	vmul.f32 v7, v2  }
0x1bc: {  	[tilespmem:s28+$0x10] =	vst v5  }
0x1bd: {  	[tilespmem:s28+$0xFFFFFFE0] =	vst v3;
	s15 =	sld [smem:$0x7F6]  }
0x1be: {  	[tilespmem:s28+$0xFFFFFFF0] =	vst v4  }
0x1bf: {  	s11 =	simm.s32 $0x0;
	[tilespmem:s28+$0x0] =	vst v2  }
0x1c0: {  	[hbm4b:s15+s11] =	stream.linear.scatter [tilespmem:s22], [sflag:$0x6], $0x3200, $0x38;
	[tilespmem:$0x1DF80] =	vst v63  }
0x1c1: {  	_ =	swait.ge [sflag:s9], $0x3200  }
0x1c2: {  	[sflag:s9] =	ssyncset.done $0x0  }
0x1c3: {  	s26 =	rddreg [dreg:$0x19];
	[sflag:s9] =	ssyncadd.s32 $0xFFFFCE00  }
0x1c4: {  	[spmem:s26] =	stream.linear.scatter [tilespmem:s16], [sflag:$0x2], $0x3200, $0x38;
	[tilespmem:$0x1DF80] =	vst v63  }
0x1c5: {  	_ =	swait.ge [sflag:s25], $0x3200  }
0x1c6: {  	[sflag:s25] =	ssyncset.done $0x0  }
0x1c7: {  	s28 =	simm.s32 $0x13D88;
	s26 =	rddreg [dreg:$0x1a];
	[sflag:s25] =	ssyncadd.s32 $0xFFFFCE00  }
0x1c8: {  	[tilespmem:s22], [sflag:$0x4] =	stream.linear.gather [spmem:s26], $0x3200, $0x38;
	[tilespmem:$0x1DF80] =	vst v63  }
0x1c9: {  	v2 =	vld [tilespmem:s28+$0xFFFFFFF0]  }
0x1ca: {  	s11 =	sand.u32 $0xFF, s11;
	v4 =	vld [tilespmem:s28+$0x10]  }
0x1cb: {  	v6 =	vld.msk [tilespmem:s11+$0x1AB90 ss:$0x0], $0xffff  }
0x1cc: {  	v3 =	vld [tilespmem:s28+$0xFFFFFFE0]  }
0x1cd: {  	v7 =	vld [tilespmem:s28+$0x0];
	_ =	sdelay $0x3  }
0x1ce: {  	v3 =	vmul.f32 v6, v3;
	v5 =	vmul.f32 v4, v6  }
0x1cf: {  	s29 =	simm.s32 $0x1;
	s30 =	simm.s32 $0x13D88;
	v4 =	vmul.f32 v2, v6;
	v2 =	vmul.f32 v7, v6  }
.LBB2_19:
0x1d0: {  	p1 =	sne.s32 s29, $0xC7  }
0x1d1: {  	[tilespmem:s28+$0x10] =	vst v5;
	s30 =	sadd.s32 $0x40, s30;
	s11 =	smov.u32 s29;
	s29 =	sadd.s32 $0x1, s29  }
0x1d2: {  	[tilespmem:s28+$0xFFFFFFE0] =	vst v3  }
0x1d3: {  	v6 =	vld [tilespmem:s30+$0xFFFFFFF0];
	[tilespmem:s28+$0xFFFFFFF0] =	vst v4  }
0x1d4: {  	s11 =	sand.u32 $0xFF, s11;
	v4 =	vld [tilespmem:s30+$0x10];
	[tilespmem:s28+$0x0] =	vst v2;
	s28 =	smov.u32 s30  }
0x1d5: {  	v2 =	vld.msk [tilespmem:s11+$0x1AB90 ss:$0x0], $0xffff  }
0x1d6: {  	v3 =	vld [tilespmem:s30+$0xFFFFFFE0]  }
0x1d7: {  	v7 =	vld [tilespmem:s30+$0x0]  }
.Ltmp11:
0x1d8: {  	(pc) =	sbr.rel @p1 .LBB2_19-.Ltmp11, $3  }
0x1d9: {  	_ =	sdelay $0x1  }
0x1da: {  	v5 =	vmul.f32 v4, v2;
	v3 =	vmul.f32 v2, v3  }
0x1db: {  	v4 =	vmul.f32 v6, v2;
	v2 =	vmul.f32 v7, v2  }
0x1dc: {  	[tilespmem:s28+$0x10] =	vst v5  }
0x1dd: {  	[tilespmem:s28+$0xFFFFFFE0] =	vst v3;
	s15 =	sld [smem:$0x7F7]  }
0x1de: {  	[tilespmem:s28+$0xFFFFFFF0] =	vst v4  }
0x1df: {  	s11 =	simm.s32 $0x0;
	[tilespmem:s28+$0x0] =	vst v2  }
0x1e0: {  	[hbm4b:s15+s11] =	stream.linear.scatter [tilespmem:s17], [sflag:$0x5], $0x3200, $0x38;
	[tilespmem:$0x1DF80] =	vst v63  }
0x1e1: {  	_ =	swait.ge [sflag:s18], $0x3200  }
0x1e2: {  	[sflag:s18] =	ssyncset.done $0x0  }
0x1e3: {  	s26 =	rddreg [dreg:$0x1a];
	[sflag:s18] =	ssyncadd.s32 $0xFFFFCE00  }
0x1e4: {  	[spmem:s26] =	stream.linear.scatter [tilespmem:s16], [sflag:$0x2], $0x3200, $0x38;
	[tilespmem:$0x1DF80] =	vst v63  }
0x1e5: {  	_ =	swait.ge [sflag:s23], $0x3200  }
0x1e6: {  	[sflag:s23] =	ssyncset.done $0x0  }
0x1e7: {  	s28 =	simm.s32 $0x16F88;
	s26 =	rddreg [dreg:$0x1b];
	[sflag:s23] =	ssyncadd.s32 $0xFFFFCE00  }
0x1e8: {  	[tilespmem:s17], [sflag:$0x3] =	stream.linear.gather [spmem:s26], $0xC00, $0x38;
	[tilespmem:$0x1DF80] =	vst v63  }
0x1e9: {  	v2 =	vld [tilespmem:s28+$0xFFFFFFF0]  }
0x1ea: {  	s11 =	sand.u32 $0xFF, s11;
	v4 =	vld [tilespmem:s28+$0x10]  }
0x1eb: {  	v6 =	vld.msk [tilespmem:s11+$0x1AC58 ss:$0x0], $0xffff  }
0x1ec: {  	v3 =	vld [tilespmem:s28+$0xFFFFFFE0]  }
0x1ed: {  	v7 =	vld [tilespmem:s28+$0x0];
	_ =	sdelay $0x3  }
0x1ee: {  	v3 =	vmul.f32 v6, v3;
	v5 =	vmul.f32 v4, v6  }
0x1ef: {  	s29 =	simm.s32 $0x1;
	s30 =	simm.s32 $0x16F88;
	v4 =	vmul.f32 v2, v6;
	v2 =	vmul.f32 v7, v6  }
.LBB2_21:
0x1f0: {  	p1 =	sne.s32 s29, $0xC7  }
0x1f1: {  	[tilespmem:s28+$0x10] =	vst v5;
	s30 =	sadd.s32 $0x40, s30;
	s11 =	smov.u32 s29;
	s29 =	sadd.s32 $0x1, s29  }
0x1f2: {  	[tilespmem:s28+$0xFFFFFFE0] =	vst v3  }
0x1f3: {  	v6 =	vld [tilespmem:s30+$0xFFFFFFF0];
	[tilespmem:s28+$0xFFFFFFF0] =	vst v4  }
0x1f4: {  	s11 =	sand.u32 $0xFF, s11;
	v4 =	vld [tilespmem:s30+$0x10];
	[tilespmem:s28+$0x0] =	vst v2;
	s28 =	smov.u32 s30  }
0x1f5: {  	v2 =	vld.msk [tilespmem:s11+$0x1AC58 ss:$0x0], $0xffff  }
0x1f6: {  	v3 =	vld [tilespmem:s30+$0xFFFFFFE0]  }
0x1f7: {  	v7 =	vld [tilespmem:s30+$0x0]  }
.Ltmp12:
0x1f8: {  	(pc) =	sbr.rel @p1 .LBB2_21-.Ltmp12, $3  }
0x1f9: {  	_ =	sdelay $0x1  }
0x1fa: {  	v5 =	vmul.f32 v4, v2;
	v3 =	vmul.f32 v2, v3  }
0x1fb: {  	v4 =	vmul.f32 v6, v2;
	v2 =	vmul.f32 v7, v2  }
0x1fc: {  	[tilespmem:s28+$0x10] =	vst v5  }
0x1fd: {  	[tilespmem:s28+$0xFFFFFFE0] =	vst v3;
	s15 =	sld [smem:$0x7F8]  }
0x1fe: {  	[tilespmem:s28+$0xFFFFFFF0] =	vst v4  }
0x1ff: {  	s11 =	simm.s32 $0x0;
	[tilespmem:s28+$0x0] =	vst v2  }
0x200: {  	[hbm4b:s15+s11] =	stream.linear.scatter [tilespmem:s22], [sflag:$0x6], $0x3200, $0x38;
	[tilespmem:$0x1DF80] =	vst v63  }
0x201: {  	_ =	swait.ge [sflag:s9], $0xC00  }
0x202: {  	[sflag:s9] =	ssyncset.done $0x0  }
0x203: {  	s28 =	simm.s32 $0x13D88;
	s26 =	rddreg [dreg:$0x1b];
	[sflag:s9] =	ssyncadd.s32 $0xFFFFF400  }
0x204: {  	[spmem:s26] =	stream.linear.scatter [tilespmem:s16], [sflag:$0x2], $0xC00, $0x38;
	[tilespmem:$0x1DF80] =	vst v63  }
0x205: {  	v2 =	vld [tilespmem:s28+$0xFFFFFFF0]  }
0x206: {  	s11 =	sand.u32 $0x3F, s11;
	v4 =	vld [tilespmem:s28+$0x10]  }
0x207: {  	v6 =	vld.msk [tilespmem:s11+$0x1AD20 ss:$0x0], $0xffff  }
0x208: {  	v3 =	vld [tilespmem:s28+$0xFFFFFFE0]  }
0x209: {  	v7 =	vld [tilespmem:s28+$0x0];
	_ =	sdelay $0x3  }
0x20a: {  	v3 =	vmul.f32 v6, v3;
	v5 =	vmul.f32 v4, v6  }
0x20b: {  	s29 =	simm.s32 $0x1;
	s30 =	simm.s32 $0x13D88;
	v4 =	vmul.f32 v2, v6;
	v2 =	vmul.f32 v7, v6  }
.LBB2_23:
0x20c: {  	p1 =	sne.s32 s29, $0x2F  }
0x20d: {  	[tilespmem:s28+$0x10] =	vst v5;
	s30 =	sadd.s32 $0x40, s30;
	s11 =	smov.u32 s29;
	s29 =	sadd.s32 $0x1, s29  }
0x20e: {  	[tilespmem:s28+$0xFFFFFFE0] =	vst v3  }
0x20f: {  	v6 =	vld [tilespmem:s30+$0xFFFFFFF0];
	[tilespmem:s28+$0xFFFFFFF0] =	vst v4  }
0x210: {  	s11 =	sand.u32 $0x3F, s11;
	v4 =	vld [tilespmem:s30+$0x10];
	[tilespmem:s28+$0x0] =	vst v2;
	s28 =	smov.u32 s30  }
0x211: {  	v2 =	vld.msk [tilespmem:s11+$0x1AD20 ss:$0x0], $0xffff  }
0x212: {  	v3 =	vld [tilespmem:s30+$0xFFFFFFE0]  }
0x213: {  	v7 =	vld [tilespmem:s30+$0x0]  }
.Ltmp13:
0x214: {  	(pc) =	sbr.rel @p1 .LBB2_23-.Ltmp13, $3  }
0x215: {  	_ =	sdelay $0x1  }
0x216: {  	v5 =	vmul.f32 v4, v2;
	v3 =	vmul.f32 v2, v3  }
0x217: {  	v4 =	vmul.f32 v6, v2;
	v2 =	vmul.f32 v7, v2  }
0x218: {  	[tilespmem:s28+$0x10] =	vst v5  }
0x219: {  	[tilespmem:s28+$0xFFFFFFE0] =	vst v3;
	s11 =	sld [smem:$0x7F9]  }
0x21a: {  	[tilespmem:s28+$0xFFFFFFF0] =	vst v4  }
0x21b: {  	[tilespmem:s28+$0x0] =	vst v2  }
0x21c: {  	[hbm4b:s11+s2] =	stream.linear.scatter [tilespmem:s17], [sflag:$0x5], $0xC00, $0x38;
	[tilespmem:$0x1DF80] =	vst v63  }
0x21d: {  	_ =	swait.ge [sflag:s25], $0x3200  }
0x21e: {  	[sflag:s25] =	ssyncset.done $0x0  }
0x21f: {  	[sflag:s25] =	ssyncadd.s32 $0xFFFFCE00  }
0x220: {  	_ =	swait.ge [sflag:s23], $0xC00  }
0x221: {  	[sflag:s23] =	ssyncset.done $0x0  }
0x222: {  	[sflag:s23] =	ssyncadd.s32 $0xFFFFF400  }
0x223: {  	_ =	swait.ge [sflag:s24], $0x3200  }
0x224: {  	[sflag:s24] =	ssyncset.done $0x0  }
0x225: {  	[sflag:s24] =	ssyncadd.s32 $0xFFFFCE00  }
0x226: {  	_ =	swait.ge [sflag:s24], $0x3200  }
0x227: {  	[sflag:s24] =	ssyncset.done $0x0  }
0x228: {  	[sflag:s24] =	ssyncadd.s32 $0xFFFFCE00  }
0x229: {  	_ =	swait.ge [sflag:s24], $0x3200  }
0x22a: {  	[sflag:s24] =	ssyncset.done $0x0  }
0x22b: {  	[sflag:s24] =	ssyncadd.s32 $0xFFFFCE00  }
0x22c: {  	_ =	swait.ge [sflag:s24], $0x3200  }
0x22d: {  	[sflag:s24] =	ssyncset.done $0x0  }
0x22e: {  	[sflag:s24] =	ssyncadd.s32 $0xFFFFCE00  }
0x22f: {  	_ =	swait.ge [sflag:s24], $0x3200  }
0x230: {  	[sflag:s24] =	ssyncset.done $0x0  }
0x231: {  	[sflag:s24] =	ssyncadd.s32 $0xFFFFCE00  }
0x232: {  	_ =	swait.ge [sflag:s24], $0x3200  }
.Ltmp14:
0x233: {  	[sflag:s24] =	ssyncset.done $0x0;
	(pc) =	sbr.rel @p0 .LBB2_28-.Ltmp14, $4  }
0x234: {  	[sflag:s24] =	ssyncadd.s32 $0xFFFFCE00  }
0x235: {  	_ =	swait.ge [sflag:s24], $0xC00  }
0x236: {  	[sflag:s24] =	ssyncset.done $0x0  }
0x237: {  	[sflag:s24] =	ssyncadd.s32 $0xFFFFF400  }
0x238: {  	s11 =	sld [smem:$0x7FB];
	_ =	sdelay $0x1  }
0x239: {  	s15 =	simm.s32 $0x1A870  }
0x23a: {  	[tilespmem:s15], [sflag:$0x7] =	stream.linear.gather [spmem:s11], $0x20, $0x38;
	[tilespmem:$0x1DF80] =	vst v63  }
0x23b: {  	_ =	swait.ge [sflag:s1], $0x20  }
0x23c: {  	[sflag:s1] =	ssyncset.done $0x0  }
0x23d: {  	[sflag:s1] =	ssyncadd.s32 $0xFFFFFFE0  }
0x23e: {  	v2 =	vld [tilespmem:$0x1A870]  }
0x23f: {  	v3 =	vld [tilespmem:$0x1A880];
	_ =	sdelay $0x3  }
0x240: {  	v2 =	vmax.f32 v2, $1.000000000e+00  }
0x241: {  	(erf) = vrcp.f32 v2;
	v2 =	vmax.f32 v3, $1.000000000e+00  }
0x242: {  	(erf) = vrcp.f32 v2;
	_ =	sdelay $0x7  }
0x243: {  	v2 =	vpop (erf)  }
0x244: {  	v2 =	vmul.f32 $6.250000000e-02, v2;
	v3 =	vpop (erf)  }
0x245: {  	s15 =	sld [smem:$0x7FA];
	v3 =	vmul.f32 $6.250000000e-02, v3  }
0x246: {  	[tilespmem:$0x1A870] =	vst v2  }
0x247: {  	[tilespmem:$0x1A880] =	vst v3  }
0x248: {  	[tilespmem:s17], [sflag:$0x7] =	stream.linear.gather [spmem:s15], $0x800, $0x38;
	[tilespmem:$0x1DF80] =	vst v63  }
0x249: {  	_ =	swait.ge [sflag:s1], $0x800  }
0x24a: {  	[sflag:s1] =	ssyncset.done $0x0  }
0x24b: {  	s28 =	simm.s32 $0x13D88;
	[sflag:s1] =	ssyncadd.s32 $0xFFFFF800  }
0x24c: {  	[spmem:s15] =	stream.linear.scatter [tilespmem:s16], [sflag:$0x2], $0x800, $0x38;
	[tilespmem:$0x1DF80] =	vst v63  }
0x24d: {  	v2 =	vld [tilespmem:s28+$0xFFFFFFF0]  }
0x24e: {  	s26 =	simm.s32 $0x0;
	v4 =	vld [tilespmem:s28+$0x10]  }
0x24f: {  	v6 =	vld.msk [tilespmem:s26+$0x1A870 ss:$0x0], $0xffff  }
0x250: {  	v3 =	vld [tilespmem:s28+$0xFFFFFFE0]  }
0x251: {  	v7 =	vld [tilespmem:s28+$0x0];
	_ =	sdelay $0x3  }
0x252: {  	v3 =	vmul.f32 v6, v3;
	v5 =	vmul.f32 v4, v6  }
0x253: {  	s29 =	simm.s32 $0x4;
	s30 =	simm.s32 $0x13D88;
	v4 =	vmul.f32 v2, v6;
	v2 =	vmul.f32 v7, v6  }
.LBB2_26:
0x254: {  	p1 =	sne.s32 s29, $0x7C  }
0x255: {  	[tilespmem:s28+$0x10] =	vst v5;
	s30 =	sadd.s32 $0x40, s30;
	s11 =	smov.u32 s29;
	s29 =	sadd.s32 $0x4, s29  }
0x256: {  	[tilespmem:s28+$0xFFFFFFE0] =	vst v3  }
0x257: {  	v6 =	vld [tilespmem:s30+$0xFFFFFFF0];
	[tilespmem:s28+$0xFFFFFFF0] =	vst v4  }
0x258: {  	s11 =	sshra.s32 s11, $0x2;
	v4 =	vld [tilespmem:s30+$0x10];
	[tilespmem:s28+$0x0] =	vst v2;
	s28 =	smov.u32 s30  }
0x259: {  	v2 =	vld.msk [tilespmem:s11+$0x1A870 ss:$0x0], $0xffff  }
0x25a: {  	v3 =	vld [tilespmem:s30+$0xFFFFFFE0]  }
0x25b: {  	v7 =	vld [tilespmem:s30+$0x0]  }
.Ltmp15:
0x25c: {  	(pc) =	sbr.rel @p1 .LBB2_26-.Ltmp15, $3  }
0x25d: {  	_ =	sdelay $0x1  }
0x25e: {  	v5 =	vmul.f32 v4, v2;
	v3 =	vmul.f32 v2, v3  }
0x25f: {  	v4 =	vmul.f32 v6, v2;
	v2 =	vmul.f32 v7, v2  }
0x260: {  	[tilespmem:s28+$0x10] =	vst v5  }
0x261: {  	[tilespmem:s28+$0xFFFFFFE0] =	vst v3;
	s11 =	sld [smem:$0x7FD]  }
0x262: {  	[tilespmem:s28+$0xFFFFFFF0] =	vst v4  }
0x263: {  	[tilespmem:s28+$0x0] =	vst v2  }
0x264: {  	[hbm4b:s11+s2] =	stream.linear.scatter [tilespmem:s17], [sflag:$0x5], $0x800, $0x38;
	[tilespmem:$0x1DF80] =	vst v63  }
0x265: {  	_ =	swait.ge [sflag:s23], $0x800  }
0x266: {  	[sflag:s23] =	ssyncset.done $0x0  }
0x267: {  	[sflag:s23] =	ssyncadd.s32 $0xFFFFF800  }
0x268: {  	_ =	swait.ge [sflag:s24], $0x800  }
0x269: {  	[sflag:s24] =	ssyncset.done $0x0  }
0x26a: {  	[sflag:s24] =	ssyncadd.s32 $0xFFFFF800  }
.LBB2_28:
0x26b: {  	[bflag:$0x0] =	sbarrier.arrive $0xFFFF  }
0x26c: {  	s28 =	simm.s32 $0x0;
	s11 =	simm.s32 $0x1A168;
	s30 =	rddreg [dreg:$0x7]  }
0x26d: {  	[tilespmem:s11], [sflag:$0x3] =	stream.linear.gather [hbm4b:s30+s28], $0xC8, $0x38;
	[tilespmem:$0x1DF80] =	vst v63  }
0x26e: {  	s16 =	rddreg [dreg:$0x8]  }
0x26f: {  	[tilespmem:s14], [sflag:$0x3] =	stream.linear.gather [hbm4b:s16+s28], $0xC8, $0x38;
	[tilespmem:$0x1DF80] =	vst v63  }
0x270: {  	s15 =	simm.s32 $0x1A2F8;
	s26 =	rddreg [dreg:$0x9]  }
0x271: {  	[tilespmem:s15], [sflag:$0x4] =	stream.linear.gather [hbm4b:s26+s28], $0xC8, $0x38;
	[tilespmem:$0x1DF80] =	vst v63  }
0x272: {  	s29 =	rddreg [dreg:$0xa]  }
0x273: {  	[tilespmem:s13], [sflag:$0x4] =	stream.linear.gather [hbm4b:s29+s28], $0xC8, $0x38;
	[tilespmem:$0x1DF80] =	vst v63  }
0x274: {  	s15 =	rddreg [dreg:$0xb]  }
0x275: {  	[tilespmem:s5], [sflag:$0x5] =	stream.linear.gather [hbm4b:s15+s28], $0xC8, $0x38;
	[tilespmem:$0x1DF80] =	vst v63  }
0x276: {  	s16 =	rddreg [dreg:$0xc]  }
0x277: {  	[tilespmem:s6], [sflag:$0x5] =	stream.linear.gather [hbm4b:s16+s28], $0xC8, $0x38;
	[tilespmem:$0x1DF80] =	vst v63  }
0x278: {  	s26 =	rddreg [dreg:$0x12]  }
0x279: {  	[tilespmem:s7], [sflag:$0x6] =	stream.linear.gather [hbm4b:s26+s28], $0xC8, $0x38;
	[tilespmem:$0x1DF80] =	vst v63  }
0x27a: {  	s29 =	rddreg [dreg:$0x13]  }
0x27b: {  	[tilespmem:s8], [sflag:$0x6] =	stream.linear.gather [hbm4b:s29+s28], $0xC8, $0x38;
	[tilespmem:$0x1DF80] =	vst v63  }
0x27c: {  	_ =	swait.ge [sflag:s9], $0xC8  }
0x27d: {  	[sflag:s9] =	ssyncset.done $0x0  }
0x27e: {  	[sflag:s9] =	ssyncadd.s32 $0xFFFFFF38  }
0x27f: {  	_ =	swait.ge [sflag:s9], $0xC8  }
0x280: {  	[sflag:s9] =	ssyncset.done $0x0  }
0x281: {  	[sflag:s9] =	ssyncadd.s32 $0xFFFFFF38  }
0x282: {  	[tilespmem:s17], [sflag:$0x1] =	stream.indirect.gather [hbm4b:s4+s10], $0x40, s14, s10, $0xb8;
	[tilespmem:$0x1DF80] =	vst v63  }
.LBB2_29:
0x283: {  	_ =	swait.ge [sflag:s18], $0xC8  }
0x284: {  	[sflag:s18] =	ssyncset.done $0x0  }
0x285: {  	[sflag:s18] =	ssyncadd.s32 $0xFFFFFF38  }
0x286: {  	_ =	swait.ge [sflag:s18], $0xC8  }
0x287: {  	[sflag:s18] =	ssyncset.done $0x0  }
0x288: {  	[sflag:s18] =	ssyncadd.s32 $0xFFFFFF38  }
0x289: {  	[tilespmem:s22], [sflag:$0x2] =	stream.indirect.gather [hbm4b:s4+s10], $0x40, s13, s10, $0xb8;
	[tilespmem:$0x1DF80] =	vst v63  }
0x28a: {  	_ =	swait.ge [sflag:s31], $0x3200  }
0x28b: {  	[sflag:s31] =	ssyncset.done $0x0  }
0x28c: {  	s11 =	simm.s32 $0x1A168;
	[sflag:s31] =	ssyncadd.s32 $0xFFFFCE00  }
0x28d: {  	[spmem:s0] =	stream.indirect.scatter.add.f32 [tilespmem:s17], [sflag:$0x7], $0x40, s11, s10, $0xb8;
	[tilespmem:$0x1DF80] =	vst v63  }
0x28e: {  	p1 =	seq.s32 s28, $0x960;
	_ =	swait.ge [sflag:s1], $0x3200  }
0x28f: {  	s16 =	simm.s32 @!p1 $0x0;
	s11 =	sadd.s32 @!p1 s28, s21;
	[sflag:s1] =	ssyncset.done $0x0  }
0x290: {  	s26 =	simm.s32 @!p1 $0x1A168;
	s15 =	sadd.s32 @!p1 $0x64, s11;
	[sflag:s1] =	ssyncadd.s32 $0xFFFFCE00  }
0x291: {  	[tilespmem:s26], [sflag:$0x3] =	stream.linear.gather @!p1 [hbm4b:s15+s16], $0xC8, $0x38;
	[tilespmem:$0x1DF80] =	vst v63  }
0x292: {  	s15 =	sadd.s32 @!p1 s28, s20  }
0x293: {  	s29 =	simm.s32 @!p1 $0x1A230;
	s26 =	sadd.s32 @!p1 $0x64, s15  }
0x294: {  	[tilespmem:s29], [sflag:$0x3] =	stream.linear.gather @!p1 [hbm4b:s26+s16], $0xC8, $0x38;
	[tilespmem:$0x1DF80] =	vst v63  }
0x295: {  	_ =	swait.ge [sflag:s23], $0xC8  }
0x296: {  	[sflag:s23] =	ssyncset.done $0x0  }
0x297: {  	[sflag:s23] =	ssyncadd.s32 $0xFFFFFF38  }
0x298: {  	_ =	swait.ge [sflag:s23], $0xC8  }
0x299: {  	[sflag:s23] =	ssyncset.done $0x0  }
0x29a: {  	[sflag:s23] =	ssyncadd.s32 $0xFFFFFF38  }
0x29b: {  	[tilespmem:s17], [sflag:$0x1] =	stream.indirect.gather [hbm4b:s4+s10], $0x40, s6, s10, $0xb8;
	[tilespmem:$0x1DF80] =	vst v63  }
0x29c: {  	_ =	swait.ge [sflag:s24], $0x3200  }
0x29d: {  	[sflag:s24] =	ssyncset.done $0x0  }
0x29e: {  	s29 =	simm.s32 $0x1A2F8;
	[sflag:s24] =	ssyncadd.s32 $0xFFFFCE00  }
0x29f: {  	[spmem:s0] =	stream.indirect.scatter.add.f32 [tilespmem:s22], [sflag:$0x7], $0x40, s29, s10, $0xb8;
	[tilespmem:$0x1DF80] =	vst v63  }
0x2a0: {  	_ =	swait.ge [sflag:s1], $0x3200  }
0x2a1: {  	[sflag:s1] =	ssyncset.done $0x0  }
0x2a2: {  	s11 =	sadd.s32 @!p1 $0x7D, s11;
	s26 =	simm.s32 @!p1 $0x1A2F8;
	[sflag:s1] =	ssyncadd.s32 $0xFFFFCE00  }
0x2a3: {  	[tilespmem:s26], [sflag:$0x4] =	stream.linear.gather @!p1 [hbm4b:s11+s16], $0xC8, $0x38;
	[tilespmem:$0x1DF80] =	vst v63  }
0x2a4: {  	s11 =	sadd.s32 @!p1 $0x7D, s15;
	s15 =	simm.s32 @!p1 $0x1A3C0  }
0x2a5: {  	[tilespmem:s15], [sflag:$0x4] =	stream.linear.gather @!p1 [hbm4b:s11+s16], $0xC8, $0x38;
	[tilespmem:$0x1DF80] =	vst v63  }
0x2a6: {  	_ =	swait.ge [sflag:s25], $0xC8  }
0x2a7: {  	[sflag:s25] =	ssyncset.done $0x0  }
0x2a8: {  	[sflag:s25] =	ssyncadd.s32 $0xFFFFFF38  }
0x2a9: {  	_ =	swait.ge [sflag:s25], $0xC8  }
0x2aa: {  	[sflag:s25] =	ssyncset.done $0x0  }
0x2ab: {  	[sflag:s25] =	ssyncadd.s32 $0xFFFFFF38  }
0x2ac: {  	[tilespmem:s22], [sflag:$0x2] =	stream.indirect.gather [hbm4b:s4+s10], $0x40, s8, s10, $0xb8;
	[tilespmem:$0x1DF80] =	vst v63  }
0x2ad: {  	_ =	swait.ge [sflag:s31], $0x3200  }
0x2ae: {  	[sflag:s31] =	ssyncset.done $0x0  }
.Ltmp16:
0x2af: {  	[sflag:s31] =	ssyncadd.s32 $0xFFFFCE00;
	(pc) =	sbr.rel @p1 .LBB2_31-.Ltmp16, $4  }
0x2b0: {  	[spmem:s0] =	stream.indirect.scatter.add.f32 [tilespmem:s17], [sflag:$0x7], $0x40, s5, s10, $0xb8;
	[tilespmem:$0x1DF80] =	vst v63  }
0x2b1: {  	_ =	swait.ge [sflag:s1], $0x3200  }
0x2b2: {  	[sflag:s1] =	ssyncset.done $0x0  }
0x2b3: {  	[sflag:s1] =	ssyncadd.s32 $0xFFFFCE00  }
0x2b4: {  	s11 =	sadd.s32 s28, s21  }
0x2b5: {  	s26 =	sadd.s32 s28, s20;
	s15 =	sadd.s32 $0x96, s11  }
0x2b6: {  	[tilespmem:s5], [sflag:$0x5] =	stream.linear.gather [hbm4b:s15+s2], $0xC8, $0x38;
	[tilespmem:$0x1DF80] =	vst v63  }
0x2b7: {  	s16 =	sadd.s32 $0x96, s26  }
0x2b8: {  	[tilespmem:s6], [sflag:$0x5] =	stream.linear.gather [hbm4b:s16+s2], $0xC8, $0x38;
	[tilespmem:$0x1DF80] =	vst v63  }
0x2b9: {  	_ =	swait.ge [sflag:s9], $0xC8  }
0x2ba: {  	[sflag:s9] =	ssyncset.done $0x0  }
0x2bb: {  	[sflag:s9] =	ssyncadd.s32 $0xFFFFFF38  }
0x2bc: {  	_ =	swait.ge [sflag:s9], $0xC8  }
0x2bd: {  	[sflag:s9] =	ssyncset.done $0x0  }
0x2be: {  	[sflag:s9] =	ssyncadd.s32 $0xFFFFFF38  }
0x2bf: {  	[tilespmem:s17], [sflag:$0x1] =	stream.indirect.gather [hbm4b:s4+s10], $0x40, s14, s10, $0xb8;
	[tilespmem:$0x1DF80] =	vst v63  }
0x2c0: {  	_ =	swait.ge [sflag:s24], $0x3200  }
0x2c1: {  	[sflag:s24] =	ssyncset.done $0x0  }
0x2c2: {  	[sflag:s24] =	ssyncadd.s32 $0xFFFFCE00  }
0x2c3: {  	[spmem:s0] =	stream.indirect.scatter.add.f32 [tilespmem:s22], [sflag:$0x7], $0x40, s7, s10, $0xb8;
	[tilespmem:$0x1DF80] =	vst v63  }
0x2c4: {  	_ =	swait.ge [sflag:s1], $0x3200  }
.Ltmp17:
0x2c5: {  	[sflag:s1] =	ssyncset.done $0x0;
	(pc) =	sbr.rel .LBB2_29-.Ltmp17, $4  }
0x2c6: {  	s11 =	sadd.s32 $0xAF, s11;
	[sflag:s1] =	ssyncadd.s32 $0xFFFFCE00  }
0x2c7: {  	[tilespmem:s7], [sflag:$0x6] =	stream.linear.gather [hbm4b:s11+s2], $0xC8, $0x38;
	[tilespmem:$0x1DF80] =	vst v63  }
0x2c8: {  	s28 =	sadd.s32 $0x64, s28;
	s29 =	sadd.s32 $0xAF, s26  }
0x2c9: {  	[tilespmem:s8], [sflag:$0x6] =	stream.linear.gather [hbm4b:s29+s2], $0xC8, $0x38;
	[tilespmem:$0x1DF80] =	vst v63  }
.LBB2_32:
0x2ca: {  	_ =	sfence.sel $0x180000  }
0x2cb: {  	[bflag:$0x0] =	sbarrier.arrive $0xFFFF  }
0x2cc: {  	_ =	strace $0x90000047  }
0x2cd: {  	s0 =	stileid.u32;
	[bflag:$0x2] =	sbarrier.arrive $0xFFFF  }
0x2ce: {  	p0 =	sne.s32 s0, $0x0;
	s0 =	rddreg [dreg:$0x6]  }
0x2cf: {  	s0 =	sadd.s32 @!p0 $0x100000, s0  }
0x2d0: {  	[sflag:s0] =	ssyncadd.tile.s32 @!p0 $0x1;
	_ =	shalt  }
.Lfunc_end2:
_tile_overlayer_lowered:
.L_overlay_start_2:
0x2d1: {  	(tag) =	ssettag $0x2  }
0x2d2: {  	s0 =	rddreg [dreg:$0x0];
	s2 =	stileid.u32  }
0x2d3: {  	s1 =	rddreg [dreg:$0x1];
	p0 =	sne.s32 s2, $0x0  }
0x2d4: {  	s3 =	rddreg [dreg:$0x2];
	[bflag:$0x3] =	sbarrier.arrive $0xFFFF;
	s2 =	simm.s32 @!p0 $0x1C07  }
0x2d5: {  	[timem:s3], [sflag:s2] =	dma.local @!p0 [hbm:s0], s1  }
0x2d6: {  	s0 =	simm.s32 @!p0 $0x7  }
0x2d7: {  	_ =	swait.ge @!p0 [sflag:s0], s1  }
0x2d8: {  	s1 =	ssub.s32 @!p0 $0x0, s1;
	[sflag:s0] =	ssyncset.done @!p0 $0x0  }
0x2d9: {  	[sflag:s0] =	ssyncadd.s32 @!p0 s1  }
0x2da: {  	[bflag:$0x3] =	sbarrier.arrive $0xFFFF  }
0x2db: {  	_ =	shalt  }

</sc_bundles>
